<compile_context>
chip_gen: v7x
topology: tpu7x:2x2x1
jax: 0.10.2.dev20260603
libtpu: 0.0.44.dev20260713+nightly
codegen_flags: <defaults>
</compile_context>

<pallas_src>
import functools

import jax
import jax.numpy as jnp
from jax import lax
from jax.experimental import pallas as pl
from jax.experimental.pallas import tpu as pltpu
from jax.experimental.pallas import tpu_sc as plsc

L = 16
NUM_WORKERS = 32
CHUNK_B = 64
IDX_PER_STREAM = 128


def _cp_kernel(H, V, R, B, coords_hbm, offs_hbm, factors_hbm, weights_hbm,
               bias_hbm, out_hbm, cvm, offs_vm, fidx_vm, rows_vm, wvm, bvm,
               pbuf_vm, out_vm, sem):
    per_tile = B // NUM_WORKERS
    n_chunks = per_tile // CHUNK_B
    idx_per_chunk = CHUNK_B * H
    n_streams = idx_per_chunk // IDX_PER_STREAM
    n_groups = CHUNK_B // L

    wid = lax.axis_index("s") * 2 + lax.axis_index("c")

    pltpu.sync_copy(offs_hbm, offs_vm)
    pltpu.sync_copy(weights_hbm, wvm)
    pltpu.sync_copy(bias_hbm, bvm)

    iota = lax.iota(jnp.int32, L)
    iota17 = iota * (L + 1)
    bias_vec = bvm[...]
    w0 = wvm[pl.ds(0, L)]
    w1 = wvm[pl.ds(L, L)]

    def chunk_body(c):
        base = (wid * per_tile + c * CHUNK_B) * H
        pltpu.sync_copy(coords_hbm.at[pl.ds(base, idx_per_chunk)], cvm)
        for i in range(idx_per_chunk // L):
            j, col = (i * L) // IDX_PER_STREAM, (i * L) % IDX_PER_STREAM
            sl = pl.ds(i * L, L)
            fidx_vm[j, pl.ds(col, L)] = cvm[sl] + offs_vm[sl]
        copies = []
        for j in range(n_streams):
            copies.append(
                pltpu.async_copy(
                    factors_hbm.at[fidx_vm.at[j]],
                    rows_vm.at[pl.ds(j * IDX_PER_STREAM, IDX_PER_STREAM)],
                    sem,
                ))
        for cp in copies:
            cp.wait()

        def group_body(g):
            for b in range(L):
                row = (g * L + b) * H
                acc0 = rows_vm[row, pl.ds(0, L)]
                acc1 = rows_vm[row, pl.ds(L, L)]
                for m in range(1, H):
                    acc0 = acc0 * rows_vm[row + m, pl.ds(0, L)]
                    acc1 = acc1 * rows_vm[row + m, pl.ds(L, L)]
                pbuf_vm[pl.ds(b * (L + 1), L)] = acc0 * w0 + acc1 * w1
            out_vec = bias_vec
            for l in range(L):
                out_vec = out_vec + plsc.load_gather(pbuf_vm, [iota17 + l])
            out_vm[pl.ds(c * CHUNK_B + g * L, L)] = out_vec

        pl.loop(0, n_groups)(group_body)

    pl.loop(0, n_chunks)(chunk_body)
    pltpu.sync_copy(out_vm, out_hbm.at[pl.ds(wid * per_tile, per_tile)])


@jax.jit
def kernel(coords, factors, weights, bias):
    B, H = coords.shape
    _, V, R = factors.shape
    assert R == 32 and B % NUM_WORKERS == 0
    per_tile = B // NUM_WORKERS

    coords_flat = coords.reshape(B * H)
    factors_flat = factors.reshape(H * V, R)
    offs = jnp.tile(jnp.arange(H, dtype=jnp.int32) * V, CHUNK_B)
    bias16 = jnp.broadcast_to(bias.astype(jnp.float32), (L,))

    mesh = plsc.VectorSubcoreMesh(core_axis_name="c", subcore_axis_name="s",
                                  num_cores=2, num_subcores=16)
    run = pl.kernel(
        functools.partial(_cp_kernel, H, V, R, B),
        out_type=jax.ShapeDtypeStruct((B,), jnp.float32),
        mesh=mesh,
        compiler_params=pltpu.CompilerParams(needs_layout_passes=False,
                                             use_tc_tiling_on_sc=False),
        scratch_types=[
            pltpu.VMEM((CHUNK_B * H,), jnp.int32),
            pltpu.VMEM((CHUNK_B * H,), jnp.int32),
            pltpu.VMEM((CHUNK_B * H // IDX_PER_STREAM, IDX_PER_STREAM),
                       jnp.int32),
            pltpu.VMEM((CHUNK_B * H, R), jnp.float32),
            pltpu.VMEM((R,), jnp.float32),
            pltpu.VMEM((L,), jnp.float32),
            pltpu.VMEM((L * (L + 1),), jnp.float32),
            pltpu.VMEM((per_tile,), jnp.float32),
            pltpu.SemaphoreType.DMA,
        ],
    )
    return run(coords_flat, offs, factors_flat, weights, bias16)

# --- scband reference (transcript-rebuilt; emitter-appended) ---
"""Pipeline reference for scband-cpregressor-72662256714065 (READ-ONLY COPY).

The authoritative reference and input builder live on the scoring server;
editing this copy changes nothing except your own understanding.
"""

import jax, jax.numpy as jnp
import numpy as np

V = 100000
H = 20
R = 32
B = 16384


def setup_inputs(seed: int = 0) -> dict:
    key = jax.random.key(seed)
    k_coords, k_fac = jax.random.split(key)
    coords = jax.random.randint(k_coords, (B, H), 0, V, dtype=jnp.int32)
    # Learned parameters sized per init_kwargs: H factor tables of shape [V, R]
    factors = jax.random.normal(k_fac, (H, V, R), dtype=jnp.float32)
    weights = jnp.ones((R,), dtype=jnp.float32)
    bias = jnp.zeros((1,), dtype=jnp.float32)
    return {"coords": coords, "factors": factors, "weights": weights, "bias": bias}


def reference(coords, factors, weights, bias):
    # y_hat = sum_r w_r * prod_m A_m[i_m, r] + b
    prod = jnp.ones((coords.shape[0], factors.shape[2]), dtype=factors.dtype)
    for m in range(factors.shape[0]):
        prod = prod * jnp.take(factors[m], coords[:, m], axis=0)
    return (prod * weights).sum(axis=1) + bias

if __name__ == "__main__":
    import jax
    _d = setup_inputs()
    print(jax.jit(kernel)(*tuple(_d.values())))

</pallas_src>

<mosaic_0001>
#map = affine_map<(d0, d1) -> (0)>
#map1 = affine_map<(d0, d1) -> (0, 0)>
module attributes {stable_mosaic.version = 14 : i64} {
  func.func @_cp_kernel(%arg0: i32, %arg1: i32, %arg2: memref<327680xi32, #tpu.memory_space<hbm>>, %arg3: memref<1280xi32, #tpu.memory_space<hbm>>, %arg4: memref<2000000x32xf32, #tpu.memory_space<hbm>>, %arg5: memref<32xf32, #tpu.memory_space<hbm>>, %arg6: memref<16xf32, #tpu.memory_space<hbm>>, %arg7: memref<16384xf32, #tpu.memory_space<hbm>>, %arg8: memref<1280xi32, #tpu.memory_space<vmem>>, %arg9: memref<1280xi32, #tpu.memory_space<vmem>>, %arg10: memref<10x128xi32, #tpu.memory_space<vmem>>, %arg11: memref<1280x32xf32, #tpu.memory_space<vmem>>, %arg12: memref<32xf32, #tpu.memory_space<vmem>>, %arg13: memref<16xf32, #tpu.memory_space<vmem>>, %arg14: memref<272xf32, #tpu.memory_space<vmem>>, %arg15: memref<512xf32, #tpu.memory_space<vmem>>, %arg16: memref<!tpu.dma_semaphore, #tpu.memory_space<semaphore_mem>>) attributes {dimension_semantics = [#tpu.dimension_semantics<core_parallel>, #tpu.dimension_semantics<subcore_parallel>], iteration_bounds = array<i64: 2, 16>, scalar_prefetch = 0 : i64, scratch_operands = 9 : i64, tpu.core_type = #tpu.core_type<sc_vector_subcore>, window_params = [{transform_indices = #map}, {transform_indices = #map}, {transform_indices = #map1}, {transform_indices = #map}, {transform_indices = #map}, {transform_indices = #map}]} {
    %mul3A = arith.constant 2 : i32
    %mul3A_0 = arith.muli %arg1, %mul3A : i32
    %add3A = arith.addi %mul3A_0, %arg0 : i32
    "tpu.region"() ({
      %run_scoped3A = tpu.sem_alloc : memref<!tpu.dma_semaphore, #tpu.memory_space<semaphore_mem>>
      tpu.enqueue_dma source(%arg3 : memref<1280xi32, #tpu.memory_space<hbm>>) target(%arg9 : memref<1280xi32, #tpu.memory_space<vmem>>) target_semaphore(%run_scoped3A : memref<!tpu.dma_semaphore, #tpu.memory_space<semaphore_mem>>)
      tpu.wait_dma2 semaphore(%run_scoped3A : memref<!tpu.dma_semaphore, #tpu.memory_space<semaphore_mem>>) src(%arg3 : memref<1280xi32, #tpu.memory_space<hbm>>) dst(%arg9 : memref<1280xi32, #tpu.memory_space<vmem>>)
      tpu.yield
    }) : () -> ()
    "tpu.region"() ({
      %run_scoped3A = tpu.sem_alloc : memref<!tpu.dma_semaphore, #tpu.memory_space<semaphore_mem>>
      tpu.enqueue_dma source(%arg5 : memref<32xf32, #tpu.memory_space<hbm>>) target(%arg12 : memref<32xf32, #tpu.memory_space<vmem>>) target_semaphore(%run_scoped3A : memref<!tpu.dma_semaphore, #tpu.memory_space<semaphore_mem>>)
      tpu.wait_dma2 semaphore(%run_scoped3A : memref<!tpu.dma_semaphore, #tpu.memory_space<semaphore_mem>>) src(%arg5 : memref<32xf32, #tpu.memory_space<hbm>>) dst(%arg12 : memref<32xf32, #tpu.memory_space<vmem>>)
      tpu.yield
    }) : () -> ()
    "tpu.region"() ({
      %run_scoped3A = tpu.sem_alloc : memref<!tpu.dma_semaphore, #tpu.memory_space<semaphore_mem>>
      tpu.enqueue_dma source(%arg6 : memref<16xf32, #tpu.memory_space<hbm>>) target(%arg13 : memref<16xf32, #tpu.memory_space<vmem>>) target_semaphore(%run_scoped3A : memref<!tpu.dma_semaphore, #tpu.memory_space<semaphore_mem>>)
      tpu.wait_dma2 semaphore(%run_scoped3A : memref<!tpu.dma_semaphore, #tpu.memory_space<semaphore_mem>>) src(%arg6 : memref<16xf32, #tpu.memory_space<hbm>>) dst(%arg13 : memref<16xf32, #tpu.memory_space<vmem>>)
      tpu.yield
    }) : () -> ()
    %iota3A = tpu.iota {dimensions = array<i32: 0>} : vector<16xi32>
    %mul3A_1 = arith.constant 17 : i32
    %mul3A_2 = vector.broadcast %mul3A_1 : i32 to vector<16xi32>
    %mul3A_3 = arith.muli %iota3A, %mul3A_2 : vector<16xi32>
    %get3A = arith.constant 0 : index
    %get3A_4 = tpu.vector_load %arg13[%get3A] {strides = array<i32>} : memref<16xf32, #tpu.memory_space<vmem>>, vector<16xf32>,
    %get3A_5 = arith.constant 0 : index
    %get3A_6 = tpu.vector_load %arg12[%get3A_5] {strides = array<i32>} : memref<32xf32, #tpu.memory_space<vmem>>, vector<16xf32>,
    %get3A_7 = arith.constant 16 : index
    %get3A_8 = tpu.vector_load %arg12[%get3A_7] {strides = array<i32>} : memref<32xf32, #tpu.memory_space<vmem>>, vector<16xf32>,
    %scan3A = arith.constant 0 : i32
    %scan3A_9 = arith.constant 8 : i32
    %scan3A_10 = arith.addi %scan3A, %scan3A_9 : i32
    %scan3A_11 = arith.constant 1 : i32
    scf.for %scan3A_15 = %scan3A to %scan3A_10 step %scan3A_11  : i32 {
      %mul3A_16 = arith.constant 1 : i32
      %mul3A_17 = arith.muli %scan3A_15, %mul3A_16 : i32
      %add3A_18 = arith.constant 0 : i32
      %add3A_19 = arith.addi %add3A_18, %mul3A_17 : i32
      %mul3A_20 = arith.constant 512 : i32
      %mul3A_21 = arith.muli %add3A, %mul3A_20 : i32
      %mul3A_22 = arith.constant 64 : i32
      %mul3A_23 = arith.muli %add3A_19, %mul3A_22 : i32
      %add3A_24 = arith.addi %mul3A_21, %mul3A_23 : i32
      %mul3A_25 = arith.constant 20 : i32
      %mul3A_26 = arith.muli %add3A_24, %mul3A_25 : i32
      "tpu.region"() ({
        %run_scoped3A = tpu.sem_alloc : memref<!tpu.dma_semaphore, #tpu.memory_space<semaphore_mem>>
        %dma_start3A_949 = tpu.memref_slice %arg2[%mul3A_26] : memref<327680xi32, #tpu.memory_space<hbm>> -> memref<1280xi32, #tpu.memory_space<hbm>>
        %dma_start3A_950 = tpu.memref_slice %arg2[%mul3A_26] : memref<327680xi32, #tpu.memory_space<hbm>> -> memref<1280xi32, #tpu.memory_space<hbm>>
        tpu.enqueue_dma source(%dma_start3A_950 : memref<1280xi32, #tpu.memory_space<hbm>>) target(%arg8 : memref<1280xi32, #tpu.memory_space<vmem>>) target_semaphore(%run_scoped3A : memref<!tpu.dma_semaphore, #tpu.memory_space<semaphore_mem>>)
        %dma_wait3A_951 = tpu.memref_slice %arg2[%mul3A_26] : memref<327680xi32, #tpu.memory_space<hbm>> -> memref<1280xi32, #tpu.memory_space<hbm>>
        %dma_wait3A_952 = tpu.memref_slice %arg2[%mul3A_26] : memref<327680xi32, #tpu.memory_space<hbm>> -> memref<1280xi32, #tpu.memory_space<hbm>>
        tpu.wait_dma2 semaphore(%run_scoped3A : memref<!tpu.dma_semaphore, #tpu.memory_space<semaphore_mem>>) src(%dma_wait3A_952 : memref<1280xi32, #tpu.memory_space<hbm>>) dst(%arg8 : memref<1280xi32, #tpu.memory_space<vmem>>)
        tpu.yield
      }) : () -> ()
      %get3A_27 = arith.constant 0 : index
      %get3A_28 = tpu.vector_load %arg8[%get3A_27] {strides = array<i32>} : memref<1280xi32, #tpu.memory_space<vmem>>, vector<16xi32>,
      %get3A_29 = arith.constant 0 : index
      %get3A_30 = tpu.vector_load %arg9[%get3A_29] {strides = array<i32>} : memref<1280xi32, #tpu.memory_space<vmem>>, vector<16xi32>,
      %add3A_31 = arith.addi %get3A_28, %get3A_30 : vector<16xi32>
      %swap3A = arith.constant 0 : i32
      %swap3A_32 = arith.index_cast %swap3A : i32 to index
      %swap3A_33 = arith.constant 0 : index
      %swap3A_34 = tpu.vector_load %arg10[%swap3A_32, %swap3A_33] {strides = array<i32>} : memref<10x128xi32, #tpu.memory_space<vmem>>, vector<16xi32>,
      tpu.vector_store %arg10[%swap3A_32, %swap3A_33], %add3A_31 {strides = array<i32>} : memref<10x128xi32, #tpu.memory_space<vmem>>, vector<16xi32>,
      %get3A_35 = arith.constant 16 : index
      %get3A_36 = tpu.vector_load %arg8[%get3A_35] {strides = array<i32>} : memref<1280xi32, #tpu.memory_space<vmem>>, vector<16xi32>,
      %get3A_37 = arith.constant 16 : index
      %get3A_38 = tpu.vector_load %arg9[%get3A_37] {strides = array<i32>} : memref<1280xi32, #tpu.memory_space<vmem>>, vector<16xi32>,
      %add3A_39 = arith.addi %get3A_36, %get3A_38 : vector<16xi32>
      %swap3A_40 = arith.constant 0 : i32
      %swap3A_41 = arith.index_cast %swap3A_40 : i32 to index
      %swap3A_42 = arith.constant 16 : index
      %swap3A_43 = tpu.vector_load %arg10[%swap3A_41, %swap3A_42] {strides = array<i32>} : memref<10x128xi32, #tpu.memory_space<vmem>>, vector<16xi32>,
      tpu.vector_store %arg10[%swap3A_41, %swap3A_42], %add3A_39 {strides = array<i32>} : memref<10x128xi32, #tpu.memory_space<vmem>>, vector<16xi32>,
      %get3A_44 = arith.constant 32 : index
      %get3A_45 = tpu.vector_load %arg8[%get3A_44] {strides = array<i32>} : memref<1280xi32, #tpu.memory_space<vmem>>, vector<16xi32>,
      %get3A_46 = arith.constant 32 : index
      %get3A_47 = tpu.vector_load %arg9[%get3A_46] {strides = array<i32>} : memref<1280xi32, #tpu.memory_space<vmem>>, vector<16xi32>,
      %add3A_48 = arith.addi %get3A_45, %get3A_47 : vector<16xi32>
      %swap3A_49 = arith.constant 0 : i32
      %swap3A_50 = arith.index_cast %swap3A_49 : i32 to index
      %swap3A_51 = arith.constant 32 : index
      %swap3A_52 = tpu.vector_load %arg10[%swap3A_50, %swap3A_51] {strides = array<i32>} : memref<10x128xi32, #tpu.memory_space<vmem>>, vector<16xi32>,
      tpu.vector_store %arg10[%swap3A_50, %swap3A_51], %add3A_48 {strides = array<i32>} : memref<10x128xi32, #tpu.memory_space<vmem>>, vector<16xi32>,
      %get3A_53 = arith.constant 48 : index
      %get3A_54 = tpu.vector_load %arg8[%get3A_53] {strides = array<i32>} : memref<1280xi32, #tpu.memory_space<vmem>>, vector<16xi32>,
      %get3A_55 = arith.constant 48 : index
      %get3A_56 = tpu.vector_load %arg9[%get3A_55] {strides = array<i32>} : memref<1280xi32, #tpu.memory_space<vmem>>, vector<16xi32>,
      %add3A_57 = arith.addi %get3A_54, %get3A_56 : vector<16xi32>
      %swap3A_58 = arith.constant 0 : i32
      %swap3A_59 = arith.index_cast %swap3A_58 : i32 to index
      %swap3A_60 = arith.constant 48 : index
      %swap3A_61 = tpu.vector_load %arg10[%swap3A_59, %swap3A_60] {strides = array<i32>} : memref<10x128xi32, #tpu.memory_space<vmem>>, vector<16xi32>,
      tpu.vector_store %arg10[%swap3A_59, %swap3A_60], %add3A_57 {strides = array<i32>} : memref<10x128xi32, #tpu.memory_space<vmem>>, vector<16xi32>,
      %get3A_62 = arith.constant 64 : index
      %get3A_63 = tpu.vector_load %arg8[%get3A_62] {strides = array<i32>} : memref<1280xi32, #tpu.memory_space<vmem>>, vector<16xi32>,
      %get3A_64 = arith.constant 64 : index
      %get3A_65 = tpu.vector_load %arg9[%get3A_64] {strides = array<i32>} : memref<1280xi32, #tpu.memory_space<vmem>>, vector<16xi32>,
      %add3A_66 = arith.addi %get3A_63, %get3A_65 : vector<16xi32>
      %swap3A_67 = arith.constant 0 : i32
      %swap3A_68 = arith.index_cast %swap3A_67 : i32 to index
      %swap3A_69 = arith.constant 64 : index
      %swap3A_70 = tpu.vector_load %arg10[%swap3A_68, %swap3A_69] {strides = array<i32>} : memref<10x128xi32, #tpu.memory_space<vmem>>, vector<16xi32>,
      tpu.vector_store %arg10[%swap3A_68, %swap3A_69], %add3A_66 {strides = array<i32>} : memref<10x128xi32, #tpu.memory_space<vmem>>, vector<16xi32>,
      %get3A_71 = arith.constant 80 : index
      %get3A_72 = tpu.vector_load %arg8[%get3A_71] {strides = array<i32>} : memref<1280xi32, #tpu.memory_space<vmem>>, vector<16xi32>,
      %get3A_73 = arith.constant 80 : index
      %get3A_74 = tpu.vector_load %arg9[%get3A_73] {strides = array<i32>} : memref<1280xi32, #tpu.memory_space<vmem>>, vector<16xi32>,
      %add3A_75 = arith.addi %get3A_72, %get3A_74 : vector<16xi32>
      %swap3A_76 = arith.constant 0 : i32
      %swap3A_77 = arith.index_cast %swap3A_76 : i32 to index
      %swap3A_78 = arith.constant 80 : index
      %swap3A_79 = tpu.vector_load %arg10[%swap3A_77, %swap3A_78] {strides = array<i32>} : memref<10x128xi32, #tpu.memory_space<vmem>>, vector<16xi32>,
      tpu.vector_store %arg10[%swap3A_77, %swap3A_78], %add3A_75 {strides = array<i32>} : memref<10x128xi32, #tpu.memory_space<vmem>>, vector<16xi32>,
      %get3A_80 = arith.constant 96 : index
      %get3A_81 = tpu.vector_load %arg8[%get3A_80] {strides = array<i32>} : memref<1280xi32, #tpu.memory_space<vmem>>, vector<16xi32>,
      %get3A_82 = arith.constant 96 : index
      %get3A_83 = tpu.vector_load %arg9[%get3A_82] {strides = array<i32>} : memref<1280xi32, #tpu.memory_space<vmem>>, vector<16xi32>,
      %add3A_84 = arith.addi %get3A_81, %get3A_83 : vector<16xi32>
      %swap3A_85 = arith.constant 0 : i32
      %swap3A_86 = arith.index_cast %swap3A_85 : i32 to index
      %swap3A_87 = arith.constant 96 : index
      %swap3A_88 = tpu.vector_load %arg10[%swap3A_86, %swap3A_87] {strides = array<i32>} : memref<10x128xi32, #tpu.memory_space<vmem>>, vector<16xi32>,
      tpu.vector_store %arg10[%swap3A_86, %swap3A_87], %add3A_84 {strides = array<i32>} : memref<10x128xi32, #tpu.memory_space<vmem>>, vector<16xi32>,
      %get3A_89 = arith.constant 112 : index
      %get3A_90 = tpu.vector_load %arg8[%get3A_89] {strides = array<i32>} : memref<1280xi32, #tpu.memory_space<vmem>>, vector<16xi32>,
      %get3A_91 = arith.constant 112 : index
      %get3A_92 = tpu.vector_load %arg9[%get3A_91] {strides = array<i32>} : memref<1280xi32, #tpu.memory_space<vmem>>, vector<16xi32>,
      %add3A_93 = arith.addi %get3A_90, %get3A_92 : vector<16xi32>
      %swap3A_94 = arith.constant 0 : i32
      %swap3A_95 = arith.index_cast %swap3A_94 : i32 to index
      %swap3A_96 = arith.constant 112 : index
      %swap3A_97 = tpu.vector_load %arg10[%swap3A_95, %swap3A_96] {strides = array<i32>} : memref<10x128xi32, #tpu.memory_space<vmem>>, vector<16xi32>,
      tpu.vector_store %arg10[%swap3A_95, %swap3A_96], %add3A_93 {strides = array<i32>} : memref<10x128xi32, #tpu.memory_space<vmem>>, vector<16xi32>,
      %get3A_98 = arith.constant 128 : index
      %get3A_99 = tpu.vector_load %arg8[%get3A_98] {strides = array<i32>} : memref<1280xi32, #tpu.memory_space<vmem>>, vector<16xi32>,
      %get3A_100 = arith.constant 128 : index
      %get3A_101 = tpu.vector_load %arg9[%get3A_100] {strides = array<i32>} : memref<1280xi32, #tpu.memory_space<vmem>>, vector<16xi32>,
      %add3A_102 = arith.addi %get3A_99, %get3A_101 : vector<16xi32>
      %swap3A_103 = arith.constant 1 : i32
      %swap3A_104 = arith.index_cast %swap3A_103 : i32 to index
      %swap3A_105 = arith.constant 0 : index
      %swap3A_106 = tpu.vector_load %arg10[%swap3A_104, %swap3A_105] {strides = array<i32>} : memref<10x128xi32, #tpu.memory_space<vmem>>, vector<16xi32>,
      tpu.vector_store %arg10[%swap3A_104, %swap3A_105], %add3A_102 {strides = array<i32>} : memref<10x128xi32, #tpu.memory_space<vmem>>, vector<16xi32>,
      %get3A_107 = arith.constant 144 : index
      %get3A_108 = tpu.vector_load %arg8[%get3A_107] {strides = array<i32>} : memref<1280xi32, #tpu.memory_space<vmem>>, vector<16xi32>,
      %get3A_109 = arith.constant 144 : index
      %get3A_110 = tpu.vector_load %arg9[%get3A_109] {strides = array<i32>} : memref<1280xi32, #tpu.memory_space<vmem>>, vector<16xi32>,
      %add3A_111 = arith.addi %get3A_108, %get3A_110 : vector<16xi32>
      %swap3A_112 = arith.constant 1 : i32
      %swap3A_113 = arith.index_cast %swap3A_112 : i32 to index
      %swap3A_114 = arith.constant 16 : index
      %swap3A_115 = tpu.vector_load %arg10[%swap3A_113, %swap3A_114] {strides = array<i32>} : memref<10x128xi32, #tpu.memory_space<vmem>>, vector<16xi32>,
      tpu.vector_store %arg10[%swap3A_113, %swap3A_114], %add3A_111 {strides = array<i32>} : memref<10x128xi32, #tpu.memory_space<vmem>>, vector<16xi32>,
      %get3A_116 = arith.constant 160 : index
      %get3A_117 = tpu.vector_load %arg8[%get3A_116] {strides = array<i32>} : memref<1280xi32, #tpu.memory_space<vmem>>, vector<16xi32>,
      %get3A_118 = arith.constant 160 : index
      %get3A_119 = tpu.vector_load %arg9[%get3A_118] {strides = array<i32>} : memref<1280xi32, #tpu.memory_space<vmem>>, vector<16xi32>,
      %add3A_120 = arith.addi %get3A_117, %get3A_119 : vector<16xi32>
      %swap3A_121 = arith.constant 1 : i32
      %swap3A_122 = arith.index_cast %swap3A_121 : i32 to index
      %swap3A_123 = arith.constant 32 : index
      %swap3A_124 = tpu.vector_load %arg10[%swap3A_122, %swap3A_123] {strides = array<i32>} : memref<10x128xi32, #tpu.memory_space<vmem>>, vector<16xi32>,
      tpu.vector_store %arg10[%swap3A_122, %swap3A_123], %add3A_120 {strides = array<i32>} : memref<10x128xi32, #tpu.memory_space<vmem>>, vector<16xi32>,
      %get3A_125 = arith.constant 176 : index
      %get3A_126 = tpu.vector_load %arg8[%get3A_125] {strides = array<i32>} : memref<1280xi32, #tpu.memory_space<vmem>>, vector<16xi32>,
      %get3A_127 = arith.constant 176 : index
      %get3A_128 = tpu.vector_load %arg9[%get3A_127] {strides = array<i32>} : memref<1280xi32, #tpu.memory_space<vmem>>, vector<16xi32>,
      %add3A_129 = arith.addi %get3A_126, %get3A_128 : vector<16xi32>
      %swap3A_130 = arith.constant 1 : i32
      %swap3A_131 = arith.index_cast %swap3A_130 : i32 to index
      %swap3A_132 = arith.constant 48 : index
      %swap3A_133 = tpu.vector_load %arg10[%swap3A_131, %swap3A_132] {strides = array<i32>} : memref<10x128xi32, #tpu.memory_space<vmem>>, vector<16xi32>,
      tpu.vector_store %arg10[%swap3A_131, %swap3A_132], %add3A_129 {strides = array<i32>} : memref<10x128xi32, #tpu.memory_space<vmem>>, vector<16xi32>,
      %get3A_134 = arith.constant 192 : index
      %get3A_135 = tpu.vector_load %arg8[%get3A_134] {strides = array<i32>} : memref<1280xi32, #tpu.memory_space<vmem>>, vector<16xi32>,
      %get3A_136 = arith.constant 192 : index
      %get3A_137 = tpu.vector_load %arg9[%get3A_136] {strides = array<i32>} : memref<1280xi32, #tpu.memory_space<vmem>>, vector<16xi32>,
      %add3A_138 = arith.addi %get3A_135, %get3A_137 : vector<16xi32>
      %swap3A_139 = arith.constant 1 : i32
      %swap3A_140 = arith.index_cast %swap3A_139 : i32 to index
      %swap3A_141 = arith.constant 64 : index
      %swap3A_142 = tpu.vector_load %arg10[%swap3A_140, %swap3A_141] {strides = array<i32>} : memref<10x128xi32, #tpu.memory_space<vmem>>, vector<16xi32>,
      tpu.vector_store %arg10[%swap3A_140, %swap3A_141], %add3A_138 {strides = array<i32>} : memref<10x128xi32, #tpu.memory_space<vmem>>, vector<16xi32>,
      %get3A_143 = arith.constant 208 : index
      %get3A_144 = tpu.vector_load %arg8[%get3A_143] {strides = array<i32>} : memref<1280xi32, #tpu.memory_space<vmem>>, vector<16xi32>,
      %get3A_145 = arith.constant 208 : index
      %get3A_146 = tpu.vector_load %arg9[%get3A_145] {strides = array<i32>} : memref<1280xi32, #tpu.memory_space<vmem>>, vector<16xi32>,
      %add3A_147 = arith.addi %get3A_144, %get3A_146 : vector<16xi32>
      %swap3A_148 = arith.constant 1 : i32
      %swap3A_149 = arith.index_cast %swap3A_148 : i32 to index
      %swap3A_150 = arith.constant 80 : index
      %swap3A_151 = tpu.vector_load %arg10[%swap3A_149, %swap3A_150] {strides = array<i32>} : memref<10x128xi32, #tpu.memory_space<vmem>>, vector<16xi32>,
      tpu.vector_store %arg10[%swap3A_149, %swap3A_150], %add3A_147 {strides = array<i32>} : memref<10x128xi32, #tpu.memory_space<vmem>>, vector<16xi32>,
      %get3A_152 = arith.constant 224 : index
      %get3A_153 = tpu.vector_load %arg8[%get3A_152] {strides = array<i32>} : memref<1280xi32, #tpu.memory_space<vmem>>, vector<16xi32>,
      %get3A_154 = arith.constant 224 : index
      %get3A_155 = tpu.vector_load %arg9[%get3A_154] {strides = array<i32>} : memref<1280xi32, #tpu.memory_space<vmem>>, vector<16xi32>,
      %add3A_156 = arith.addi %get3A_153, %get3A_155 : vector<16xi32>
      %swap3A_157 = arith.constant 1 : i32
      %swap3A_158 = arith.index_cast %swap3A_157 : i32 to index
      %swap3A_159 = arith.constant 96 : index
      %swap3A_160 = tpu.vector_load %arg10[%swap3A_158, %swap3A_159] {strides = array<i32>} : memref<10x128xi32, #tpu.memory_space<vmem>>, vector<16xi32>,
      tpu.vector_store %arg10[%swap3A_158, %swap3A_159], %add3A_156 {strides = array<i32>} : memref<10x128xi32, #tpu.memory_space<vmem>>, vector<16xi32>,
      %get3A_161 = arith.constant 240 : index
      %get3A_162 = tpu.vector_load %arg8[%get3A_161] {strides = array<i32>} : memref<1280xi32, #tpu.memory_space<vmem>>, vector<16xi32>,
      %get3A_163 = arith.constant 240 : index
      %get3A_164 = tpu.vector_load %arg9[%get3A_163] {strides = array<i32>} : memref<1280xi32, #tpu.memory_space<vmem>>, vector<16xi32>,
      %add3A_165 = arith.addi %get3A_162, %get3A_164 : vector<16xi32>
      %swap3A_166 = arith.constant 1 : i32
      %swap3A_167 = arith.index_cast %swap3A_166 : i32 to index
      %swap3A_168 = arith.constant 112 : index
      %swap3A_169 = tpu.vector_load %arg10[%swap3A_167, %swap3A_168] {strides = array<i32>} : memref<10x128xi32, #tpu.memory_space<vmem>>, vector<16xi32>,
      tpu.vector_store %arg10[%swap3A_167, %swap3A_168], %add3A_165 {strides = array<i32>} : memref<10x128xi32, #tpu.memory_space<vmem>>, vector<16xi32>,
      %get3A_170 = arith.constant 256 : index
      %get3A_171 = tpu.vector_load %arg8[%get3A_170] {strides = array<i32>} : memref<1280xi32, #tpu.memory_space<vmem>>, vector<16xi32>,
      %get3A_172 = arith.constant 256 : index
      %get3A_173 = tpu.vector_load %arg9[%get3A_172] {strides = array<i32>} : memref<1280xi32, #tpu.memory_space<vmem>>, vector<16xi32>,
      %add3A_174 = arith.addi %get3A_171, %get3A_173 : vector<16xi32>
      %swap3A_175 = arith.constant 2 : i32
      %swap3A_176 = arith.index_cast %swap3A_175 : i32 to index
      %swap3A_177 = arith.constant 0 : index
      %swap3A_178 = tpu.vector_load %arg10[%swap3A_176, %swap3A_177] {strides = array<i32>} : memref<10x128xi32, #tpu.memory_space<vmem>>, vector<16xi32>,
      tpu.vector_store %arg10[%swap3A_176, %swap3A_177], %add3A_174 {strides = array<i32>} : memref<10x128xi32, #tpu.memory_space<vmem>>, vector<16xi32>,
      %get3A_179 = arith.constant 272 : index
      %get3A_180 = tpu.vector_load %arg8[%get3A_179] {strides = array<i32>} : memref<1280xi32, #tpu.memory_space<vmem>>, vector<16xi32>,
      %get3A_181 = arith.constant 272 : index
      %get3A_182 = tpu.vector_load %arg9[%get3A_181] {strides = array<i32>} : memref<1280xi32, #tpu.memory_space<vmem>>, vector<16xi32>,
      %add3A_183 = arith.addi %get3A_180, %get3A_182 : vector<16xi32>
      %swap3A_184 = arith.constant 2 : i32
      %swap3A_185 = arith.index_cast %swap3A_184 : i32 to index
      %swap3A_186 = arith.constant 16 : index
      %swap3A_187 = tpu.vector_load %arg10[%swap3A_185, %swap3A_186] {strides = array<i32>} : memref<10x128xi32, #tpu.memory_space<vmem>>, vector<16xi32>,
      tpu.vector_store %arg10[%swap3A_185, %swap3A_186], %add3A_183 {strides = array<i32>} : memref<10x128xi32, #tpu.memory_space<vmem>>, vector<16xi32>,
      %get3A_188 = arith.constant 288 : index
      %get3A_189 = tpu.vector_load %arg8[%get3A_188] {strides = array<i32>} : memref<1280xi32, #tpu.memory_space<vmem>>, vector<16xi32>,
      %get3A_190 = arith.constant 288 : index
      %get3A_191 = tpu.vector_load %arg9[%get3A_190] {strides = array<i32>} : memref<1280xi32, #tpu.memory_space<vmem>>, vector<16xi32>,
      %add3A_192 = arith.addi %get3A_189, %get3A_191 : vector<16xi32>
      %swap3A_193 = arith.constant 2 : i32
      %swap3A_194 = arith.index_cast %swap3A_193 : i32 to index
      %swap3A_195 = arith.constant 32 : index
      %swap3A_196 = tpu.vector_load %arg10[%swap3A_194, %swap3A_195] {strides = array<i32>} : memref<10x128xi32, #tpu.memory_space<vmem>>, vector<16xi32>,
      tpu.vector_store %arg10[%swap3A_194, %swap3A_195], %add3A_192 {strides = array<i32>} : memref<10x128xi32, #tpu.memory_space<vmem>>, vector<16xi32>,
      %get3A_197 = arith.constant 304 : index
      %get3A_198 = tpu.vector_load %arg8[%get3A_197] {strides = array<i32>} : memref<1280xi32, #tpu.memory_space<vmem>>, vector<16xi32>,
      %get3A_199 = arith.constant 304 : index
      %get3A_200 = tpu.vector_load %arg9[%get3A_199] {strides = array<i32>} : memref<1280xi32, #tpu.memory_space<vmem>>, vector<16xi32>,
      %add3A_201 = arith.addi %get3A_198, %get3A_200 : vector<16xi32>
      %swap3A_202 = arith.constant 2 : i32
      %swap3A_203 = arith.index_cast %swap3A_202 : i32 to index
      %swap3A_204 = arith.constant 48 : index
      %swap3A_205 = tpu.vector_load %arg10[%swap3A_203, %swap3A_204] {strides = array<i32>} : memref<10x128xi32, #tpu.memory_space<vmem>>, vector<16xi32>,
      tpu.vector_store %arg10[%swap3A_203, %swap3A_204], %add3A_201 {strides = array<i32>} : memref<10x128xi32, #tpu.memory_space<vmem>>, vector<16xi32>,
      %get3A_206 = arith.constant 320 : index
      %get3A_207 = tpu.vector_load %arg8[%get3A_206] {strides = array<i32>} : memref<1280xi32, #tpu.memory_space<vmem>>, vector<16xi32>,
      %get3A_208 = arith.constant 320 : index
      %get3A_209 = tpu.vector_load %arg9[%get3A_208] {strides = array<i32>} : memref<1280xi32, #tpu.memory_space<vmem>>, vector<16xi32>,
      %add3A_210 = arith.addi %get3A_207, %get3A_209 : vector<16xi32>
      %swap3A_211 = arith.constant 2 : i32
      %swap3A_212 = arith.index_cast %swap3A_211 : i32 to index
      %swap3A_213 = arith.constant 64 : index
      %swap3A_214 = tpu.vector_load %arg10[%swap3A_212, %swap3A_213] {strides = array<i32>} : memref<10x128xi32, #tpu.memory_space<vmem>>, vector<16xi32>,
      tpu.vector_store %arg10[%swap3A_212, %swap3A_213], %add3A_210 {strides = array<i32>} : memref<10x128xi32, #tpu.memory_space<vmem>>, vector<16xi32>,
      %get3A_215 = arith.constant 336 : index
      %get3A_216 = tpu.vector_load %arg8[%get3A_215] {strides = array<i32>} : memref<1280xi32, #tpu.memory_space<vmem>>, vector<16xi32>,
      %get3A_217 = arith.constant 336 : index
      %get3A_218 = tpu.vector_load %arg9[%get3A_217] {strides = array<i32>} : memref<1280xi32, #tpu.memory_space<vmem>>, vector<16xi32>,
      %add3A_219 = arith.addi %get3A_216, %get3A_218 : vector<16xi32>
      %swap3A_220 = arith.constant 2 : i32
      %swap3A_221 = arith.index_cast %swap3A_220 : i32 to index
      %swap3A_222 = arith.constant 80 : index
      %swap3A_223 = tpu.vector_load %arg10[%swap3A_221, %swap3A_222] {strides = array<i32>} : memref<10x128xi32, #tpu.memory_space<vmem>>, vector<16xi32>,
      tpu.vector_store %arg10[%swap3A_221, %swap3A_222], %add3A_219 {strides = array<i32>} : memref<10x128xi32, #tpu.memory_space<vmem>>, vector<16xi32>,
      %get3A_224 = arith.constant 352 : index
      %get3A_225 = tpu.vector_load %arg8[%get3A_224] {strides = array<i32>} : memref<1280xi32, #tpu.memory_space<vmem>>, vector<16xi32>,
      %get3A_226 = arith.constant 352 : index
      %get3A_227 = tpu.vector_load %arg9[%get3A_226] {strides = array<i32>} : memref<1280xi32, #tpu.memory_space<vmem>>, vector<16xi32>,
      %add3A_228 = arith.addi %get3A_225, %get3A_227 : vector<16xi32>
      %swap3A_229 = arith.constant 2 : i32
      %swap3A_230 = arith.index_cast %swap3A_229 : i32 to index
      %swap3A_231 = arith.constant 96 : index
      %swap3A_232 = tpu.vector_load %arg10[%swap3A_230, %swap3A_231] {strides = array<i32>} : memref<10x128xi32, #tpu.memory_space<vmem>>, vector<16xi32>,
      tpu.vector_store %arg10[%swap3A_230, %swap3A_231], %add3A_228 {strides = array<i32>} : memref<10x128xi32, #tpu.memory_space<vmem>>, vector<16xi32>,
      %get3A_233 = arith.constant 368 : index
      %get3A_234 = tpu.vector_load %arg8[%get3A_233] {strides = array<i32>} : memref<1280xi32, #tpu.memory_space<vmem>>, vector<16xi32>,
      %get3A_235 = arith.constant 368 : index
      %get3A_236 = tpu.vector_load %arg9[%get3A_235] {strides = array<i32>} : memref<1280xi32, #tpu.memory_space<vmem>>, vector<16xi32>,
      %add3A_237 = arith.addi %get3A_234, %get3A_236 : vector<16xi32>
      %swap3A_238 = arith.constant 2 : i32
      %swap3A_239 = arith.index_cast %swap3A_238 : i32 to index
      %swap3A_240 = arith.constant 112 : index
      %swap3A_241 = tpu.vector_load %arg10[%swap3A_239, %swap3A_240] {strides = array<i32>} : memref<10x128xi32, #tpu.memory_space<vmem>>, vector<16xi32>,
      tpu.vector_store %arg10[%swap3A_239, %swap3A_240], %add3A_237 {strides = array<i32>} : memref<10x128xi32, #tpu.memory_space<vmem>>, vector<16xi32>,
      %get3A_242 = arith.constant 384 : index
      %get3A_243 = tpu.vector_load %arg8[%get3A_242] {strides = array<i32>} : memref<1280xi32, #tpu.memory_space<vmem>>, vector<16xi32>,
      %get3A_244 = arith.constant 384 : index
      %get3A_245 = tpu.vector_load %arg9[%get3A_244] {strides = array<i32>} : memref<1280xi32, #tpu.memory_space<vmem>>, vector<16xi32>,
      %add3A_246 = arith.addi %get3A_243, %get3A_245 : vector<16xi32>
      %swap3A_247 = arith.constant 3 : i32
      %swap3A_248 = arith.index_cast %swap3A_247 : i32 to index
      %swap3A_249 = arith.constant 0 : index
      %swap3A_250 = tpu.vector_load %arg10[%swap3A_248, %swap3A_249] {strides = array<i32>} : memref<10x128xi32, #tpu.memory_space<vmem>>, vector<16xi32>,
      tpu.vector_store %arg10[%swap3A_248, %swap3A_249], %add3A_246 {strides = array<i32>} : memref<10x128xi32, #tpu.memory_space<vmem>>, vector<16xi32>,
      %get3A_251 = arith.constant 400 : index
      %get3A_252 = tpu.vector_load %arg8[%get3A_251] {strides = array<i32>} : memref<1280xi32, #tpu.memory_space<vmem>>, vector<16xi32>,
      %get3A_253 = arith.constant 400 : index
      %get3A_254 = tpu.vector_load %arg9[%get3A_253] {strides = array<i32>} : memref<1280xi32, #tpu.memory_space<vmem>>, vector<16xi32>,
      %add3A_255 = arith.addi %get3A_252, %get3A_254 : vector<16xi32>
      %swap3A_256 = arith.constant 3 : i32
      %swap3A_257 = arith.index_cast %swap3A_256 : i32 to index
      %swap3A_258 = arith.constant 16 : index
      %swap3A_259 = tpu.vector_load %arg10[%swap3A_257, %swap3A_258] {strides = array<i32>} : memref<10x128xi32, #tpu.memory_space<vmem>>, vector<16xi32>,
      tpu.vector_store %arg10[%swap3A_257, %swap3A_258], %add3A_255 {strides = array<i32>} : memref<10x128xi32, #tpu.memory_space<vmem>>, vector<16xi32>,
      %get3A_260 = arith.constant 416 : index
      %get3A_261 = tpu.vector_load %arg8[%get3A_260] {strides = array<i32>} : memref<1280xi32, #tpu.memory_space<vmem>>, vector<16xi32>,
      %get3A_262 = arith.constant 416 : index
      %get3A_263 = tpu.vector_load %arg9[%get3A_262] {strides = array<i32>} : memref<1280xi32, #tpu.memory_space<vmem>>, vector<16xi32>,
      %add3A_264 = arith.addi %get3A_261, %get3A_263 : vector<16xi32>
      %swap3A_265 = arith.constant 3 : i32
      %swap3A_266 = arith.index_cast %swap3A_265 : i32 to index
      %swap3A_267 = arith.constant 32 : index
      %swap3A_268 = tpu.vector_load %arg10[%swap3A_266, %swap3A_267] {strides = array<i32>} : memref<10x128xi32, #tpu.memory_space<vmem>>, vector<16xi32>,
      tpu.vector_store %arg10[%swap3A_266, %swap3A_267], %add3A_264 {strides = array<i32>} : memref<10x128xi32, #tpu.memory_space<vmem>>, vector<16xi32>,
      %get3A_269 = arith.constant 432 : index
      %get3A_270 = tpu.vector_load %arg8[%get3A_269] {strides = array<i32>} : memref<1280xi32, #tpu.memory_space<vmem>>, vector<16xi32>,
      %get3A_271 = arith.constant 432 : index
      %get3A_272 = tpu.vector_load %arg9[%get3A_271] {strides = array<i32>} : memref<1280xi32, #tpu.memory_space<vmem>>, vector<16xi32>,
      %add3A_273 = arith.addi %get3A_270, %get3A_272 : vector<16xi32>
      %swap3A_274 = arith.constant 3 : i32
      %swap3A_275 = arith.index_cast %swap3A_274 : i32 to index
      %swap3A_276 = arith.constant 48 : index
      %swap3A_277 = tpu.vector_load %arg10[%swap3A_275, %swap3A_276] {strides = array<i32>} : memref<10x128xi32, #tpu.memory_space<vmem>>, vector<16xi32>,
      tpu.vector_store %arg10[%swap3A_275, %swap3A_276], %add3A_273 {strides = array<i32>} : memref<10x128xi32, #tpu.memory_space<vmem>>, vector<16xi32>,
      %get3A_278 = arith.constant 448 : index
      %get3A_279 = tpu.vector_load %arg8[%get3A_278] {strides = array<i32>} : memref<1280xi32, #tpu.memory_space<vmem>>, vector<16xi32>,
      %get3A_280 = arith.constant 448 : index
      %get3A_281 = tpu.vector_load %arg9[%get3A_280] {strides = array<i32>} : memref<1280xi32, #tpu.memory_space<vmem>>, vector<16xi32>,
      %add3A_282 = arith.addi %get3A_279, %get3A_281 : vector<16xi32>
      %swap3A_283 = arith.constant 3 : i32
      %swap3A_284 = arith.index_cast %swap3A_283 : i32 to index
      %swap3A_285 = arith.constant 64 : index
      %swap3A_286 = tpu.vector_load %arg10[%swap3A_284, %swap3A_285] {strides = array<i32>} : memref<10x128xi32, #tpu.memory_space<vmem>>, vector<16xi32>,
      tpu.vector_store %arg10[%swap3A_284, %swap3A_285], %add3A_282 {strides = array<i32>} : memref<10x128xi32, #tpu.memory_space<vmem>>, vector<16xi32>,
      %get3A_287 = arith.constant 464 : index
      %get3A_288 = tpu.vector_load %arg8[%get3A_287] {strides = array<i32>} : memref<1280xi32, #tpu.memory_space<vmem>>, vector<16xi32>,
      %get3A_289 = arith.constant 464 : index
      %get3A_290 = tpu.vector_load %arg9[%get3A_289] {strides = array<i32>} : memref<1280xi32, #tpu.memory_space<vmem>>, vector<16xi32>,
      %add3A_291 = arith.addi %get3A_288, %get3A_290 : vector<16xi32>
      %swap3A_292 = arith.constant 3 : i32
      %swap3A_293 = arith.index_cast %swap3A_292 : i32 to index
      %swap3A_294 = arith.constant 80 : index
      %swap3A_295 = tpu.vector_load %arg10[%swap3A_293, %swap3A_294] {strides = array<i32>} : memref<10x128xi32, #tpu.memory_space<vmem>>, vector<16xi32>,
      tpu.vector_store %arg10[%swap3A_293, %swap3A_294], %add3A_291 {strides = array<i32>} : memref<10x128xi32, #tpu.memory_space<vmem>>, vector<16xi32>,
      %get3A_296 = arith.constant 480 : index
      %get3A_297 = tpu.vector_load %arg8[%get3A_296] {strides = array<i32>} : memref<1280xi32, #tpu.memory_space<vmem>>, vector<16xi32>,
      %get3A_298 = arith.constant 480 : index
      %get3A_299 = tpu.vector_load %arg9[%get3A_298] {strides = array<i32>} : memref<1280xi32, #tpu.memory_space<vmem>>, vector<16xi32>,
      %add3A_300 = arith.addi %get3A_297, %get3A_299 : vector<16xi32>
      %swap3A_301 = arith.constant 3 : i32
      %swap3A_302 = arith.index_cast %swap3A_301 : i32 to index
      %swap3A_303 = arith.constant 96 : index
      %swap3A_304 = tpu.vector_load %arg10[%swap3A_302, %swap3A_303] {strides = array<i32>} : memref<10x128xi32, #tpu.memory_space<vmem>>, vector<16xi32>,
      tpu.vector_store %arg10[%swap3A_302, %swap3A_303], %add3A_300 {strides = array<i32>} : memref<10x128xi32, #tpu.memory_space<vmem>>, vector<16xi32>,
      %get3A_305 = arith.constant 496 : index
      %get3A_306 = tpu.vector_load %arg8[%get3A_305] {strides = array<i32>} : memref<1280xi32, #tpu.memory_space<vmem>>, vector<16xi32>,
      %get3A_307 = arith.constant 496 : index
      %get3A_308 = tpu.vector_load %arg9[%get3A_307] {strides = array<i32>} : memref<1280xi32, #tpu.memory_space<vmem>>, vector<16xi32>,
      %add3A_309 = arith.addi %get3A_306, %get3A_308 : vector<16xi32>
      %swap3A_310 = arith.constant 3 : i32
      %swap3A_311 = arith.index_cast %swap3A_310 : i32 to index
      %swap3A_312 = arith.constant 112 : index
      %swap3A_313 = tpu.vector_load %arg10[%swap3A_311, %swap3A_312] {strides = array<i32>} : memref<10x128xi32, #tpu.memory_space<vmem>>, vector<16xi32>,
      tpu.vector_store %arg10[%swap3A_311, %swap3A_312], %add3A_309 {strides = array<i32>} : memref<10x128xi32, #tpu.memory_space<vmem>>, vector<16xi32>,
      %get3A_314 = arith.constant 512 : index
      %get3A_315 = tpu.vector_load %arg8[%get3A_314] {strides = array<i32>} : memref<1280xi32, #tpu.memory_space<vmem>>, vector<16xi32>,
      %get3A_316 = arith.constant 512 : index
      %get3A_317 = tpu.vector_load %arg9[%get3A_316] {strides = array<i32>} : memref<1280xi32, #tpu.memory_space<vmem>>, vector<16xi32>,
      %add3A_318 = arith.addi %get3A_315, %get3A_317 : vector<16xi32>
      %swap3A_319 = arith.constant 4 : i32
      %swap3A_320 = arith.index_cast %swap3A_319 : i32 to index
      %swap3A_321 = arith.constant 0 : index
      %swap3A_322 = tpu.vector_load %arg10[%swap3A_320, %swap3A_321] {strides = array<i32>} : memref<10x128xi32, #tpu.memory_space<vmem>>, vector<16xi32>,
      tpu.vector_store %arg10[%swap3A_320, %swap3A_321], %add3A_318 {strides = array<i32>} : memref<10x128xi32, #tpu.memory_space<vmem>>, vector<16xi32>,
      %get3A_323 = arith.constant 528 : index
      %get3A_324 = tpu.vector_load %arg8[%get3A_323] {strides = array<i32>} : memref<1280xi32, #tpu.memory_space<vmem>>, vector<16xi32>,
      %get3A_325 = arith.constant 528 : index
      %get3A_326 = tpu.vector_load %arg9[%get3A_325] {strides = array<i32>} : memref<1280xi32, #tpu.memory_space<vmem>>, vector<16xi32>,
      %add3A_327 = arith.addi %get3A_324, %get3A_326 : vector<16xi32>
      %swap3A_328 = arith.constant 4 : i32
      %swap3A_329 = arith.index_cast %swap3A_328 : i32 to index
      %swap3A_330 = arith.constant 16 : index
      %swap3A_331 = tpu.vector_load %arg10[%swap3A_329, %swap3A_330] {strides = array<i32>} : memref<10x128xi32, #tpu.memory_space<vmem>>, vector<16xi32>,
      tpu.vector_store %arg10[%swap3A_329, %swap3A_330], %add3A_327 {strides = array<i32>} : memref<10x128xi32, #tpu.memory_space<vmem>>, vector<16xi32>,
      %get3A_332 = arith.constant 544 : index
      %get3A_333 = tpu.vector_load %arg8[%get3A_332] {strides = array<i32>} : memref<1280xi32, #tpu.memory_space<vmem>>, vector<16xi32>,
      %get3A_334 = arith.constant 544 : index
      %get3A_335 = tpu.vector_load %arg9[%get3A_334] {strides = array<i32>} : memref<1280xi32, #tpu.memory_space<vmem>>, vector<16xi32>,
      %add3A_336 = arith.addi %get3A_333, %get3A_335 : vector<16xi32>
      %swap3A_337 = arith.constant 4 : i32
      %swap3A_338 = arith.index_cast %swap3A_337 : i32 to index
      %swap3A_339 = arith.constant 32 : index
      %swap3A_340 = tpu.vector_load %arg10[%swap3A_338, %swap3A_339] {strides = array<i32>} : memref<10x128xi32, #tpu.memory_space<vmem>>, vector<16xi32>,
      tpu.vector_store %arg10[%swap3A_338, %swap3A_339], %add3A_336 {strides = array<i32>} : memref<10x128xi32, #tpu.memory_space<vmem>>, vector<16xi32>,
      %get3A_341 = arith.constant 560 : index
      %get3A_342 = tpu.vector_load %arg8[%get3A_341] {strides = array<i32>} : memref<1280xi32, #tpu.memory_space<vmem>>, vector<16xi32>,
      %get3A_343 = arith.constant 560 : index
      %get3A_344 = tpu.vector_load %arg9[%get3A_343] {strides = array<i32>} : memref<1280xi32, #tpu.memory_space<vmem>>, vector<16xi32>,
      %add3A_345 = arith.addi %get3A_342, %get3A_344 : vector<16xi32>
      %swap3A_346 = arith.constant 4 : i32
      %swap3A_347 = arith.index_cast %swap3A_346 : i32 to index
      %swap3A_348 = arith.constant 48 : index
      %swap3A_349 = tpu.vector_load %arg10[%swap3A_347, %swap3A_348] {strides = array<i32>} : memref<10x128xi32, #tpu.memory_space<vmem>>, vector<16xi32>,
      tpu.vector_store %arg10[%swap3A_347, %swap3A_348], %add3A_345 {strides = array<i32>} : memref<10x128xi32, #tpu.memory_space<vmem>>, vector<16xi32>,
      %get3A_350 = arith.constant 576 : index
      %get3A_351 = tpu.vector_load %arg8[%get3A_350] {strides = array<i32>} : memref<1280xi32, #tpu.memory_space<vmem>>, vector<16xi32>,
      %get3A_352 = arith.constant 576 : index
      %get3A_353 = tpu.vector_load %arg9[%get3A_352] {strides = array<i32>} : memref<1280xi32, #tpu.memory_space<vmem>>, vector<16xi32>,
      %add3A_354 = arith.addi %get3A_351, %get3A_353 : vector<16xi32>
      %swap3A_355 = arith.constant 4 : i32
      %swap3A_356 = arith.index_cast %swap3A_355 : i32 to index
      %swap3A_357 = arith.constant 64 : index
      %swap3A_358 = tpu.vector_load %arg10[%swap3A_356, %swap3A_357] {strides = array<i32>} : memref<10x128xi32, #tpu.memory_space<vmem>>, vector<16xi32>,
      tpu.vector_store %arg10[%swap3A_356, %swap3A_357], %add3A_354 {strides = array<i32>} : memref<10x128xi32, #tpu.memory_space<vmem>>, vector<16xi32>,
      %get3A_359 = arith.constant 592 : index
      %get3A_360 = tpu.vector_load %arg8[%get3A_359] {strides = array<i32>} : memref<1280xi32, #tpu.memory_space<vmem>>, vector<16xi32>,
      %get3A_361 = arith.constant 592 : index
      %get3A_362 = tpu.vector_load %arg9[%get3A_361] {strides = array<i32>} : memref<1280xi32, #tpu.memory_space<vmem>>, vector<16xi32>,
      %add3A_363 = arith.addi %get3A_360, %get3A_362 : vector<16xi32>
      %swap3A_364 = arith.constant 4 : i32
      %swap3A_365 = arith.index_cast %swap3A_364 : i32 to index
      %swap3A_366 = arith.constant 80 : index
      %swap3A_367 = tpu.vector_load %arg10[%swap3A_365, %swap3A_366] {strides = array<i32>} : memref<10x128xi32, #tpu.memory_space<vmem>>, vector<16xi32>,
      tpu.vector_store %arg10[%swap3A_365, %swap3A_366], %add3A_363 {strides = array<i32>} : memref<10x128xi32, #tpu.memory_space<vmem>>, vector<16xi32>,
      %get3A_368 = arith.constant 608 : index
      %get3A_369 = tpu.vector_load %arg8[%get3A_368] {strides = array<i32>} : memref<1280xi32, #tpu.memory_space<vmem>>, vector<16xi32>,
      %get3A_370 = arith.constant 608 : index
      %get3A_371 = tpu.vector_load %arg9[%get3A_370] {strides = array<i32>} : memref<1280xi32, #tpu.memory_space<vmem>>, vector<16xi32>,
      %add3A_372 = arith.addi %get3A_369, %get3A_371 : vector<16xi32>
      %swap3A_373 = arith.constant 4 : i32
      %swap3A_374 = arith.index_cast %swap3A_373 : i32 to index
      %swap3A_375 = arith.constant 96 : index
      %swap3A_376 = tpu.vector_load %arg10[%swap3A_374, %swap3A_375] {strides = array<i32>} : memref<10x128xi32, #tpu.memory_space<vmem>>, vector<16xi32>,
      tpu.vector_store %arg10[%swap3A_374, %swap3A_375], %add3A_372 {strides = array<i32>} : memref<10x128xi32, #tpu.memory_space<vmem>>, vector<16xi32>,
      %get3A_377 = arith.constant 624 : index
      %get3A_378 = tpu.vector_load %arg8[%get3A_377] {strides = array<i32>} : memref<1280xi32, #tpu.memory_space<vmem>>, vector<16xi32>,
      %get3A_379 = arith.constant 624 : index
      %get3A_380 = tpu.vector_load %arg9[%get3A_379] {strides = array<i32>} : memref<1280xi32, #tpu.memory_space<vmem>>, vector<16xi32>,
      %add3A_381 = arith.addi %get3A_378, %get3A_380 : vector<16xi32>
      %swap3A_382 = arith.constant 4 : i32
      %swap3A_383 = arith.index_cast %swap3A_382 : i32 to index
      %swap3A_384 = arith.constant 112 : index
      %swap3A_385 = tpu.vector_load %arg10[%swap3A_383, %swap3A_384] {strides = array<i32>} : memref<10x128xi32, #tpu.memory_space<vmem>>, vector<16xi32>,
      tpu.vector_store %arg10[%swap3A_383, %swap3A_384], %add3A_381 {strides = array<i32>} : memref<10x128xi32, #tpu.memory_space<vmem>>, vector<16xi32>,
      %get3A_386 = arith.constant 640 : index
      %get3A_387 = tpu.vector_load %arg8[%get3A_386] {strides = array<i32>} : memref<1280xi32, #tpu.memory_space<vmem>>, vector<16xi32>,
      %get3A_388 = arith.constant 640 : index
      %get3A_389 = tpu.vector_load %arg9[%get3A_388] {strides = array<i32>} : memref<1280xi32, #tpu.memory_space<vmem>>, vector<16xi32>,
      %add3A_390 = arith.addi %get3A_387, %get3A_389 : vector<16xi32>
      %swap3A_391 = arith.constant 5 : i32
      %swap3A_392 = arith.index_cast %swap3A_391 : i32 to index
      %swap3A_393 = arith.constant 0 : index
      %swap3A_394 = tpu.vector_load %arg10[%swap3A_392, %swap3A_393] {strides = array<i32>} : memref<10x128xi32, #tpu.memory_space<vmem>>, vector<16xi32>,
      tpu.vector_store %arg10[%swap3A_392, %swap3A_393], %add3A_390 {strides = array<i32>} : memref<10x128xi32, #tpu.memory_space<vmem>>, vector<16xi32>,
      %get3A_395 = arith.constant 656 : index
      %get3A_396 = tpu.vector_load %arg8[%get3A_395] {strides = array<i32>} : memref<1280xi32, #tpu.memory_space<vmem>>, vector<16xi32>,
      %get3A_397 = arith.constant 656 : index
      %get3A_398 = tpu.vector_load %arg9[%get3A_397] {strides = array<i32>} : memref<1280xi32, #tpu.memory_space<vmem>>, vector<16xi32>,
      %add3A_399 = arith.addi %get3A_396, %get3A_398 : vector<16xi32>
      %swap3A_400 = arith.constant 5 : i32
      %swap3A_401 = arith.index_cast %swap3A_400 : i32 to index
      %swap3A_402 = arith.constant 16 : index
      %swap3A_403 = tpu.vector_load %arg10[%swap3A_401, %swap3A_402] {strides = array<i32>} : memref<10x128xi32, #tpu.memory_space<vmem>>, vector<16xi32>,
      tpu.vector_store %arg10[%swap3A_401, %swap3A_402], %add3A_399 {strides = array<i32>} : memref<10x128xi32, #tpu.memory_space<vmem>>, vector<16xi32>,
      %get3A_404 = arith.constant 672 : index
      %get3A_405 = tpu.vector_load %arg8[%get3A_404] {strides = array<i32>} : memref<1280xi32, #tpu.memory_space<vmem>>, vector<16xi32>,
      %get3A_406 = arith.constant 672 : index
      %get3A_407 = tpu.vector_load %arg9[%get3A_406] {strides = array<i32>} : memref<1280xi32, #tpu.memory_space<vmem>>, vector<16xi32>,
      %add3A_408 = arith.addi %get3A_405, %get3A_407 : vector<16xi32>
      %swap3A_409 = arith.constant 5 : i32
      %swap3A_410 = arith.index_cast %swap3A_409 : i32 to index
      %swap3A_411 = arith.constant 32 : index
      %swap3A_412 = tpu.vector_load %arg10[%swap3A_410, %swap3A_411] {strides = array<i32>} : memref<10x128xi32, #tpu.memory_space<vmem>>, vector<16xi32>,
      tpu.vector_store %arg10[%swap3A_410, %swap3A_411], %add3A_408 {strides = array<i32>} : memref<10x128xi32, #tpu.memory_space<vmem>>, vector<16xi32>,
      %get3A_413 = arith.constant 688 : index
      %get3A_414 = tpu.vector_load %arg8[%get3A_413] {strides = array<i32>} : memref<1280xi32, #tpu.memory_space<vmem>>, vector<16xi32>,
      %get3A_415 = arith.constant 688 : index
      %get3A_416 = tpu.vector_load %arg9[%get3A_415] {strides = array<i32>} : memref<1280xi32, #tpu.memory_space<vmem>>, vector<16xi32>,
      %add3A_417 = arith.addi %get3A_414, %get3A_416 : vector<16xi32>
      %swap3A_418 = arith.constant 5 : i32
      %swap3A_419 = arith.index_cast %swap3A_418 : i32 to index
      %swap3A_420 = arith.constant 48 : index
      %swap3A_421 = tpu.vector_load %arg10[%swap3A_419, %swap3A_420] {strides = array<i32>} : memref<10x128xi32, #tpu.memory_space<vmem>>, vector<16xi32>,
      tpu.vector_store %arg10[%swap3A_419, %swap3A_420], %add3A_417 {strides = array<i32>} : memref<10x128xi32, #tpu.memory_space<vmem>>, vector<16xi32>,
      %get3A_422 = arith.constant 704 : index
      %get3A_423 = tpu.vector_load %arg8[%get3A_422] {strides = array<i32>} : memref<1280xi32, #tpu.memory_space<vmem>>, vector<16xi32>,
      %get3A_424 = arith.constant 704 : index
      %get3A_425 = tpu.vector_load %arg9[%get3A_424] {strides = array<i32>} : memref<1280xi32, #tpu.memory_space<vmem>>, vector<16xi32>,
      %add3A_426 = arith.addi %get3A_423, %get3A_425 : vector<16xi32>
      %swap3A_427 = arith.constant 5 : i32
      %swap3A_428 = arith.index_cast %swap3A_427 : i32 to index
      %swap3A_429 = arith.constant 64 : index
      %swap3A_430 = tpu.vector_load %arg10[%swap3A_428, %swap3A_429] {strides = array<i32>} : memref<10x128xi32, #tpu.memory_space<vmem>>, vector<16xi32>,
      tpu.vector_store %arg10[%swap3A_428, %swap3A_429], %add3A_426 {strides = array<i32>} : memref<10x128xi32, #tpu.memory_space<vmem>>, vector<16xi32>,
      %get3A_431 = arith.constant 720 : index
      %get3A_432 = tpu.vector_load %arg8[%get3A_431] {strides = array<i32>} : memref<1280xi32, #tpu.memory_space<vmem>>, vector<16xi32>,
      %get3A_433 = arith.constant 720 : index
      %get3A_434 = tpu.vector_load %arg9[%get3A_433] {strides = array<i32>} : memref<1280xi32, #tpu.memory_space<vmem>>, vector<16xi32>,
      %add3A_435 = arith.addi %get3A_432, %get3A_434 : vector<16xi32>
      %swap3A_436 = arith.constant 5 : i32
      %swap3A_437 = arith.index_cast %swap3A_436 : i32 to index
      %swap3A_438 = arith.constant 80 : index
      %swap3A_439 = tpu.vector_load %arg10[%swap3A_437, %swap3A_438] {strides = array<i32>} : memref<10x128xi32, #tpu.memory_space<vmem>>, vector<16xi32>,
      tpu.vector_store %arg10[%swap3A_437, %swap3A_438], %add3A_435 {strides = array<i32>} : memref<10x128xi32, #tpu.memory_space<vmem>>, vector<16xi32>,
      %get3A_440 = arith.constant 736 : index
      %get3A_441 = tpu.vector_load %arg8[%get3A_440] {strides = array<i32>} : memref<1280xi32, #tpu.memory_space<vmem>>, vector<16xi32>,
      %get3A_442 = arith.constant 736 : index
      %get3A_443 = tpu.vector_load %arg9[%get3A_442] {strides = array<i32>} : memref<1280xi32, #tpu.memory_space<vmem>>, vector<16xi32>,
      %add3A_444 = arith.addi %get3A_441, %get3A_443 : vector<16xi32>
      %swap3A_445 = arith.constant 5 : i32
      %swap3A_446 = arith.index_cast %swap3A_445 : i32 to index
      %swap3A_447 = arith.constant 96 : index
      %swap3A_448 = tpu.vector_load %arg10[%swap3A_446, %swap3A_447] {strides = array<i32>} : memref<10x128xi32, #tpu.memory_space<vmem>>, vector<16xi32>,
      tpu.vector_store %arg10[%swap3A_446, %swap3A_447], %add3A_444 {strides = array<i32>} : memref<10x128xi32, #tpu.memory_space<vmem>>, vector<16xi32>,
      %get3A_449 = arith.constant 752 : index
      %get3A_450 = tpu.vector_load %arg8[%get3A_449] {strides = array<i32>} : memref<1280xi32, #tpu.memory_space<vmem>>, vector<16xi32>,
      %get3A_451 = arith.constant 752 : index
      %get3A_452 = tpu.vector_load %arg9[%get3A_451] {strides = array<i32>} : memref<1280xi32, #tpu.memory_space<vmem>>, vector<16xi32>,
      %add3A_453 = arith.addi %get3A_450, %get3A_452 : vector<16xi32>
      %swap3A_454 = arith.constant 5 : i32
      %swap3A_455 = arith.index_cast %swap3A_454 : i32 to index
      %swap3A_456 = arith.constant 112 : index
      %swap3A_457 = tpu.vector_load %arg10[%swap3A_455, %swap3A_456] {strides = array<i32>} : memref<10x128xi32, #tpu.memory_space<vmem>>, vector<16xi32>,
      tpu.vector_store %arg10[%swap3A_455, %swap3A_456], %add3A_453 {strides = array<i32>} : memref<10x128xi32, #tpu.memory_space<vmem>>, vector<16xi32>,
      %get3A_458 = arith.constant 768 : index
      %get3A_459 = tpu.vector_load %arg8[%get3A_458] {strides = array<i32>} : memref<1280xi32, #tpu.memory_space<vmem>>, vector<16xi32>,
      %get3A_460 = arith.constant 768 : index
      %get3A_461 = tpu.vector_load %arg9[%get3A_460] {strides = array<i32>} : memref<1280xi32, #tpu.memory_space<vmem>>, vector<16xi32>,
      %add3A_462 = arith.addi %get3A_459, %get3A_461 : vector<16xi32>
      %swap3A_463 = arith.constant 6 : i32
      %swap3A_464 = arith.index_cast %swap3A_463 : i32 to index
      %swap3A_465 = arith.constant 0 : index
      %swap3A_466 = tpu.vector_load %arg10[%swap3A_464, %swap3A_465] {strides = array<i32>} : memref<10x128xi32, #tpu.memory_space<vmem>>, vector<16xi32>,
      tpu.vector_store %arg10[%swap3A_464, %swap3A_465], %add3A_462 {strides = array<i32>} : memref<10x128xi32, #tpu.memory_space<vmem>>, vector<16xi32>,
      %get3A_467 = arith.constant 784 : index
      %get3A_468 = tpu.vector_load %arg8[%get3A_467] {strides = array<i32>} : memref<1280xi32, #tpu.memory_space<vmem>>, vector<16xi32>,
      %get3A_469 = arith.constant 784 : index
      %get3A_470 = tpu.vector_load %arg9[%get3A_469] {strides = array<i32>} : memref<1280xi32, #tpu.memory_space<vmem>>, vector<16xi32>,
      %add3A_471 = arith.addi %get3A_468, %get3A_470 : vector<16xi32>
      %swap3A_472 = arith.constant 6 : i32
      %swap3A_473 = arith.index_cast %swap3A_472 : i32 to index
      %swap3A_474 = arith.constant 16 : index
      %swap3A_475 = tpu.vector_load %arg10[%swap3A_473, %swap3A_474] {strides = array<i32>} : memref<10x128xi32, #tpu.memory_space<vmem>>, vector<16xi32>,
      tpu.vector_store %arg10[%swap3A_473, %swap3A_474], %add3A_471 {strides = array<i32>} : memref<10x128xi32, #tpu.memory_space<vmem>>, vector<16xi32>,
      %get3A_476 = arith.constant 800 : index
      %get3A_477 = tpu.vector_load %arg8[%get3A_476] {strides = array<i32>} : memref<1280xi32, #tpu.memory_space<vmem>>, vector<16xi32>,
      %get3A_478 = arith.constant 800 : index
      %get3A_479 = tpu.vector_load %arg9[%get3A_478] {strides = array<i32>} : memref<1280xi32, #tpu.memory_space<vmem>>, vector<16xi32>,
      %add3A_480 = arith.addi %get3A_477, %get3A_479 : vector<16xi32>
      %swap3A_481 = arith.constant 6 : i32
      %swap3A_482 = arith.index_cast %swap3A_481 : i32 to index
      %swap3A_483 = arith.constant 32 : index
      %swap3A_484 = tpu.vector_load %arg10[%swap3A_482, %swap3A_483] {strides = array<i32>} : memref<10x128xi32, #tpu.memory_space<vmem>>, vector<16xi32>,
      tpu.vector_store %arg10[%swap3A_482, %swap3A_483], %add3A_480 {strides = array<i32>} : memref<10x128xi32, #tpu.memory_space<vmem>>, vector<16xi32>,
      %get3A_485 = arith.constant 816 : index
      %get3A_486 = tpu.vector_load %arg8[%get3A_485] {strides = array<i32>} : memref<1280xi32, #tpu.memory_space<vmem>>, vector<16xi32>,
      %get3A_487 = arith.constant 816 : index
      %get3A_488 = tpu.vector_load %arg9[%get3A_487] {strides = array<i32>} : memref<1280xi32, #tpu.memory_space<vmem>>, vector<16xi32>,
      %add3A_489 = arith.addi %get3A_486, %get3A_488 : vector<16xi32>
      %swap3A_490 = arith.constant 6 : i32
      %swap3A_491 = arith.index_cast %swap3A_490 : i32 to index
      %swap3A_492 = arith.constant 48 : index
      %swap3A_493 = tpu.vector_load %arg10[%swap3A_491, %swap3A_492] {strides = array<i32>} : memref<10x128xi32, #tpu.memory_space<vmem>>, vector<16xi32>,
      tpu.vector_store %arg10[%swap3A_491, %swap3A_492], %add3A_489 {strides = array<i32>} : memref<10x128xi32, #tpu.memory_space<vmem>>, vector<16xi32>,
      %get3A_494 = arith.constant 832 : index
      %get3A_495 = tpu.vector_load %arg8[%get3A_494] {strides = array<i32>} : memref<1280xi32, #tpu.memory_space<vmem>>, vector<16xi32>,
      %get3A_496 = arith.constant 832 : index
      %get3A_497 = tpu.vector_load %arg9[%get3A_496] {strides = array<i32>} : memref<1280xi32, #tpu.memory_space<vmem>>, vector<16xi32>,
      %add3A_498 = arith.addi %get3A_495, %get3A_497 : vector<16xi32>
      %swap3A_499 = arith.constant 6 : i32
      %swap3A_500 = arith.index_cast %swap3A_499 : i32 to index
      %swap3A_501 = arith.constant 64 : index
      %swap3A_502 = tpu.vector_load %arg10[%swap3A_500, %swap3A_501] {strides = array<i32>} : memref<10x128xi32, #tpu.memory_space<vmem>>, vector<16xi32>,
      tpu.vector_store %arg10[%swap3A_500, %swap3A_501], %add3A_498 {strides = array<i32>} : memref<10x128xi32, #tpu.memory_space<vmem>>, vector<16xi32>,
      %get3A_503 = arith.constant 848 : index
      %get3A_504 = tpu.vector_load %arg8[%get3A_503] {strides = array<i32>} : memref<1280xi32, #tpu.memory_space<vmem>>, vector<16xi32>,
      %get3A_505 = arith.constant 848 : index
      %get3A_506 = tpu.vector_load %arg9[%get3A_505] {strides = array<i32>} : memref<1280xi32, #tpu.memory_space<vmem>>, vector<16xi32>,
      %add3A_507 = arith.addi %get3A_504, %get3A_506 : vector<16xi32>
      %swap3A_508 = arith.constant 6 : i32
      %swap3A_509 = arith.index_cast %swap3A_508 : i32 to index
      %swap3A_510 = arith.constant 80 : index
      %swap3A_511 = tpu.vector_load %arg10[%swap3A_509, %swap3A_510] {strides = array<i32>} : memref<10x128xi32, #tpu.memory_space<vmem>>, vector<16xi32>,
      tpu.vector_store %arg10[%swap3A_509, %swap3A_510], %add3A_507 {strides = array<i32>} : memref<10x128xi32, #tpu.memory_space<vmem>>, vector<16xi32>,
      %get3A_512 = arith.constant 864 : index
      %get3A_513 = tpu.vector_load %arg8[%get3A_512] {strides = array<i32>} : memref<1280xi32, #tpu.memory_space<vmem>>, vector<16xi32>,
      %get3A_514 = arith.constant 864 : index
      %get3A_515 = tpu.vector_load %arg9[%get3A_514] {strides = array<i32>} : memref<1280xi32, #tpu.memory_space<vmem>>, vector<16xi32>,
      %add3A_516 = arith.addi %get3A_513, %get3A_515 : vector<16xi32>
      %swap3A_517 = arith.constant 6 : i32
      %swap3A_518 = arith.index_cast %swap3A_517 : i32 to index
      %swap3A_519 = arith.constant 96 : index
      %swap3A_520 = tpu.vector_load %arg10[%swap3A_518, %swap3A_519] {strides = array<i32>} : memref<10x128xi32, #tpu.memory_space<vmem>>, vector<16xi32>,
      tpu.vector_store %arg10[%swap3A_518, %swap3A_519], %add3A_516 {strides = array<i32>} : memref<10x128xi32, #tpu.memory_space<vmem>>, vector<16xi32>,
      %get3A_521 = arith.constant 880 : index
      %get3A_522 = tpu.vector_load %arg8[%get3A_521] {strides = array<i32>} : memref<1280xi32, #tpu.memory_space<vmem>>, vector<16xi32>,
      %get3A_523 = arith.constant 880 : index
      %get3A_524 = tpu.vector_load %arg9[%get3A_523] {strides = array<i32>} : memref<1280xi32, #tpu.memory_space<vmem>>, vector<16xi32>,
      %add3A_525 = arith.addi %get3A_522, %get3A_524 : vector<16xi32>
      %swap3A_526 = arith.constant 6 : i32
      %swap3A_527 = arith.index_cast %swap3A_526 : i32 to index
      %swap3A_528 = arith.constant 112 : index
      %swap3A_529 = tpu.vector_load %arg10[%swap3A_527, %swap3A_528] {strides = array<i32>} : memref<10x128xi32, #tpu.memory_space<vmem>>, vector<16xi32>,
      tpu.vector_store %arg10[%swap3A_527, %swap3A_528], %add3A_525 {strides = array<i32>} : memref<10x128xi32, #tpu.memory_space<vmem>>, vector<16xi32>,
      %get3A_530 = arith.constant 896 : index
      %get3A_531 = tpu.vector_load %arg8[%get3A_530] {strides = array<i32>} : memref<1280xi32, #tpu.memory_space<vmem>>, vector<16xi32>,
      %get3A_532 = arith.constant 896 : index
      %get3A_533 = tpu.vector_load %arg9[%get3A_532] {strides = array<i32>} : memref<1280xi32, #tpu.memory_space<vmem>>, vector<16xi32>,
      %add3A_534 = arith.addi %get3A_531, %get3A_533 : vector<16xi32>
      %swap3A_535 = arith.constant 7 : i32
      %swap3A_536 = arith.index_cast %swap3A_535 : i32 to index
      %swap3A_537 = arith.constant 0 : index
      %swap3A_538 = tpu.vector_load %arg10[%swap3A_536, %swap3A_537] {strides = array<i32>} : memref<10x128xi32, #tpu.memory_space<vmem>>, vector<16xi32>,
      tpu.vector_store %arg10[%swap3A_536, %swap3A_537], %add3A_534 {strides = array<i32>} : memref<10x128xi32, #tpu.memory_space<vmem>>, vector<16xi32>,
      %get3A_539 = arith.constant 912 : index
      %get3A_540 = tpu.vector_load %arg8[%get3A_539] {strides = array<i32>} : memref<1280xi32, #tpu.memory_space<vmem>>, vector<16xi32>,
      %get3A_541 = arith.constant 912 : index
      %get3A_542 = tpu.vector_load %arg9[%get3A_541] {strides = array<i32>} : memref<1280xi32, #tpu.memory_space<vmem>>, vector<16xi32>,
      %add3A_543 = arith.addi %get3A_540, %get3A_542 : vector<16xi32>
      %swap3A_544 = arith.constant 7 : i32
      %swap3A_545 = arith.index_cast %swap3A_544 : i32 to index
      %swap3A_546 = arith.constant 16 : index
      %swap3A_547 = tpu.vector_load %arg10[%swap3A_545, %swap3A_546] {strides = array<i32>} : memref<10x128xi32, #tpu.memory_space<vmem>>, vector<16xi32>,
      tpu.vector_store %arg10[%swap3A_545, %swap3A_546], %add3A_543 {strides = array<i32>} : memref<10x128xi32, #tpu.memory_space<vmem>>, vector<16xi32>,
      %get3A_548 = arith.constant 928 : index
      %get3A_549 = tpu.vector_load %arg8[%get3A_548] {strides = array<i32>} : memref<1280xi32, #tpu.memory_space<vmem>>, vector<16xi32>,
      %get3A_550 = arith.constant 928 : index
      %get3A_551 = tpu.vector_load %arg9[%get3A_550] {strides = array<i32>} : memref<1280xi32, #tpu.memory_space<vmem>>, vector<16xi32>,
      %add3A_552 = arith.addi %get3A_549, %get3A_551 : vector<16xi32>
      %swap3A_553 = arith.constant 7 : i32
      %swap3A_554 = arith.index_cast %swap3A_553 : i32 to index
      %swap3A_555 = arith.constant 32 : index
      %swap3A_556 = tpu.vector_load %arg10[%swap3A_554, %swap3A_555] {strides = array<i32>} : memref<10x128xi32, #tpu.memory_space<vmem>>, vector<16xi32>,
      tpu.vector_store %arg10[%swap3A_554, %swap3A_555], %add3A_552 {strides = array<i32>} : memref<10x128xi32, #tpu.memory_space<vmem>>, vector<16xi32>,
      %get3A_557 = arith.constant 944 : index
      %get3A_558 = tpu.vector_load %arg8[%get3A_557] {strides = array<i32>} : memref<1280xi32, #tpu.memory_space<vmem>>, vector<16xi32>,
      %get3A_559 = arith.constant 944 : index
      %get3A_560 = tpu.vector_load %arg9[%get3A_559] {strides = array<i32>} : memref<1280xi32, #tpu.memory_space<vmem>>, vector<16xi32>,
      %add3A_561 = arith.addi %get3A_558, %get3A_560 : vector<16xi32>
      %swap3A_562 = arith.constant 7 : i32
      %swap3A_563 = arith.index_cast %swap3A_562 : i32 to index
      %swap3A_564 = arith.constant 48 : index
      %swap3A_565 = tpu.vector_load %arg10[%swap3A_563, %swap3A_564] {strides = array<i32>} : memref<10x128xi32, #tpu.memory_space<vmem>>, vector<16xi32>,
      tpu.vector_store %arg10[%swap3A_563, %swap3A_564], %add3A_561 {strides = array<i32>} : memref<10x128xi32, #tpu.memory_space<vmem>>, vector<16xi32>,
      %get3A_566 = arith.constant 960 : index
      %get3A_567 = tpu.vector_load %arg8[%get3A_566] {strides = array<i32>} : memref<1280xi32, #tpu.memory_space<vmem>>, vector<16xi32>,
      %get3A_568 = arith.constant 960 : index
      %get3A_569 = tpu.vector_load %arg9[%get3A_568] {strides = array<i32>} : memref<1280xi32, #tpu.memory_space<vmem>>, vector<16xi32>,
      %add3A_570 = arith.addi %get3A_567, %get3A_569 : vector<16xi32>
      %swap3A_571 = arith.constant 7 : i32
      %swap3A_572 = arith.index_cast %swap3A_571 : i32 to index
      %swap3A_573 = arith.constant 64 : index
      %swap3A_574 = tpu.vector_load %arg10[%swap3A_572, %swap3A_573] {strides = array<i32>} : memref<10x128xi32, #tpu.memory_space<vmem>>, vector<16xi32>,
      tpu.vector_store %arg10[%swap3A_572, %swap3A_573], %add3A_570 {strides = array<i32>} : memref<10x128xi32, #tpu.memory_space<vmem>>, vector<16xi32>,
      %get3A_575 = arith.constant 976 : index
      %get3A_576 = tpu.vector_load %arg8[%get3A_575] {strides = array<i32>} : memref<1280xi32, #tpu.memory_space<vmem>>, vector<16xi32>,
      %get3A_577 = arith.constant 976 : index
      %get3A_578 = tpu.vector_load %arg9[%get3A_577] {strides = array<i32>} : memref<1280xi32, #tpu.memory_space<vmem>>, vector<16xi32>,
      %add3A_579 = arith.addi %get3A_576, %get3A_578 : vector<16xi32>
      %swap3A_580 = arith.constant 7 : i32
      %swap3A_581 = arith.index_cast %swap3A_580 : i32 to index
      %swap3A_582 = arith.constant 80 : index
      %swap3A_583 = tpu.vector_load %arg10[%swap3A_581, %swap3A_582] {strides = array<i32>} : memref<10x128xi32, #tpu.memory_space<vmem>>, vector<16xi32>,
      tpu.vector_store %arg10[%swap3A_581, %swap3A_582], %add3A_579 {strides = array<i32>} : memref<10x128xi32, #tpu.memory_space<vmem>>, vector<16xi32>,
      %get3A_584 = arith.constant 992 : index
      %get3A_585 = tpu.vector_load %arg8[%get3A_584] {strides = array<i32>} : memref<1280xi32, #tpu.memory_space<vmem>>, vector<16xi32>,
      %get3A_586 = arith.constant 992 : index
      %get3A_587 = tpu.vector_load %arg9[%get3A_586] {strides = array<i32>} : memref<1280xi32, #tpu.memory_space<vmem>>, vector<16xi32>,
      %add3A_588 = arith.addi %get3A_585, %get3A_587 : vector<16xi32>
      %swap3A_589 = arith.constant 7 : i32
      %swap3A_590 = arith.index_cast %swap3A_589 : i32 to index
      %swap3A_591 = arith.constant 96 : index
      %swap3A_592 = tpu.vector_load %arg10[%swap3A_590, %swap3A_591] {strides = array<i32>} : memref<10x128xi32, #tpu.memory_space<vmem>>, vector<16xi32>,
      tpu.vector_store %arg10[%swap3A_590, %swap3A_591], %add3A_588 {strides = array<i32>} : memref<10x128xi32, #tpu.memory_space<vmem>>, vector<16xi32>,
      %get3A_593 = arith.constant 1008 : index
      %get3A_594 = tpu.vector_load %arg8[%get3A_593] {strides = array<i32>} : memref<1280xi32, #tpu.memory_space<vmem>>, vector<16xi32>,
      %get3A_595 = arith.constant 1008 : index
      %get3A_596 = tpu.vector_load %arg9[%get3A_595] {strides = array<i32>} : memref<1280xi32, #tpu.memory_space<vmem>>, vector<16xi32>,
      %add3A_597 = arith.addi %get3A_594, %get3A_596 : vector<16xi32>
      %swap3A_598 = arith.constant 7 : i32
      %swap3A_599 = arith.index_cast %swap3A_598 : i32 to index
      %swap3A_600 = arith.constant 112 : index
      %swap3A_601 = tpu.vector_load %arg10[%swap3A_599, %swap3A_600] {strides = array<i32>} : memref<10x128xi32, #tpu.memory_space<vmem>>, vector<16xi32>,
      tpu.vector_store %arg10[%swap3A_599, %swap3A_600], %add3A_597 {strides = array<i32>} : memref<10x128xi32, #tpu.memory_space<vmem>>, vector<16xi32>,
      %get3A_602 = arith.constant 1024 : index
      %get3A_603 = tpu.vector_load %arg8[%get3A_602] {strides = array<i32>} : memref<1280xi32, #tpu.memory_space<vmem>>, vector<16xi32>,
      %get3A_604 = arith.constant 1024 : index
      %get3A_605 = tpu.vector_load %arg9[%get3A_604] {strides = array<i32>} : memref<1280xi32, #tpu.memory_space<vmem>>, vector<16xi32>,
      %add3A_606 = arith.addi %get3A_603, %get3A_605 : vector<16xi32>
      %swap3A_607 = arith.constant 8 : i32
      %swap3A_608 = arith.index_cast %swap3A_607 : i32 to index
      %swap3A_609 = arith.constant 0 : index
      %swap3A_610 = tpu.vector_load %arg10[%swap3A_608, %swap3A_609] {strides = array<i32>} : memref<10x128xi32, #tpu.memory_space<vmem>>, vector<16xi32>,
      tpu.vector_store %arg10[%swap3A_608, %swap3A_609], %add3A_606 {strides = array<i32>} : memref<10x128xi32, #tpu.memory_space<vmem>>, vector<16xi32>,
      %get3A_611 = arith.constant 1040 : index
      %get3A_612 = tpu.vector_load %arg8[%get3A_611] {strides = array<i32>} : memref<1280xi32, #tpu.memory_space<vmem>>, vector<16xi32>,
      %get3A_613 = arith.constant 1040 : index
      %get3A_614 = tpu.vector_load %arg9[%get3A_613] {strides = array<i32>} : memref<1280xi32, #tpu.memory_space<vmem>>, vector<16xi32>,
      %add3A_615 = arith.addi %get3A_612, %get3A_614 : vector<16xi32>
      %swap3A_616 = arith.constant 8 : i32
      %swap3A_617 = arith.index_cast %swap3A_616 : i32 to index
      %swap3A_618 = arith.constant 16 : index
      %swap3A_619 = tpu.vector_load %arg10[%swap3A_617, %swap3A_618] {strides = array<i32>} : memref<10x128xi32, #tpu.memory_space<vmem>>, vector<16xi32>,
      tpu.vector_store %arg10[%swap3A_617, %swap3A_618], %add3A_615 {strides = array<i32>} : memref<10x128xi32, #tpu.memory_space<vmem>>, vector<16xi32>,
      %get3A_620 = arith.constant 1056 : index
      %get3A_621 = tpu.vector_load %arg8[%get3A_620] {strides = array<i32>} : memref<1280xi32, #tpu.memory_space<vmem>>, vector<16xi32>,
      %get3A_622 = arith.constant 1056 : index
      %get3A_623 = tpu.vector_load %arg9[%get3A_622] {strides = array<i32>} : memref<1280xi32, #tpu.memory_space<vmem>>, vector<16xi32>,
      %add3A_624 = arith.addi %get3A_621, %get3A_623 : vector<16xi32>
      %swap3A_625 = arith.constant 8 : i32
      %swap3A_626 = arith.index_cast %swap3A_625 : i32 to index
      %swap3A_627 = arith.constant 32 : index
      %swap3A_628 = tpu.vector_load %arg10[%swap3A_626, %swap3A_627] {strides = array<i32>} : memref<10x128xi32, #tpu.memory_space<vmem>>, vector<16xi32>,
      tpu.vector_store %arg10[%swap3A_626, %swap3A_627], %add3A_624 {strides = array<i32>} : memref<10x128xi32, #tpu.memory_space<vmem>>, vector<16xi32>,
      %get3A_629 = arith.constant 1072 : index
      %get3A_630 = tpu.vector_load %arg8[%get3A_629] {strides = array<i32>} : memref<1280xi32, #tpu.memory_space<vmem>>, vector<16xi32>,
      %get3A_631 = arith.constant 1072 : index
      %get3A_632 = tpu.vector_load %arg9[%get3A_631] {strides = array<i32>} : memref<1280xi32, #tpu.memory_space<vmem>>, vector<16xi32>,
      %add3A_633 = arith.addi %get3A_630, %get3A_632 : vector<16xi32>
      %swap3A_634 = arith.constant 8 : i32
      %swap3A_635 = arith.index_cast %swap3A_634 : i32 to index
      %swap3A_636 = arith.constant 48 : index
      %swap3A_637 = tpu.vector_load %arg10[%swap3A_635, %swap3A_636] {strides = array<i32>} : memref<10x128xi32, #tpu.memory_space<vmem>>, vector<16xi32>,
      tpu.vector_store %arg10[%swap3A_635, %swap3A_636], %add3A_633 {strides = array<i32>} : memref<10x128xi32, #tpu.memory_space<vmem>>, vector<16xi32>,
      %get3A_638 = arith.constant 1088 : index
      %get3A_639 = tpu.vector_load %arg8[%get3A_638] {strides = array<i32>} : memref<1280xi32, #tpu.memory_space<vmem>>, vector<16xi32>,
      %get3A_640 = arith.constant 1088 : index
      %get3A_641 = tpu.vector_load %arg9[%get3A_640] {strides = array<i32>} : memref<1280xi32, #tpu.memory_space<vmem>>, vector<16xi32>,
      %add3A_642 = arith.addi %get3A_639, %get3A_641 : vector<16xi32>
      %swap3A_643 = arith.constant 8 : i32
      %swap3A_644 = arith.index_cast %swap3A_643 : i32 to index
      %swap3A_645 = arith.constant 64 : index
      %swap3A_646 = tpu.vector_load %arg10[%swap3A_644, %swap3A_645] {strides = array<i32>} : memref<10x128xi32, #tpu.memory_space<vmem>>, vector<16xi32>,
      tpu.vector_store %arg10[%swap3A_644, %swap3A_645], %add3A_642 {strides = array<i32>} : memref<10x128xi32, #tpu.memory_space<vmem>>, vector<16xi32>,
      %get3A_647 = arith.constant 1104 : index
      %get3A_648 = tpu.vector_load %arg8[%get3A_647] {strides = array<i32>} : memref<1280xi32, #tpu.memory_space<vmem>>, vector<16xi32>,
      %get3A_649 = arith.constant 1104 : index
      %get3A_650 = tpu.vector_load %arg9[%get3A_649] {strides = array<i32>} : memref<1280xi32, #tpu.memory_space<vmem>>, vector<16xi32>,
      %add3A_651 = arith.addi %get3A_648, %get3A_650 : vector<16xi32>
      %swap3A_652 = arith.constant 8 : i32
      %swap3A_653 = arith.index_cast %swap3A_652 : i32 to index
      %swap3A_654 = arith.constant 80 : index
      %swap3A_655 = tpu.vector_load %arg10[%swap3A_653, %swap3A_654] {strides = array<i32>} : memref<10x128xi32, #tpu.memory_space<vmem>>, vector<16xi32>,
      tpu.vector_store %arg10[%swap3A_653, %swap3A_654], %add3A_651 {strides = array<i32>} : memref<10x128xi32, #tpu.memory_space<vmem>>, vector<16xi32>,
      %get3A_656 = arith.constant 1120 : index
      %get3A_657 = tpu.vector_load %arg8[%get3A_656] {strides = array<i32>} : memref<1280xi32, #tpu.memory_space<vmem>>, vector<16xi32>,
      %get3A_658 = arith.constant 1120 : index
      %get3A_659 = tpu.vector_load %arg9[%get3A_658] {strides = array<i32>} : memref<1280xi32, #tpu.memory_space<vmem>>, vector<16xi32>,
      %add3A_660 = arith.addi %get3A_657, %get3A_659 : vector<16xi32>
      %swap3A_661 = arith.constant 8 : i32
      %swap3A_662 = arith.index_cast %swap3A_661 : i32 to index
      %swap3A_663 = arith.constant 96 : index
      %swap3A_664 = tpu.vector_load %arg10[%swap3A_662, %swap3A_663] {strides = array<i32>} : memref<10x128xi32, #tpu.memory_space<vmem>>, vector<16xi32>,
      tpu.vector_store %arg10[%swap3A_662, %swap3A_663], %add3A_660 {strides = array<i32>} : memref<10x128xi32, #tpu.memory_space<vmem>>, vector<16xi32>,
      %get3A_665 = arith.constant 1136 : index
      %get3A_666 = tpu.vector_load %arg8[%get3A_665] {strides = array<i32>} : memref<1280xi32, #tpu.memory_space<vmem>>, vector<16xi32>,
      %get3A_667 = arith.constant 1136 : index
      %get3A_668 = tpu.vector_load %arg9[%get3A_667] {strides = array<i32>} : memref<1280xi32, #tpu.memory_space<vmem>>, vector<16xi32>,
      %add3A_669 = arith.addi %get3A_666, %get3A_668 : vector<16xi32>
      %swap3A_670 = arith.constant 8 : i32
      %swap3A_671 = arith.index_cast %swap3A_670 : i32 to index
      %swap3A_672 = arith.constant 112 : index
      %swap3A_673 = tpu.vector_load %arg10[%swap3A_671, %swap3A_672] {strides = array<i32>} : memref<10x128xi32, #tpu.memory_space<vmem>>, vector<16xi32>,
      tpu.vector_store %arg10[%swap3A_671, %swap3A_672], %add3A_669 {strides = array<i32>} : memref<10x128xi32, #tpu.memory_space<vmem>>, vector<16xi32>,
      %get3A_674 = arith.constant 1152 : index
      %get3A_675 = tpu.vector_load %arg8[%get3A_674] {strides = array<i32>} : memref<1280xi32, #tpu.memory_space<vmem>>, vector<16xi32>,
      %get3A_676 = arith.constant 1152 : index
      %get3A_677 = tpu.vector_load %arg9[%get3A_676] {strides = array<i32>} : memref<1280xi32, #tpu.memory_space<vmem>>, vector<16xi32>,
      %add3A_678 = arith.addi %get3A_675, %get3A_677 : vector<16xi32>
      %swap3A_679 = arith.constant 9 : i32
      %swap3A_680 = arith.index_cast %swap3A_679 : i32 to index
      %swap3A_681 = arith.constant 0 : index
      %swap3A_682 = tpu.vector_load %arg10[%swap3A_680, %swap3A_681] {strides = array<i32>} : memref<10x128xi32, #tpu.memory_space<vmem>>, vector<16xi32>,
      tpu.vector_store %arg10[%swap3A_680, %swap3A_681], %add3A_678 {strides = array<i32>} : memref<10x128xi32, #tpu.memory_space<vmem>>, vector<16xi32>,
      %get3A_683 = arith.constant 1168 : index
      %get3A_684 = tpu.vector_load %arg8[%get3A_683] {strides = array<i32>} : memref<1280xi32, #tpu.memory_space<vmem>>, vector<16xi32>,
      %get3A_685 = arith.constant 1168 : index
      %get3A_686 = tpu.vector_load %arg9[%get3A_685] {strides = array<i32>} : memref<1280xi32, #tpu.memory_space<vmem>>, vector<16xi32>,
      %add3A_687 = arith.addi %get3A_684, %get3A_686 : vector<16xi32>
      %swap3A_688 = arith.constant 9 : i32
      %swap3A_689 = arith.index_cast %swap3A_688 : i32 to index
      %swap3A_690 = arith.constant 16 : index
      %swap3A_691 = tpu.vector_load %arg10[%swap3A_689, %swap3A_690] {strides = array<i32>} : memref<10x128xi32, #tpu.memory_space<vmem>>, vector<16xi32>,
      tpu.vector_store %arg10[%swap3A_689, %swap3A_690], %add3A_687 {strides = array<i32>} : memref<10x128xi32, #tpu.memory_space<vmem>>, vector<16xi32>,
      %get3A_692 = arith.constant 1184 : index
      %get3A_693 = tpu.vector_load %arg8[%get3A_692] {strides = array<i32>} : memref<1280xi32, #tpu.memory_space<vmem>>, vector<16xi32>,
      %get3A_694 = arith.constant 1184 : index
      %get3A_695 = tpu.vector_load %arg9[%get3A_694] {strides = array<i32>} : memref<1280xi32, #tpu.memory_space<vmem>>, vector<16xi32>,
      %add3A_696 = arith.addi %get3A_693, %get3A_695 : vector<16xi32>
      %swap3A_697 = arith.constant 9 : i32
      %swap3A_698 = arith.index_cast %swap3A_697 : i32 to index
      %swap3A_699 = arith.constant 32 : index
      %swap3A_700 = tpu.vector_load %arg10[%swap3A_698, %swap3A_699] {strides = array<i32>} : memref<10x128xi32, #tpu.memory_space<vmem>>, vector<16xi32>,
      tpu.vector_store %arg10[%swap3A_698, %swap3A_699], %add3A_696 {strides = array<i32>} : memref<10x128xi32, #tpu.memory_space<vmem>>, vector<16xi32>,
      %get3A_701 = arith.constant 1200 : index
      %get3A_702 = tpu.vector_load %arg8[%get3A_701] {strides = array<i32>} : memref<1280xi32, #tpu.memory_space<vmem>>, vector<16xi32>,
      %get3A_703 = arith.constant 1200 : index
      %get3A_704 = tpu.vector_load %arg9[%get3A_703] {strides = array<i32>} : memref<1280xi32, #tpu.memory_space<vmem>>, vector<16xi32>,
      %add3A_705 = arith.addi %get3A_702, %get3A_704 : vector<16xi32>
      %swap3A_706 = arith.constant 9 : i32
      %swap3A_707 = arith.index_cast %swap3A_706 : i32 to index
      %swap3A_708 = arith.constant 48 : index
      %swap3A_709 = tpu.vector_load %arg10[%swap3A_707, %swap3A_708] {strides = array<i32>} : memref<10x128xi32, #tpu.memory_space<vmem>>, vector<16xi32>,
      tpu.vector_store %arg10[%swap3A_707, %swap3A_708], %add3A_705 {strides = array<i32>} : memref<10x128xi32, #tpu.memory_space<vmem>>, vector<16xi32>,
      %get3A_710 = arith.constant 1216 : index
      %get3A_711 = tpu.vector_load %arg8[%get3A_710] {strides = array<i32>} : memref<1280xi32, #tpu.memory_space<vmem>>, vector<16xi32>,
      %get3A_712 = arith.constant 1216 : index
      %get3A_713 = tpu.vector_load %arg9[%get3A_712] {strides = array<i32>} : memref<1280xi32, #tpu.memory_space<vmem>>, vector<16xi32>,
      %add3A_714 = arith.addi %get3A_711, %get3A_713 : vector<16xi32>
      %swap3A_715 = arith.constant 9 : i32
      %swap3A_716 = arith.index_cast %swap3A_715 : i32 to index
      %swap3A_717 = arith.constant 64 : index
      %swap3A_718 = tpu.vector_load %arg10[%swap3A_716, %swap3A_717] {strides = array<i32>} : memref<10x128xi32, #tpu.memory_space<vmem>>, vector<16xi32>,
      tpu.vector_store %arg10[%swap3A_716, %swap3A_717], %add3A_714 {strides = array<i32>} : memref<10x128xi32, #tpu.memory_space<vmem>>, vector<16xi32>,
      %get3A_719 = arith.constant 1232 : index
      %get3A_720 = tpu.vector_load %arg8[%get3A_719] {strides = array<i32>} : memref<1280xi32, #tpu.memory_space<vmem>>, vector<16xi32>,
      %get3A_721 = arith.constant 1232 : index
      %get3A_722 = tpu.vector_load %arg9[%get3A_721] {strides = array<i32>} : memref<1280xi32, #tpu.memory_space<vmem>>, vector<16xi32>,
      %add3A_723 = arith.addi %get3A_720, %get3A_722 : vector<16xi32>
      %swap3A_724 = arith.constant 9 : i32
      %swap3A_725 = arith.index_cast %swap3A_724 : i32 to index
      %swap3A_726 = arith.constant 80 : index
      %swap3A_727 = tpu.vector_load %arg10[%swap3A_725, %swap3A_726] {strides = array<i32>} : memref<10x128xi32, #tpu.memory_space<vmem>>, vector<16xi32>,
      tpu.vector_store %arg10[%swap3A_725, %swap3A_726], %add3A_723 {strides = array<i32>} : memref<10x128xi32, #tpu.memory_space<vmem>>, vector<16xi32>,
      %get3A_728 = arith.constant 1248 : index
      %get3A_729 = tpu.vector_load %arg8[%get3A_728] {strides = array<i32>} : memref<1280xi32, #tpu.memory_space<vmem>>, vector<16xi32>,
      %get3A_730 = arith.constant 1248 : index
      %get3A_731 = tpu.vector_load %arg9[%get3A_730] {strides = array<i32>} : memref<1280xi32, #tpu.memory_space<vmem>>, vector<16xi32>,
      %add3A_732 = arith.addi %get3A_729, %get3A_731 : vector<16xi32>
      %swap3A_733 = arith.constant 9 : i32
      %swap3A_734 = arith.index_cast %swap3A_733 : i32 to index
      %swap3A_735 = arith.constant 96 : index
      %swap3A_736 = tpu.vector_load %arg10[%swap3A_734, %swap3A_735] {strides = array<i32>} : memref<10x128xi32, #tpu.memory_space<vmem>>, vector<16xi32>,
      tpu.vector_store %arg10[%swap3A_734, %swap3A_735], %add3A_732 {strides = array<i32>} : memref<10x128xi32, #tpu.memory_space<vmem>>, vector<16xi32>,
      %get3A_737 = arith.constant 1264 : index
      %get3A_738 = tpu.vector_load %arg8[%get3A_737] {strides = array<i32>} : memref<1280xi32, #tpu.memory_space<vmem>>, vector<16xi32>,
      %get3A_739 = arith.constant 1264 : index
      %get3A_740 = tpu.vector_load %arg9[%get3A_739] {strides = array<i32>} : memref<1280xi32, #tpu.memory_space<vmem>>, vector<16xi32>,
      %add3A_741 = arith.addi %get3A_738, %get3A_740 : vector<16xi32>
      %swap3A_742 = arith.constant 9 : i32
      %swap3A_743 = arith.index_cast %swap3A_742 : i32 to index
      %swap3A_744 = arith.constant 112 : index
      %swap3A_745 = tpu.vector_load %arg10[%swap3A_743, %swap3A_744] {strides = array<i32>} : memref<10x128xi32, #tpu.memory_space<vmem>>, vector<16xi32>,
      tpu.vector_store %arg10[%swap3A_743, %swap3A_744], %add3A_741 {strides = array<i32>} : memref<10x128xi32, #tpu.memory_space<vmem>>, vector<16xi32>,
      %dma_start3A = arith.constant 0 : i32
      %dma_start3A_746 = arith.constant 0 : i32
      %dma_start3A_747 = arith.constant 0 : i32
      %dma_start3A_748 = tpu.memref_slice %arg11[%dma_start3A_746, %dma_start3A_747] : memref<1280x32xf32, #tpu.memory_space<vmem>> -> memref<128x32xf32, #tpu.memory_space<vmem>>
      %dma_start3A_749 = arith.constant 0 : i32
      %dma_start3A_750 = tpu.memref_slice %arg10[%dma_start3A, %dma_start3A_749] : memref<10x128xi32, #tpu.memory_space<vmem>> -> memref<1x128xi32, #tpu.memory_space<vmem>>
      %dma_start3A_751 = tpu.memref_squeeze %dma_start3A_750 : memref<1x128xi32, #tpu.memory_space<vmem>> -> memref<128xi32, #tpu.memory_space<vmem>>
      %dma_start3A_752 = arith.constant 0 : i32
      %dma_start3A_753 = arith.constant 0 : i32
      %dma_start3A_754 = tpu.memref_slice %arg4[%dma_start3A_752, %dma_start3A_753] : memref<2000000x32xf32, #tpu.memory_space<hbm>> -> memref<2000000x32xf32, #tpu.memory_space<hbm>>
      tpu.enqueue_indirect_dma source(%dma_start3A_754 : memref<2000000x32xf32, #tpu.memory_space<hbm>>) target(%dma_start3A_748 : memref<128x32xf32, #tpu.memory_space<vmem>>) offsets(%dma_start3A_751 : memref<128xi32, #tpu.memory_space<vmem>>) semaphore(%arg16 : memref<!tpu.dma_semaphore, #tpu.memory_space<semaphore_mem>>)
      %dma_start3A_755 = arith.constant 1 : i32
      %dma_start3A_756 = arith.constant 128 : i32
      %dma_start3A_757 = arith.constant 0 : i32
      %dma_start3A_758 = tpu.memref_slice %arg11[%dma_start3A_756, %dma_start3A_757] : memref<1280x32xf32, #tpu.memory_space<vmem>> -> memref<128x32xf32, #tpu.memory_space<vmem>>
      %dma_start3A_759 = arith.constant 0 : i32
      %dma_start3A_760 = tpu.memref_slice %arg10[%dma_start3A_755, %dma_start3A_759] : memref<10x128xi32, #tpu.memory_space<vmem>> -> memref<1x128xi32, #tpu.memory_space<vmem>>
      %dma_start3A_761 = tpu.memref_squeeze %dma_start3A_760 : memref<1x128xi32, #tpu.memory_space<vmem>> -> memref<128xi32, #tpu.memory_space<vmem>>
      %dma_start3A_762 = arith.constant 0 : i32
      %dma_start3A_763 = arith.constant 0 : i32
      %dma_start3A_764 = tpu.memref_slice %arg4[%dma_start3A_762, %dma_start3A_763] : memref<2000000x32xf32, #tpu.memory_space<hbm>> -> memref<2000000x32xf32, #tpu.memory_space<hbm>>
      tpu.enqueue_indirect_dma source(%dma_start3A_764 : memref<2000000x32xf32, #tpu.memory_space<hbm>>) target(%dma_start3A_758 : memref<128x32xf32, #tpu.memory_space<vmem>>) offsets(%dma_start3A_761 : memref<128xi32, #tpu.memory_space<vmem>>) semaphore(%arg16 : memref<!tpu.dma_semaphore, #tpu.memory_space<semaphore_mem>>)
      %dma_start3A_765 = arith.constant 2 : i32
      %dma_start3A_766 = arith.constant 256 : i32
      %dma_start3A_767 = arith.constant 0 : i32
      %dma_start3A_768 = tpu.memref_slice %arg11[%dma_start3A_766, %dma_start3A_767] : memref<1280x32xf32, #tpu.memory_space<vmem>> -> memref<128x32xf32, #tpu.memory_space<vmem>>
      %dma_start3A_769 = arith.constant 0 : i32
      %dma_start3A_770 = tpu.memref_slice %arg10[%dma_start3A_765, %dma_start3A_769] : memref<10x128xi32, #tpu.memory_space<vmem>> -> memref<1x128xi32, #tpu.memory_space<vmem>>
      %dma_start3A_771 = tpu.memref_squeeze %dma_start3A_770 : memref<1x128xi32, #tpu.memory_space<vmem>> -> memref<128xi32, #tpu.memory_space<vmem>>
      %dma_start3A_772 = arith.constant 0 : i32
      %dma_start3A_773 = arith.constant 0 : i32
      %dma_start3A_774 = tpu.memref_slice %arg4[%dma_start3A_772, %dma_start3A_773] : memref<2000000x32xf32, #tpu.memory_space<hbm>> -> memref<2000000x32xf32, #tpu.memory_space<hbm>>
      tpu.enqueue_indirect_dma source(%dma_start3A_774 : memref<2000000x32xf32, #tpu.memory_space<hbm>>) target(%dma_start3A_768 : memref<128x32xf32, #tpu.memory_space<vmem>>) offsets(%dma_start3A_771 : memref<128xi32, #tpu.memory_space<vmem>>) semaphore(%arg16 : memref<!tpu.dma_semaphore, #tpu.memory_space<semaphore_mem>>)
      %dma_start3A_775 = arith.constant 3 : i32
      %dma_start3A_776 = arith.constant 384 : i32
      %dma_start3A_777 = arith.constant 0 : i32
      %dma_start3A_778 = tpu.memref_slice %arg11[%dma_start3A_776, %dma_start3A_777] : memref<1280x32xf32, #tpu.memory_space<vmem>> -> memref<128x32xf32, #tpu.memory_space<vmem>>
      %dma_start3A_779 = arith.constant 0 : i32
      %dma_start3A_780 = tpu.memref_slice %arg10[%dma_start3A_775, %dma_start3A_779] : memref<10x128xi32, #tpu.memory_space<vmem>> -> memref<1x128xi32, #tpu.memory_space<vmem>>
      %dma_start3A_781 = tpu.memref_squeeze %dma_start3A_780 : memref<1x128xi32, #tpu.memory_space<vmem>> -> memref<128xi32, #tpu.memory_space<vmem>>
      %dma_start3A_782 = arith.constant 0 : i32
      %dma_start3A_783 = arith.constant 0 : i32
      %dma_start3A_784 = tpu.memref_slice %arg4[%dma_start3A_782, %dma_start3A_783] : memref<2000000x32xf32, #tpu.memory_space<hbm>> -> memref<2000000x32xf32, #tpu.memory_space<hbm>>
      tpu.enqueue_indirect_dma source(%dma_start3A_784 : memref<2000000x32xf32, #tpu.memory_space<hbm>>) target(%dma_start3A_778 : memref<128x32xf32, #tpu.memory_space<vmem>>) offsets(%dma_start3A_781 : memref<128xi32, #tpu.memory_space<vmem>>) semaphore(%arg16 : memref<!tpu.dma_semaphore, #tpu.memory_space<semaphore_mem>>)
      %dma_start3A_785 = arith.constant 4 : i32
      %dma_start3A_786 = arith.constant 512 : i32
      %dma_start3A_787 = arith.constant 0 : i32
      %dma_start3A_788 = tpu.memref_slice %arg11[%dma_start3A_786, %dma_start3A_787] : memref<1280x32xf32, #tpu.memory_space<vmem>> -> memref<128x32xf32, #tpu.memory_space<vmem>>
      %dma_start3A_789 = arith.constant 0 : i32
      %dma_start3A_790 = tpu.memref_slice %arg10[%dma_start3A_785, %dma_start3A_789] : memref<10x128xi32, #tpu.memory_space<vmem>> -> memref<1x128xi32, #tpu.memory_space<vmem>>
      %dma_start3A_791 = tpu.memref_squeeze %dma_start3A_790 : memref<1x128xi32, #tpu.memory_space<vmem>> -> memref<128xi32, #tpu.memory_space<vmem>>
      %dma_start3A_792 = arith.constant 0 : i32
      %dma_start3A_793 = arith.constant 0 : i32
      %dma_start3A_794 = tpu.memref_slice %arg4[%dma_start3A_792, %dma_start3A_793] : memref<2000000x32xf32, #tpu.memory_space<hbm>> -> memref<2000000x32xf32, #tpu.memory_space<hbm>>
      tpu.enqueue_indirect_dma source(%dma_start3A_794 : memref<2000000x32xf32, #tpu.memory_space<hbm>>) target(%dma_start3A_788 : memref<128x32xf32, #tpu.memory_space<vmem>>) offsets(%dma_start3A_791 : memref<128xi32, #tpu.memory_space<vmem>>) semaphore(%arg16 : memref<!tpu.dma_semaphore, #tpu.memory_space<semaphore_mem>>)
      %dma_start3A_795 = arith.constant 5 : i32
      %dma_start3A_796 = arith.constant 640 : i32
      %dma_start3A_797 = arith.constant 0 : i32
      %dma_start3A_798 = tpu.memref_slice %arg11[%dma_start3A_796, %dma_start3A_797] : memref<1280x32xf32, #tpu.memory_space<vmem>> -> memref<128x32xf32, #tpu.memory_space<vmem>>
      %dma_start3A_799 = arith.constant 0 : i32
      %dma_start3A_800 = tpu.memref_slice %arg10[%dma_start3A_795, %dma_start3A_799] : memref<10x128xi32, #tpu.memory_space<vmem>> -> memref<1x128xi32, #tpu.memory_space<vmem>>
      %dma_start3A_801 = tpu.memref_squeeze %dma_start3A_800 : memref<1x128xi32, #tpu.memory_space<vmem>> -> memref<128xi32, #tpu.memory_space<vmem>>
      %dma_start3A_802 = arith.constant 0 : i32
      %dma_start3A_803 = arith.constant 0 : i32
      %dma_start3A_804 = tpu.memref_slice %arg4[%dma_start3A_802, %dma_start3A_803] : memref<2000000x32xf32, #tpu.memory_space<hbm>> -> memref<2000000x32xf32, #tpu.memory_space<hbm>>
      tpu.enqueue_indirect_dma source(%dma_start3A_804 : memref<2000000x32xf32, #tpu.memory_space<hbm>>) target(%dma_start3A_798 : memref<128x32xf32, #tpu.memory_space<vmem>>) offsets(%dma_start3A_801 : memref<128xi32, #tpu.memory_space<vmem>>) semaphore(%arg16 : memref<!tpu.dma_semaphore, #tpu.memory_space<semaphore_mem>>)
      %dma_start3A_805 = arith.constant 6 : i32
      %dma_start3A_806 = arith.constant 768 : i32
      %dma_start3A_807 = arith.constant 0 : i32
      %dma_start3A_808 = tpu.memref_slice %arg11[%dma_start3A_806, %dma_start3A_807] : memref<1280x32xf32, #tpu.memory_space<vmem>> -> memref<128x32xf32, #tpu.memory_space<vmem>>
      %dma_start3A_809 = arith.constant 0 : i32
      %dma_start3A_810 = tpu.memref_slice %arg10[%dma_start3A_805, %dma_start3A_809] : memref<10x128xi32, #tpu.memory_space<vmem>> -> memref<1x128xi32, #tpu.memory_space<vmem>>
      %dma_start3A_811 = tpu.memref_squeeze %dma_start3A_810 : memref<1x128xi32, #tpu.memory_space<vmem>> -> memref<128xi32, #tpu.memory_space<vmem>>
      %dma_start3A_812 = arith.constant 0 : i32
      %dma_start3A_813 = arith.constant 0 : i32
      %dma_start3A_814 = tpu.memref_slice %arg4[%dma_start3A_812, %dma_start3A_813] : memref<2000000x32xf32, #tpu.memory_space<hbm>> -> memref<2000000x32xf32, #tpu.memory_space<hbm>>
      tpu.enqueue_indirect_dma source(%dma_start3A_814 : memref<2000000x32xf32, #tpu.memory_space<hbm>>) target(%dma_start3A_808 : memref<128x32xf32, #tpu.memory_space<vmem>>) offsets(%dma_start3A_811 : memref<128xi32, #tpu.memory_space<vmem>>) semaphore(%arg16 : memref<!tpu.dma_semaphore, #tpu.memory_space<semaphore_mem>>)
      %dma_start3A_815 = arith.constant 7 : i32
      %dma_start3A_816 = arith.constant 896 : i32
      %dma_start3A_817 = arith.constant 0 : i32
      %dma_start3A_818 = tpu.memref_slice %arg11[%dma_start3A_816, %dma_start3A_817] : memref<1280x32xf32, #tpu.memory_space<vmem>> -> memref<128x32xf32, #tpu.memory_space<vmem>>
      %dma_start3A_819 = arith.constant 0 : i32
      %dma_start3A_820 = tpu.memref_slice %arg10[%dma_start3A_815, %dma_start3A_819] : memref<10x128xi32, #tpu.memory_space<vmem>> -> memref<1x128xi32, #tpu.memory_space<vmem>>
      %dma_start3A_821 = tpu.memref_squeeze %dma_start3A_820 : memref<1x128xi32, #tpu.memory_space<vmem>> -> memref<128xi32, #tpu.memory_space<vmem>>
      %dma_start3A_822 = arith.constant 0 : i32
      %dma_start3A_823 = arith.constant 0 : i32
      %dma_start3A_824 = tpu.memref_slice %arg4[%dma_start3A_822, %dma_start3A_823] : memref<2000000x32xf32, #tpu.memory_space<hbm>> -> memref<2000000x32xf32, #tpu.memory_space<hbm>>
      tpu.enqueue_indirect_dma source(%dma_start3A_824 : memref<2000000x32xf32, #tpu.memory_space<hbm>>) target(%dma_start3A_818 : memref<128x32xf32, #tpu.memory_space<vmem>>) offsets(%dma_start3A_821 : memref<128xi32, #tpu.memory_space<vmem>>) semaphore(%arg16 : memref<!tpu.dma_semaphore, #tpu.memory_space<semaphore_mem>>)
      %dma_start3A_825 = arith.constant 8 : i32
      %dma_start3A_826 = arith.constant 1024 : i32
      %dma_start3A_827 = arith.constant 0 : i32
      %dma_start3A_828 = tpu.memref_slice %arg11[%dma_start3A_826, %dma_start3A_827] : memref<1280x32xf32, #tpu.memory_space<vmem>> -> memref<128x32xf32, #tpu.memory_space<vmem>>
      %dma_start3A_829 = arith.constant 0 : i32
      %dma_start3A_830 = tpu.memref_slice %arg10[%dma_start3A_825, %dma_start3A_829] : memref<10x128xi32, #tpu.memory_space<vmem>> -> memref<1x128xi32, #tpu.memory_space<vmem>>
      %dma_start3A_831 = tpu.memref_squeeze %dma_start3A_830 : memref<1x128xi32, #tpu.memory_space<vmem>> -> memref<128xi32, #tpu.memory_space<vmem>>
      %dma_start3A_832 = arith.constant 0 : i32
      %dma_start3A_833 = arith.constant 0 : i32
      %dma_start3A_834 = tpu.memref_slice %arg4[%dma_start3A_832, %dma_start3A_833] : memref<2000000x32xf32, #tpu.memory_space<hbm>> -> memref<2000000x32xf32, #tpu.memory_space<hbm>>
      tpu.enqueue_indirect_dma source(%dma_start3A_834 : memref<2000000x32xf32, #tpu.memory_space<hbm>>) target(%dma_start3A_828 : memref<128x32xf32, #tpu.memory_space<vmem>>) offsets(%dma_start3A_831 : memref<128xi32, #tpu.memory_space<vmem>>) semaphore(%arg16 : memref<!tpu.dma_semaphore, #tpu.memory_space<semaphore_mem>>)
      %dma_start3A_835 = arith.constant 9 : i32
      %dma_start3A_836 = arith.constant 1152 : i32
      %dma_start3A_837 = arith.constant 0 : i32
      %dma_start3A_838 = tpu.memref_slice %arg11[%dma_start3A_836, %dma_start3A_837] : memref<1280x32xf32, #tpu.memory_space<vmem>> -> memref<128x32xf32, #tpu.memory_space<vmem>>
      %dma_start3A_839 = arith.constant 0 : i32
      %dma_start3A_840 = tpu.memref_slice %arg10[%dma_start3A_835, %dma_start3A_839] : memref<10x128xi32, #tpu.memory_space<vmem>> -> memref<1x128xi32, #tpu.memory_space<vmem>>
      %dma_start3A_841 = tpu.memref_squeeze %dma_start3A_840 : memref<1x128xi32, #tpu.memory_space<vmem>> -> memref<128xi32, #tpu.memory_space<vmem>>
      %dma_start3A_842 = arith.constant 0 : i32
      %dma_start3A_843 = arith.constant 0 : i32
      %dma_start3A_844 = tpu.memref_slice %arg4[%dma_start3A_842, %dma_start3A_843] : memref<2000000x32xf32, #tpu.memory_space<hbm>> -> memref<2000000x32xf32, #tpu.memory_space<hbm>>
      tpu.enqueue_indirect_dma source(%dma_start3A_844 : memref<2000000x32xf32, #tpu.memory_space<hbm>>) target(%dma_start3A_838 : memref<128x32xf32, #tpu.memory_space<vmem>>) offsets(%dma_start3A_841 : memref<128xi32, #tpu.memory_space<vmem>>) semaphore(%arg16 : memref<!tpu.dma_semaphore, #tpu.memory_space<semaphore_mem>>)
      %dma_wait3A = arith.constant 0 : i32
      %dma_wait3A_845 = arith.constant 0 : i32
      %dma_wait3A_846 = arith.constant 0 : i32
      %dma_wait3A_847 = tpu.memref_slice %arg11[%dma_wait3A_845, %dma_wait3A_846] : memref<1280x32xf32, #tpu.memory_space<vmem>> -> memref<128x32xf32, #tpu.memory_space<vmem>>
      %dma_wait3A_848 = arith.constant 0 : i32
      %dma_wait3A_849 = tpu.memref_slice %arg10[%dma_wait3A, %dma_wait3A_848] : memref<10x128xi32, #tpu.memory_space<vmem>> -> memref<1x128xi32, #tpu.memory_space<vmem>>
      %dma_wait3A_850 = tpu.memref_squeeze %dma_wait3A_849 : memref<1x128xi32, #tpu.memory_space<vmem>> -> memref<128xi32, #tpu.memory_space<vmem>>
      %dma_wait3A_851 = arith.constant 0 : i32
      %dma_wait3A_852 = arith.constant 0 : i32
      %dma_wait3A_853 = tpu.memref_slice %arg4[%dma_wait3A_851, %dma_wait3A_852] : memref<2000000x32xf32, #tpu.memory_space<hbm>> -> memref<2000000x32xf32, #tpu.memory_space<hbm>>
      tpu.wait_indirect_dma semaphore(%arg16 : memref<!tpu.dma_semaphore, #tpu.memory_space<semaphore_mem>>) src(%dma_wait3A_853 : memref<2000000x32xf32, #tpu.memory_space<hbm>>) dst(%dma_wait3A_847 : memref<128x32xf32, #tpu.memory_space<vmem>>)
      %dma_wait3A_854 = arith.constant 1 : i32
      %dma_wait3A_855 = arith.constant 128 : i32
      %dma_wait3A_856 = arith.constant 0 : i32
      %dma_wait3A_857 = tpu.memref_slice %arg11[%dma_wait3A_855, %dma_wait3A_856] : memref<1280x32xf32, #tpu.memory_space<vmem>> -> memref<128x32xf32, #tpu.memory_space<vmem>>
      %dma_wait3A_858 = arith.constant 0 : i32
      %dma_wait3A_859 = tpu.memref_slice %arg10[%dma_wait3A_854, %dma_wait3A_858] : memref<10x128xi32, #tpu.memory_space<vmem>> -> memref<1x128xi32, #tpu.memory_space<vmem>>
      %dma_wait3A_860 = tpu.memref_squeeze %dma_wait3A_859 : memref<1x128xi32, #tpu.memory_space<vmem>> -> memref<128xi32, #tpu.memory_space<vmem>>
      %dma_wait3A_861 = arith.constant 0 : i32
      %dma_wait3A_862 = arith.constant 0 : i32
      %dma_wait3A_863 = tpu.memref_slice %arg4[%dma_wait3A_861, %dma_wait3A_862] : memref<2000000x32xf32, #tpu.memory_space<hbm>> -> memref<2000000x32xf32, #tpu.memory_space<hbm>>
      tpu.wait_indirect_dma semaphore(%arg16 : memref<!tpu.dma_semaphore, #tpu.memory_space<semaphore_mem>>) src(%dma_wait3A_863 : memref<2000000x32xf32, #tpu.memory_space<hbm>>) dst(%dma_wait3A_857 : memref<128x32xf32, #tpu.memory_space<vmem>>)
      %dma_wait3A_864 = arith.constant 2 : i32
      %dma_wait3A_865 = arith.constant 256 : i32
      %dma_wait3A_866 = arith.constant 0 : i32
      %dma_wait3A_867 = tpu.memref_slice %arg11[%dma_wait3A_865, %dma_wait3A_866] : memref<1280x32xf32, #tpu.memory_space<vmem>> -> memref<128x32xf32, #tpu.memory_space<vmem>>
      %dma_wait3A_868 = arith.constant 0 : i32
      %dma_wait3A_869 = tpu.memref_slice %arg10[%dma_wait3A_864, %dma_wait3A_868] : memref<10x128xi32, #tpu.memory_space<vmem>> -> memref<1x128xi32, #tpu.memory_space<vmem>>
      %dma_wait3A_870 = tpu.memref_squeeze %dma_wait3A_869 : memref<1x128xi32, #tpu.memory_space<vmem>> -> memref<128xi32, #tpu.memory_space<vmem>>
      %dma_wait3A_871 = arith.constant 0 : i32
      %dma_wait3A_872 = arith.constant 0 : i32
      %dma_wait3A_873 = tpu.memref_slice %arg4[%dma_wait3A_871, %dma_wait3A_872] : memref<2000000x32xf32, #tpu.memory_space<hbm>> -> memref<2000000x32xf32, #tpu.memory_space<hbm>>
      tpu.wait_indirect_dma semaphore(%arg16 : memref<!tpu.dma_semaphore, #tpu.memory_space<semaphore_mem>>) src(%dma_wait3A_873 : memref<2000000x32xf32, #tpu.memory_space<hbm>>) dst(%dma_wait3A_867 : memref<128x32xf32, #tpu.memory_space<vmem>>)
      %dma_wait3A_874 = arith.constant 3 : i32
      %dma_wait3A_875 = arith.constant 384 : i32
      %dma_wait3A_876 = arith.constant 0 : i32
      %dma_wait3A_877 = tpu.memref_slice %arg11[%dma_wait3A_875, %dma_wait3A_876] : memref<1280x32xf32, #tpu.memory_space<vmem>> -> memref<128x32xf32, #tpu.memory_space<vmem>>
      %dma_wait3A_878 = arith.constant 0 : i32
      %dma_wait3A_879 = tpu.memref_slice %arg10[%dma_wait3A_874, %dma_wait3A_878] : memref<10x128xi32, #tpu.memory_space<vmem>> -> memref<1x128xi32, #tpu.memory_space<vmem>>
      %dma_wait3A_880 = tpu.memref_squeeze %dma_wait3A_879 : memref<1x128xi32, #tpu.memory_space<vmem>> -> memref<128xi32, #tpu.memory_space<vmem>>
      %dma_wait3A_881 = arith.constant 0 : i32
      %dma_wait3A_882 = arith.constant 0 : i32
      %dma_wait3A_883 = tpu.memref_slice %arg4[%dma_wait3A_881, %dma_wait3A_882] : memref<2000000x32xf32, #tpu.memory_space<hbm>> -> memref<2000000x32xf32, #tpu.memory_space<hbm>>
      tpu.wait_indirect_dma semaphore(%arg16 : memref<!tpu.dma_semaphore, #tpu.memory_space<semaphore_mem>>) src(%dma_wait3A_883 : memref<2000000x32xf32, #tpu.memory_space<hbm>>) dst(%dma_wait3A_877 : memref<128x32xf32, #tpu.memory_space<vmem>>)
      %dma_wait3A_884 = arith.constant 4 : i32
      %dma_wait3A_885 = arith.constant 512 : i32
      %dma_wait3A_886 = arith.constant 0 : i32
      %dma_wait3A_887 = tpu.memref_slice %arg11[%dma_wait3A_885, %dma_wait3A_886] : memref<1280x32xf32, #tpu.memory_space<vmem>> -> memref<128x32xf32, #tpu.memory_space<vmem>>
      %dma_wait3A_888 = arith.constant 0 : i32
      %dma_wait3A_889 = tpu.memref_slice %arg10[%dma_wait3A_884, %dma_wait3A_888] : memref<10x128xi32, #tpu.memory_space<vmem>> -> memref<1x128xi32, #tpu.memory_space<vmem>>
      %dma_wait3A_890 = tpu.memref_squeeze %dma_wait3A_889 : memref<1x128xi32, #tpu.memory_space<vmem>> -> memref<128xi32, #tpu.memory_space<vmem>>
      %dma_wait3A_891 = arith.constant 0 : i32
      %dma_wait3A_892 = arith.constant 0 : i32
      %dma_wait3A_893 = tpu.memref_slice %arg4[%dma_wait3A_891, %dma_wait3A_892] : memref<2000000x32xf32, #tpu.memory_space<hbm>> -> memref<2000000x32xf32, #tpu.memory_space<hbm>>
      tpu.wait_indirect_dma semaphore(%arg16 : memref<!tpu.dma_semaphore, #tpu.memory_space<semaphore_mem>>) src(%dma_wait3A_893 : memref<2000000x32xf32, #tpu.memory_space<hbm>>) dst(%dma_wait3A_887 : memref<128x32xf32, #tpu.memory_space<vmem>>)
      %dma_wait3A_894 = arith.constant 5 : i32
      %dma_wait3A_895 = arith.constant 640 : i32
      %dma_wait3A_896 = arith.constant 0 : i32
      %dma_wait3A_897 = tpu.memref_slice %arg11[%dma_wait3A_895, %dma_wait3A_896] : memref<1280x32xf32, #tpu.memory_space<vmem>> -> memref<128x32xf32, #tpu.memory_space<vmem>>
      %dma_wait3A_898 = arith.constant 0 : i32
      %dma_wait3A_899 = tpu.memref_slice %arg10[%dma_wait3A_894, %dma_wait3A_898] : memref<10x128xi32, #tpu.memory_space<vmem>> -> memref<1x128xi32, #tpu.memory_space<vmem>>
      %dma_wait3A_900 = tpu.memref_squeeze %dma_wait3A_899 : memref<1x128xi32, #tpu.memory_space<vmem>> -> memref<128xi32, #tpu.memory_space<vmem>>
      %dma_wait3A_901 = arith.constant 0 : i32
      %dma_wait3A_902 = arith.constant 0 : i32
      %dma_wait3A_903 = tpu.memref_slice %arg4[%dma_wait3A_901, %dma_wait3A_902] : memref<2000000x32xf32, #tpu.memory_space<hbm>> -> memref<2000000x32xf32, #tpu.memory_space<hbm>>
      tpu.wait_indirect_dma semaphore(%arg16 : memref<!tpu.dma_semaphore, #tpu.memory_space<semaphore_mem>>) src(%dma_wait3A_903 : memref<2000000x32xf32, #tpu.memory_space<hbm>>) dst(%dma_wait3A_897 : memref<128x32xf32, #tpu.memory_space<vmem>>)
      %dma_wait3A_904 = arith.constant 6 : i32
      %dma_wait3A_905 = arith.constant 768 : i32
      %dma_wait3A_906 = arith.constant 0 : i32
      %dma_wait3A_907 = tpu.memref_slice %arg11[%dma_wait3A_905, %dma_wait3A_906] : memref<1280x32xf32, #tpu.memory_space<vmem>> -> memref<128x32xf32, #tpu.memory_space<vmem>>
      %dma_wait3A_908 = arith.constant 0 : i32
      %dma_wait3A_909 = tpu.memref_slice %arg10[%dma_wait3A_904, %dma_wait3A_908] : memref<10x128xi32, #tpu.memory_space<vmem>> -> memref<1x128xi32, #tpu.memory_space<vmem>>
      %dma_wait3A_910 = tpu.memref_squeeze %dma_wait3A_909 : memref<1x128xi32, #tpu.memory_space<vmem>> -> memref<128xi32, #tpu.memory_space<vmem>>
      %dma_wait3A_911 = arith.constant 0 : i32
      %dma_wait3A_912 = arith.constant 0 : i32
      %dma_wait3A_913 = tpu.memref_slice %arg4[%dma_wait3A_911, %dma_wait3A_912] : memref<2000000x32xf32, #tpu.memory_space<hbm>> -> memref<2000000x32xf32, #tpu.memory_space<hbm>>
      tpu.wait_indirect_dma semaphore(%arg16 : memref<!tpu.dma_semaphore, #tpu.memory_space<semaphore_mem>>) src(%dma_wait3A_913 : memref<2000000x32xf32, #tpu.memory_space<hbm>>) dst(%dma_wait3A_907 : memref<128x32xf32, #tpu.memory_space<vmem>>)
      %dma_wait3A_914 = arith.constant 7 : i32
      %dma_wait3A_915 = arith.constant 896 : i32
      %dma_wait3A_916 = arith.constant 0 : i32
      %dma_wait3A_917 = tpu.memref_slice %arg11[%dma_wait3A_915, %dma_wait3A_916] : memref<1280x32xf32, #tpu.memory_space<vmem>> -> memref<128x32xf32, #tpu.memory_space<vmem>>
      %dma_wait3A_918 = arith.constant 0 : i32
      %dma_wait3A_919 = tpu.memref_slice %arg10[%dma_wait3A_914, %dma_wait3A_918] : memref<10x128xi32, #tpu.memory_space<vmem>> -> memref<1x128xi32, #tpu.memory_space<vmem>>
      %dma_wait3A_920 = tpu.memref_squeeze %dma_wait3A_919 : memref<1x128xi32, #tpu.memory_space<vmem>> -> memref<128xi32, #tpu.memory_space<vmem>>
      %dma_wait3A_921 = arith.constant 0 : i32
      %dma_wait3A_922 = arith.constant 0 : i32
      %dma_wait3A_923 = tpu.memref_slice %arg4[%dma_wait3A_921, %dma_wait3A_922] : memref<2000000x32xf32, #tpu.memory_space<hbm>> -> memref<2000000x32xf32, #tpu.memory_space<hbm>>
      tpu.wait_indirect_dma semaphore(%arg16 : memref<!tpu.dma_semaphore, #tpu.memory_space<semaphore_mem>>) src(%dma_wait3A_923 : memref<2000000x32xf32, #tpu.memory_space<hbm>>) dst(%dma_wait3A_917 : memref<128x32xf32, #tpu.memory_space<vmem>>)
      %dma_wait3A_924 = arith.constant 8 : i32
      %dma_wait3A_925 = arith.constant 1024 : i32
      %dma_wait3A_926 = arith.constant 0 : i32
      %dma_wait3A_927 = tpu.memref_slice %arg11[%dma_wait3A_925, %dma_wait3A_926] : memref<1280x32xf32, #tpu.memory_space<vmem>> -> memref<128x32xf32, #tpu.memory_space<vmem>>
      %dma_wait3A_928 = arith.constant 0 : i32
      %dma_wait3A_929 = tpu.memref_slice %arg10[%dma_wait3A_924, %dma_wait3A_928] : memref<10x128xi32, #tpu.memory_space<vmem>> -> memref<1x128xi32, #tpu.memory_space<vmem>>
      %dma_wait3A_930 = tpu.memref_squeeze %dma_wait3A_929 : memref<1x128xi32, #tpu.memory_space<vmem>> -> memref<128xi32, #tpu.memory_space<vmem>>
      %dma_wait3A_931 = arith.constant 0 : i32
      %dma_wait3A_932 = arith.constant 0 : i32
      %dma_wait3A_933 = tpu.memref_slice %arg4[%dma_wait3A_931, %dma_wait3A_932] : memref<2000000x32xf32, #tpu.memory_space<hbm>> -> memref<2000000x32xf32, #tpu.memory_space<hbm>>
      tpu.wait_indirect_dma semaphore(%arg16 : memref<!tpu.dma_semaphore, #tpu.memory_space<semaphore_mem>>) src(%dma_wait3A_933 : memref<2000000x32xf32, #tpu.memory_space<hbm>>) dst(%dma_wait3A_927 : memref<128x32xf32, #tpu.memory_space<vmem>>)
      %dma_wait3A_934 = arith.constant 9 : i32
      %dma_wait3A_935 = arith.constant 1152 : i32
      %dma_wait3A_936 = arith.constant 0 : i32
      %dma_wait3A_937 = tpu.memref_slice %arg11[%dma_wait3A_935, %dma_wait3A_936] : memref<1280x32xf32, #tpu.memory_space<vmem>> -> memref<128x32xf32, #tpu.memory_space<vmem>>
      %dma_wait3A_938 = arith.constant 0 : i32
      %dma_wait3A_939 = tpu.memref_slice %arg10[%dma_wait3A_934, %dma_wait3A_938] : memref<10x128xi32, #tpu.memory_space<vmem>> -> memref<1x128xi32, #tpu.memory_space<vmem>>
      %dma_wait3A_940 = tpu.memref_squeeze %dma_wait3A_939 : memref<1x128xi32, #tpu.memory_space<vmem>> -> memref<128xi32, #tpu.memory_space<vmem>>
      %dma_wait3A_941 = arith.constant 0 : i32
      %dma_wait3A_942 = arith.constant 0 : i32
      %dma_wait3A_943 = tpu.memref_slice %arg4[%dma_wait3A_941, %dma_wait3A_942] : memref<2000000x32xf32, #tpu.memory_space<hbm>> -> memref<2000000x32xf32, #tpu.memory_space<hbm>>
      tpu.wait_indirect_dma semaphore(%arg16 : memref<!tpu.dma_semaphore, #tpu.memory_space<semaphore_mem>>) src(%dma_wait3A_943 : memref<2000000x32xf32, #tpu.memory_space<hbm>>) dst(%dma_wait3A_937 : memref<128x32xf32, #tpu.memory_space<vmem>>)
      %scan3A_944 = arith.constant 0 : i32
      %scan3A_945 = arith.constant 4 : i32
      %scan3A_946 = arith.addi %scan3A_944, %scan3A_945 : i32
      %scan3A_947 = arith.constant 1 : i32
      scf.for %scan3A_949 = %scan3A_944 to %scan3A_946 step %scan3A_947  : i32 {
        %mul3A_950 = arith.constant 1 : i32
        %mul3A_951 = arith.muli %scan3A_949, %mul3A_950 : i32
        %add3A_952 = arith.constant 0 : i32
        %add3A_953 = arith.addi %add3A_952, %mul3A_951 : i32
        %mul3A_954 = arith.constant 16 : i32
        %mul3A_955 = arith.muli %add3A_953, %mul3A_954 : i32
        %add3A_956 = arith.constant 0 : i32
        %add3A_957 = arith.addi %mul3A_955, %add3A_956 : i32
        %mul3A_958 = arith.constant 20 : i32
        %mul3A_959 = arith.muli %add3A_957, %mul3A_958 : i32
        %get3A_960 = arith.index_cast %mul3A_959 : i32 to index
        %get3A_961 = arith.constant 0 : index
        %get3A_962 = tpu.vector_load %arg11[%get3A_960, %get3A_961] {strides = array<i32>} : memref<1280x32xf32, #tpu.memory_space<vmem>>, vector<16xf32>,
        %get3A_963 = arith.index_cast %mul3A_959 : i32 to index
        %get3A_964 = arith.constant 16 : index
        %get3A_965 = tpu.vector_load %arg11[%get3A_963, %get3A_964] {strides = array<i32>} : memref<1280x32xf32, #tpu.memory_space<vmem>>, vector<16xf32>,
        %add3A_966 = arith.constant 1 : i32
        %add3A_967 = arith.addi %mul3A_959, %add3A_966 : i32
        %get3A_968 = arith.index_cast %add3A_967 : i32 to index
        %get3A_969 = arith.constant 0 : index
        %get3A_970 = tpu.vector_load %arg11[%get3A_968, %get3A_969] {strides = array<i32>} : memref<1280x32xf32, #tpu.memory_space<vmem>>, vector<16xf32>,
        %mul3A_971 = arith.mulf %get3A_962, %get3A_970 : vector<16xf32>
        %add3A_972 = arith.constant 1 : i32
        %add3A_973 = arith.addi %mul3A_959, %add3A_972 : i32
        %get3A_974 = arith.index_cast %add3A_973 : i32 to index
        %get3A_975 = arith.constant 16 : index
        %get3A_976 = tpu.vector_load %arg11[%get3A_974, %get3A_975] {strides = array<i32>} : memref<1280x32xf32, #tpu.memory_space<vmem>>, vector<16xf32>,
        %mul3A_977 = arith.mulf %get3A_965, %get3A_976 : vector<16xf32>
        %add3A_978 = arith.constant 2 : i32
        %add3A_979 = arith.addi %mul3A_959, %add3A_978 : i32
        %get3A_980 = arith.index_cast %add3A_979 : i32 to index
        %get3A_981 = arith.constant 0 : index
        %get3A_982 = tpu.vector_load %arg11[%get3A_980, %get3A_981] {strides = array<i32>} : memref<1280x32xf32, #tpu.memory_space<vmem>>, vector<16xf32>,
        %mul3A_983 = arith.mulf %mul3A_971, %get3A_982 : vector<16xf32>
        %add3A_984 = arith.constant 2 : i32
        %add3A_985 = arith.addi %mul3A_959, %add3A_984 : i32
        %get3A_986 = arith.index_cast %add3A_985 : i32 to index
        %get3A_987 = arith.constant 16 : index
        %get3A_988 = tpu.vector_load %arg11[%get3A_986, %get3A_987] {strides = array<i32>} : memref<1280x32xf32, #tpu.memory_space<vmem>>, vector<16xf32>,
        %mul3A_989 = arith.mulf %mul3A_977, %get3A_988 : vector<16xf32>
        %add3A_990 = arith.constant 3 : i32
        %add3A_991 = arith.addi %mul3A_959, %add3A_990 : i32
        %get3A_992 = arith.index_cast %add3A_991 : i32 to index
        %get3A_993 = arith.constant 0 : index
        %get3A_994 = tpu.vector_load %arg11[%get3A_992, %get3A_993] {strides = array<i32>} : memref<1280x32xf32, #tpu.memory_space<vmem>>, vector<16xf32>,
        %mul3A_995 = arith.mulf %mul3A_983, %get3A_994 : vector<16xf32>
        %add3A_996 = arith.constant 3 : i32
        %add3A_997 = arith.addi %mul3A_959, %add3A_996 : i32
        %get3A_998 = arith.index_cast %add3A_997 : i32 to index
        %get3A_999 = arith.constant 16 : index
        %get3A_1000 = tpu.vector_load %arg11[%get3A_998, %get3A_999] {strides = array<i32>} : memref<1280x32xf32, #tpu.memory_space<vmem>>, vector<16xf32>,
        %mul3A_1001 = arith.mulf %mul3A_989, %get3A_1000 : vector<16xf32>
        %add3A_1002 = arith.constant 4 : i32
        %add3A_1003 = arith.addi %mul3A_959, %add3A_1002 : i32
        %get3A_1004 = arith.index_cast %add3A_1003 : i32 to index
        %get3A_1005 = arith.constant 0 : index
        %get3A_1006 = tpu.vector_load %arg11[%get3A_1004, %get3A_1005] {strides = array<i32>} : memref<1280x32xf32, #tpu.memory_space<vmem>>, vector<16xf32>,
        %mul3A_1007 = arith.mulf %mul3A_995, %get3A_1006 : vector<16xf32>
        %add3A_1008 = arith.constant 4 : i32
        %add3A_1009 = arith.addi %mul3A_959, %add3A_1008 : i32
        %get3A_1010 = arith.index_cast %add3A_1009 : i32 to index
        %get3A_1011 = arith.constant 16 : index
        %get3A_1012 = tpu.vector_load %arg11[%get3A_1010, %get3A_1011] {strides = array<i32>} : memref<1280x32xf32, #tpu.memory_space<vmem>>, vector<16xf32>,
        %mul3A_1013 = arith.mulf %mul3A_1001, %get3A_1012 : vector<16xf32>
        %add3A_1014 = arith.constant 5 : i32
        %add3A_1015 = arith.addi %mul3A_959, %add3A_1014 : i32
        %get3A_1016 = arith.index_cast %add3A_1015 : i32 to index
        %get3A_1017 = arith.constant 0 : index
        %get3A_1018 = tpu.vector_load %arg11[%get3A_1016, %get3A_1017] {strides = array<i32>} : memref<1280x32xf32, #tpu.memory_space<vmem>>, vector<16xf32>,
        %mul3A_1019 = arith.mulf %mul3A_1007, %get3A_1018 : vector<16xf32>
        %add3A_1020 = arith.constant 5 : i32
        %add3A_1021 = arith.addi %mul3A_959, %add3A_1020 : i32
        %get3A_1022 = arith.index_cast %add3A_1021 : i32 to index
        %get3A_1023 = arith.constant 16 : index
        %get3A_1024 = tpu.vector_load %arg11[%get3A_1022, %get3A_1023] {strides = array<i32>} : memref<1280x32xf32, #tpu.memory_space<vmem>>, vector<16xf32>,
        %mul3A_1025 = arith.mulf %mul3A_1013, %get3A_1024 : vector<16xf32>
        %add3A_1026 = arith.constant 6 : i32
        %add3A_1027 = arith.addi %mul3A_959, %add3A_1026 : i32
        %get3A_1028 = arith.index_cast %add3A_1027 : i32 to index
        %get3A_1029 = arith.constant 0 : index
        %get3A_1030 = tpu.vector_load %arg11[%get3A_1028, %get3A_1029] {strides = array<i32>} : memref<1280x32xf32, #tpu.memory_space<vmem>>, vector<16xf32>,
        %mul3A_1031 = arith.mulf %mul3A_1019, %get3A_1030 : vector<16xf32>
        %add3A_1032 = arith.constant 6 : i32
        %add3A_1033 = arith.addi %mul3A_959, %add3A_1032 : i32
        %get3A_1034 = arith.index_cast %add3A_1033 : i32 to index
        %get3A_1035 = arith.constant 16 : index
        %get3A_1036 = tpu.vector_load %arg11[%get3A_1034, %get3A_1035] {strides = array<i32>} : memref<1280x32xf32, #tpu.memory_space<vmem>>, vector<16xf32>,
        %mul3A_1037 = arith.mulf %mul3A_1025, %get3A_1036 : vector<16xf32>
        %add3A_1038 = arith.constant 7 : i32
        %add3A_1039 = arith.addi %mul3A_959, %add3A_1038 : i32
        %get3A_1040 = arith.index_cast %add3A_1039 : i32 to index
        %get3A_1041 = arith.constant 0 : index
        %get3A_1042 = tpu.vector_load %arg11[%get3A_1040, %get3A_1041] {strides = array<i32>} : memref<1280x32xf32, #tpu.memory_space<vmem>>, vector<16xf32>,
        %mul3A_1043 = arith.mulf %mul3A_1031, %get3A_1042 : vector<16xf32>
        %add3A_1044 = arith.constant 7 : i32
        %add3A_1045 = arith.addi %mul3A_959, %add3A_1044 : i32
        %get3A_1046 = arith.index_cast %add3A_1045 : i32 to index
        %get3A_1047 = arith.constant 16 : index
        %get3A_1048 = tpu.vector_load %arg11[%get3A_1046, %get3A_1047] {strides = array<i32>} : memref<1280x32xf32, #tpu.memory_space<vmem>>, vector<16xf32>,
        %mul3A_1049 = arith.mulf %mul3A_1037, %get3A_1048 : vector<16xf32>
        %add3A_1050 = arith.constant 8 : i32
        %add3A_1051 = arith.addi %mul3A_959, %add3A_1050 : i32
        %get3A_1052 = arith.index_cast %add3A_1051 : i32 to index
        %get3A_1053 = arith.constant 0 : index
        %get3A_1054 = tpu.vector_load %arg11[%get3A_1052, %get3A_1053] {strides = array<i32>} : memref<1280x32xf32, #tpu.memory_space<vmem>>, vector<16xf32>,
        %mul3A_1055 = arith.mulf %mul3A_1043, %get3A_1054 : vector<16xf32>
        %add3A_1056 = arith.constant 8 : i32
        %add3A_1057 = arith.addi %mul3A_959, %add3A_1056 : i32
        %get3A_1058 = arith.index_cast %add3A_1057 : i32 to index
        %get3A_1059 = arith.constant 16 : index
        %get3A_1060 = tpu.vector_load %arg11[%get3A_1058, %get3A_1059] {strides = array<i32>} : memref<1280x32xf32, #tpu.memory_space<vmem>>, vector<16xf32>,
        %mul3A_1061 = arith.mulf %mul3A_1049, %get3A_1060 : vector<16xf32>
        %add3A_1062 = arith.constant 9 : i32
        %add3A_1063 = arith.addi %mul3A_959, %add3A_1062 : i32
        %get3A_1064 = arith.index_cast %add3A_1063 : i32 to index
        %get3A_1065 = arith.constant 0 : index
        %get3A_1066 = tpu.vector_load %arg11[%get3A_1064, %get3A_1065] {strides = array<i32>} : memref<1280x32xf32, #tpu.memory_space<vmem>>, vector<16xf32>,
        %mul3A_1067 = arith.mulf %mul3A_1055, %get3A_1066 : vector<16xf32>
        %add3A_1068 = arith.constant 9 : i32
        %add3A_1069 = arith.addi %mul3A_959, %add3A_1068 : i32
        %get3A_1070 = arith.index_cast %add3A_1069 : i32 to index
        %get3A_1071 = arith.constant 16 : index
        %get3A_1072 = tpu.vector_load %arg11[%get3A_1070, %get3A_1071] {strides = array<i32>} : memref<1280x32xf32, #tpu.memory_space<vmem>>, vector<16xf32>,
        %mul3A_1073 = arith.mulf %mul3A_1061, %get3A_1072 : vector<16xf32>
        %add3A_1074 = arith.constant 10 : i32
        %add3A_1075 = arith.addi %mul3A_959, %add3A_1074 : i32
        %get3A_1076 = arith.index_cast %add3A_1075 : i32 to index
        %get3A_1077 = arith.constant 0 : index
        %get3A_1078 = tpu.vector_load %arg11[%get3A_1076, %get3A_1077] {strides = array<i32>} : memref<1280x32xf32, #tpu.memory_space<vmem>>, vector<16xf32>,
        %mul3A_1079 = arith.mulf %mul3A_1067, %get3A_1078 : vector<16xf32>
        %add3A_1080 = arith.constant 10 : i32
        %add3A_1081 = arith.addi %mul3A_959, %add3A_1080 : i32
        %get3A_1082 = arith.index_cast %add3A_1081 : i32 to index
        %get3A_1083 = arith.constant 16 : index
        %get3A_1084 = tpu.vector_load %arg11[%get3A_1082, %get3A_1083] {strides = array<i32>} : memref<1280x32xf32, #tpu.memory_space<vmem>>, vector<16xf32>,
        %mul3A_1085 = arith.mulf %mul3A_1073, %get3A_1084 : vector<16xf32>
        %add3A_1086 = arith.constant 11 : i32
        %add3A_1087 = arith.addi %mul3A_959, %add3A_1086 : i32
        %get3A_1088 = arith.index_cast %add3A_1087 : i32 to index
        %get3A_1089 = arith.constant 0 : index
        %get3A_1090 = tpu.vector_load %arg11[%get3A_1088, %get3A_1089] {strides = array<i32>} : memref<1280x32xf32, #tpu.memory_space<vmem>>, vector<16xf32>,
        %mul3A_1091 = arith.mulf %mul3A_1079, %get3A_1090 : vector<16xf32>
        %add3A_1092 = arith.constant 11 : i32
        %add3A_1093 = arith.addi %mul3A_959, %add3A_1092 : i32
        %get3A_1094 = arith.index_cast %add3A_1093 : i32 to index
        %get3A_1095 = arith.constant 16 : index
        %get3A_1096 = tpu.vector_load %arg11[%get3A_1094, %get3A_1095] {strides = array<i32>} : memref<1280x32xf32, #tpu.memory_space<vmem>>, vector<16xf32>,
        %mul3A_1097 = arith.mulf %mul3A_1085, %get3A_1096 : vector<16xf32>
        %add3A_1098 = arith.constant 12 : i32
        %add3A_1099 = arith.addi %mul3A_959, %add3A_1098 : i32
        %get3A_1100 = arith.index_cast %add3A_1099 : i32 to index
        %get3A_1101 = arith.constant 0 : index
        %get3A_1102 = tpu.vector_load %arg11[%get3A_1100, %get3A_1101] {strides = array<i32>} : memref<1280x32xf32, #tpu.memory_space<vmem>>, vector<16xf32>,
        %mul3A_1103 = arith.mulf %mul3A_1091, %get3A_1102 : vector<16xf32>
        %add3A_1104 = arith.constant 12 : i32
        %add3A_1105 = arith.addi %mul3A_959, %add3A_1104 : i32
        %get3A_1106 = arith.index_cast %add3A_1105 : i32 to index
        %get3A_1107 = arith.constant 16 : index
        %get3A_1108 = tpu.vector_load %arg11[%get3A_1106, %get3A_1107] {strides = array<i32>} : memref<1280x32xf32, #tpu.memory_space<vmem>>, vector<16xf32>,
        %mul3A_1109 = arith.mulf %mul3A_1097, %get3A_1108 : vector<16xf32>
        %add3A_1110 = arith.constant 13 : i32
        %add3A_1111 = arith.addi %mul3A_959, %add3A_1110 : i32
        %get3A_1112 = arith.index_cast %add3A_1111 : i32 to index
        %get3A_1113 = arith.constant 0 : index
        %get3A_1114 = tpu.vector_load %arg11[%get3A_1112, %get3A_1113] {strides = array<i32>} : memref<1280x32xf32, #tpu.memory_space<vmem>>, vector<16xf32>,
        %mul3A_1115 = arith.mulf %mul3A_1103, %get3A_1114 : vector<16xf32>
        %add3A_1116 = arith.constant 13 : i32
        %add3A_1117 = arith.addi %mul3A_959, %add3A_1116 : i32
        %get3A_1118 = arith.index_cast %add3A_1117 : i32 to index
        %get3A_1119 = arith.constant 16 : index
        %get3A_1120 = tpu.vector_load %arg11[%get3A_1118, %get3A_1119] {strides = array<i32>} : memref<1280x32xf32, #tpu.memory_space<vmem>>, vector<16xf32>,
        %mul3A_1121 = arith.mulf %mul3A_1109, %get3A_1120 : vector<16xf32>
        %add3A_1122 = arith.constant 14 : i32
        %add3A_1123 = arith.addi %mul3A_959, %add3A_1122 : i32
        %get3A_1124 = arith.index_cast %add3A_1123 : i32 to index
        %get3A_1125 = arith.constant 0 : index
        %get3A_1126 = tpu.vector_load %arg11[%get3A_1124, %get3A_1125] {strides = array<i32>} : memref<1280x32xf32, #tpu.memory_space<vmem>>, vector<16xf32>,
        %mul3A_1127 = arith.mulf %mul3A_1115, %get3A_1126 : vector<16xf32>
        %add3A_1128 = arith.constant 14 : i32
        %add3A_1129 = arith.addi %mul3A_959, %add3A_1128 : i32
        %get3A_1130 = arith.index_cast %add3A_1129 : i32 to index
        %get3A_1131 = arith.constant 16 : index
        %get3A_1132 = tpu.vector_load %arg11[%get3A_1130, %get3A_1131] {strides = array<i32>} : memref<1280x32xf32, #tpu.memory_space<vmem>>, vector<16xf32>,
        %mul3A_1133 = arith.mulf %mul3A_1121, %get3A_1132 : vector<16xf32>
        %add3A_1134 = arith.constant 15 : i32
        %add3A_1135 = arith.addi %mul3A_959, %add3A_1134 : i32
        %get3A_1136 = arith.index_cast %add3A_1135 : i32 to index
        %get3A_1137 = arith.constant 0 : index
        %get3A_1138 = tpu.vector_load %arg11[%get3A_1136, %get3A_1137] {strides = array<i32>} : memref<1280x32xf32, #tpu.memory_space<vmem>>, vector<16xf32>,
        %mul3A_1139 = arith.mulf %mul3A_1127, %get3A_1138 : vector<16xf32>
        %add3A_1140 = arith.constant 15 : i32
        %add3A_1141 = arith.addi %mul3A_959, %add3A_1140 : i32
        %get3A_1142 = arith.index_cast %add3A_1141 : i32 to index
        %get3A_1143 = arith.constant 16 : index
        %get3A_1144 = tpu.vector_load %arg11[%get3A_1142, %get3A_1143] {strides = array<i32>} : memref<1280x32xf32, #tpu.memory_space<vmem>>, vector<16xf32>,
        %mul3A_1145 = arith.mulf %mul3A_1133, %get3A_1144 : vector<16xf32>
        %add3A_1146 = arith.constant 16 : i32
        %add3A_1147 = arith.addi %mul3A_959, %add3A_1146 : i32
        %get3A_1148 = arith.index_cast %add3A_1147 : i32 to index
        %get3A_1149 = arith.constant 0 : index
        %get3A_1150 = tpu.vector_load %arg11[%get3A_1148, %get3A_1149] {strides = array<i32>} : memref<1280x32xf32, #tpu.memory_space<vmem>>, vector<16xf32>,
        %mul3A_1151 = arith.mulf %mul3A_1139, %get3A_1150 : vector<16xf32>
        %add3A_1152 = arith.constant 16 : i32
        %add3A_1153 = arith.addi %mul3A_959, %add3A_1152 : i32
        %get3A_1154 = arith.index_cast %add3A_1153 : i32 to index
        %get3A_1155 = arith.constant 16 : index
        %get3A_1156 = tpu.vector_load %arg11[%get3A_1154, %get3A_1155] {strides = array<i32>} : memref<1280x32xf32, #tpu.memory_space<vmem>>, vector<16xf32>,
        %mul3A_1157 = arith.mulf %mul3A_1145, %get3A_1156 : vector<16xf32>
        %add3A_1158 = arith.constant 17 : i32
        %add3A_1159 = arith.addi %mul3A_959, %add3A_1158 : i32
        %get3A_1160 = arith.index_cast %add3A_1159 : i32 to index
        %get3A_1161 = arith.constant 0 : index
        %get3A_1162 = tpu.vector_load %arg11[%get3A_1160, %get3A_1161] {strides = array<i32>} : memref<1280x32xf32, #tpu.memory_space<vmem>>, vector<16xf32>,
        %mul3A_1163 = arith.mulf %mul3A_1151, %get3A_1162 : vector<16xf32>
        %add3A_1164 = arith.constant 17 : i32
        %add3A_1165 = arith.addi %mul3A_959, %add3A_1164 : i32
        %get3A_1166 = arith.index_cast %add3A_1165 : i32 to index
        %get3A_1167 = arith.constant 16 : index
        %get3A_1168 = tpu.vector_load %arg11[%get3A_1166, %get3A_1167] {strides = array<i32>} : memref<1280x32xf32, #tpu.memory_space<vmem>>, vector<16xf32>,
        %mul3A_1169 = arith.mulf %mul3A_1157, %get3A_1168 : vector<16xf32>
        %add3A_1170 = arith.constant 18 : i32
        %add3A_1171 = arith.addi %mul3A_959, %add3A_1170 : i32
        %get3A_1172 = arith.index_cast %add3A_1171 : i32 to index
        %get3A_1173 = arith.constant 0 : index
        %get3A_1174 = tpu.vector_load %arg11[%get3A_1172, %get3A_1173] {strides = array<i32>} : memref<1280x32xf32, #tpu.memory_space<vmem>>, vector<16xf32>,
        %mul3A_1175 = arith.mulf %mul3A_1163, %get3A_1174 : vector<16xf32>
        %add3A_1176 = arith.constant 18 : i32
        %add3A_1177 = arith.addi %mul3A_959, %add3A_1176 : i32
        %get3A_1178 = arith.index_cast %add3A_1177 : i32 to index
        %get3A_1179 = arith.constant 16 : index
        %get3A_1180 = tpu.vector_load %arg11[%get3A_1178, %get3A_1179] {strides = array<i32>} : memref<1280x32xf32, #tpu.memory_space<vmem>>, vector<16xf32>,
        %mul3A_1181 = arith.mulf %mul3A_1169, %get3A_1180 : vector<16xf32>
        %add3A_1182 = arith.constant 19 : i32
        %add3A_1183 = arith.addi %mul3A_959, %add3A_1182 : i32
        %get3A_1184 = arith.index_cast %add3A_1183 : i32 to index
        %get3A_1185 = arith.constant 0 : index
        %get3A_1186 = tpu.vector_load %arg11[%get3A_1184, %get3A_1185] {strides = array<i32>} : memref<1280x32xf32, #tpu.memory_space<vmem>>, vector<16xf32>,
        %mul3A_1187 = arith.mulf %mul3A_1175, %get3A_1186 : vector<16xf32>
        %add3A_1188 = arith.constant 19 : i32
        %add3A_1189 = arith.addi %mul3A_959, %add3A_1188 : i32
        %get3A_1190 = arith.index_cast %add3A_1189 : i32 to index
        %get3A_1191 = arith.constant 16 : index
        %get3A_1192 = tpu.vector_load %arg11[%get3A_1190, %get3A_1191] {strides = array<i32>} : memref<1280x32xf32, #tpu.memory_space<vmem>>, vector<16xf32>,
        %mul3A_1193 = arith.mulf %mul3A_1181, %get3A_1192 : vector<16xf32>
        %mul3A_1194 = arith.mulf %mul3A_1187, %get3A_6 : vector<16xf32>
        %mul3A_1195 = arith.mulf %mul3A_1193, %get3A_8 : vector<16xf32>
        %add3A_1196 = arith.addf %mul3A_1194, %mul3A_1195 : vector<16xf32>
        %swap3A_1197 = arith.constant 0 : index
        %swap3A_1198 = tpu.vector_load %arg14[%swap3A_1197] {strides = array<i32>} : memref<272xf32, #tpu.memory_space<vmem>>, vector<16xf32>,
        tpu.vector_store %arg14[%swap3A_1197], %add3A_1196 {strides = array<i32>} : memref<272xf32, #tpu.memory_space<vmem>>, vector<16xf32>,
        %mul3A_1199 = arith.constant 16 : i32
        %mul3A_1200 = arith.muli %add3A_953, %mul3A_1199 : i32
        %add3A_1201 = arith.constant 1 : i32
        %add3A_1202 = arith.addi %mul3A_1200, %add3A_1201 : i32
        %mul3A_1203 = arith.constant 20 : i32
        %mul3A_1204 = arith.muli %add3A_1202, %mul3A_1203 : i32
        %get3A_1205 = arith.index_cast %mul3A_1204 : i32 to index
        %get3A_1206 = arith.constant 0 : index
        %get3A_1207 = tpu.vector_load %arg11[%get3A_1205, %get3A_1206] {strides = array<i32>} : memref<1280x32xf32, #tpu.memory_space<vmem>>, vector<16xf32>,
        %get3A_1208 = arith.index_cast %mul3A_1204 : i32 to index
        %get3A_1209 = arith.constant 16 : index
        %get3A_1210 = tpu.vector_load %arg11[%get3A_1208, %get3A_1209] {strides = array<i32>} : memref<1280x32xf32, #tpu.memory_space<vmem>>, vector<16xf32>,
        %add3A_1211 = arith.constant 1 : i32
        %add3A_1212 = arith.addi %mul3A_1204, %add3A_1211 : i32
        %get3A_1213 = arith.index_cast %add3A_1212 : i32 to index
        %get3A_1214 = arith.constant 0 : index
        %get3A_1215 = tpu.vector_load %arg11[%get3A_1213, %get3A_1214] {strides = array<i32>} : memref<1280x32xf32, #tpu.memory_space<vmem>>, vector<16xf32>,
        %mul3A_1216 = arith.mulf %get3A_1207, %get3A_1215 : vector<16xf32>
        %add3A_1217 = arith.constant 1 : i32
        %add3A_1218 = arith.addi %mul3A_1204, %add3A_1217 : i32
        %get3A_1219 = arith.index_cast %add3A_1218 : i32 to index
        %get3A_1220 = arith.constant 16 : index
        %get3A_1221 = tpu.vector_load %arg11[%get3A_1219, %get3A_1220] {strides = array<i32>} : memref<1280x32xf32, #tpu.memory_space<vmem>>, vector<16xf32>,
        %mul3A_1222 = arith.mulf %get3A_1210, %get3A_1221 : vector<16xf32>
        %add3A_1223 = arith.constant 2 : i32
        %add3A_1224 = arith.addi %mul3A_1204, %add3A_1223 : i32
        %get3A_1225 = arith.index_cast %add3A_1224 : i32 to index
        %get3A_1226 = arith.constant 0 : index
        %get3A_1227 = tpu.vector_load %arg11[%get3A_1225, %get3A_1226] {strides = array<i32>} : memref<1280x32xf32, #tpu.memory_space<vmem>>, vector<16xf32>,
        %mul3A_1228 = arith.mulf %mul3A_1216, %get3A_1227 : vector<16xf32>
        %add3A_1229 = arith.constant 2 : i32
        %add3A_1230 = arith.addi %mul3A_1204, %add3A_1229 : i32
        %get3A_1231 = arith.index_cast %add3A_1230 : i32 to index
        %get3A_1232 = arith.constant 16 : index
        %get3A_1233 = tpu.vector_load %arg11[%get3A_1231, %get3A_1232] {strides = array<i32>} : memref<1280x32xf32, #tpu.memory_space<vmem>>, vector<16xf32>,
        %mul3A_1234 = arith.mulf %mul3A_1222, %get3A_1233 : vector<16xf32>
        %add3A_1235 = arith.constant 3 : i32
        %add3A_1236 = arith.addi %mul3A_1204, %add3A_1235 : i32
        %get3A_1237 = arith.index_cast %add3A_1236 : i32 to index
        %get3A_1238 = arith.constant 0 : index
        %get3A_1239 = tpu.vector_load %arg11[%get3A_1237, %get3A_1238] {strides = array<i32>} : memref<1280x32xf32, #tpu.memory_space<vmem>>, vector<16xf32>,
        %mul3A_1240 = arith.mulf %mul3A_1228, %get3A_1239 : vector<16xf32>
        %add3A_1241 = arith.constant 3 : i32
        %add3A_1242 = arith.addi %mul3A_1204, %add3A_1241 : i32
        %get3A_1243 = arith.index_cast %add3A_1242 : i32 to index
        %get3A_1244 = arith.constant 16 : index
        %get3A_1245 = tpu.vector_load %arg11[%get3A_1243, %get3A_1244] {strides = array<i32>} : memref<1280x32xf32, #tpu.memory_space<vmem>>, vector<16xf32>,
        %mul3A_1246 = arith.mulf %mul3A_1234, %get3A_1245 : vector<16xf32>
        %add3A_1247 = arith.constant 4 : i32
        %add3A_1248 = arith.addi %mul3A_1204, %add3A_1247 : i32
        %get3A_1249 = arith.index_cast %add3A_1248 : i32 to index
        %get3A_1250 = arith.constant 0 : index
        %get3A_1251 = tpu.vector_load %arg11[%get3A_1249, %get3A_1250] {strides = array<i32>} : memref<1280x32xf32, #tpu.memory_space<vmem>>, vector<16xf32>,
        %mul3A_1252 = arith.mulf %mul3A_1240, %get3A_1251 : vector<16xf32>
        %add3A_1253 = arith.constant 4 : i32
        %add3A_1254 = arith.addi %mul3A_1204, %add3A_1253 : i32
        %get3A_1255 = arith.index_cast %add3A_1254 : i32 to index
        %get3A_1256 = arith.constant 16 : index
        %get3A_1257 = tpu.vector_load %arg11[%get3A_1255, %get3A_1256] {strides = array<i32>} : memref<1280x32xf32, #tpu.memory_space<vmem>>, vector<16xf32>,
        %mul3A_1258 = arith.mulf %mul3A_1246, %get3A_1257 : vector<16xf32>
        %add3A_1259 = arith.constant 5 : i32
        %add3A_1260 = arith.addi %mul3A_1204, %add3A_1259 : i32
        %get3A_1261 = arith.index_cast %add3A_1260 : i32 to index
        %get3A_1262 = arith.constant 0 : index
        %get3A_1263 = tpu.vector_load %arg11[%get3A_1261, %get3A_1262] {strides = array<i32>} : memref<1280x32xf32, #tpu.memory_space<vmem>>, vector<16xf32>,
        %mul3A_1264 = arith.mulf %mul3A_1252, %get3A_1263 : vector<16xf32>
        %add3A_1265 = arith.constant 5 : i32
        %add3A_1266 = arith.addi %mul3A_1204, %add3A_1265 : i32
        %get3A_1267 = arith.index_cast %add3A_1266 : i32 to index
        %get3A_1268 = arith.constant 16 : index
        %get3A_1269 = tpu.vector_load %arg11[%get3A_1267, %get3A_1268] {strides = array<i32>} : memref<1280x32xf32, #tpu.memory_space<vmem>>, vector<16xf32>,
        %mul3A_1270 = arith.mulf %mul3A_1258, %get3A_1269 : vector<16xf32>
        %add3A_1271 = arith.constant 6 : i32
        %add3A_1272 = arith.addi %mul3A_1204, %add3A_1271 : i32
        %get3A_1273 = arith.index_cast %add3A_1272 : i32 to index
        %get3A_1274 = arith.constant 0 : index
        %get3A_1275 = tpu.vector_load %arg11[%get3A_1273, %get3A_1274] {strides = array<i32>} : memref<1280x32xf32, #tpu.memory_space<vmem>>, vector<16xf32>,
        %mul3A_1276 = arith.mulf %mul3A_1264, %get3A_1275 : vector<16xf32>
        %add3A_1277 = arith.constant 6 : i32
        %add3A_1278 = arith.addi %mul3A_1204, %add3A_1277 : i32
        %get3A_1279 = arith.index_cast %add3A_1278 : i32 to index
        %get3A_1280 = arith.constant 16 : index
        %get3A_1281 = tpu.vector_load %arg11[%get3A_1279, %get3A_1280] {strides = array<i32>} : memref<1280x32xf32, #tpu.memory_space<vmem>>, vector<16xf32>,
        %mul3A_1282 = arith.mulf %mul3A_1270, %get3A_1281 : vector<16xf32>
        %add3A_1283 = arith.constant 7 : i32
        %add3A_1284 = arith.addi %mul3A_1204, %add3A_1283 : i32
        %get3A_1285 = arith.index_cast %add3A_1284 : i32 to index
        %get3A_1286 = arith.constant 0 : index
        %get3A_1287 = tpu.vector_load %arg11[%get3A_1285, %get3A_1286] {strides = array<i32>} : memref<1280x32xf32, #tpu.memory_space<vmem>>, vector<16xf32>,
        %mul3A_1288 = arith.mulf %mul3A_1276, %get3A_1287 : vector<16xf32>
        %add3A_1289 = arith.constant 7 : i32
        %add3A_1290 = arith.addi %mul3A_1204, %add3A_1289 : i32
        %get3A_1291 = arith.index_cast %add3A_1290 : i32 to index
        %get3A_1292 = arith.constant 16 : index
        %get3A_1293 = tpu.vector_load %arg11[%get3A_1291, %get3A_1292] {strides = array<i32>} : memref<1280x32xf32, #tpu.memory_space<vmem>>, vector<16xf32>,
        %mul3A_1294 = arith.mulf %mul3A_1282, %get3A_1293 : vector<16xf32>
        %add3A_1295 = arith.constant 8 : i32
        %add3A_1296 = arith.addi %mul3A_1204, %add3A_1295 : i32
        %get3A_1297 = arith.index_cast %add3A_1296 : i32 to index
        %get3A_1298 = arith.constant 0 : index
        %get3A_1299 = tpu.vector_load %arg11[%get3A_1297, %get3A_1298] {strides = array<i32>} : memref<1280x32xf32, #tpu.memory_space<vmem>>, vector<16xf32>,
        %mul3A_1300 = arith.mulf %mul3A_1288, %get3A_1299 : vector<16xf32>
        %add3A_1301 = arith.constant 8 : i32
        %add3A_1302 = arith.addi %mul3A_1204, %add3A_1301 : i32
        %get3A_1303 = arith.index_cast %add3A_1302 : i32 to index
        %get3A_1304 = arith.constant 16 : index
        %get3A_1305 = tpu.vector_load %arg11[%get3A_1303, %get3A_1304] {strides = array<i32>} : memref<1280x32xf32, #tpu.memory_space<vmem>>, vector<16xf32>,
        %mul3A_1306 = arith.mulf %mul3A_1294, %get3A_1305 : vector<16xf32>
        %add3A_1307 = arith.constant 9 : i32
        %add3A_1308 = arith.addi %mul3A_1204, %add3A_1307 : i32
        %get3A_1309 = arith.index_cast %add3A_1308 : i32 to index
        %get3A_1310 = arith.constant 0 : index
        %get3A_1311 = tpu.vector_load %arg11[%get3A_1309, %get3A_1310] {strides = array<i32>} : memref<1280x32xf32, #tpu.memory_space<vmem>>, vector<16xf32>,
        %mul3A_1312 = arith.mulf %mul3A_1300, %get3A_1311 : vector<16xf32>
        %add3A_1313 = arith.constant 9 : i32
        %add3A_1314 = arith.addi %mul3A_1204, %add3A_1313 : i32
        %get3A_1315 = arith.index_cast %add3A_1314 : i32 to index
        %get3A_1316 = arith.constant 16 : index
        %get3A_1317 = tpu.vector_load %arg11[%get3A_1315, %get3A_1316] {strides = array<i32>} : memref<1280x32xf32, #tpu.memory_space<vmem>>, vector<16xf32>,
        %mul3A_1318 = arith.mulf %mul3A_1306, %get3A_1317 : vector<16xf32>
        %add3A_1319 = arith.constant 10 : i32
        %add3A_1320 = arith.addi %mul3A_1204, %add3A_1319 : i32
        %get3A_1321 = arith.index_cast %add3A_1320 : i32 to index
        %get3A_1322 = arith.constant 0 : index
        %get3A_1323 = tpu.vector_load %arg11[%get3A_1321, %get3A_1322] {strides = array<i32>} : memref<1280x32xf32, #tpu.memory_space<vmem>>, vector<16xf32>,
        %mul3A_1324 = arith.mulf %mul3A_1312, %get3A_1323 : vector<16xf32>
        %add3A_1325 = arith.constant 10 : i32
        %add3A_1326 = arith.addi %mul3A_1204, %add3A_1325 : i32
        %get3A_1327 = arith.index_cast %add3A_1326 : i32 to index
        %get3A_1328 = arith.constant 16 : index
        %get3A_1329 = tpu.vector_load %arg11[%get3A_1327, %get3A_1328] {strides = array<i32>} : memref<1280x32xf32, #tpu.memory_space<vmem>>, vector<16xf32>,
        %mul3A_1330 = arith.mulf %mul3A_1318, %get3A_1329 : vector<16xf32>
        %add3A_1331 = arith.constant 11 : i32
        %add3A_1332 = arith.addi %mul3A_1204, %add3A_1331 : i32
        %get3A_1333 = arith.index_cast %add3A_1332 : i32 to index
        %get3A_1334 = arith.constant 0 : index
        %get3A_1335 = tpu.vector_load %arg11[%get3A_1333, %get3A_1334] {strides = array<i32>} : memref<1280x32xf32, #tpu.memory_space<vmem>>, vector<16xf32>,
        %mul3A_1336 = arith.mulf %mul3A_1324, %get3A_1335 : vector<16xf32>
        %add3A_1337 = arith.constant 11 : i32
        %add3A_1338 = arith.addi %mul3A_1204, %add3A_1337 : i32
        %get3A_1339 = arith.index_cast %add3A_1338 : i32 to index
        %get3A_1340 = arith.constant 16 : index
        %get3A_1341 = tpu.vector_load %arg11[%get3A_1339, %get3A_1340] {strides = array<i32>} : memref<1280x32xf32, #tpu.memory_space<vmem>>, vector<16xf32>,
        %mul3A_1342 = arith.mulf %mul3A_1330, %get3A_1341 : vector<16xf32>
        %add3A_1343 = arith.constant 12 : i32
        %add3A_1344 = arith.addi %mul3A_1204, %add3A_1343 : i32
        %get3A_1345 = arith.index_cast %add3A_1344 : i32 to index
        %get3A_1346 = arith.constant 0 : index
        %get3A_1347 = tpu.vector_load %arg11[%get3A_1345, %get3A_1346] {strides = array<i32>} : memref<1280x32xf32, #tpu.memory_space<vmem>>, vector<16xf32>,
        %mul3A_1348 = arith.mulf %mul3A_1336, %get3A_1347 : vector<16xf32>
        %add3A_1349 = arith.constant 12 : i32
        %add3A_1350 = arith.addi %mul3A_1204, %add3A_1349 : i32
        %get3A_1351 = arith.index_cast %add3A_1350 : i32 to index
        %get3A_1352 = arith.constant 16 : index
        %get3A_1353 = tpu.vector_load %arg11[%get3A_1351, %get3A_1352] {strides = array<i32>} : memref<1280x32xf32, #tpu.memory_space<vmem>>, vector<16xf32>,
        %mul3A_1354 = arith.mulf %mul3A_1342, %get3A_1353 : vector<16xf32>
        %add3A_1355 = arith.constant 13 : i32
        %add3A_1356 = arith.addi %mul3A_1204, %add3A_1355 : i32
        %get3A_1357 = arith.index_cast %add3A_1356 : i32 to index
        %get3A_1358 = arith.constant 0 : index
        %get3A_1359 = tpu.vector_load %arg11[%get3A_1357, %get3A_1358] {strides = array<i32>} : memref<1280x32xf32, #tpu.memory_space<vmem>>, vector<16xf32>,
        %mul3A_1360 = arith.mulf %mul3A_1348, %get3A_1359 : vector<16xf32>
        %add3A_1361 = arith.constant 13 : i32
        %add3A_1362 = arith.addi %mul3A_1204, %add3A_1361 : i32
        %get3A_1363 = arith.index_cast %add3A_1362 : i32 to index
        %get3A_1364 = arith.constant 16 : index
        %get3A_1365 = tpu.vector_load %arg11[%get3A_1363, %get3A_1364] {strides = array<i32>} : memref<1280x32xf32, #tpu.memory_space<vmem>>, vector<16xf32>,
        %mul3A_1366 = arith.mulf %mul3A_1354, %get3A_1365 : vector<16xf32>
        %add3A_1367 = arith.constant 14 : i32
        %add3A_1368 = arith.addi %mul3A_1204, %add3A_1367 : i32
        %get3A_1369 = arith.index_cast %add3A_1368 : i32 to index
        %get3A_1370 = arith.constant 0 : index
        %get3A_1371 = tpu.vector_load %arg11[%get3A_1369, %get3A_1370] {strides = array<i32>} : memref<1280x32xf32, #tpu.memory_space<vmem>>, vector<16xf32>,
        %mul3A_1372 = arith.mulf %mul3A_1360, %get3A_1371 : vector<16xf32>
        %add3A_1373 = arith.constant 14 : i32
        %add3A_1374 = arith.addi %mul3A_1204, %add3A_1373 : i32
        %get3A_1375 = arith.index_cast %add3A_1374 : i32 to index
        %get3A_1376 = arith.constant 16 : index
        %get3A_1377 = tpu.vector_load %arg11[%get3A_1375, %get3A_1376] {strides = array<i32>} : memref<1280x32xf32, #tpu.memory_space<vmem>>, vector<16xf32>,
        %mul3A_1378 = arith.mulf %mul3A_1366, %get3A_1377 : vector<16xf32>
        %add3A_1379 = arith.constant 15 : i32
        %add3A_1380 = arith.addi %mul3A_1204, %add3A_1379 : i32
        %get3A_1381 = arith.index_cast %add3A_1380 : i32 to index
        %get3A_1382 = arith.constant 0 : index
        %get3A_1383 = tpu.vector_load %arg11[%get3A_1381, %get3A_1382] {strides = array<i32>} : memref<1280x32xf32, #tpu.memory_space<vmem>>, vector<16xf32>,
        %mul3A_1384 = arith.mulf %mul3A_1372, %get3A_1383 : vector<16xf32>
        %add3A_1385 = arith.constant 15 : i32
        %add3A_1386 = arith.addi %mul3A_1204, %add3A_1385 : i32
        %get3A_1387 = arith.index_cast %add3A_1386 : i32 to index
        %get3A_1388 = arith.constant 16 : index
        %get3A_1389 = tpu.vector_load %arg11[%get3A_1387, %get3A_1388] {strides = array<i32>} : memref<1280x32xf32, #tpu.memory_space<vmem>>, vector<16xf32>,
        %mul3A_1390 = arith.mulf %mul3A_1378, %get3A_1389 : vector<16xf32>
        %add3A_1391 = arith.constant 16 : i32
        %add3A_1392 = arith.addi %mul3A_1204, %add3A_1391 : i32
        %get3A_1393 = arith.index_cast %add3A_1392 : i32 to index
        %get3A_1394 = arith.constant 0 : index
        %get3A_1395 = tpu.vector_load %arg11[%get3A_1393, %get3A_1394] {strides = array<i32>} : memref<1280x32xf32, #tpu.memory_space<vmem>>, vector<16xf32>,
        %mul3A_1396 = arith.mulf %mul3A_1384, %get3A_1395 : vector<16xf32>
        %add3A_1397 = arith.constant 16 : i32
        %add3A_1398 = arith.addi %mul3A_1204, %add3A_1397 : i32
        %get3A_1399 = arith.index_cast %add3A_1398 : i32 to index
        %get3A_1400 = arith.constant 16 : index
        %get3A_1401 = tpu.vector_load %arg11[%get3A_1399, %get3A_1400] {strides = array<i32>} : memref<1280x32xf32, #tpu.memory_space<vmem>>, vector<16xf32>,
        %mul3A_1402 = arith.mulf %mul3A_1390, %get3A_1401 : vector<16xf32>
        %add3A_1403 = arith.constant 17 : i32
        %add3A_1404 = arith.addi %mul3A_1204, %add3A_1403 : i32
        %get3A_1405 = arith.index_cast %add3A_1404 : i32 to index
        %get3A_1406 = arith.constant 0 : index
        %get3A_1407 = tpu.vector_load %arg11[%get3A_1405, %get3A_1406] {strides = array<i32>} : memref<1280x32xf32, #tpu.memory_space<vmem>>, vector<16xf32>,
        %mul3A_1408 = arith.mulf %mul3A_1396, %get3A_1407 : vector<16xf32>
        %add3A_1409 = arith.constant 17 : i32
        %add3A_1410 = arith.addi %mul3A_1204, %add3A_1409 : i32
        %get3A_1411 = arith.index_cast %add3A_1410 : i32 to index
        %get3A_1412 = arith.constant 16 : index
        %get3A_1413 = tpu.vector_load %arg11[%get3A_1411, %get3A_1412] {strides = array<i32>} : memref<1280x32xf32, #tpu.memory_space<vmem>>, vector<16xf32>,
        %mul3A_1414 = arith.mulf %mul3A_1402, %get3A_1413 : vector<16xf32>
        %add3A_1415 = arith.constant 18 : i32
        %add3A_1416 = arith.addi %mul3A_1204, %add3A_1415 : i32
        %get3A_1417 = arith.index_cast %add3A_1416 : i32 to index
        %get3A_1418 = arith.constant 0 : index
        %get3A_1419 = tpu.vector_load %arg11[%get3A_1417, %get3A_1418] {strides = array<i32>} : memref<1280x32xf32, #tpu.memory_space<vmem>>, vector<16xf32>,
        %mul3A_1420 = arith.mulf %mul3A_1408, %get3A_1419 : vector<16xf32>
        %add3A_1421 = arith.constant 18 : i32
        %add3A_1422 = arith.addi %mul3A_1204, %add3A_1421 : i32
        %get3A_1423 = arith.index_cast %add3A_1422 : i32 to index
        %get3A_1424 = arith.constant 16 : index
        %get3A_1425 = tpu.vector_load %arg11[%get3A_1423, %get3A_1424] {strides = array<i32>} : memref<1280x32xf32, #tpu.memory_space<vmem>>, vector<16xf32>,
        %mul3A_1426 = arith.mulf %mul3A_1414, %get3A_1425 : vector<16xf32>
        %add3A_1427 = arith.constant 19 : i32
        %add3A_1428 = arith.addi %mul3A_1204, %add3A_1427 : i32
        %get3A_1429 = arith.index_cast %add3A_1428 : i32 to index
        %get3A_1430 = arith.constant 0 : index
        %get3A_1431 = tpu.vector_load %arg11[%get3A_1429, %get3A_1430] {strides = array<i32>} : memref<1280x32xf32, #tpu.memory_space<vmem>>, vector<16xf32>,
        %mul3A_1432 = arith.mulf %mul3A_1420, %get3A_1431 : vector<16xf32>
        %add3A_1433 = arith.constant 19 : i32
        %add3A_1434 = arith.addi %mul3A_1204, %add3A_1433 : i32
        %get3A_1435 = arith.index_cast %add3A_1434 : i32 to index
        %get3A_1436 = arith.constant 16 : index
        %get3A_1437 = tpu.vector_load %arg11[%get3A_1435, %get3A_1436] {strides = array<i32>} : memref<1280x32xf32, #tpu.memory_space<vmem>>, vector<16xf32>,
        %mul3A_1438 = arith.mulf %mul3A_1426, %get3A_1437 : vector<16xf32>
        %mul3A_1439 = arith.mulf %mul3A_1432, %get3A_6 : vector<16xf32>
        %mul3A_1440 = arith.mulf %mul3A_1438, %get3A_8 : vector<16xf32>
        %add3A_1441 = arith.addf %mul3A_1439, %mul3A_1440 : vector<16xf32>
        %swap3A_1442 = arith.constant 17 : index
        %swap3A_1443 = tpu.vector_load %arg14[%swap3A_1442] {strides = array<i32>} : memref<272xf32, #tpu.memory_space<vmem>>, vector<16xf32>,
        tpu.vector_store %arg14[%swap3A_1442], %add3A_1441 {strides = array<i32>} : memref<272xf32, #tpu.memory_space<vmem>>, vector<16xf32>,
        %mul3A_1444 = arith.constant 16 : i32
        %mul3A_1445 = arith.muli %add3A_953, %mul3A_1444 : i32
        %add3A_1446 = arith.constant 2 : i32
        %add3A_1447 = arith.addi %mul3A_1445, %add3A_1446 : i32
        %mul3A_1448 = arith.constant 20 : i32
        %mul3A_1449 = arith.muli %add3A_1447, %mul3A_1448 : i32
        %get3A_1450 = arith.index_cast %mul3A_1449 : i32 to index
        %get3A_1451 = arith.constant 0 : index
        %get3A_1452 = tpu.vector_load %arg11[%get3A_1450, %get3A_1451] {strides = array<i32>} : memref<1280x32xf32, #tpu.memory_space<vmem>>, vector<16xf32>,
        %get3A_1453 = arith.index_cast %mul3A_1449 : i32 to index
        %get3A_1454 = arith.constant 16 : index
        %get3A_1455 = tpu.vector_load %arg11[%get3A_1453, %get3A_1454] {strides = array<i32>} : memref<1280x32xf32, #tpu.memory_space<vmem>>, vector<16xf32>,
        %add3A_1456 = arith.constant 1 : i32
        %add3A_1457 = arith.addi %mul3A_1449, %add3A_1456 : i32
        %get3A_1458 = arith.index_cast %add3A_1457 : i32 to index
        %get3A_1459 = arith.constant 0 : index
        %get3A_1460 = tpu.vector_load %arg11[%get3A_1458, %get3A_1459] {strides = array<i32>} : memref<1280x32xf32, #tpu.memory_space<vmem>>, vector<16xf32>,
        %mul3A_1461 = arith.mulf %get3A_1452, %get3A_1460 : vector<16xf32>
        %add3A_1462 = arith.constant 1 : i32
        %add3A_1463 = arith.addi %mul3A_1449, %add3A_1462 : i32
        %get3A_1464 = arith.index_cast %add3A_1463 : i32 to index
        %get3A_1465 = arith.constant 16 : index
        %get3A_1466 = tpu.vector_load %arg11[%get3A_1464, %get3A_1465] {strides = array<i32>} : memref<1280x32xf32, #tpu.memory_space<vmem>>, vector<16xf32>,
        %mul3A_1467 = arith.mulf %get3A_1455, %get3A_1466 : vector<16xf32>
        %add3A_1468 = arith.constant 2 : i32
        %add3A_1469 = arith.addi %mul3A_1449, %add3A_1468 : i32
        %get3A_1470 = arith.index_cast %add3A_1469 : i32 to index
        %get3A_1471 = arith.constant 0 : index
        %get3A_1472 = tpu.vector_load %arg11[%get3A_1470, %get3A_1471] {strides = array<i32>} : memref<1280x32xf32, #tpu.memory_space<vmem>>, vector<16xf32>,
        %mul3A_1473 = arith.mulf %mul3A_1461, %get3A_1472 : vector<16xf32>
        %add3A_1474 = arith.constant 2 : i32
        %add3A_1475 = arith.addi %mul3A_1449, %add3A_1474 : i32
        %get3A_1476 = arith.index_cast %add3A_1475 : i32 to index
        %get3A_1477 = arith.constant 16 : index
        %get3A_1478 = tpu.vector_load %arg11[%get3A_1476, %get3A_1477] {strides = array<i32>} : memref<1280x32xf32, #tpu.memory_space<vmem>>, vector<16xf32>,
        %mul3A_1479 = arith.mulf %mul3A_1467, %get3A_1478 : vector<16xf32>
        %add3A_1480 = arith.constant 3 : i32
        %add3A_1481 = arith.addi %mul3A_1449, %add3A_1480 : i32
        %get3A_1482 = arith.index_cast %add3A_1481 : i32 to index
        %get3A_1483 = arith.constant 0 : index
        %get3A_1484 = tpu.vector_load %arg11[%get3A_1482, %get3A_1483] {strides = array<i32>} : memref<1280x32xf32, #tpu.memory_space<vmem>>, vector<16xf32>,
        %mul3A_1485 = arith.mulf %mul3A_1473, %get3A_1484 : vector<16xf32>
        %add3A_1486 = arith.constant 3 : i32
        %add3A_1487 = arith.addi %mul3A_1449, %add3A_1486 : i32
        %get3A_1488 = arith.index_cast %add3A_1487 : i32 to index
        %get3A_1489 = arith.constant 16 : index
        %get3A_1490 = tpu.vector_load %arg11[%get3A_1488, %get3A_1489] {strides = array<i32>} : memref<1280x32xf32, #tpu.memory_space<vmem>>, vector<16xf32>,
        %mul3A_1491 = arith.mulf %mul3A_1479, %get3A_1490 : vector<16xf32>
        %add3A_1492 = arith.constant 4 : i32
        %add3A_1493 = arith.addi %mul3A_1449, %add3A_1492 : i32
        %get3A_1494 = arith.index_cast %add3A_1493 : i32 to index
        %get3A_1495 = arith.constant 0 : index
        %get3A_1496 = tpu.vector_load %arg11[%get3A_1494, %get3A_1495] {strides = array<i32>} : memref<1280x32xf32, #tpu.memory_space<vmem>>, vector<16xf32>,
        %mul3A_1497 = arith.mulf %mul3A_1485, %get3A_1496 : vector<16xf32>
        %add3A_1498 = arith.constant 4 : i32
        %add3A_1499 = arith.addi %mul3A_1449, %add3A_1498 : i32
        %get3A_1500 = arith.index_cast %add3A_1499 : i32 to index
        %get3A_1501 = arith.constant 16 : index
        %get3A_1502 = tpu.vector_load %arg11[%get3A_1500, %get3A_1501] {strides = array<i32>} : memref<1280x32xf32, #tpu.memory_space<vmem>>, vector<16xf32>,
        %mul3A_1503 = arith.mulf %mul3A_1491, %get3A_1502 : vector<16xf32>
        %add3A_1504 = arith.constant 5 : i32
        %add3A_1505 = arith.addi %mul3A_1449, %add3A_1504 : i32
        %get3A_1506 = arith.index_cast %add3A_1505 : i32 to index
        %get3A_1507 = arith.constant 0 : index
        %get3A_1508 = tpu.vector_load %arg11[%get3A_1506, %get3A_1507] {strides = array<i32>} : memref<1280x32xf32, #tpu.memory_space<vmem>>, vector<16xf32>,
        %mul3A_1509 = arith.mulf %mul3A_1497, %get3A_1508 : vector<16xf32>
        %add3A_1510 = arith.constant 5 : i32
        %add3A_1511 = arith.addi %mul3A_1449, %add3A_1510 : i32
        %get3A_1512 = arith.index_cast %add3A_1511 : i32 to index
        %get3A_1513 = arith.constant 16 : index
        %get3A_1514 = tpu.vector_load %arg11[%get3A_1512, %get3A_1513] {strides = array<i32>} : memref<1280x32xf32, #tpu.memory_space<vmem>>, vector<16xf32>,
        %mul3A_1515 = arith.mulf %mul3A_1503, %get3A_1514 : vector<16xf32>
        %add3A_1516 = arith.constant 6 : i32
        %add3A_1517 = arith.addi %mul3A_1449, %add3A_1516 : i32
        %get3A_1518 = arith.index_cast %add3A_1517 : i32 to index
        %get3A_1519 = arith.constant 0 : index
        %get3A_1520 = tpu.vector_load %arg11[%get3A_1518, %get3A_1519] {strides = array<i32>} : memref<1280x32xf32, #tpu.memory_space<vmem>>, vector<16xf32>,
        %mul3A_1521 = arith.mulf %mul3A_1509, %get3A_1520 : vector<16xf32>
        %add3A_1522 = arith.constant 6 : i32
        %add3A_1523 = arith.addi %mul3A_1449, %add3A_1522 : i32
        %get3A_1524 = arith.index_cast %add3A_1523 : i32 to index
        %get3A_1525 = arith.constant 16 : index
        %get3A_1526 = tpu.vector_load %arg11[%get3A_1524, %get3A_1525] {strides = array<i32>} : memref<1280x32xf32, #tpu.memory_space<vmem>>, vector<16xf32>,
        %mul3A_1527 = arith.mulf %mul3A_1515, %get3A_1526 : vector<16xf32>
        %add3A_1528 = arith.constant 7 : i32
        %add3A_1529 = arith.addi %mul3A_1449, %add3A_1528 : i32
        %get3A_1530 = arith.index_cast %add3A_1529 : i32 to index
        %get3A_1531 = arith.constant 0 : index
        %get3A_1532 = tpu.vector_load %arg11[%get3A_1530, %get3A_1531] {strides = array<i32>} : memref<1280x32xf32, #tpu.memory_space<vmem>>, vector<16xf32>,
        %mul3A_1533 = arith.mulf %mul3A_1521, %get3A_1532 : vector<16xf32>
        %add3A_1534 = arith.constant 7 : i32
        %add3A_1535 = arith.addi %mul3A_1449, %add3A_1534 : i32
        %get3A_1536 = arith.index_cast %add3A_1535 : i32 to index
        %get3A_1537 = arith.constant 16 : index
        %get3A_1538 = tpu.vector_load %arg11[%get3A_1536, %get3A_1537] {strides = array<i32>} : memref<1280x32xf32, #tpu.memory_space<vmem>>, vector<16xf32>,
        %mul3A_1539 = arith.mulf %mul3A_1527, %get3A_1538 : vector<16xf32>
        %add3A_1540 = arith.constant 8 : i32
        %add3A_1541 = arith.addi %mul3A_1449, %add3A_1540 : i32
        %get3A_1542 = arith.index_cast %add3A_1541 : i32 to index
        %get3A_1543 = arith.constant 0 : index
        %get3A_1544 = tpu.vector_load %arg11[%get3A_1542, %get3A_1543] {strides = array<i32>} : memref<1280x32xf32, #tpu.memory_space<vmem>>, vector<16xf32>,
        %mul3A_1545 = arith.mulf %mul3A_1533, %get3A_1544 : vector<16xf32>
        %add3A_1546 = arith.constant 8 : i32
        %add3A_1547 = arith.addi %mul3A_1449, %add3A_1546 : i32
        %get3A_1548 = arith.index_cast %add3A_1547 : i32 to index
        %get3A_1549 = arith.constant 16 : index
        %get3A_1550 = tpu.vector_load %arg11[%get3A_1548, %get3A_1549] {strides = array<i32>} : memref<1280x32xf32, #tpu.memory_space<vmem>>, vector<16xf32>,
        %mul3A_1551 = arith.mulf %mul3A_1539, %get3A_1550 : vector<16xf32>
        %add3A_1552 = arith.constant 9 : i32
        %add3A_1553 = arith.addi %mul3A_1449, %add3A_1552 : i32
        %get3A_1554 = arith.index_cast %add3A_1553 : i32 to index
        %get3A_1555 = arith.constant 0 : index
        %get3A_1556 = tpu.vector_load %arg11[%get3A_1554, %get3A_1555] {strides = array<i32>} : memref<1280x32xf32, #tpu.memory_space<vmem>>, vector<16xf32>,
        %mul3A_1557 = arith.mulf %mul3A_1545, %get3A_1556 : vector<16xf32>
        %add3A_1558 = arith.constant 9 : i32
        %add3A_1559 = arith.addi %mul3A_1449, %add3A_1558 : i32
        %get3A_1560 = arith.index_cast %add3A_1559 : i32 to index
        %get3A_1561 = arith.constant 16 : index
        %get3A_1562 = tpu.vector_load %arg11[%get3A_1560, %get3A_1561] {strides = array<i32>} : memref<1280x32xf32, #tpu.memory_space<vmem>>, vector<16xf32>,
        %mul3A_1563 = arith.mulf %mul3A_1551, %get3A_1562 : vector<16xf32>
        %add3A_1564 = arith.constant 10 : i32
        %add3A_1565 = arith.addi %mul3A_1449, %add3A_1564 : i32
        %get3A_1566 = arith.index_cast %add3A_1565 : i32 to index
        %get3A_1567 = arith.constant 0 : index
        %get3A_1568 = tpu.vector_load %arg11[%get3A_1566, %get3A_1567] {strides = array<i32>} : memref<1280x32xf32, #tpu.memory_space<vmem>>, vector<16xf32>,
        %mul3A_1569 = arith.mulf %mul3A_1557, %get3A_1568 : vector<16xf32>
        %add3A_1570 = arith.constant 10 : i32
        %add3A_1571 = arith.addi %mul3A_1449, %add3A_1570 : i32
        %get3A_1572 = arith.index_cast %add3A_1571 : i32 to index
        %get3A_1573 = arith.constant 16 : index
        %get3A_1574 = tpu.vector_load %arg11[%get3A_1572, %get3A_1573] {strides = array<i32>} : memref<1280x32xf32, #tpu.memory_space<vmem>>, vector<16xf32>,
        %mul3A_1575 = arith.mulf %mul3A_1563, %get3A_1574 : vector<16xf32>
        %add3A_1576 = arith.constant 11 : i32
        %add3A_1577 = arith.addi %mul3A_1449, %add3A_1576 : i32
        %get3A_1578 = arith.index_cast %add3A_1577 : i32 to index
        %get3A_1579 = arith.constant 0 : index
        %get3A_1580 = tpu.vector_load %arg11[%get3A_1578, %get3A_1579] {strides = array<i32>} : memref<1280x32xf32, #tpu.memory_space<vmem>>, vector<16xf32>,
        %mul3A_1581 = arith.mulf %mul3A_1569, %get3A_1580 : vector<16xf32>
        %add3A_1582 = arith.constant 11 : i32
        %add3A_1583 = arith.addi %mul3A_1449, %add3A_1582 : i32
        %get3A_1584 = arith.index_cast %add3A_1583 : i32 to index
        %get3A_1585 = arith.constant 16 : index
        %get3A_1586 = tpu.vector_load %arg11[%get3A_1584, %get3A_1585] {strides = array<i32>} : memref<1280x32xf32, #tpu.memory_space<vmem>>, vector<16xf32>,
        %mul3A_1587 = arith.mulf %mul3A_1575, %get3A_1586 : vector<16xf32>
        %add3A_1588 = arith.constant 12 : i32
        %add3A_1589 = arith.addi %mul3A_1449, %add3A_1588 : i32
        %get3A_1590 = arith.index_cast %add3A_1589 : i32 to index
        %get3A_1591 = arith.constant 0 : index
        %get3A_1592 = tpu.vector_load %arg11[%get3A_1590, %get3A_1591] {strides = array<i32>} : memref<1280x32xf32, #tpu.memory_space<vmem>>, vector<16xf32>,
        %mul3A_1593 = arith.mulf %mul3A_1581, %get3A_1592 : vector<16xf32>
        %add3A_1594 = arith.constant 12 : i32
        %add3A_1595 = arith.addi %mul3A_1449, %add3A_1594 : i32
        %get3A_1596 = arith.index_cast %add3A_1595 : i32 to index
        %get3A_1597 = arith.constant 16 : index
        %get3A_1598 = tpu.vector_load %arg11[%get3A_1596, %get3A_1597] {strides = array<i32>} : memref<1280x32xf32, #tpu.memory_space<vmem>>, vector<16xf32>,
        %mul3A_1599 = arith.mulf %mul3A_1587, %get3A_1598 : vector<16xf32>
        %add3A_1600 = arith.constant 13 : i32
        %add3A_1601 = arith.addi %mul3A_1449, %add3A_1600 : i32
        %get3A_1602 = arith.index_cast %add3A_1601 : i32 to index
        %get3A_1603 = arith.constant 0 : index
        %get3A_1604 = tpu.vector_load %arg11[%get3A_1602, %get3A_1603] {strides = array<i32>} : memref<1280x32xf32, #tpu.memory_space<vmem>>, vector<16xf32>,
        %mul3A_1605 = arith.mulf %mul3A_1593, %get3A_1604 : vector<16xf32>
        %add3A_1606 = arith.constant 13 : i32
        %add3A_1607 = arith.addi %mul3A_1449, %add3A_1606 : i32
        %get3A_1608 = arith.index_cast %add3A_1607 : i32 to index
        %get3A_1609 = arith.constant 16 : index
        %get3A_1610 = tpu.vector_load %arg11[%get3A_1608, %get3A_1609] {strides = array<i32>} : memref<1280x32xf32, #tpu.memory_space<vmem>>, vector<16xf32>,
        %mul3A_1611 = arith.mulf %mul3A_1599, %get3A_1610 : vector<16xf32>
        %add3A_1612 = arith.constant 14 : i32
        %add3A_1613 = arith.addi %mul3A_1449, %add3A_1612 : i32
        %get3A_1614 = arith.index_cast %add3A_1613 : i32 to index
        %get3A_1615 = arith.constant 0 : index
        %get3A_1616 = tpu.vector_load %arg11[%get3A_1614, %get3A_1615] {strides = array<i32>} : memref<1280x32xf32, #tpu.memory_space<vmem>>, vector<16xf32>,
        %mul3A_1617 = arith.mulf %mul3A_1605, %get3A_1616 : vector<16xf32>
        %add3A_1618 = arith.constant 14 : i32
        %add3A_1619 = arith.addi %mul3A_1449, %add3A_1618 : i32
        %get3A_1620 = arith.index_cast %add3A_1619 : i32 to index
        %get3A_1621 = arith.constant 16 : index
        %get3A_1622 = tpu.vector_load %arg11[%get3A_1620, %get3A_1621] {strides = array<i32>} : memref<1280x32xf32, #tpu.memory_space<vmem>>, vector<16xf32>,
        %mul3A_1623 = arith.mulf %mul3A_1611, %get3A_1622 : vector<16xf32>
        %add3A_1624 = arith.constant 15 : i32
        %add3A_1625 = arith.addi %mul3A_1449, %add3A_1624 : i32
        %get3A_1626 = arith.index_cast %add3A_1625 : i32 to index
        %get3A_1627 = arith.constant 0 : index
        %get3A_1628 = tpu.vector_load %arg11[%get3A_1626, %get3A_1627] {strides = array<i32>} : memref<1280x32xf32, #tpu.memory_space<vmem>>, vector<16xf32>,
        %mul3A_1629 = arith.mulf %mul3A_1617, %get3A_1628 : vector<16xf32>
        %add3A_1630 = arith.constant 15 : i32
        %add3A_1631 = arith.addi %mul3A_1449, %add3A_1630 : i32
        %get3A_1632 = arith.index_cast %add3A_1631 : i32 to index
        %get3A_1633 = arith.constant 16 : index
        %get3A_1634 = tpu.vector_load %arg11[%get3A_1632, %get3A_1633] {strides = array<i32>} : memref<1280x32xf32, #tpu.memory_space<vmem>>, vector<16xf32>,
        %mul3A_1635 = arith.mulf %mul3A_1623, %get3A_1634 : vector<16xf32>
        %add3A_1636 = arith.constant 16 : i32
        %add3A_1637 = arith.addi %mul3A_1449, %add3A_1636 : i32
        %get3A_1638 = arith.index_cast %add3A_1637 : i32 to index
        %get3A_1639 = arith.constant 0 : index
        %get3A_1640 = tpu.vector_load %arg11[%get3A_1638, %get3A_1639] {strides = array<i32>} : memref<1280x32xf32, #tpu.memory_space<vmem>>, vector<16xf32>,
        %mul3A_1641 = arith.mulf %mul3A_1629, %get3A_1640 : vector<16xf32>
        %add3A_1642 = arith.constant 16 : i32
        %add3A_1643 = arith.addi %mul3A_1449, %add3A_1642 : i32
        %get3A_1644 = arith.index_cast %add3A_1643 : i32 to index
        %get3A_1645 = arith.constant 16 : index
        %get3A_1646 = tpu.vector_load %arg11[%get3A_1644, %get3A_1645] {strides = array<i32>} : memref<1280x32xf32, #tpu.memory_space<vmem>>, vector<16xf32>,
        %mul3A_1647 = arith.mulf %mul3A_1635, %get3A_1646 : vector<16xf32>
        %add3A_1648 = arith.constant 17 : i32
        %add3A_1649 = arith.addi %mul3A_1449, %add3A_1648 : i32
        %get3A_1650 = arith.index_cast %add3A_1649 : i32 to index
        %get3A_1651 = arith.constant 0 : index
        %get3A_1652 = tpu.vector_load %arg11[%get3A_1650, %get3A_1651] {strides = array<i32>} : memref<1280x32xf32, #tpu.memory_space<vmem>>, vector<16xf32>,
        %mul3A_1653 = arith.mulf %mul3A_1641, %get3A_1652 : vector<16xf32>
        %add3A_1654 = arith.constant 17 : i32
        %add3A_1655 = arith.addi %mul3A_1449, %add3A_1654 : i32
        %get3A_1656 = arith.index_cast %add3A_1655 : i32 to index
        %get3A_1657 = arith.constant 16 : index
        %get3A_1658 = tpu.vector_load %arg11[%get3A_1656, %get3A_1657] {strides = array<i32>} : memref<1280x32xf32, #tpu.memory_space<vmem>>, vector<16xf32>,
        %mul3A_1659 = arith.mulf %mul3A_1647, %get3A_1658 : vector<16xf32>
        %add3A_1660 = arith.constant 18 : i32
        %add3A_1661 = arith.addi %mul3A_1449, %add3A_1660 : i32
        %get3A_1662 = arith.index_cast %add3A_1661 : i32 to index
        %get3A_1663 = arith.constant 0 : index
        %get3A_1664 = tpu.vector_load %arg11[%get3A_1662, %get3A_1663] {strides = array<i32>} : memref<1280x32xf32, #tpu.memory_space<vmem>>, vector<16xf32>,
        %mul3A_1665 = arith.mulf %mul3A_1653, %get3A_1664 : vector<16xf32>
        %add3A_1666 = arith.constant 18 : i32
        %add3A_1667 = arith.addi %mul3A_1449, %add3A_1666 : i32
        %get3A_1668 = arith.index_cast %add3A_1667 : i32 to index
        %get3A_1669 = arith.constant 16 : index
        %get3A_1670 = tpu.vector_load %arg11[%get3A_1668, %get3A_1669] {strides = array<i32>} : memref<1280x32xf32, #tpu.memory_space<vmem>>, vector<16xf32>,
        %mul3A_1671 = arith.mulf %mul3A_1659, %get3A_1670 : vector<16xf32>
        %add3A_1672 = arith.constant 19 : i32
        %add3A_1673 = arith.addi %mul3A_1449, %add3A_1672 : i32
        %get3A_1674 = arith.index_cast %add3A_1673 : i32 to index
        %get3A_1675 = arith.constant 0 : index
        %get3A_1676 = tpu.vector_load %arg11[%get3A_1674, %get3A_1675] {strides = array<i32>} : memref<1280x32xf32, #tpu.memory_space<vmem>>, vector<16xf32>,
        %mul3A_1677 = arith.mulf %mul3A_1665, %get3A_1676 : vector<16xf32>
        %add3A_1678 = arith.constant 19 : i32
        %add3A_1679 = arith.addi %mul3A_1449, %add3A_1678 : i32
        %get3A_1680 = arith.index_cast %add3A_1679 : i32 to index
        %get3A_1681 = arith.constant 16 : index
        %get3A_1682 = tpu.vector_load %arg11[%get3A_1680, %get3A_1681] {strides = array<i32>} : memref<1280x32xf32, #tpu.memory_space<vmem>>, vector<16xf32>,
        %mul3A_1683 = arith.mulf %mul3A_1671, %get3A_1682 : vector<16xf32>
        %mul3A_1684 = arith.mulf %mul3A_1677, %get3A_6 : vector<16xf32>
        %mul3A_1685 = arith.mulf %mul3A_1683, %get3A_8 : vector<16xf32>
        %add3A_1686 = arith.addf %mul3A_1684, %mul3A_1685 : vector<16xf32>
        %swap3A_1687 = arith.constant 34 : index
        %swap3A_1688 = tpu.vector_load %arg14[%swap3A_1687] {strides = array<i32>} : memref<272xf32, #tpu.memory_space<vmem>>, vector<16xf32>,
        tpu.vector_store %arg14[%swap3A_1687], %add3A_1686 {strides = array<i32>} : memref<272xf32, #tpu.memory_space<vmem>>, vector<16xf32>,
        %mul3A_1689 = arith.constant 16 : i32
        %mul3A_1690 = arith.muli %add3A_953, %mul3A_1689 : i32
        %add3A_1691 = arith.constant 3 : i32
        %add3A_1692 = arith.addi %mul3A_1690, %add3A_1691 : i32
        %mul3A_1693 = arith.constant 20 : i32
        %mul3A_1694 = arith.muli %add3A_1692, %mul3A_1693 : i32
        %get3A_1695 = arith.index_cast %mul3A_1694 : i32 to index
        %get3A_1696 = arith.constant 0 : index
        %get3A_1697 = tpu.vector_load %arg11[%get3A_1695, %get3A_1696] {strides = array<i32>} : memref<1280x32xf32, #tpu.memory_space<vmem>>, vector<16xf32>,
        %get3A_1698 = arith.index_cast %mul3A_1694 : i32 to index
        %get3A_1699 = arith.constant 16 : index
        %get3A_1700 = tpu.vector_load %arg11[%get3A_1698, %get3A_1699] {strides = array<i32>} : memref<1280x32xf32, #tpu.memory_space<vmem>>, vector<16xf32>,
        %add3A_1701 = arith.constant 1 : i32
        %add3A_1702 = arith.addi %mul3A_1694, %add3A_1701 : i32
        %get3A_1703 = arith.index_cast %add3A_1702 : i32 to index
        %get3A_1704 = arith.constant 0 : index
        %get3A_1705 = tpu.vector_load %arg11[%get3A_1703, %get3A_1704] {strides = array<i32>} : memref<1280x32xf32, #tpu.memory_space<vmem>>, vector<16xf32>,
        %mul3A_1706 = arith.mulf %get3A_1697, %get3A_1705 : vector<16xf32>
        %add3A_1707 = arith.constant 1 : i32
        %add3A_1708 = arith.addi %mul3A_1694, %add3A_1707 : i32
        %get3A_1709 = arith.index_cast %add3A_1708 : i32 to index
        %get3A_1710 = arith.constant 16 : index
        %get3A_1711 = tpu.vector_load %arg11[%get3A_1709, %get3A_1710] {strides = array<i32>} : memref<1280x32xf32, #tpu.memory_space<vmem>>, vector<16xf32>,
        %mul3A_1712 = arith.mulf %get3A_1700, %get3A_1711 : vector<16xf32>
        %add3A_1713 = arith.constant 2 : i32
        %add3A_1714 = arith.addi %mul3A_1694, %add3A_1713 : i32
        %get3A_1715 = arith.index_cast %add3A_1714 : i32 to index
        %get3A_1716 = arith.constant 0 : index
        %get3A_1717 = tpu.vector_load %arg11[%get3A_1715, %get3A_1716] {strides = array<i32>} : memref<1280x32xf32, #tpu.memory_space<vmem>>, vector<16xf32>,
        %mul3A_1718 = arith.mulf %mul3A_1706, %get3A_1717 : vector<16xf32>
        %add3A_1719 = arith.constant 2 : i32
        %add3A_1720 = arith.addi %mul3A_1694, %add3A_1719 : i32
        %get3A_1721 = arith.index_cast %add3A_1720 : i32 to index
        %get3A_1722 = arith.constant 16 : index
        %get3A_1723 = tpu.vector_load %arg11[%get3A_1721, %get3A_1722] {strides = array<i32>} : memref<1280x32xf32, #tpu.memory_space<vmem>>, vector<16xf32>,
        %mul3A_1724 = arith.mulf %mul3A_1712, %get3A_1723 : vector<16xf32>
        %add3A_1725 = arith.constant 3 : i32
        %add3A_1726 = arith.addi %mul3A_1694, %add3A_1725 : i32
        %get3A_1727 = arith.index_cast %add3A_1726 : i32 to index
        %get3A_1728 = arith.constant 0 : index
        %get3A_1729 = tpu.vector_load %arg11[%get3A_1727, %get3A_1728] {strides = array<i32>} : memref<1280x32xf32, #tpu.memory_space<vmem>>, vector<16xf32>,
        %mul3A_1730 = arith.mulf %mul3A_1718, %get3A_1729 : vector<16xf32>
        %add3A_1731 = arith.constant 3 : i32
        %add3A_1732 = arith.addi %mul3A_1694, %add3A_1731 : i32
        %get3A_1733 = arith.index_cast %add3A_1732 : i32 to index
        %get3A_1734 = arith.constant 16 : index
        %get3A_1735 = tpu.vector_load %arg11[%get3A_1733, %get3A_1734] {strides = array<i32>} : memref<1280x32xf32, #tpu.memory_space<vmem>>, vector<16xf32>,
        %mul3A_1736 = arith.mulf %mul3A_1724, %get3A_1735 : vector<16xf32>
        %add3A_1737 = arith.constant 4 : i32
        %add3A_1738 = arith.addi %mul3A_1694, %add3A_1737 : i32
        %get3A_1739 = arith.index_cast %add3A_1738 : i32 to index
        %get3A_1740 = arith.constant 0 : index
        %get3A_1741 = tpu.vector_load %arg11[%get3A_1739, %get3A_1740] {strides = array<i32>} : memref<1280x32xf32, #tpu.memory_space<vmem>>, vector<16xf32>,
        %mul3A_1742 = arith.mulf %mul3A_1730, %get3A_1741 : vector<16xf32>
        %add3A_1743 = arith.constant 4 : i32
        %add3A_1744 = arith.addi %mul3A_1694, %add3A_1743 : i32
        %get3A_1745 = arith.index_cast %add3A_1744 : i32 to index
        %get3A_1746 = arith.constant 16 : index
        %get3A_1747 = tpu.vector_load %arg11[%get3A_1745, %get3A_1746] {strides = array<i32>} : memref<1280x32xf32, #tpu.memory_space<vmem>>, vector<16xf32>,
        %mul3A_1748 = arith.mulf %mul3A_1736, %get3A_1747 : vector<16xf32>
        %add3A_1749 = arith.constant 5 : i32
        %add3A_1750 = arith.addi %mul3A_1694, %add3A_1749 : i32
        %get3A_1751 = arith.index_cast %add3A_1750 : i32 to index
        %get3A_1752 = arith.constant 0 : index
        %get3A_1753 = tpu.vector_load %arg11[%get3A_1751, %get3A_1752] {strides = array<i32>} : memref<1280x32xf32, #tpu.memory_space<vmem>>, vector<16xf32>,
        %mul3A_1754 = arith.mulf %mul3A_1742, %get3A_1753 : vector<16xf32>
        %add3A_1755 = arith.constant 5 : i32
        %add3A_1756 = arith.addi %mul3A_1694, %add3A_1755 : i32
        %get3A_1757 = arith.index_cast %add3A_1756 : i32 to index
        %get3A_1758 = arith.constant 16 : index
        %get3A_1759 = tpu.vector_load %arg11[%get3A_1757, %get3A_1758] {strides = array<i32>} : memref<1280x32xf32, #tpu.memory_space<vmem>>, vector<16xf32>,
        %mul3A_1760 = arith.mulf %mul3A_1748, %get3A_1759 : vector<16xf32>
        %add3A_1761 = arith.constant 6 : i32
        %add3A_1762 = arith.addi %mul3A_1694, %add3A_1761 : i32
        %get3A_1763 = arith.index_cast %add3A_1762 : i32 to index
        %get3A_1764 = arith.constant 0 : index
        %get3A_1765 = tpu.vector_load %arg11[%get3A_1763, %get3A_1764] {strides = array<i32>} : memref<1280x32xf32, #tpu.memory_space<vmem>>, vector<16xf32>,
        %mul3A_1766 = arith.mulf %mul3A_1754, %get3A_1765 : vector<16xf32>
        %add3A_1767 = arith.constant 6 : i32
        %add3A_1768 = arith.addi %mul3A_1694, %add3A_1767 : i32
        %get3A_1769 = arith.index_cast %add3A_1768 : i32 to index
        %get3A_1770 = arith.constant 16 : index
        %get3A_1771 = tpu.vector_load %arg11[%get3A_1769, %get3A_1770] {strides = array<i32>} : memref<1280x32xf32, #tpu.memory_space<vmem>>, vector<16xf32>,
        %mul3A_1772 = arith.mulf %mul3A_1760, %get3A_1771 : vector<16xf32>
        %add3A_1773 = arith.constant 7 : i32
        %add3A_1774 = arith.addi %mul3A_1694, %add3A_1773 : i32
        %get3A_1775 = arith.index_cast %add3A_1774 : i32 to index
        %get3A_1776 = arith.constant 0 : index
        %get3A_1777 = tpu.vector_load %arg11[%get3A_1775, %get3A_1776] {strides = array<i32>} : memref<1280x32xf32, #tpu.memory_space<vmem>>, vector<16xf32>,
        %mul3A_1778 = arith.mulf %mul3A_1766, %get3A_1777 : vector<16xf32>
        %add3A_1779 = arith.constant 7 : i32
        %add3A_1780 = arith.addi %mul3A_1694, %add3A_1779 : i32
        %get3A_1781 = arith.index_cast %add3A_1780 : i32 to index
        %get3A_1782 = arith.constant 16 : index
        %get3A_1783 = tpu.vector_load %arg11[%get3A_1781, %get3A_1782] {strides = array<i32>} : memref<1280x32xf32, #tpu.memory_space<vmem>>, vector<16xf32>,
        %mul3A_1784 = arith.mulf %mul3A_1772, %get3A_1783 : vector<16xf32>
        %add3A_1785 = arith.constant 8 : i32
        %add3A_1786 = arith.addi %mul3A_1694, %add3A_1785 : i32
        %get3A_1787 = arith.index_cast %add3A_1786 : i32 to index
        %get3A_1788 = arith.constant 0 : index
        %get3A_1789 = tpu.vector_load %arg11[%get3A_1787, %get3A_1788] {strides = array<i32>} : memref<1280x32xf32, #tpu.memory_space<vmem>>, vector<16xf32>,
        %mul3A_1790 = arith.mulf %mul3A_1778, %get3A_1789 : vector<16xf32>
        %add3A_1791 = arith.constant 8 : i32
        %add3A_1792 = arith.addi %mul3A_1694, %add3A_1791 : i32
        %get3A_1793 = arith.index_cast %add3A_1792 : i32 to index
        %get3A_1794 = arith.constant 16 : index
        %get3A_1795 = tpu.vector_load %arg11[%get3A_1793, %get3A_1794] {strides = array<i32>} : memref<1280x32xf32, #tpu.memory_space<vmem>>, vector<16xf32>,
        %mul3A_1796 = arith.mulf %mul3A_1784, %get3A_1795 : vector<16xf32>
        %add3A_1797 = arith.constant 9 : i32
        %add3A_1798 = arith.addi %mul3A_1694, %add3A_1797 : i32
        %get3A_1799 = arith.index_cast %add3A_1798 : i32 to index
        %get3A_1800 = arith.constant 0 : index
        %get3A_1801 = tpu.vector_load %arg11[%get3A_1799, %get3A_1800] {strides = array<i32>} : memref<1280x32xf32, #tpu.memory_space<vmem>>, vector<16xf32>,
        %mul3A_1802 = arith.mulf %mul3A_1790, %get3A_1801 : vector<16xf32>
        %add3A_1803 = arith.constant 9 : i32
        %add3A_1804 = arith.addi %mul3A_1694, %add3A_1803 : i32
        %get3A_1805 = arith.index_cast %add3A_1804 : i32 to index
        %get3A_1806 = arith.constant 16 : index
        %get3A_1807 = tpu.vector_load %arg11[%get3A_1805, %get3A_1806] {strides = array<i32>} : memref<1280x32xf32, #tpu.memory_space<vmem>>, vector<16xf32>,
        %mul3A_1808 = arith.mulf %mul3A_1796, %get3A_1807 : vector<16xf32>
        %add3A_1809 = arith.constant 10 : i32
        %add3A_1810 = arith.addi %mul3A_1694, %add3A_1809 : i32
        %get3A_1811 = arith.index_cast %add3A_1810 : i32 to index
        %get3A_1812 = arith.constant 0 : index
        %get3A_1813 = tpu.vector_load %arg11[%get3A_1811, %get3A_1812] {strides = array<i32>} : memref<1280x32xf32, #tpu.memory_space<vmem>>, vector<16xf32>,
        %mul3A_1814 = arith.mulf %mul3A_1802, %get3A_1813 : vector<16xf32>
        %add3A_1815 = arith.constant 10 : i32
        %add3A_1816 = arith.addi %mul3A_1694, %add3A_1815 : i32
        %get3A_1817 = arith.index_cast %add3A_1816 : i32 to index
        %get3A_1818 = arith.constant 16 : index
        %get3A_1819 = tpu.vector_load %arg11[%get3A_1817, %get3A_1818] {strides = array<i32>} : memref<1280x32xf32, #tpu.memory_space<vmem>>, vector<16xf32>,
        %mul3A_1820 = arith.mulf %mul3A_1808, %get3A_1819 : vector<16xf32>
        %add3A_1821 = arith.constant 11 : i32
        %add3A_1822 = arith.addi %mul3A_1694, %add3A_1821 : i32
        %get3A_1823 = arith.index_cast %add3A_1822 : i32 to index
        %get3A_1824 = arith.constant 0 : index
        %get3A_1825 = tpu.vector_load %arg11[%get3A_1823, %get3A_1824] {strides = array<i32>} : memref<1280x32xf32, #tpu.memory_space<vmem>>, vector<16xf32>,
        %mul3A_1826 = arith.mulf %mul3A_1814, %get3A_1825 : vector<16xf32>
        %add3A_1827 = arith.constant 11 : i32
        %add3A_1828 = arith.addi %mul3A_1694, %add3A_1827 : i32
        %get3A_1829 = arith.index_cast %add3A_1828 : i32 to index
        %get3A_1830 = arith.constant 16 : index
        %get3A_1831 = tpu.vector_load %arg11[%get3A_1829, %get3A_1830] {strides = array<i32>} : memref<1280x32xf32, #tpu.memory_space<vmem>>, vector<16xf32>,
        %mul3A_1832 = arith.mulf %mul3A_1820, %get3A_1831 : vector<16xf32>
        %add3A_1833 = arith.constant 12 : i32
        %add3A_1834 = arith.addi %mul3A_1694, %add3A_1833 : i32
        %get3A_1835 = arith.index_cast %add3A_1834 : i32 to index
        %get3A_1836 = arith.constant 0 : index
        %get3A_1837 = tpu.vector_load %arg11[%get3A_1835, %get3A_1836] {strides = array<i32>} : memref<1280x32xf32, #tpu.memory_space<vmem>>, vector<16xf32>,
        %mul3A_1838 = arith.mulf %mul3A_1826, %get3A_1837 : vector<16xf32>
        %add3A_1839 = arith.constant 12 : i32
        %add3A_1840 = arith.addi %mul3A_1694, %add3A_1839 : i32
        %get3A_1841 = arith.index_cast %add3A_1840 : i32 to index
        %get3A_1842 = arith.constant 16 : index
        %get3A_1843 = tpu.vector_load %arg11[%get3A_1841, %get3A_1842] {strides = array<i32>} : memref<1280x32xf32, #tpu.memory_space<vmem>>, vector<16xf32>,
        %mul3A_1844 = arith.mulf %mul3A_1832, %get3A_1843 : vector<16xf32>
        %add3A_1845 = arith.constant 13 : i32
        %add3A_1846 = arith.addi %mul3A_1694, %add3A_1845 : i32
        %get3A_1847 = arith.index_cast %add3A_1846 : i32 to index
        %get3A_1848 = arith.constant 0 : index
        %get3A_1849 = tpu.vector_load %arg11[%get3A_1847, %get3A_1848] {strides = array<i32>} : memref<1280x32xf32, #tpu.memory_space<vmem>>, vector<16xf32>,
        %mul3A_1850 = arith.mulf %mul3A_1838, %get3A_1849 : vector<16xf32>
        %add3A_1851 = arith.constant 13 : i32
        %add3A_1852 = arith.addi %mul3A_1694, %add3A_1851 : i32
        %get3A_1853 = arith.index_cast %add3A_1852 : i32 to index
        %get3A_1854 = arith.constant 16 : index
        %get3A_1855 = tpu.vector_load %arg11[%get3A_1853, %get3A_1854] {strides = array<i32>} : memref<1280x32xf32, #tpu.memory_space<vmem>>, vector<16xf32>,
        %mul3A_1856 = arith.mulf %mul3A_1844, %get3A_1855 : vector<16xf32>
        %add3A_1857 = arith.constant 14 : i32
        %add3A_1858 = arith.addi %mul3A_1694, %add3A_1857 : i32
        %get3A_1859 = arith.index_cast %add3A_1858 : i32 to index
        %get3A_1860 = arith.constant 0 : index
        %get3A_1861 = tpu.vector_load %arg11[%get3A_1859, %get3A_1860] {strides = array<i32>} : memref<1280x32xf32, #tpu.memory_space<vmem>>, vector<16xf32>,
        %mul3A_1862 = arith.mulf %mul3A_1850, %get3A_1861 : vector<16xf32>
        %add3A_1863 = arith.constant 14 : i32
        %add3A_1864 = arith.addi %mul3A_1694, %add3A_1863 : i32
        %get3A_1865 = arith.index_cast %add3A_1864 : i32 to index
        %get3A_1866 = arith.constant 16 : index
        %get3A_1867 = tpu.vector_load %arg11[%get3A_1865, %get3A_1866] {strides = array<i32>} : memref<1280x32xf32, #tpu.memory_space<vmem>>, vector<16xf32>,
        %mul3A_1868 = arith.mulf %mul3A_1856, %get3A_1867 : vector<16xf32>
        %add3A_1869 = arith.constant 15 : i32
        %add3A_1870 = arith.addi %mul3A_1694, %add3A_1869 : i32
        %get3A_1871 = arith.index_cast %add3A_1870 : i32 to index
        %get3A_1872 = arith.constant 0 : index
        %get3A_1873 = tpu.vector_load %arg11[%get3A_1871, %get3A_1872] {strides = array<i32>} : memref<1280x32xf32, #tpu.memory_space<vmem>>, vector<16xf32>,
        %mul3A_1874 = arith.mulf %mul3A_1862, %get3A_1873 : vector<16xf32>
        %add3A_1875 = arith.constant 15 : i32
        %add3A_1876 = arith.addi %mul3A_1694, %add3A_1875 : i32
        %get3A_1877 = arith.index_cast %add3A_1876 : i32 to index
        %get3A_1878 = arith.constant 16 : index
        %get3A_1879 = tpu.vector_load %arg11[%get3A_1877, %get3A_1878] {strides = array<i32>} : memref<1280x32xf32, #tpu.memory_space<vmem>>, vector<16xf32>,
        %mul3A_1880 = arith.mulf %mul3A_1868, %get3A_1879 : vector<16xf32>
        %add3A_1881 = arith.constant 16 : i32
        %add3A_1882 = arith.addi %mul3A_1694, %add3A_1881 : i32
        %get3A_1883 = arith.index_cast %add3A_1882 : i32 to index
        %get3A_1884 = arith.constant 0 : index
        %get3A_1885 = tpu.vector_load %arg11[%get3A_1883, %get3A_1884] {strides = array<i32>} : memref<1280x32xf32, #tpu.memory_space<vmem>>, vector<16xf32>,
        %mul3A_1886 = arith.mulf %mul3A_1874, %get3A_1885 : vector<16xf32>
        %add3A_1887 = arith.constant 16 : i32
        %add3A_1888 = arith.addi %mul3A_1694, %add3A_1887 : i32
        %get3A_1889 = arith.index_cast %add3A_1888 : i32 to index
        %get3A_1890 = arith.constant 16 : index
        %get3A_1891 = tpu.vector_load %arg11[%get3A_1889, %get3A_1890] {strides = array<i32>} : memref<1280x32xf32, #tpu.memory_space<vmem>>, vector<16xf32>,
        %mul3A_1892 = arith.mulf %mul3A_1880, %get3A_1891 : vector<16xf32>
        %add3A_1893 = arith.constant 17 : i32
        %add3A_1894 = arith.addi %mul3A_1694, %add3A_1893 : i32
        %get3A_1895 = arith.index_cast %add3A_1894 : i32 to index
        %get3A_1896 = arith.constant 0 : index
        %get3A_1897 = tpu.vector_load %arg11[%get3A_1895, %get3A_1896] {strides = array<i32>} : memref<1280x32xf32, #tpu.memory_space<vmem>>, vector<16xf32>,
        %mul3A_1898 = arith.mulf %mul3A_1886, %get3A_1897 : vector<16xf32>
        %add3A_1899 = arith.constant 17 : i32
        %add3A_1900 = arith.addi %mul3A_1694, %add3A_1899 : i32
        %get3A_1901 = arith.index_cast %add3A_1900 : i32 to index
        %get3A_1902 = arith.constant 16 : index
        %get3A_1903 = tpu.vector_load %arg11[%get3A_1901, %get3A_1902] {strides = array<i32>} : memref<1280x32xf32, #tpu.memory_space<vmem>>, vector<16xf32>,
        %mul3A_1904 = arith.mulf %mul3A_1892, %get3A_1903 : vector<16xf32>
        %add3A_1905 = arith.constant 18 : i32
        %add3A_1906 = arith.addi %mul3A_1694, %add3A_1905 : i32
        %get3A_1907 = arith.index_cast %add3A_1906 : i32 to index
        %get3A_1908 = arith.constant 0 : index
        %get3A_1909 = tpu.vector_load %arg11[%get3A_1907, %get3A_1908] {strides = array<i32>} : memref<1280x32xf32, #tpu.memory_space<vmem>>, vector<16xf32>,
        %mul3A_1910 = arith.mulf %mul3A_1898, %get3A_1909 : vector<16xf32>
        %add3A_1911 = arith.constant 18 : i32
        %add3A_1912 = arith.addi %mul3A_1694, %add3A_1911 : i32
        %get3A_1913 = arith.index_cast %add3A_1912 : i32 to index
        %get3A_1914 = arith.constant 16 : index
        %get3A_1915 = tpu.vector_load %arg11[%get3A_1913, %get3A_1914] {strides = array<i32>} : memref<1280x32xf32, #tpu.memory_space<vmem>>, vector<16xf32>,
        %mul3A_1916 = arith.mulf %mul3A_1904, %get3A_1915 : vector<16xf32>
        %add3A_1917 = arith.constant 19 : i32
        %add3A_1918 = arith.addi %mul3A_1694, %add3A_1917 : i32
        %get3A_1919 = arith.index_cast %add3A_1918 : i32 to index
        %get3A_1920 = arith.constant 0 : index
        %get3A_1921 = tpu.vector_load %arg11[%get3A_1919, %get3A_1920] {strides = array<i32>} : memref<1280x32xf32, #tpu.memory_space<vmem>>, vector<16xf32>,
        %mul3A_1922 = arith.mulf %mul3A_1910, %get3A_1921 : vector<16xf32>
        %add3A_1923 = arith.constant 19 : i32
        %add3A_1924 = arith.addi %mul3A_1694, %add3A_1923 : i32
        %get3A_1925 = arith.index_cast %add3A_1924 : i32 to index
        %get3A_1926 = arith.constant 16 : index
        %get3A_1927 = tpu.vector_load %arg11[%get3A_1925, %get3A_1926] {strides = array<i32>} : memref<1280x32xf32, #tpu.memory_space<vmem>>, vector<16xf32>,
        %mul3A_1928 = arith.mulf %mul3A_1916, %get3A_1927 : vector<16xf32>
        %mul3A_1929 = arith.mulf %mul3A_1922, %get3A_6 : vector<16xf32>
        %mul3A_1930 = arith.mulf %mul3A_1928, %get3A_8 : vector<16xf32>
        %add3A_1931 = arith.addf %mul3A_1929, %mul3A_1930 : vector<16xf32>
        %swap3A_1932 = arith.constant 51 : index
        %swap3A_1933 = tpu.vector_load %arg14[%swap3A_1932] {strides = array<i32>} : memref<272xf32, #tpu.memory_space<vmem>>, vector<16xf32>,
        tpu.vector_store %arg14[%swap3A_1932], %add3A_1931 {strides = array<i32>} : memref<272xf32, #tpu.memory_space<vmem>>, vector<16xf32>,
        %mul3A_1934 = arith.constant 16 : i32
        %mul3A_1935 = arith.muli %add3A_953, %mul3A_1934 : i32
        %add3A_1936 = arith.constant 4 : i32
        %add3A_1937 = arith.addi %mul3A_1935, %add3A_1936 : i32
        %mul3A_1938 = arith.constant 20 : i32
        %mul3A_1939 = arith.muli %add3A_1937, %mul3A_1938 : i32
        %get3A_1940 = arith.index_cast %mul3A_1939 : i32 to index
        %get3A_1941 = arith.constant 0 : index
        %get3A_1942 = tpu.vector_load %arg11[%get3A_1940, %get3A_1941] {strides = array<i32>} : memref<1280x32xf32, #tpu.memory_space<vmem>>, vector<16xf32>,
        %get3A_1943 = arith.index_cast %mul3A_1939 : i32 to index
        %get3A_1944 = arith.constant 16 : index
        %get3A_1945 = tpu.vector_load %arg11[%get3A_1943, %get3A_1944] {strides = array<i32>} : memref<1280x32xf32, #tpu.memory_space<vmem>>, vector<16xf32>,
        %add3A_1946 = arith.constant 1 : i32
        %add3A_1947 = arith.addi %mul3A_1939, %add3A_1946 : i32
        %get3A_1948 = arith.index_cast %add3A_1947 : i32 to index
        %get3A_1949 = arith.constant 0 : index
        %get3A_1950 = tpu.vector_load %arg11[%get3A_1948, %get3A_1949] {strides = array<i32>} : memref<1280x32xf32, #tpu.memory_space<vmem>>, vector<16xf32>,
        %mul3A_1951 = arith.mulf %get3A_1942, %get3A_1950 : vector<16xf32>
        %add3A_1952 = arith.constant 1 : i32
        %add3A_1953 = arith.addi %mul3A_1939, %add3A_1952 : i32
        %get3A_1954 = arith.index_cast %add3A_1953 : i32 to index
        %get3A_1955 = arith.constant 16 : index
        %get3A_1956 = tpu.vector_load %arg11[%get3A_1954, %get3A_1955] {strides = array<i32>} : memref<1280x32xf32, #tpu.memory_space<vmem>>, vector<16xf32>,
        %mul3A_1957 = arith.mulf %get3A_1945, %get3A_1956 : vector<16xf32>
        %add3A_1958 = arith.constant 2 : i32
        %add3A_1959 = arith.addi %mul3A_1939, %add3A_1958 : i32
        %get3A_1960 = arith.index_cast %add3A_1959 : i32 to index
        %get3A_1961 = arith.constant 0 : index
        %get3A_1962 = tpu.vector_load %arg11[%get3A_1960, %get3A_1961] {strides = array<i32>} : memref<1280x32xf32, #tpu.memory_space<vmem>>, vector<16xf32>,
        %mul3A_1963 = arith.mulf %mul3A_1951, %get3A_1962 : vector<16xf32>
        %add3A_1964 = arith.constant 2 : i32
        %add3A_1965 = arith.addi %mul3A_1939, %add3A_1964 : i32
        %get3A_1966 = arith.index_cast %add3A_1965 : i32 to index
        %get3A_1967 = arith.constant 16 : index
        %get3A_1968 = tpu.vector_load %arg11[%get3A_1966, %get3A_1967] {strides = array<i32>} : memref<1280x32xf32, #tpu.memory_space<vmem>>, vector<16xf32>,
        %mul3A_1969 = arith.mulf %mul3A_1957, %get3A_1968 : vector<16xf32>
        %add3A_1970 = arith.constant 3 : i32
        %add3A_1971 = arith.addi %mul3A_1939, %add3A_1970 : i32
        %get3A_1972 = arith.index_cast %add3A_1971 : i32 to index
        %get3A_1973 = arith.constant 0 : index
        %get3A_1974 = tpu.vector_load %arg11[%get3A_1972, %get3A_1973] {strides = array<i32>} : memref<1280x32xf32, #tpu.memory_space<vmem>>, vector<16xf32>,
        %mul3A_1975 = arith.mulf %mul3A_1963, %get3A_1974 : vector<16xf32>
        %add3A_1976 = arith.constant 3 : i32
        %add3A_1977 = arith.addi %mul3A_1939, %add3A_1976 : i32
        %get3A_1978 = arith.index_cast %add3A_1977 : i32 to index
        %get3A_1979 = arith.constant 16 : index
        %get3A_1980 = tpu.vector_load %arg11[%get3A_1978, %get3A_1979] {strides = array<i32>} : memref<1280x32xf32, #tpu.memory_space<vmem>>, vector<16xf32>,
        %mul3A_1981 = arith.mulf %mul3A_1969, %get3A_1980 : vector<16xf32>
        %add3A_1982 = arith.constant 4 : i32
        %add3A_1983 = arith.addi %mul3A_1939, %add3A_1982 : i32
        %get3A_1984 = arith.index_cast %add3A_1983 : i32 to index
        %get3A_1985 = arith.constant 0 : index
        %get3A_1986 = tpu.vector_load %arg11[%get3A_1984, %get3A_1985] {strides = array<i32>} : memref<1280x32xf32, #tpu.memory_space<vmem>>, vector<16xf32>,
        %mul3A_1987 = arith.mulf %mul3A_1975, %get3A_1986 : vector<16xf32>
        %add3A_1988 = arith.constant 4 : i32
        %add3A_1989 = arith.addi %mul3A_1939, %add3A_1988 : i32
        %get3A_1990 = arith.index_cast %add3A_1989 : i32 to index
        %get3A_1991 = arith.constant 16 : index
        %get3A_1992 = tpu.vector_load %arg11[%get3A_1990, %get3A_1991] {strides = array<i32>} : memref<1280x32xf32, #tpu.memory_space<vmem>>, vector<16xf32>,
        %mul3A_1993 = arith.mulf %mul3A_1981, %get3A_1992 : vector<16xf32>
        %add3A_1994 = arith.constant 5 : i32
        %add3A_1995 = arith.addi %mul3A_1939, %add3A_1994 : i32
        %get3A_1996 = arith.index_cast %add3A_1995 : i32 to index
        %get3A_1997 = arith.constant 0 : index
        %get3A_1998 = tpu.vector_load %arg11[%get3A_1996, %get3A_1997] {strides = array<i32>} : memref<1280x32xf32, #tpu.memory_space<vmem>>, vector<16xf32>,
        %mul3A_1999 = arith.mulf %mul3A_1987, %get3A_1998 : vector<16xf32>
        %add3A_2000 = arith.constant 5 : i32
        %add3A_2001 = arith.addi %mul3A_1939, %add3A_2000 : i32
        %get3A_2002 = arith.index_cast %add3A_2001 : i32 to index
        %get3A_2003 = arith.constant 16 : index
        %get3A_2004 = tpu.vector_load %arg11[%get3A_2002, %get3A_2003] {strides = array<i32>} : memref<1280x32xf32, #tpu.memory_space<vmem>>, vector<16xf32>,
        %mul3A_2005 = arith.mulf %mul3A_1993, %get3A_2004 : vector<16xf32>
        %add3A_2006 = arith.constant 6 : i32
        %add3A_2007 = arith.addi %mul3A_1939, %add3A_2006 : i32
        %get3A_2008 = arith.index_cast %add3A_2007 : i32 to index
        %get3A_2009 = arith.constant 0 : index
        %get3A_2010 = tpu.vector_load %arg11[%get3A_2008, %get3A_2009] {strides = array<i32>} : memref<1280x32xf32, #tpu.memory_space<vmem>>, vector<16xf32>,
        %mul3A_2011 = arith.mulf %mul3A_1999, %get3A_2010 : vector<16xf32>
        %add3A_2012 = arith.constant 6 : i32
        %add3A_2013 = arith.addi %mul3A_1939, %add3A_2012 : i32
        %get3A_2014 = arith.index_cast %add3A_2013 : i32 to index
        %get3A_2015 = arith.constant 16 : index
        %get3A_2016 = tpu.vector_load %arg11[%get3A_2014, %get3A_2015] {strides = array<i32>} : memref<1280x32xf32, #tpu.memory_space<vmem>>, vector<16xf32>,
        %mul3A_2017 = arith.mulf %mul3A_2005, %get3A_2016 : vector<16xf32>
        %add3A_2018 = arith.constant 7 : i32
        %add3A_2019 = arith.addi %mul3A_1939, %add3A_2018 : i32
        %get3A_2020 = arith.index_cast %add3A_2019 : i32 to index
        %get3A_2021 = arith.constant 0 : index
        %get3A_2022 = tpu.vector_load %arg11[%get3A_2020, %get3A_2021] {strides = array<i32>} : memref<1280x32xf32, #tpu.memory_space<vmem>>, vector<16xf32>,
        %mul3A_2023 = arith.mulf %mul3A_2011, %get3A_2022 : vector<16xf32>
        %add3A_2024 = arith.constant 7 : i32
        %add3A_2025 = arith.addi %mul3A_1939, %add3A_2024 : i32
        %get3A_2026 = arith.index_cast %add3A_2025 : i32 to index
        %get3A_2027 = arith.constant 16 : index
        %get3A_2028 = tpu.vector_load %arg11[%get3A_2026, %get3A_2027] {strides = array<i32>} : memref<1280x32xf32, #tpu.memory_space<vmem>>, vector<16xf32>,
        %mul3A_2029 = arith.mulf %mul3A_2017, %get3A_2028 : vector<16xf32>
        %add3A_2030 = arith.constant 8 : i32
        %add3A_2031 = arith.addi %mul3A_1939, %add3A_2030 : i32
        %get3A_2032 = arith.index_cast %add3A_2031 : i32 to index
        %get3A_2033 = arith.constant 0 : index
        %get3A_2034 = tpu.vector_load %arg11[%get3A_2032, %get3A_2033] {strides = array<i32>} : memref<1280x32xf32, #tpu.memory_space<vmem>>, vector<16xf32>,
        %mul3A_2035 = arith.mulf %mul3A_2023, %get3A_2034 : vector<16xf32>
        %add3A_2036 = arith.constant 8 : i32
        %add3A_2037 = arith.addi %mul3A_1939, %add3A_2036 : i32
        %get3A_2038 = arith.index_cast %add3A_2037 : i32 to index
        %get3A_2039 = arith.constant 16 : index
        %get3A_2040 = tpu.vector_load %arg11[%get3A_2038, %get3A_2039] {strides = array<i32>} : memref<1280x32xf32, #tpu.memory_space<vmem>>, vector<16xf32>,
        %mul3A_2041 = arith.mulf %mul3A_2029, %get3A_2040 : vector<16xf32>
        %add3A_2042 = arith.constant 9 : i32
        %add3A_2043 = arith.addi %mul3A_1939, %add3A_2042 : i32
        %get3A_2044 = arith.index_cast %add3A_2043 : i32 to index
        %get3A_2045 = arith.constant 0 : index
        %get3A_2046 = tpu.vector_load %arg11[%get3A_2044, %get3A_2045] {strides = array<i32>} : memref<1280x32xf32, #tpu.memory_space<vmem>>, vector<16xf32>,
        %mul3A_2047 = arith.mulf %mul3A_2035, %get3A_2046 : vector<16xf32>
        %add3A_2048 = arith.constant 9 : i32
        %add3A_2049 = arith.addi %mul3A_1939, %add3A_2048 : i32
        %get3A_2050 = arith.index_cast %add3A_2049 : i32 to index
        %get3A_2051 = arith.constant 16 : index
        %get3A_2052 = tpu.vector_load %arg11[%get3A_2050, %get3A_2051] {strides = array<i32>} : memref<1280x32xf32, #tpu.memory_space<vmem>>, vector<16xf32>,
        %mul3A_2053 = arith.mulf %mul3A_2041, %get3A_2052 : vector<16xf32>
        %add3A_2054 = arith.constant 10 : i32
        %add3A_2055 = arith.addi %mul3A_1939, %add3A_2054 : i32
        %get3A_2056 = arith.index_cast %add3A_2055 : i32 to index
        %get3A_2057 = arith.constant 0 : index
        %get3A_2058 = tpu.vector_load %arg11[%get3A_2056, %get3A_2057] {strides = array<i32>} : memref<1280x32xf32, #tpu.memory_space<vmem>>, vector<16xf32>,
        %mul3A_2059 = arith.mulf %mul3A_2047, %get3A_2058 : vector<16xf32>
        %add3A_2060 = arith.constant 10 : i32
        %add3A_2061 = arith.addi %mul3A_1939, %add3A_2060 : i32
        %get3A_2062 = arith.index_cast %add3A_2061 : i32 to index
        %get3A_2063 = arith.constant 16 : index
        %get3A_2064 = tpu.vector_load %arg11[%get3A_2062, %get3A_2063] {strides = array<i32>} : memref<1280x32xf32, #tpu.memory_space<vmem>>, vector<16xf32>,
        %mul3A_2065 = arith.mulf %mul3A_2053, %get3A_2064 : vector<16xf32>
        %add3A_2066 = arith.constant 11 : i32
        %add3A_2067 = arith.addi %mul3A_1939, %add3A_2066 : i32
        %get3A_2068 = arith.index_cast %add3A_2067 : i32 to index
        %get3A_2069 = arith.constant 0 : index
        %get3A_2070 = tpu.vector_load %arg11[%get3A_2068, %get3A_2069] {strides = array<i32>} : memref<1280x32xf32, #tpu.memory_space<vmem>>, vector<16xf32>,
        %mul3A_2071 = arith.mulf %mul3A_2059, %get3A_2070 : vector<16xf32>
        %add3A_2072 = arith.constant 11 : i32
        %add3A_2073 = arith.addi %mul3A_1939, %add3A_2072 : i32
        %get3A_2074 = arith.index_cast %add3A_2073 : i32 to index
        %get3A_2075 = arith.constant 16 : index
        %get3A_2076 = tpu.vector_load %arg11[%get3A_2074, %get3A_2075] {strides = array<i32>} : memref<1280x32xf32, #tpu.memory_space<vmem>>, vector<16xf32>,
        %mul3A_2077 = arith.mulf %mul3A_2065, %get3A_2076 : vector<16xf32>
        %add3A_2078 = arith.constant 12 : i32
        %add3A_2079 = arith.addi %mul3A_1939, %add3A_2078 : i32
        %get3A_2080 = arith.index_cast %add3A_2079 : i32 to index
        %get3A_2081 = arith.constant 0 : index
        %get3A_2082 = tpu.vector_load %arg11[%get3A_2080, %get3A_2081] {strides = array<i32>} : memref<1280x32xf32, #tpu.memory_space<vmem>>, vector<16xf32>,
        %mul3A_2083 = arith.mulf %mul3A_2071, %get3A_2082 : vector<16xf32>
        %add3A_2084 = arith.constant 12 : i32
        %add3A_2085 = arith.addi %mul3A_1939, %add3A_2084 : i32
        %get3A_2086 = arith.index_cast %add3A_2085 : i32 to index
        %get3A_2087 = arith.constant 16 : index
        %get3A_2088 = tpu.vector_load %arg11[%get3A_2086, %get3A_2087] {strides = array<i32>} : memref<1280x32xf32, #tpu.memory_space<vmem>>, vector<16xf32>,
        %mul3A_2089 = arith.mulf %mul3A_2077, %get3A_2088 : vector<16xf32>
        %add3A_2090 = arith.constant 13 : i32
        %add3A_2091 = arith.addi %mul3A_1939, %add3A_2090 : i32
        %get3A_2092 = arith.index_cast %add3A_2091 : i32 to index
        %get3A_2093 = arith.constant 0 : index
        %get3A_2094 = tpu.vector_load %arg11[%get3A_2092, %get3A_2093] {strides = array<i32>} : memref<1280x32xf32, #tpu.memory_space<vmem>>, vector<16xf32>,
        %mul3A_2095 = arith.mulf %mul3A_2083, %get3A_2094 : vector<16xf32>
        %add3A_2096 = arith.constant 13 : i32
        %add3A_2097 = arith.addi %mul3A_1939, %add3A_2096 : i32
        %get3A_2098 = arith.index_cast %add3A_2097 : i32 to index
        %get3A_2099 = arith.constant 16 : index
        %get3A_2100 = tpu.vector_load %arg11[%get3A_2098, %get3A_2099] {strides = array<i32>} : memref<1280x32xf32, #tpu.memory_space<vmem>>, vector<16xf32>,
        %mul3A_2101 = arith.mulf %mul3A_2089, %get3A_2100 : vector<16xf32>
        %add3A_2102 = arith.constant 14 : i32
        %add3A_2103 = arith.addi %mul3A_1939, %add3A_2102 : i32
        %get3A_2104 = arith.index_cast %add3A_2103 : i32 to index
        %get3A_2105 = arith.constant 0 : index
        %get3A_2106 = tpu.vector_load %arg11[%get3A_2104, %get3A_2105] {strides = array<i32>} : memref<1280x32xf32, #tpu.memory_space<vmem>>, vector<16xf32>,
        %mul3A_2107 = arith.mulf %mul3A_2095, %get3A_2106 : vector<16xf32>
        %add3A_2108 = arith.constant 14 : i32
        %add3A_2109 = arith.addi %mul3A_1939, %add3A_2108 : i32
        %get3A_2110 = arith.index_cast %add3A_2109 : i32 to index
        %get3A_2111 = arith.constant 16 : index
        %get3A_2112 = tpu.vector_load %arg11[%get3A_2110, %get3A_2111] {strides = array<i32>} : memref<1280x32xf32, #tpu.memory_space<vmem>>, vector<16xf32>,
        %mul3A_2113 = arith.mulf %mul3A_2101, %get3A_2112 : vector<16xf32>
        %add3A_2114 = arith.constant 15 : i32
        %add3A_2115 = arith.addi %mul3A_1939, %add3A_2114 : i32
        %get3A_2116 = arith.index_cast %add3A_2115 : i32 to index
        %get3A_2117 = arith.constant 0 : index
        %get3A_2118 = tpu.vector_load %arg11[%get3A_2116, %get3A_2117] {strides = array<i32>} : memref<1280x32xf32, #tpu.memory_space<vmem>>, vector<16xf32>,
        %mul3A_2119 = arith.mulf %mul3A_2107, %get3A_2118 : vector<16xf32>
        %add3A_2120 = arith.constant 15 : i32
        %add3A_2121 = arith.addi %mul3A_1939, %add3A_2120 : i32
        %get3A_2122 = arith.index_cast %add3A_2121 : i32 to index
        %get3A_2123 = arith.constant 16 : index
        %get3A_2124 = tpu.vector_load %arg11[%get3A_2122, %get3A_2123] {strides = array<i32>} : memref<1280x32xf32, #tpu.memory_space<vmem>>, vector<16xf32>,
        %mul3A_2125 = arith.mulf %mul3A_2113, %get3A_2124 : vector<16xf32>
        %add3A_2126 = arith.constant 16 : i32
        %add3A_2127 = arith.addi %mul3A_1939, %add3A_2126 : i32
        %get3A_2128 = arith.index_cast %add3A_2127 : i32 to index
        %get3A_2129 = arith.constant 0 : index
        %get3A_2130 = tpu.vector_load %arg11[%get3A_2128, %get3A_2129] {strides = array<i32>} : memref<1280x32xf32, #tpu.memory_space<vmem>>, vector<16xf32>,
        %mul3A_2131 = arith.mulf %mul3A_2119, %get3A_2130 : vector<16xf32>
        %add3A_2132 = arith.constant 16 : i32
        %add3A_2133 = arith.addi %mul3A_1939, %add3A_2132 : i32
        %get3A_2134 = arith.index_cast %add3A_2133 : i32 to index
        %get3A_2135 = arith.constant 16 : index
        %get3A_2136 = tpu.vector_load %arg11[%get3A_2134, %get3A_2135] {strides = array<i32>} : memref<1280x32xf32, #tpu.memory_space<vmem>>, vector<16xf32>,
        %mul3A_2137 = arith.mulf %mul3A_2125, %get3A_2136 : vector<16xf32>
        %add3A_2138 = arith.constant 17 : i32
        %add3A_2139 = arith.addi %mul3A_1939, %add3A_2138 : i32
        %get3A_2140 = arith.index_cast %add3A_2139 : i32 to index
        %get3A_2141 = arith.constant 0 : index
        %get3A_2142 = tpu.vector_load %arg11[%get3A_2140, %get3A_2141] {strides = array<i32>} : memref<1280x32xf32, #tpu.memory_space<vmem>>, vector<16xf32>,
        %mul3A_2143 = arith.mulf %mul3A_2131, %get3A_2142 : vector<16xf32>
        %add3A_2144 = arith.constant 17 : i32
        %add3A_2145 = arith.addi %mul3A_1939, %add3A_2144 : i32
        %get3A_2146 = arith.index_cast %add3A_2145 : i32 to index
        %get3A_2147 = arith.constant 16 : index
        %get3A_2148 = tpu.vector_load %arg11[%get3A_2146, %get3A_2147] {strides = array<i32>} : memref<1280x32xf32, #tpu.memory_space<vmem>>, vector<16xf32>,
        %mul3A_2149 = arith.mulf %mul3A_2137, %get3A_2148 : vector<16xf32>
        %add3A_2150 = arith.constant 18 : i32
        %add3A_2151 = arith.addi %mul3A_1939, %add3A_2150 : i32
        %get3A_2152 = arith.index_cast %add3A_2151 : i32 to index
        %get3A_2153 = arith.constant 0 : index
        %get3A_2154 = tpu.vector_load %arg11[%get3A_2152, %get3A_2153] {strides = array<i32>} : memref<1280x32xf32, #tpu.memory_space<vmem>>, vector<16xf32>,
        %mul3A_2155 = arith.mulf %mul3A_2143, %get3A_2154 : vector<16xf32>
        %add3A_2156 = arith.constant 18 : i32
        %add3A_2157 = arith.addi %mul3A_1939, %add3A_2156 : i32
        %get3A_2158 = arith.index_cast %add3A_2157 : i32 to index
        %get3A_2159 = arith.constant 16 : index
        %get3A_2160 = tpu.vector_load %arg11[%get3A_2158, %get3A_2159] {strides = array<i32>} : memref<1280x32xf32, #tpu.memory_space<vmem>>, vector<16xf32>,
        %mul3A_2161 = arith.mulf %mul3A_2149, %get3A_2160 : vector<16xf32>
        %add3A_2162 = arith.constant 19 : i32
        %add3A_2163 = arith.addi %mul3A_1939, %add3A_2162 : i32
        %get3A_2164 = arith.index_cast %add3A_2163 : i32 to index
        %get3A_2165 = arith.constant 0 : index
        %get3A_2166 = tpu.vector_load %arg11[%get3A_2164, %get3A_2165] {strides = array<i32>} : memref<1280x32xf32, #tpu.memory_space<vmem>>, vector<16xf32>,
        %mul3A_2167 = arith.mulf %mul3A_2155, %get3A_2166 : vector<16xf32>
        %add3A_2168 = arith.constant 19 : i32
        %add3A_2169 = arith.addi %mul3A_1939, %add3A_2168 : i32
        %get3A_2170 = arith.index_cast %add3A_2169 : i32 to index
        %get3A_2171 = arith.constant 16 : index
        %get3A_2172 = tpu.vector_load %arg11[%get3A_2170, %get3A_2171] {strides = array<i32>} : memref<1280x32xf32, #tpu.memory_space<vmem>>, vector<16xf32>,
        %mul3A_2173 = arith.mulf %mul3A_2161, %get3A_2172 : vector<16xf32>
        %mul3A_2174 = arith.mulf %mul3A_2167, %get3A_6 : vector<16xf32>
        %mul3A_2175 = arith.mulf %mul3A_2173, %get3A_8 : vector<16xf32>
        %add3A_2176 = arith.addf %mul3A_2174, %mul3A_2175 : vector<16xf32>
        %swap3A_2177 = arith.constant 68 : index
        %swap3A_2178 = tpu.vector_load %arg14[%swap3A_2177] {strides = array<i32>} : memref<272xf32, #tpu.memory_space<vmem>>, vector<16xf32>,
        tpu.vector_store %arg14[%swap3A_2177], %add3A_2176 {strides = array<i32>} : memref<272xf32, #tpu.memory_space<vmem>>, vector<16xf32>,
        %mul3A_2179 = arith.constant 16 : i32
        %mul3A_2180 = arith.muli %add3A_953, %mul3A_2179 : i32
        %add3A_2181 = arith.constant 5 : i32
        %add3A_2182 = arith.addi %mul3A_2180, %add3A_2181 : i32
        %mul3A_2183 = arith.constant 20 : i32
        %mul3A_2184 = arith.muli %add3A_2182, %mul3A_2183 : i32
        %get3A_2185 = arith.index_cast %mul3A_2184 : i32 to index
        %get3A_2186 = arith.constant 0 : index
        %get3A_2187 = tpu.vector_load %arg11[%get3A_2185, %get3A_2186] {strides = array<i32>} : memref<1280x32xf32, #tpu.memory_space<vmem>>, vector<16xf32>,
        %get3A_2188 = arith.index_cast %mul3A_2184 : i32 to index
        %get3A_2189 = arith.constant 16 : index
        %get3A_2190 = tpu.vector_load %arg11[%get3A_2188, %get3A_2189] {strides = array<i32>} : memref<1280x32xf32, #tpu.memory_space<vmem>>, vector<16xf32>,
        %add3A_2191 = arith.constant 1 : i32
        %add3A_2192 = arith.addi %mul3A_2184, %add3A_2191 : i32
        %get3A_2193 = arith.index_cast %add3A_2192 : i32 to index
        %get3A_2194 = arith.constant 0 : index
        %get3A_2195 = tpu.vector_load %arg11[%get3A_2193, %get3A_2194] {strides = array<i32>} : memref<1280x32xf32, #tpu.memory_space<vmem>>, vector<16xf32>,
        %mul3A_2196 = arith.mulf %get3A_2187, %get3A_2195 : vector<16xf32>
        %add3A_2197 = arith.constant 1 : i32
        %add3A_2198 = arith.addi %mul3A_2184, %add3A_2197 : i32
        %get3A_2199 = arith.index_cast %add3A_2198 : i32 to index
        %get3A_2200 = arith.constant 16 : index
        %get3A_2201 = tpu.vector_load %arg11[%get3A_2199, %get3A_2200] {strides = array<i32>} : memref<1280x32xf32, #tpu.memory_space<vmem>>, vector<16xf32>,
        %mul3A_2202 = arith.mulf %get3A_2190, %get3A_2201 : vector<16xf32>
        %add3A_2203 = arith.constant 2 : i32
        %add3A_2204 = arith.addi %mul3A_2184, %add3A_2203 : i32
        %get3A_2205 = arith.index_cast %add3A_2204 : i32 to index
        %get3A_2206 = arith.constant 0 : index
        %get3A_2207 = tpu.vector_load %arg11[%get3A_2205, %get3A_2206] {strides = array<i32>} : memref<1280x32xf32, #tpu.memory_space<vmem>>, vector<16xf32>,
        %mul3A_2208 = arith.mulf %mul3A_2196, %get3A_2207 : vector<16xf32>
        %add3A_2209 = arith.constant 2 : i32
        %add3A_2210 = arith.addi %mul3A_2184, %add3A_2209 : i32
        %get3A_2211 = arith.index_cast %add3A_2210 : i32 to index
        %get3A_2212 = arith.constant 16 : index
        %get3A_2213 = tpu.vector_load %arg11[%get3A_2211, %get3A_2212] {strides = array<i32>} : memref<1280x32xf32, #tpu.memory_space<vmem>>, vector<16xf32>,
        %mul3A_2214 = arith.mulf %mul3A_2202, %get3A_2213 : vector<16xf32>
        %add3A_2215 = arith.constant 3 : i32
        %add3A_2216 = arith.addi %mul3A_2184, %add3A_2215 : i32
        %get3A_2217 = arith.index_cast %add3A_2216 : i32 to index
        %get3A_2218 = arith.constant 0 : index
        %get3A_2219 = tpu.vector_load %arg11[%get3A_2217, %get3A_2218] {strides = array<i32>} : memref<1280x32xf32, #tpu.memory_space<vmem>>, vector<16xf32>,
        %mul3A_2220 = arith.mulf %mul3A_2208, %get3A_2219 : vector<16xf32>
        %add3A_2221 = arith.constant 3 : i32
        %add3A_2222 = arith.addi %mul3A_2184, %add3A_2221 : i32
        %get3A_2223 = arith.index_cast %add3A_2222 : i32 to index
        %get3A_2224 = arith.constant 16 : index
        %get3A_2225 = tpu.vector_load %arg11[%get3A_2223, %get3A_2224] {strides = array<i32>} : memref<1280x32xf32, #tpu.memory_space<vmem>>, vector<16xf32>,
        %mul3A_2226 = arith.mulf %mul3A_2214, %get3A_2225 : vector<16xf32>
        %add3A_2227 = arith.constant 4 : i32
        %add3A_2228 = arith.addi %mul3A_2184, %add3A_2227 : i32
        %get3A_2229 = arith.index_cast %add3A_2228 : i32 to index
        %get3A_2230 = arith.constant 0 : index
        %get3A_2231 = tpu.vector_load %arg11[%get3A_2229, %get3A_2230] {strides = array<i32>} : memref<1280x32xf32, #tpu.memory_space<vmem>>, vector<16xf32>,
        %mul3A_2232 = arith.mulf %mul3A_2220, %get3A_2231 : vector<16xf32>
        %add3A_2233 = arith.constant 4 : i32
        %add3A_2234 = arith.addi %mul3A_2184, %add3A_2233 : i32
        %get3A_2235 = arith.index_cast %add3A_2234 : i32 to index
        %get3A_2236 = arith.constant 16 : index
        %get3A_2237 = tpu.vector_load %arg11[%get3A_2235, %get3A_2236] {strides = array<i32>} : memref<1280x32xf32, #tpu.memory_space<vmem>>, vector<16xf32>,
        %mul3A_2238 = arith.mulf %mul3A_2226, %get3A_2237 : vector<16xf32>
        %add3A_2239 = arith.constant 5 : i32
        %add3A_2240 = arith.addi %mul3A_2184, %add3A_2239 : i32
        %get3A_2241 = arith.index_cast %add3A_2240 : i32 to index
        %get3A_2242 = arith.constant 0 : index
        %get3A_2243 = tpu.vector_load %arg11[%get3A_2241, %get3A_2242] {strides = array<i32>} : memref<1280x32xf32, #tpu.memory_space<vmem>>, vector<16xf32>,
        %mul3A_2244 = arith.mulf %mul3A_2232, %get3A_2243 : vector<16xf32>
        %add3A_2245 = arith.constant 5 : i32
        %add3A_2246 = arith.addi %mul3A_2184, %add3A_2245 : i32
        %get3A_2247 = arith.index_cast %add3A_2246 : i32 to index
        %get3A_2248 = arith.constant 16 : index
        %get3A_2249 = tpu.vector_load %arg11[%get3A_2247, %get3A_2248] {strides = array<i32>} : memref<1280x32xf32, #tpu.memory_space<vmem>>, vector<16xf32>,
        %mul3A_2250 = arith.mulf %mul3A_2238, %get3A_2249 : vector<16xf32>
        %add3A_2251 = arith.constant 6 : i32
        %add3A_2252 = arith.addi %mul3A_2184, %add3A_2251 : i32
        %get3A_2253 = arith.index_cast %add3A_2252 : i32 to index
        %get3A_2254 = arith.constant 0 : index
        %get3A_2255 = tpu.vector_load %arg11[%get3A_2253, %get3A_2254] {strides = array<i32>} : memref<1280x32xf32, #tpu.memory_space<vmem>>, vector<16xf32>,
        %mul3A_2256 = arith.mulf %mul3A_2244, %get3A_2255 : vector<16xf32>
        %add3A_2257 = arith.constant 6 : i32
        %add3A_2258 = arith.addi %mul3A_2184, %add3A_2257 : i32
        %get3A_2259 = arith.index_cast %add3A_2258 : i32 to index
        %get3A_2260 = arith.constant 16 : index
        %get3A_2261 = tpu.vector_load %arg11[%get3A_2259, %get3A_2260] {strides = array<i32>} : memref<1280x32xf32, #tpu.memory_space<vmem>>, vector<16xf32>,
        %mul3A_2262 = arith.mulf %mul3A_2250, %get3A_2261 : vector<16xf32>
        %add3A_2263 = arith.constant 7 : i32
        %add3A_2264 = arith.addi %mul3A_2184, %add3A_2263 : i32
        %get3A_2265 = arith.index_cast %add3A_2264 : i32 to index
        %get3A_2266 = arith.constant 0 : index
        %get3A_2267 = tpu.vector_load %arg11[%get3A_2265, %get3A_2266] {strides = array<i32>} : memref<1280x32xf32, #tpu.memory_space<vmem>>, vector<16xf32>,
        %mul3A_2268 = arith.mulf %mul3A_2256, %get3A_2267 : vector<16xf32>
        %add3A_2269 = arith.constant 7 : i32
        %add3A_2270 = arith.addi %mul3A_2184, %add3A_2269 : i32
        %get3A_2271 = arith.index_cast %add3A_2270 : i32 to index
        %get3A_2272 = arith.constant 16 : index
        %get3A_2273 = tpu.vector_load %arg11[%get3A_2271, %get3A_2272] {strides = array<i32>} : memref<1280x32xf32, #tpu.memory_space<vmem>>, vector<16xf32>,
        %mul3A_2274 = arith.mulf %mul3A_2262, %get3A_2273 : vector<16xf32>
        %add3A_2275 = arith.constant 8 : i32
        %add3A_2276 = arith.addi %mul3A_2184, %add3A_2275 : i32
        %get3A_2277 = arith.index_cast %add3A_2276 : i32 to index
        %get3A_2278 = arith.constant 0 : index
        %get3A_2279 = tpu.vector_load %arg11[%get3A_2277, %get3A_2278] {strides = array<i32>} : memref<1280x32xf32, #tpu.memory_space<vmem>>, vector<16xf32>,
        %mul3A_2280 = arith.mulf %mul3A_2268, %get3A_2279 : vector<16xf32>
        %add3A_2281 = arith.constant 8 : i32
        %add3A_2282 = arith.addi %mul3A_2184, %add3A_2281 : i32
        %get3A_2283 = arith.index_cast %add3A_2282 : i32 to index
        %get3A_2284 = arith.constant 16 : index
        %get3A_2285 = tpu.vector_load %arg11[%get3A_2283, %get3A_2284] {strides = array<i32>} : memref<1280x32xf32, #tpu.memory_space<vmem>>, vector<16xf32>,
        %mul3A_2286 = arith.mulf %mul3A_2274, %get3A_2285 : vector<16xf32>
        %add3A_2287 = arith.constant 9 : i32
        %add3A_2288 = arith.addi %mul3A_2184, %add3A_2287 : i32
        %get3A_2289 = arith.index_cast %add3A_2288 : i32 to index
        %get3A_2290 = arith.constant 0 : index
        %get3A_2291 = tpu.vector_load %arg11[%get3A_2289, %get3A_2290] {strides = array<i32>} : memref<1280x32xf32, #tpu.memory_space<vmem>>, vector<16xf32>,
        %mul3A_2292 = arith.mulf %mul3A_2280, %get3A_2291 : vector<16xf32>
        %add3A_2293 = arith.constant 9 : i32
        %add3A_2294 = arith.addi %mul3A_2184, %add3A_2293 : i32
        %get3A_2295 = arith.index_cast %add3A_2294 : i32 to index
        %get3A_2296 = arith.constant 16 : index
        %get3A_2297 = tpu.vector_load %arg11[%get3A_2295, %get3A_2296] {strides = array<i32>} : memref<1280x32xf32, #tpu.memory_space<vmem>>, vector<16xf32>,
        %mul3A_2298 = arith.mulf %mul3A_2286, %get3A_2297 : vector<16xf32>
        %add3A_2299 = arith.constant 10 : i32
        %add3A_2300 = arith.addi %mul3A_2184, %add3A_2299 : i32
        %get3A_2301 = arith.index_cast %add3A_2300 : i32 to index
        %get3A_2302 = arith.constant 0 : index
        %get3A_2303 = tpu.vector_load %arg11[%get3A_2301, %get3A_2302] {strides = array<i32>} : memref<1280x32xf32, #tpu.memory_space<vmem>>, vector<16xf32>,
        %mul3A_2304 = arith.mulf %mul3A_2292, %get3A_2303 : vector<16xf32>
        %add3A_2305 = arith.constant 10 : i32
        %add3A_2306 = arith.addi %mul3A_2184, %add3A_2305 : i32
        %get3A_2307 = arith.index_cast %add3A_2306 : i32 to index
        %get3A_2308 = arith.constant 16 : index
        %get3A_2309 = tpu.vector_load %arg11[%get3A_2307, %get3A_2308] {strides = array<i32>} : memref<1280x32xf32, #tpu.memory_space<vmem>>, vector<16xf32>,
        %mul3A_2310 = arith.mulf %mul3A_2298, %get3A_2309 : vector<16xf32>
        %add3A_2311 = arith.constant 11 : i32
        %add3A_2312 = arith.addi %mul3A_2184, %add3A_2311 : i32
        %get3A_2313 = arith.index_cast %add3A_2312 : i32 to index
        %get3A_2314 = arith.constant 0 : index
        %get3A_2315 = tpu.vector_load %arg11[%get3A_2313, %get3A_2314] {strides = array<i32>} : memref<1280x32xf32, #tpu.memory_space<vmem>>, vector<16xf32>,
        %mul3A_2316 = arith.mulf %mul3A_2304, %get3A_2315 : vector<16xf32>
        %add3A_2317 = arith.constant 11 : i32
        %add3A_2318 = arith.addi %mul3A_2184, %add3A_2317 : i32
        %get3A_2319 = arith.index_cast %add3A_2318 : i32 to index
        %get3A_2320 = arith.constant 16 : index
        %get3A_2321 = tpu.vector_load %arg11[%get3A_2319, %get3A_2320] {strides = array<i32>} : memref<1280x32xf32, #tpu.memory_space<vmem>>, vector<16xf32>,
        %mul3A_2322 = arith.mulf %mul3A_2310, %get3A_2321 : vector<16xf32>
        %add3A_2323 = arith.constant 12 : i32
        %add3A_2324 = arith.addi %mul3A_2184, %add3A_2323 : i32
        %get3A_2325 = arith.index_cast %add3A_2324 : i32 to index
        %get3A_2326 = arith.constant 0 : index
        %get3A_2327 = tpu.vector_load %arg11[%get3A_2325, %get3A_2326] {strides = array<i32>} : memref<1280x32xf32, #tpu.memory_space<vmem>>, vector<16xf32>,
        %mul3A_2328 = arith.mulf %mul3A_2316, %get3A_2327 : vector<16xf32>
        %add3A_2329 = arith.constant 12 : i32
        %add3A_2330 = arith.addi %mul3A_2184, %add3A_2329 : i32
        %get3A_2331 = arith.index_cast %add3A_2330 : i32 to index
        %get3A_2332 = arith.constant 16 : index
        %get3A_2333 = tpu.vector_load %arg11[%get3A_2331, %get3A_2332] {strides = array<i32>} : memref<1280x32xf32, #tpu.memory_space<vmem>>, vector<16xf32>,
        %mul3A_2334 = arith.mulf %mul3A_2322, %get3A_2333 : vector<16xf32>
        %add3A_2335 = arith.constant 13 : i32
        %add3A_2336 = arith.addi %mul3A_2184, %add3A_2335 : i32
        %get3A_2337 = arith.index_cast %add3A_2336 : i32 to index
        %get3A_2338 = arith.constant 0 : index
        %get3A_2339 = tpu.vector_load %arg11[%get3A_2337, %get3A_2338] {strides = array<i32>} : memref<1280x32xf32, #tpu.memory_space<vmem>>, vector<16xf32>,
        %mul3A_2340 = arith.mulf %mul3A_2328, %get3A_2339 : vector<16xf32>
        %add3A_2341 = arith.constant 13 : i32
        %add3A_2342 = arith.addi %mul3A_2184, %add3A_2341 : i32
        %get3A_2343 = arith.index_cast %add3A_2342 : i32 to index
        %get3A_2344 = arith.constant 16 : index
        %get3A_2345 = tpu.vector_load %arg11[%get3A_2343, %get3A_2344] {strides = array<i32>} : memref<1280x32xf32, #tpu.memory_space<vmem>>, vector<16xf32>,
        %mul3A_2346 = arith.mulf %mul3A_2334, %get3A_2345 : vector<16xf32>
        %add3A_2347 = arith.constant 14 : i32
        %add3A_2348 = arith.addi %mul3A_2184, %add3A_2347 : i32
        %get3A_2349 = arith.index_cast %add3A_2348 : i32 to index
        %get3A_2350 = arith.constant 0 : index
        %get3A_2351 = tpu.vector_load %arg11[%get3A_2349, %get3A_2350] {strides = array<i32>} : memref<1280x32xf32, #tpu.memory_space<vmem>>, vector<16xf32>,
        %mul3A_2352 = arith.mulf %mul3A_2340, %get3A_2351 : vector<16xf32>
        %add3A_2353 = arith.constant 14 : i32
        %add3A_2354 = arith.addi %mul3A_2184, %add3A_2353 : i32
        %get3A_2355 = arith.index_cast %add3A_2354 : i32 to index
        %get3A_2356 = arith.constant 16 : index
        %get3A_2357 = tpu.vector_load %arg11[%get3A_2355, %get3A_2356] {strides = array<i32>} : memref<1280x32xf32, #tpu.memory_space<vmem>>, vector<16xf32>,
        %mul3A_2358 = arith.mulf %mul3A_2346, %get3A_2357 : vector<16xf32>
        %add3A_2359 = arith.constant 15 : i32
        %add3A_2360 = arith.addi %mul3A_2184, %add3A_2359 : i32
        %get3A_2361 = arith.index_cast %add3A_2360 : i32 to index
        %get3A_2362 = arith.constant 0 : index
        %get3A_2363 = tpu.vector_load %arg11[%get3A_2361, %get3A_2362] {strides = array<i32>} : memref<1280x32xf32, #tpu.memory_space<vmem>>, vector<16xf32>,
        %mul3A_2364 = arith.mulf %mul3A_2352, %get3A_2363 : vector<16xf32>
        %add3A_2365 = arith.constant 15 : i32
        %add3A_2366 = arith.addi %mul3A_2184, %add3A_2365 : i32
        %get3A_2367 = arith.index_cast %add3A_2366 : i32 to index
        %get3A_2368 = arith.constant 16 : index
        %get3A_2369 = tpu.vector_load %arg11[%get3A_2367, %get3A_2368] {strides = array<i32>} : memref<1280x32xf32, #tpu.memory_space<vmem>>, vector<16xf32>,
        %mul3A_2370 = arith.mulf %mul3A_2358, %get3A_2369 : vector<16xf32>
        %add3A_2371 = arith.constant 16 : i32
        %add3A_2372 = arith.addi %mul3A_2184, %add3A_2371 : i32
        %get3A_2373 = arith.index_cast %add3A_2372 : i32 to index
        %get3A_2374 = arith.constant 0 : index
        %get3A_2375 = tpu.vector_load %arg11[%get3A_2373, %get3A_2374] {strides = array<i32>} : memref<1280x32xf32, #tpu.memory_space<vmem>>, vector<16xf32>,
        %mul3A_2376 = arith.mulf %mul3A_2364, %get3A_2375 : vector<16xf32>
        %add3A_2377 = arith.constant 16 : i32
        %add3A_2378 = arith.addi %mul3A_2184, %add3A_2377 : i32
        %get3A_2379 = arith.index_cast %add3A_2378 : i32 to index
        %get3A_2380 = arith.constant 16 : index
        %get3A_2381 = tpu.vector_load %arg11[%get3A_2379, %get3A_2380] {strides = array<i32>} : memref<1280x32xf32, #tpu.memory_space<vmem>>, vector<16xf32>,
        %mul3A_2382 = arith.mulf %mul3A_2370, %get3A_2381 : vector<16xf32>
        %add3A_2383 = arith.constant 17 : i32
        %add3A_2384 = arith.addi %mul3A_2184, %add3A_2383 : i32
        %get3A_2385 = arith.index_cast %add3A_2384 : i32 to index
        %get3A_2386 = arith.constant 0 : index
        %get3A_2387 = tpu.vector_load %arg11[%get3A_2385, %get3A_2386] {strides = array<i32>} : memref<1280x32xf32, #tpu.memory_space<vmem>>, vector<16xf32>,
        %mul3A_2388 = arith.mulf %mul3A_2376, %get3A_2387 : vector<16xf32>
        %add3A_2389 = arith.constant 17 : i32
        %add3A_2390 = arith.addi %mul3A_2184, %add3A_2389 : i32
        %get3A_2391 = arith.index_cast %add3A_2390 : i32 to index
        %get3A_2392 = arith.constant 16 : index
        %get3A_2393 = tpu.vector_load %arg11[%get3A_2391, %get3A_2392] {strides = array<i32>} : memref<1280x32xf32, #tpu.memory_space<vmem>>, vector<16xf32>,
        %mul3A_2394 = arith.mulf %mul3A_2382, %get3A_2393 : vector<16xf32>
        %add3A_2395 = arith.constant 18 : i32
        %add3A_2396 = arith.addi %mul3A_2184, %add3A_2395 : i32
        %get3A_2397 = arith.index_cast %add3A_2396 : i32 to index
        %get3A_2398 = arith.constant 0 : index
        %get3A_2399 = tpu.vector_load %arg11[%get3A_2397, %get3A_2398] {strides = array<i32>} : memref<1280x32xf32, #tpu.memory_space<vmem>>, vector<16xf32>,
        %mul3A_2400 = arith.mulf %mul3A_2388, %get3A_2399 : vector<16xf32>
        %add3A_2401 = arith.constant 18 : i32
        %add3A_2402 = arith.addi %mul3A_2184, %add3A_2401 : i32
        %get3A_2403 = arith.index_cast %add3A_2402 : i32 to index
        %get3A_2404 = arith.constant 16 : index
        %get3A_2405 = tpu.vector_load %arg11[%get3A_2403, %get3A_2404] {strides = array<i32>} : memref<1280x32xf32, #tpu.memory_space<vmem>>, vector<16xf32>,
        %mul3A_2406 = arith.mulf %mul3A_2394, %get3A_2405 : vector<16xf32>
        %add3A_2407 = arith.constant 19 : i32
        %add3A_2408 = arith.addi %mul3A_2184, %add3A_2407 : i32
        %get3A_2409 = arith.index_cast %add3A_2408 : i32 to index
        %get3A_2410 = arith.constant 0 : index
        %get3A_2411 = tpu.vector_load %arg11[%get3A_2409, %get3A_2410] {strides = array<i32>} : memref<1280x32xf32, #tpu.memory_space<vmem>>, vector<16xf32>,
        %mul3A_2412 = arith.mulf %mul3A_2400, %get3A_2411 : vector<16xf32>
        %add3A_2413 = arith.constant 19 : i32
        %add3A_2414 = arith.addi %mul3A_2184, %add3A_2413 : i32
        %get3A_2415 = arith.index_cast %add3A_2414 : i32 to index
        %get3A_2416 = arith.constant 16 : index
        %get3A_2417 = tpu.vector_load %arg11[%get3A_2415, %get3A_2416] {strides = array<i32>} : memref<1280x32xf32, #tpu.memory_space<vmem>>, vector<16xf32>,
        %mul3A_2418 = arith.mulf %mul3A_2406, %get3A_2417 : vector<16xf32>
        %mul3A_2419 = arith.mulf %mul3A_2412, %get3A_6 : vector<16xf32>
        %mul3A_2420 = arith.mulf %mul3A_2418, %get3A_8 : vector<16xf32>
        %add3A_2421 = arith.addf %mul3A_2419, %mul3A_2420 : vector<16xf32>
        %swap3A_2422 = arith.constant 85 : index
        %swap3A_2423 = tpu.vector_load %arg14[%swap3A_2422] {strides = array<i32>} : memref<272xf32, #tpu.memory_space<vmem>>, vector<16xf32>,
        tpu.vector_store %arg14[%swap3A_2422], %add3A_2421 {strides = array<i32>} : memref<272xf32, #tpu.memory_space<vmem>>, vector<16xf32>,
        %mul3A_2424 = arith.constant 16 : i32
        %mul3A_2425 = arith.muli %add3A_953, %mul3A_2424 : i32
        %add3A_2426 = arith.constant 6 : i32
        %add3A_2427 = arith.addi %mul3A_2425, %add3A_2426 : i32
        %mul3A_2428 = arith.constant 20 : i32
        %mul3A_2429 = arith.muli %add3A_2427, %mul3A_2428 : i32
        %get3A_2430 = arith.index_cast %mul3A_2429 : i32 to index
        %get3A_2431 = arith.constant 0 : index
        %get3A_2432 = tpu.vector_load %arg11[%get3A_2430, %get3A_2431] {strides = array<i32>} : memref<1280x32xf32, #tpu.memory_space<vmem>>, vector<16xf32>,
        %get3A_2433 = arith.index_cast %mul3A_2429 : i32 to index
        %get3A_2434 = arith.constant 16 : index
        %get3A_2435 = tpu.vector_load %arg11[%get3A_2433, %get3A_2434] {strides = array<i32>} : memref<1280x32xf32, #tpu.memory_space<vmem>>, vector<16xf32>,
        %add3A_2436 = arith.constant 1 : i32
        %add3A_2437 = arith.addi %mul3A_2429, %add3A_2436 : i32
        %get3A_2438 = arith.index_cast %add3A_2437 : i32 to index
        %get3A_2439 = arith.constant 0 : index
        %get3A_2440 = tpu.vector_load %arg11[%get3A_2438, %get3A_2439] {strides = array<i32>} : memref<1280x32xf32, #tpu.memory_space<vmem>>, vector<16xf32>,
        %mul3A_2441 = arith.mulf %get3A_2432, %get3A_2440 : vector<16xf32>
        %add3A_2442 = arith.constant 1 : i32
        %add3A_2443 = arith.addi %mul3A_2429, %add3A_2442 : i32
        %get3A_2444 = arith.index_cast %add3A_2443 : i32 to index
        %get3A_2445 = arith.constant 16 : index
        %get3A_2446 = tpu.vector_load %arg11[%get3A_2444, %get3A_2445] {strides = array<i32>} : memref<1280x32xf32, #tpu.memory_space<vmem>>, vector<16xf32>,
        %mul3A_2447 = arith.mulf %get3A_2435, %get3A_2446 : vector<16xf32>
        %add3A_2448 = arith.constant 2 : i32
        %add3A_2449 = arith.addi %mul3A_2429, %add3A_2448 : i32
        %get3A_2450 = arith.index_cast %add3A_2449 : i32 to index
        %get3A_2451 = arith.constant 0 : index
        %get3A_2452 = tpu.vector_load %arg11[%get3A_2450, %get3A_2451] {strides = array<i32>} : memref<1280x32xf32, #tpu.memory_space<vmem>>, vector<16xf32>,
        %mul3A_2453 = arith.mulf %mul3A_2441, %get3A_2452 : vector<16xf32>
        %add3A_2454 = arith.constant 2 : i32
        %add3A_2455 = arith.addi %mul3A_2429, %add3A_2454 : i32
        %get3A_2456 = arith.index_cast %add3A_2455 : i32 to index
        %get3A_2457 = arith.constant 16 : index
        %get3A_2458 = tpu.vector_load %arg11[%get3A_2456, %get3A_2457] {strides = array<i32>} : memref<1280x32xf32, #tpu.memory_space<vmem>>, vector<16xf32>,
        %mul3A_2459 = arith.mulf %mul3A_2447, %get3A_2458 : vector<16xf32>
        %add3A_2460 = arith.constant 3 : i32
        %add3A_2461 = arith.addi %mul3A_2429, %add3A_2460 : i32
        %get3A_2462 = arith.index_cast %add3A_2461 : i32 to index
        %get3A_2463 = arith.constant 0 : index
        %get3A_2464 = tpu.vector_load %arg11[%get3A_2462, %get3A_2463] {strides = array<i32>} : memref<1280x32xf32, #tpu.memory_space<vmem>>, vector<16xf32>,
        %mul3A_2465 = arith.mulf %mul3A_2453, %get3A_2464 : vector<16xf32>
        %add3A_2466 = arith.constant 3 : i32
        %add3A_2467 = arith.addi %mul3A_2429, %add3A_2466 : i32
        %get3A_2468 = arith.index_cast %add3A_2467 : i32 to index
        %get3A_2469 = arith.constant 16 : index
        %get3A_2470 = tpu.vector_load %arg11[%get3A_2468, %get3A_2469] {strides = array<i32>} : memref<1280x32xf32, #tpu.memory_space<vmem>>, vector<16xf32>,
        %mul3A_2471 = arith.mulf %mul3A_2459, %get3A_2470 : vector<16xf32>
        %add3A_2472 = arith.constant 4 : i32
        %add3A_2473 = arith.addi %mul3A_2429, %add3A_2472 : i32
        %get3A_2474 = arith.index_cast %add3A_2473 : i32 to index
        %get3A_2475 = arith.constant 0 : index
        %get3A_2476 = tpu.vector_load %arg11[%get3A_2474, %get3A_2475] {strides = array<i32>} : memref<1280x32xf32, #tpu.memory_space<vmem>>, vector<16xf32>,
        %mul3A_2477 = arith.mulf %mul3A_2465, %get3A_2476 : vector<16xf32>
        %add3A_2478 = arith.constant 4 : i32
        %add3A_2479 = arith.addi %mul3A_2429, %add3A_2478 : i32
        %get3A_2480 = arith.index_cast %add3A_2479 : i32 to index
        %get3A_2481 = arith.constant 16 : index
        %get3A_2482 = tpu.vector_load %arg11[%get3A_2480, %get3A_2481] {strides = array<i32>} : memref<1280x32xf32, #tpu.memory_space<vmem>>, vector<16xf32>,
        %mul3A_2483 = arith.mulf %mul3A_2471, %get3A_2482 : vector<16xf32>
        %add3A_2484 = arith.constant 5 : i32
        %add3A_2485 = arith.addi %mul3A_2429, %add3A_2484 : i32
        %get3A_2486 = arith.index_cast %add3A_2485 : i32 to index
        %get3A_2487 = arith.constant 0 : index
        %get3A_2488 = tpu.vector_load %arg11[%get3A_2486, %get3A_2487] {strides = array<i32>} : memref<1280x32xf32, #tpu.memory_space<vmem>>, vector<16xf32>,
        %mul3A_2489 = arith.mulf %mul3A_2477, %get3A_2488 : vector<16xf32>
        %add3A_2490 = arith.constant 5 : i32
        %add3A_2491 = arith.addi %mul3A_2429, %add3A_2490 : i32
        %get3A_2492 = arith.index_cast %add3A_2491 : i32 to index
        %get3A_2493 = arith.constant 16 : index
        %get3A_2494 = tpu.vector_load %arg11[%get3A_2492, %get3A_2493] {strides = array<i32>} : memref<1280x32xf32, #tpu.memory_space<vmem>>, vector<16xf32>,
        %mul3A_2495 = arith.mulf %mul3A_2483, %get3A_2494 : vector<16xf32>
        %add3A_2496 = arith.constant 6 : i32
        %add3A_2497 = arith.addi %mul3A_2429, %add3A_2496 : i32
        %get3A_2498 = arith.index_cast %add3A_2497 : i32 to index
        %get3A_2499 = arith.constant 0 : index
        %get3A_2500 = tpu.vector_load %arg11[%get3A_2498, %get3A_2499] {strides = array<i32>} : memref<1280x32xf32, #tpu.memory_space<vmem>>, vector<16xf32>,
        %mul3A_2501 = arith.mulf %mul3A_2489, %get3A_2500 : vector<16xf32>
        %add3A_2502 = arith.constant 6 : i32
        %add3A_2503 = arith.addi %mul3A_2429, %add3A_2502 : i32
        %get3A_2504 = arith.index_cast %add3A_2503 : i32 to index
        %get3A_2505 = arith.constant 16 : index
        %get3A_2506 = tpu.vector_load %arg11[%get3A_2504, %get3A_2505] {strides = array<i32>} : memref<1280x32xf32, #tpu.memory_space<vmem>>, vector<16xf32>,
        %mul3A_2507 = arith.mulf %mul3A_2495, %get3A_2506 : vector<16xf32>
        %add3A_2508 = arith.constant 7 : i32
        %add3A_2509 = arith.addi %mul3A_2429, %add3A_2508 : i32
        %get3A_2510 = arith.index_cast %add3A_2509 : i32 to index
        %get3A_2511 = arith.constant 0 : index
        %get3A_2512 = tpu.vector_load %arg11[%get3A_2510, %get3A_2511] {strides = array<i32>} : memref<1280x32xf32, #tpu.memory_space<vmem>>, vector<16xf32>,
        %mul3A_2513 = arith.mulf %mul3A_2501, %get3A_2512 : vector<16xf32>
        %add3A_2514 = arith.constant 7 : i32
        %add3A_2515 = arith.addi %mul3A_2429, %add3A_2514 : i32
        %get3A_2516 = arith.index_cast %add3A_2515 : i32 to index
        %get3A_2517 = arith.constant 16 : index
        %get3A_2518 = tpu.vector_load %arg11[%get3A_2516, %get3A_2517] {strides = array<i32>} : memref<1280x32xf32, #tpu.memory_space<vmem>>, vector<16xf32>,
        %mul3A_2519 = arith.mulf %mul3A_2507, %get3A_2518 : vector<16xf32>
        %add3A_2520 = arith.constant 8 : i32
        %add3A_2521 = arith.addi %mul3A_2429, %add3A_2520 : i32
        %get3A_2522 = arith.index_cast %add3A_2521 : i32 to index
        %get3A_2523 = arith.constant 0 : index
        %get3A_2524 = tpu.vector_load %arg11[%get3A_2522, %get3A_2523] {strides = array<i32>} : memref<1280x32xf32, #tpu.memory_space<vmem>>, vector<16xf32>,
        %mul3A_2525 = arith.mulf %mul3A_2513, %get3A_2524 : vector<16xf32>
        %add3A_2526 = arith.constant 8 : i32
        %add3A_2527 = arith.addi %mul3A_2429, %add3A_2526 : i32
        %get3A_2528 = arith.index_cast %add3A_2527 : i32 to index
        %get3A_2529 = arith.constant 16 : index
        %get3A_2530 = tpu.vector_load %arg11[%get3A_2528, %get3A_2529] {strides = array<i32>} : memref<1280x32xf32, #tpu.memory_space<vmem>>, vector<16xf32>,
        %mul3A_2531 = arith.mulf %mul3A_2519, %get3A_2530 : vector<16xf32>
        %add3A_2532 = arith.constant 9 : i32
        %add3A_2533 = arith.addi %mul3A_2429, %add3A_2532 : i32
        %get3A_2534 = arith.index_cast %add3A_2533 : i32 to index
        %get3A_2535 = arith.constant 0 : index
        %get3A_2536 = tpu.vector_load %arg11[%get3A_2534, %get3A_2535] {strides = array<i32>} : memref<1280x32xf32, #tpu.memory_space<vmem>>, vector<16xf32>,
        %mul3A_2537 = arith.mulf %mul3A_2525, %get3A_2536 : vector<16xf32>
        %add3A_2538 = arith.constant 9 : i32
        %add3A_2539 = arith.addi %mul3A_2429, %add3A_2538 : i32
        %get3A_2540 = arith.index_cast %add3A_2539 : i32 to index
        %get3A_2541 = arith.constant 16 : index
        %get3A_2542 = tpu.vector_load %arg11[%get3A_2540, %get3A_2541] {strides = array<i32>} : memref<1280x32xf32, #tpu.memory_space<vmem>>, vector<16xf32>,
        %mul3A_2543 = arith.mulf %mul3A_2531, %get3A_2542 : vector<16xf32>
        %add3A_2544 = arith.constant 10 : i32
        %add3A_2545 = arith.addi %mul3A_2429, %add3A_2544 : i32
        %get3A_2546 = arith.index_cast %add3A_2545 : i32 to index
        %get3A_2547 = arith.constant 0 : index
        %get3A_2548 = tpu.vector_load %arg11[%get3A_2546, %get3A_2547] {strides = array<i32>} : memref<1280x32xf32, #tpu.memory_space<vmem>>, vector<16xf32>,
        %mul3A_2549 = arith.mulf %mul3A_2537, %get3A_2548 : vector<16xf32>
        %add3A_2550 = arith.constant 10 : i32
        %add3A_2551 = arith.addi %mul3A_2429, %add3A_2550 : i32
        %get3A_2552 = arith.index_cast %add3A_2551 : i32 to index
        %get3A_2553 = arith.constant 16 : index
        %get3A_2554 = tpu.vector_load %arg11[%get3A_2552, %get3A_2553] {strides = array<i32>} : memref<1280x32xf32, #tpu.memory_space<vmem>>, vector<16xf32>,
        %mul3A_2555 = arith.mulf %mul3A_2543, %get3A_2554 : vector<16xf32>
        %add3A_2556 = arith.constant 11 : i32
        %add3A_2557 = arith.addi %mul3A_2429, %add3A_2556 : i32
        %get3A_2558 = arith.index_cast %add3A_2557 : i32 to index
        %get3A_2559 = arith.constant 0 : index
        %get3A_2560 = tpu.vector_load %arg11[%get3A_2558, %get3A_2559] {strides = array<i32>} : memref<1280x32xf32, #tpu.memory_space<vmem>>, vector<16xf32>,
        %mul3A_2561 = arith.mulf %mul3A_2549, %get3A_2560 : vector<16xf32>
        %add3A_2562 = arith.constant 11 : i32
        %add3A_2563 = arith.addi %mul3A_2429, %add3A_2562 : i32
        %get3A_2564 = arith.index_cast %add3A_2563 : i32 to index
        %get3A_2565 = arith.constant 16 : index
        %get3A_2566 = tpu.vector_load %arg11[%get3A_2564, %get3A_2565] {strides = array<i32>} : memref<1280x32xf32, #tpu.memory_space<vmem>>, vector<16xf32>,
        %mul3A_2567 = arith.mulf %mul3A_2555, %get3A_2566 : vector<16xf32>
        %add3A_2568 = arith.constant 12 : i32
        %add3A_2569 = arith.addi %mul3A_2429, %add3A_2568 : i32
        %get3A_2570 = arith.index_cast %add3A_2569 : i32 to index
        %get3A_2571 = arith.constant 0 : index
        %get3A_2572 = tpu.vector_load %arg11[%get3A_2570, %get3A_2571] {strides = array<i32>} : memref<1280x32xf32, #tpu.memory_space<vmem>>, vector<16xf32>,
        %mul3A_2573 = arith.mulf %mul3A_2561, %get3A_2572 : vector<16xf32>
        %add3A_2574 = arith.constant 12 : i32
        %add3A_2575 = arith.addi %mul3A_2429, %add3A_2574 : i32
        %get3A_2576 = arith.index_cast %add3A_2575 : i32 to index
        %get3A_2577 = arith.constant 16 : index
        %get3A_2578 = tpu.vector_load %arg11[%get3A_2576, %get3A_2577] {strides = array<i32>} : memref<1280x32xf32, #tpu.memory_space<vmem>>, vector<16xf32>,
        %mul3A_2579 = arith.mulf %mul3A_2567, %get3A_2578 : vector<16xf32>
        %add3A_2580 = arith.constant 13 : i32
        %add3A_2581 = arith.addi %mul3A_2429, %add3A_2580 : i32
        %get3A_2582 = arith.index_cast %add3A_2581 : i32 to index
        %get3A_2583 = arith.constant 0 : index
        %get3A_2584 = tpu.vector_load %arg11[%get3A_2582, %get3A_2583] {strides = array<i32>} : memref<1280x32xf32, #tpu.memory_space<vmem>>, vector<16xf32>,
        %mul3A_2585 = arith.mulf %mul3A_2573, %get3A_2584 : vector<16xf32>
        %add3A_2586 = arith.constant 13 : i32
        %add3A_2587 = arith.addi %mul3A_2429, %add3A_2586 : i32
        %get3A_2588 = arith.index_cast %add3A_2587 : i32 to index
        %get3A_2589 = arith.constant 16 : index
        %get3A_2590 = tpu.vector_load %arg11[%get3A_2588, %get3A_2589] {strides = array<i32>} : memref<1280x32xf32, #tpu.memory_space<vmem>>, vector<16xf32>,
        %mul3A_2591 = arith.mulf %mul3A_2579, %get3A_2590 : vector<16xf32>
        %add3A_2592 = arith.constant 14 : i32
        %add3A_2593 = arith.addi %mul3A_2429, %add3A_2592 : i32
        %get3A_2594 = arith.index_cast %add3A_2593 : i32 to index
        %get3A_2595 = arith.constant 0 : index
        %get3A_2596 = tpu.vector_load %arg11[%get3A_2594, %get3A_2595] {strides = array<i32>} : memref<1280x32xf32, #tpu.memory_space<vmem>>, vector<16xf32>,
        %mul3A_2597 = arith.mulf %mul3A_2585, %get3A_2596 : vector<16xf32>
        %add3A_2598 = arith.constant 14 : i32
        %add3A_2599 = arith.addi %mul3A_2429, %add3A_2598 : i32
        %get3A_2600 = arith.index_cast %add3A_2599 : i32 to index
        %get3A_2601 = arith.constant 16 : index
        %get3A_2602 = tpu.vector_load %arg11[%get3A_2600, %get3A_2601] {strides = array<i32>} : memref<1280x32xf32, #tpu.memory_space<vmem>>, vector<16xf32>,
        %mul3A_2603 = arith.mulf %mul3A_2591, %get3A_2602 : vector<16xf32>
        %add3A_2604 = arith.constant 15 : i32
        %add3A_2605 = arith.addi %mul3A_2429, %add3A_2604 : i32
        %get3A_2606 = arith.index_cast %add3A_2605 : i32 to index
        %get3A_2607 = arith.constant 0 : index
        %get3A_2608 = tpu.vector_load %arg11[%get3A_2606, %get3A_2607] {strides = array<i32>} : memref<1280x32xf32, #tpu.memory_space<vmem>>, vector<16xf32>,
        %mul3A_2609 = arith.mulf %mul3A_2597, %get3A_2608 : vector<16xf32>
        %add3A_2610 = arith.constant 15 : i32
        %add3A_2611 = arith.addi %mul3A_2429, %add3A_2610 : i32
        %get3A_2612 = arith.index_cast %add3A_2611 : i32 to index
        %get3A_2613 = arith.constant 16 : index
        %get3A_2614 = tpu.vector_load %arg11[%get3A_2612, %get3A_2613] {strides = array<i32>} : memref<1280x32xf32, #tpu.memory_space<vmem>>, vector<16xf32>,
        %mul3A_2615 = arith.mulf %mul3A_2603, %get3A_2614 : vector<16xf32>
        %add3A_2616 = arith.constant 16 : i32
        %add3A_2617 = arith.addi %mul3A_2429, %add3A_2616 : i32
        %get3A_2618 = arith.index_cast %add3A_2617 : i32 to index
        %get3A_2619 = arith.constant 0 : index
        %get3A_2620 = tpu.vector_load %arg11[%get3A_2618, %get3A_2619] {strides = array<i32>} : memref<1280x32xf32, #tpu.memory_space<vmem>>, vector<16xf32>,
        %mul3A_2621 = arith.mulf %mul3A_2609, %get3A_2620 : vector<16xf32>
        %add3A_2622 = arith.constant 16 : i32
        %add3A_2623 = arith.addi %mul3A_2429, %add3A_2622 : i32
        %get3A_2624 = arith.index_cast %add3A_2623 : i32 to index
        %get3A_2625 = arith.constant 16 : index
        %get3A_2626 = tpu.vector_load %arg11[%get3A_2624, %get3A_2625] {strides = array<i32>} : memref<1280x32xf32, #tpu.memory_space<vmem>>, vector<16xf32>,
        %mul3A_2627 = arith.mulf %mul3A_2615, %get3A_2626 : vector<16xf32>
        %add3A_2628 = arith.constant 17 : i32
        %add3A_2629 = arith.addi %mul3A_2429, %add3A_2628 : i32
        %get3A_2630 = arith.index_cast %add3A_2629 : i32 to index
        %get3A_2631 = arith.constant 0 : index
        %get3A_2632 = tpu.vector_load %arg11[%get3A_2630, %get3A_2631] {strides = array<i32>} : memref<1280x32xf32, #tpu.memory_space<vmem>>, vector<16xf32>,
        %mul3A_2633 = arith.mulf %mul3A_2621, %get3A_2632 : vector<16xf32>
        %add3A_2634 = arith.constant 17 : i32
        %add3A_2635 = arith.addi %mul3A_2429, %add3A_2634 : i32
        %get3A_2636 = arith.index_cast %add3A_2635 : i32 to index
        %get3A_2637 = arith.constant 16 : index
        %get3A_2638 = tpu.vector_load %arg11[%get3A_2636, %get3A_2637] {strides = array<i32>} : memref<1280x32xf32, #tpu.memory_space<vmem>>, vector<16xf32>,
        %mul3A_2639 = arith.mulf %mul3A_2627, %get3A_2638 : vector<16xf32>
        %add3A_2640 = arith.constant 18 : i32
        %add3A_2641 = arith.addi %mul3A_2429, %add3A_2640 : i32
        %get3A_2642 = arith.index_cast %add3A_2641 : i32 to index
        %get3A_2643 = arith.constant 0 : index
        %get3A_2644 = tpu.vector_load %arg11[%get3A_2642, %get3A_2643] {strides = array<i32>} : memref<1280x32xf32, #tpu.memory_space<vmem>>, vector<16xf32>,
        %mul3A_2645 = arith.mulf %mul3A_2633, %get3A_2644 : vector<16xf32>
        %add3A_2646 = arith.constant 18 : i32
        %add3A_2647 = arith.addi %mul3A_2429, %add3A_2646 : i32
        %get3A_2648 = arith.index_cast %add3A_2647 : i32 to index
        %get3A_2649 = arith.constant 16 : index
        %get3A_2650 = tpu.vector_load %arg11[%get3A_2648, %get3A_2649] {strides = array<i32>} : memref<1280x32xf32, #tpu.memory_space<vmem>>, vector<16xf32>,
        %mul3A_2651 = arith.mulf %mul3A_2639, %get3A_2650 : vector<16xf32>
        %add3A_2652 = arith.constant 19 : i32
        %add3A_2653 = arith.addi %mul3A_2429, %add3A_2652 : i32
        %get3A_2654 = arith.index_cast %add3A_2653 : i32 to index
        %get3A_2655 = arith.constant 0 : index
        %get3A_2656 = tpu.vector_load %arg11[%get3A_2654, %get3A_2655] {strides = array<i32>} : memref<1280x32xf32, #tpu.memory_space<vmem>>, vector<16xf32>,
        %mul3A_2657 = arith.mulf %mul3A_2645, %get3A_2656 : vector<16xf32>
        %add3A_2658 = arith.constant 19 : i32
        %add3A_2659 = arith.addi %mul3A_2429, %add3A_2658 : i32
        %get3A_2660 = arith.index_cast %add3A_2659 : i32 to index
        %get3A_2661 = arith.constant 16 : index
        %get3A_2662 = tpu.vector_load %arg11[%get3A_2660, %get3A_2661] {strides = array<i32>} : memref<1280x32xf32, #tpu.memory_space<vmem>>, vector<16xf32>,
        %mul3A_2663 = arith.mulf %mul3A_2651, %get3A_2662 : vector<16xf32>
        %mul3A_2664 = arith.mulf %mul3A_2657, %get3A_6 : vector<16xf32>
        %mul3A_2665 = arith.mulf %mul3A_2663, %get3A_8 : vector<16xf32>
        %add3A_2666 = arith.addf %mul3A_2664, %mul3A_2665 : vector<16xf32>
        %swap3A_2667 = arith.constant 102 : index
        %swap3A_2668 = tpu.vector_load %arg14[%swap3A_2667] {strides = array<i32>} : memref<272xf32, #tpu.memory_space<vmem>>, vector<16xf32>,
        tpu.vector_store %arg14[%swap3A_2667], %add3A_2666 {strides = array<i32>} : memref<272xf32, #tpu.memory_space<vmem>>, vector<16xf32>,
        %mul3A_2669 = arith.constant 16 : i32
        %mul3A_2670 = arith.muli %add3A_953, %mul3A_2669 : i32
        %add3A_2671 = arith.constant 7 : i32
        %add3A_2672 = arith.addi %mul3A_2670, %add3A_2671 : i32
        %mul3A_2673 = arith.constant 20 : i32
        %mul3A_2674 = arith.muli %add3A_2672, %mul3A_2673 : i32
        %get3A_2675 = arith.index_cast %mul3A_2674 : i32 to index
        %get3A_2676 = arith.constant 0 : index
        %get3A_2677 = tpu.vector_load %arg11[%get3A_2675, %get3A_2676] {strides = array<i32>} : memref<1280x32xf32, #tpu.memory_space<vmem>>, vector<16xf32>,
        %get3A_2678 = arith.index_cast %mul3A_2674 : i32 to index
        %get3A_2679 = arith.constant 16 : index
        %get3A_2680 = tpu.vector_load %arg11[%get3A_2678, %get3A_2679] {strides = array<i32>} : memref<1280x32xf32, #tpu.memory_space<vmem>>, vector<16xf32>,
        %add3A_2681 = arith.constant 1 : i32
        %add3A_2682 = arith.addi %mul3A_2674, %add3A_2681 : i32
        %get3A_2683 = arith.index_cast %add3A_2682 : i32 to index
        %get3A_2684 = arith.constant 0 : index
        %get3A_2685 = tpu.vector_load %arg11[%get3A_2683, %get3A_2684] {strides = array<i32>} : memref<1280x32xf32, #tpu.memory_space<vmem>>, vector<16xf32>,
        %mul3A_2686 = arith.mulf %get3A_2677, %get3A_2685 : vector<16xf32>
        %add3A_2687 = arith.constant 1 : i32
        %add3A_2688 = arith.addi %mul3A_2674, %add3A_2687 : i32
        %get3A_2689 = arith.index_cast %add3A_2688 : i32 to index
        %get3A_2690 = arith.constant 16 : index
        %get3A_2691 = tpu.vector_load %arg11[%get3A_2689, %get3A_2690] {strides = array<i32>} : memref<1280x32xf32, #tpu.memory_space<vmem>>, vector<16xf32>,
        %mul3A_2692 = arith.mulf %get3A_2680, %get3A_2691 : vector<16xf32>
        %add3A_2693 = arith.constant 2 : i32
        %add3A_2694 = arith.addi %mul3A_2674, %add3A_2693 : i32
        %get3A_2695 = arith.index_cast %add3A_2694 : i32 to index
        %get3A_2696 = arith.constant 0 : index
        %get3A_2697 = tpu.vector_load %arg11[%get3A_2695, %get3A_2696] {strides = array<i32>} : memref<1280x32xf32, #tpu.memory_space<vmem>>, vector<16xf32>,
        %mul3A_2698 = arith.mulf %mul3A_2686, %get3A_2697 : vector<16xf32>
        %add3A_2699 = arith.constant 2 : i32
        %add3A_2700 = arith.addi %mul3A_2674, %add3A_2699 : i32
        %get3A_2701 = arith.index_cast %add3A_2700 : i32 to index
        %get3A_2702 = arith.constant 16 : index
        %get3A_2703 = tpu.vector_load %arg11[%get3A_2701, %get3A_2702] {strides = array<i32>} : memref<1280x32xf32, #tpu.memory_space<vmem>>, vector<16xf32>,
        %mul3A_2704 = arith.mulf %mul3A_2692, %get3A_2703 : vector<16xf32>
        %add3A_2705 = arith.constant 3 : i32
        %add3A_2706 = arith.addi %mul3A_2674, %add3A_2705 : i32
        %get3A_2707 = arith.index_cast %add3A_2706 : i32 to index
        %get3A_2708 = arith.constant 0 : index
        %get3A_2709 = tpu.vector_load %arg11[%get3A_2707, %get3A_2708] {strides = array<i32>} : memref<1280x32xf32, #tpu.memory_space<vmem>>, vector<16xf32>,
        %mul3A_2710 = arith.mulf %mul3A_2698, %get3A_2709 : vector<16xf32>
        %add3A_2711 = arith.constant 3 : i32
        %add3A_2712 = arith.addi %mul3A_2674, %add3A_2711 : i32
        %get3A_2713 = arith.index_cast %add3A_2712 : i32 to index
        %get3A_2714 = arith.constant 16 : index
        %get3A_2715 = tpu.vector_load %arg11[%get3A_2713, %get3A_2714] {strides = array<i32>} : memref<1280x32xf32, #tpu.memory_space<vmem>>, vector<16xf32>,
        %mul3A_2716 = arith.mulf %mul3A_2704, %get3A_2715 : vector<16xf32>
        %add3A_2717 = arith.constant 4 : i32
        %add3A_2718 = arith.addi %mul3A_2674, %add3A_2717 : i32
        %get3A_2719 = arith.index_cast %add3A_2718 : i32 to index
        %get3A_2720 = arith.constant 0 : index
        %get3A_2721 = tpu.vector_load %arg11[%get3A_2719, %get3A_2720] {strides = array<i32>} : memref<1280x32xf32, #tpu.memory_space<vmem>>, vector<16xf32>,
        %mul3A_2722 = arith.mulf %mul3A_2710, %get3A_2721 : vector<16xf32>
        %add3A_2723 = arith.constant 4 : i32
        %add3A_2724 = arith.addi %mul3A_2674, %add3A_2723 : i32
        %get3A_2725 = arith.index_cast %add3A_2724 : i32 to index
        %get3A_2726 = arith.constant 16 : index
        %get3A_2727 = tpu.vector_load %arg11[%get3A_2725, %get3A_2726] {strides = array<i32>} : memref<1280x32xf32, #tpu.memory_space<vmem>>, vector<16xf32>,
        %mul3A_2728 = arith.mulf %mul3A_2716, %get3A_2727 : vector<16xf32>
        %add3A_2729 = arith.constant 5 : i32
        %add3A_2730 = arith.addi %mul3A_2674, %add3A_2729 : i32
        %get3A_2731 = arith.index_cast %add3A_2730 : i32 to index
        %get3A_2732 = arith.constant 0 : index
        %get3A_2733 = tpu.vector_load %arg11[%get3A_2731, %get3A_2732] {strides = array<i32>} : memref<1280x32xf32, #tpu.memory_space<vmem>>, vector<16xf32>,
        %mul3A_2734 = arith.mulf %mul3A_2722, %get3A_2733 : vector<16xf32>
        %add3A_2735 = arith.constant 5 : i32
        %add3A_2736 = arith.addi %mul3A_2674, %add3A_2735 : i32
        %get3A_2737 = arith.index_cast %add3A_2736 : i32 to index
        %get3A_2738 = arith.constant 16 : index
        %get3A_2739 = tpu.vector_load %arg11[%get3A_2737, %get3A_2738] {strides = array<i32>} : memref<1280x32xf32, #tpu.memory_space<vmem>>, vector<16xf32>,
        %mul3A_2740 = arith.mulf %mul3A_2728, %get3A_2739 : vector<16xf32>
        %add3A_2741 = arith.constant 6 : i32
        %add3A_2742 = arith.addi %mul3A_2674, %add3A_2741 : i32
        %get3A_2743 = arith.index_cast %add3A_2742 : i32 to index
        %get3A_2744 = arith.constant 0 : index
        %get3A_2745 = tpu.vector_load %arg11[%get3A_2743, %get3A_2744] {strides = array<i32>} : memref<1280x32xf32, #tpu.memory_space<vmem>>, vector<16xf32>,
        %mul3A_2746 = arith.mulf %mul3A_2734, %get3A_2745 : vector<16xf32>
        %add3A_2747 = arith.constant 6 : i32
        %add3A_2748 = arith.addi %mul3A_2674, %add3A_2747 : i32
        %get3A_2749 = arith.index_cast %add3A_2748 : i32 to index
        %get3A_2750 = arith.constant 16 : index
        %get3A_2751 = tpu.vector_load %arg11[%get3A_2749, %get3A_2750] {strides = array<i32>} : memref<1280x32xf32, #tpu.memory_space<vmem>>, vector<16xf32>,
        %mul3A_2752 = arith.mulf %mul3A_2740, %get3A_2751 : vector<16xf32>
        %add3A_2753 = arith.constant 7 : i32
        %add3A_2754 = arith.addi %mul3A_2674, %add3A_2753 : i32
        %get3A_2755 = arith.index_cast %add3A_2754 : i32 to index
        %get3A_2756 = arith.constant 0 : index
        %get3A_2757 = tpu.vector_load %arg11[%get3A_2755, %get3A_2756] {strides = array<i32>} : memref<1280x32xf32, #tpu.memory_space<vmem>>, vector<16xf32>,
        %mul3A_2758 = arith.mulf %mul3A_2746, %get3A_2757 : vector<16xf32>
        %add3A_2759 = arith.constant 7 : i32
        %add3A_2760 = arith.addi %mul3A_2674, %add3A_2759 : i32
        %get3A_2761 = arith.index_cast %add3A_2760 : i32 to index
        %get3A_2762 = arith.constant 16 : index
        %get3A_2763 = tpu.vector_load %arg11[%get3A_2761, %get3A_2762] {strides = array<i32>} : memref<1280x32xf32, #tpu.memory_space<vmem>>, vector<16xf32>,
        %mul3A_2764 = arith.mulf %mul3A_2752, %get3A_2763 : vector<16xf32>
        %add3A_2765 = arith.constant 8 : i32
        %add3A_2766 = arith.addi %mul3A_2674, %add3A_2765 : i32
        %get3A_2767 = arith.index_cast %add3A_2766 : i32 to index
        %get3A_2768 = arith.constant 0 : index
        %get3A_2769 = tpu.vector_load %arg11[%get3A_2767, %get3A_2768] {strides = array<i32>} : memref<1280x32xf32, #tpu.memory_space<vmem>>, vector<16xf32>,
        %mul3A_2770 = arith.mulf %mul3A_2758, %get3A_2769 : vector<16xf32>
        %add3A_2771 = arith.constant 8 : i32
        %add3A_2772 = arith.addi %mul3A_2674, %add3A_2771 : i32
        %get3A_2773 = arith.index_cast %add3A_2772 : i32 to index
        %get3A_2774 = arith.constant 16 : index
        %get3A_2775 = tpu.vector_load %arg11[%get3A_2773, %get3A_2774] {strides = array<i32>} : memref<1280x32xf32, #tpu.memory_space<vmem>>, vector<16xf32>,
        %mul3A_2776 = arith.mulf %mul3A_2764, %get3A_2775 : vector<16xf32>
        %add3A_2777 = arith.constant 9 : i32
        %add3A_2778 = arith.addi %mul3A_2674, %add3A_2777 : i32
        %get3A_2779 = arith.index_cast %add3A_2778 : i32 to index
        %get3A_2780 = arith.constant 0 : index
        %get3A_2781 = tpu.vector_load %arg11[%get3A_2779, %get3A_2780] {strides = array<i32>} : memref<1280x32xf32, #tpu.memory_space<vmem>>, vector<16xf32>,
        %mul3A_2782 = arith.mulf %mul3A_2770, %get3A_2781 : vector<16xf32>
        %add3A_2783 = arith.constant 9 : i32
        %add3A_2784 = arith.addi %mul3A_2674, %add3A_2783 : i32
        %get3A_2785 = arith.index_cast %add3A_2784 : i32 to index
        %get3A_2786 = arith.constant 16 : index
        %get3A_2787 = tpu.vector_load %arg11[%get3A_2785, %get3A_2786] {strides = array<i32>} : memref<1280x32xf32, #tpu.memory_space<vmem>>, vector<16xf32>,
        %mul3A_2788 = arith.mulf %mul3A_2776, %get3A_2787 : vector<16xf32>
        %add3A_2789 = arith.constant 10 : i32
        %add3A_2790 = arith.addi %mul3A_2674, %add3A_2789 : i32
        %get3A_2791 = arith.index_cast %add3A_2790 : i32 to index
        %get3A_2792 = arith.constant 0 : index
        %get3A_2793 = tpu.vector_load %arg11[%get3A_2791, %get3A_2792] {strides = array<i32>} : memref<1280x32xf32, #tpu.memory_space<vmem>>, vector<16xf32>,
        %mul3A_2794 = arith.mulf %mul3A_2782, %get3A_2793 : vector<16xf32>
        %add3A_2795 = arith.constant 10 : i32
        %add3A_2796 = arith.addi %mul3A_2674, %add3A_2795 : i32
        %get3A_2797 = arith.index_cast %add3A_2796 : i32 to index
        %get3A_2798 = arith.constant 16 : index
        %get3A_2799 = tpu.vector_load %arg11[%get3A_2797, %get3A_2798] {strides = array<i32>} : memref<1280x32xf32, #tpu.memory_space<vmem>>, vector<16xf32>,
        %mul3A_2800 = arith.mulf %mul3A_2788, %get3A_2799 : vector<16xf32>
        %add3A_2801 = arith.constant 11 : i32
        %add3A_2802 = arith.addi %mul3A_2674, %add3A_2801 : i32
        %get3A_2803 = arith.index_cast %add3A_2802 : i32 to index
        %get3A_2804 = arith.constant 0 : index
        %get3A_2805 = tpu.vector_load %arg11[%get3A_2803, %get3A_2804] {strides = array<i32>} : memref<1280x32xf32, #tpu.memory_space<vmem>>, vector<16xf32>,
        %mul3A_2806 = arith.mulf %mul3A_2794, %get3A_2805 : vector<16xf32>
        %add3A_2807 = arith.constant 11 : i32
        %add3A_2808 = arith.addi %mul3A_2674, %add3A_2807 : i32
        %get3A_2809 = arith.index_cast %add3A_2808 : i32 to index
        %get3A_2810 = arith.constant 16 : index
        %get3A_2811 = tpu.vector_load %arg11[%get3A_2809, %get3A_2810] {strides = array<i32>} : memref<1280x32xf32, #tpu.memory_space<vmem>>, vector<16xf32>,
        %mul3A_2812 = arith.mulf %mul3A_2800, %get3A_2811 : vector<16xf32>
        %add3A_2813 = arith.constant 12 : i32
        %add3A_2814 = arith.addi %mul3A_2674, %add3A_2813 : i32
        %get3A_2815 = arith.index_cast %add3A_2814 : i32 to index
        %get3A_2816 = arith.constant 0 : index
        %get3A_2817 = tpu.vector_load %arg11[%get3A_2815, %get3A_2816] {strides = array<i32>} : memref<1280x32xf32, #tpu.memory_space<vmem>>, vector<16xf32>,
        %mul3A_2818 = arith.mulf %mul3A_2806, %get3A_2817 : vector<16xf32>
        %add3A_2819 = arith.constant 12 : i32
        %add3A_2820 = arith.addi %mul3A_2674, %add3A_2819 : i32
        %get3A_2821 = arith.index_cast %add3A_2820 : i32 to index
        %get3A_2822 = arith.constant 16 : index
        %get3A_2823 = tpu.vector_load %arg11[%get3A_2821, %get3A_2822] {strides = array<i32>} : memref<1280x32xf32, #tpu.memory_space<vmem>>, vector<16xf32>,
        %mul3A_2824 = arith.mulf %mul3A_2812, %get3A_2823 : vector<16xf32>
        %add3A_2825 = arith.constant 13 : i32
        %add3A_2826 = arith.addi %mul3A_2674, %add3A_2825 : i32
        %get3A_2827 = arith.index_cast %add3A_2826 : i32 to index
        %get3A_2828 = arith.constant 0 : index
        %get3A_2829 = tpu.vector_load %arg11[%get3A_2827, %get3A_2828] {strides = array<i32>} : memref<1280x32xf32, #tpu.memory_space<vmem>>, vector<16xf32>,
        %mul3A_2830 = arith.mulf %mul3A_2818, %get3A_2829 : vector<16xf32>
        %add3A_2831 = arith.constant 13 : i32
        %add3A_2832 = arith.addi %mul3A_2674, %add3A_2831 : i32
        %get3A_2833 = arith.index_cast %add3A_2832 : i32 to index
        %get3A_2834 = arith.constant 16 : index
        %get3A_2835 = tpu.vector_load %arg11[%get3A_2833, %get3A_2834] {strides = array<i32>} : memref<1280x32xf32, #tpu.memory_space<vmem>>, vector<16xf32>,
        %mul3A_2836 = arith.mulf %mul3A_2824, %get3A_2835 : vector<16xf32>
        %add3A_2837 = arith.constant 14 : i32
        %add3A_2838 = arith.addi %mul3A_2674, %add3A_2837 : i32
        %get3A_2839 = arith.index_cast %add3A_2838 : i32 to index
        %get3A_2840 = arith.constant 0 : index
        %get3A_2841 = tpu.vector_load %arg11[%get3A_2839, %get3A_2840] {strides = array<i32>} : memref<1280x32xf32, #tpu.memory_space<vmem>>, vector<16xf32>,
        %mul3A_2842 = arith.mulf %mul3A_2830, %get3A_2841 : vector<16xf32>
        %add3A_2843 = arith.constant 14 : i32
        %add3A_2844 = arith.addi %mul3A_2674, %add3A_2843 : i32
        %get3A_2845 = arith.index_cast %add3A_2844 : i32 to index
        %get3A_2846 = arith.constant 16 : index
        %get3A_2847 = tpu.vector_load %arg11[%get3A_2845, %get3A_2846] {strides = array<i32>} : memref<1280x32xf32, #tpu.memory_space<vmem>>, vector<16xf32>,
        %mul3A_2848 = arith.mulf %mul3A_2836, %get3A_2847 : vector<16xf32>
        %add3A_2849 = arith.constant 15 : i32
        %add3A_2850 = arith.addi %mul3A_2674, %add3A_2849 : i32
        %get3A_2851 = arith.index_cast %add3A_2850 : i32 to index
        %get3A_2852 = arith.constant 0 : index
        %get3A_2853 = tpu.vector_load %arg11[%get3A_2851, %get3A_2852] {strides = array<i32>} : memref<1280x32xf32, #tpu.memory_space<vmem>>, vector<16xf32>,
        %mul3A_2854 = arith.mulf %mul3A_2842, %get3A_2853 : vector<16xf32>
        %add3A_2855 = arith.constant 15 : i32
        %add3A_2856 = arith.addi %mul3A_2674, %add3A_2855 : i32
        %get3A_2857 = arith.index_cast %add3A_2856 : i32 to index
        %get3A_2858 = arith.constant 16 : index
        %get3A_2859 = tpu.vector_load %arg11[%get3A_2857, %get3A_2858] {strides = array<i32>} : memref<1280x32xf32, #tpu.memory_space<vmem>>, vector<16xf32>,
        %mul3A_2860 = arith.mulf %mul3A_2848, %get3A_2859 : vector<16xf32>
        %add3A_2861 = arith.constant 16 : i32
        %add3A_2862 = arith.addi %mul3A_2674, %add3A_2861 : i32
        %get3A_2863 = arith.index_cast %add3A_2862 : i32 to index
        %get3A_2864 = arith.constant 0 : index
        %get3A_2865 = tpu.vector_load %arg11[%get3A_2863, %get3A_2864] {strides = array<i32>} : memref<1280x32xf32, #tpu.memory_space<vmem>>, vector<16xf32>,
        %mul3A_2866 = arith.mulf %mul3A_2854, %get3A_2865 : vector<16xf32>
        %add3A_2867 = arith.constant 16 : i32
        %add3A_2868 = arith.addi %mul3A_2674, %add3A_2867 : i32
        %get3A_2869 = arith.index_cast %add3A_2868 : i32 to index
        %get3A_2870 = arith.constant 16 : index
        %get3A_2871 = tpu.vector_load %arg11[%get3A_2869, %get3A_2870] {strides = array<i32>} : memref<1280x32xf32, #tpu.memory_space<vmem>>, vector<16xf32>,
        %mul3A_2872 = arith.mulf %mul3A_2860, %get3A_2871 : vector<16xf32>
        %add3A_2873 = arith.constant 17 : i32
        %add3A_2874 = arith.addi %mul3A_2674, %add3A_2873 : i32
        %get3A_2875 = arith.index_cast %add3A_2874 : i32 to index
        %get3A_2876 = arith.constant 0 : index
        %get3A_2877 = tpu.vector_load %arg11[%get3A_2875, %get3A_2876] {strides = array<i32>} : memref<1280x32xf32, #tpu.memory_space<vmem>>, vector<16xf32>,
        %mul3A_2878 = arith.mulf %mul3A_2866, %get3A_2877 : vector<16xf32>
        %add3A_2879 = arith.constant 17 : i32
        %add3A_2880 = arith.addi %mul3A_2674, %add3A_2879 : i32
        %get3A_2881 = arith.index_cast %add3A_2880 : i32 to index
        %get3A_2882 = arith.constant 16 : index
        %get3A_2883 = tpu.vector_load %arg11[%get3A_2881, %get3A_2882] {strides = array<i32>} : memref<1280x32xf32, #tpu.memory_space<vmem>>, vector<16xf32>,
        %mul3A_2884 = arith.mulf %mul3A_2872, %get3A_2883 : vector<16xf32>
        %add3A_2885 = arith.constant 18 : i32
        %add3A_2886 = arith.addi %mul3A_2674, %add3A_2885 : i32
        %get3A_2887 = arith.index_cast %add3A_2886 : i32 to index
        %get3A_2888 = arith.constant 0 : index
        %get3A_2889 = tpu.vector_load %arg11[%get3A_2887, %get3A_2888] {strides = array<i32>} : memref<1280x32xf32, #tpu.memory_space<vmem>>, vector<16xf32>,
        %mul3A_2890 = arith.mulf %mul3A_2878, %get3A_2889 : vector<16xf32>
        %add3A_2891 = arith.constant 18 : i32
        %add3A_2892 = arith.addi %mul3A_2674, %add3A_2891 : i32
        %get3A_2893 = arith.index_cast %add3A_2892 : i32 to index
        %get3A_2894 = arith.constant 16 : index
        %get3A_2895 = tpu.vector_load %arg11[%get3A_2893, %get3A_2894] {strides = array<i32>} : memref<1280x32xf32, #tpu.memory_space<vmem>>, vector<16xf32>,
        %mul3A_2896 = arith.mulf %mul3A_2884, %get3A_2895 : vector<16xf32>
        %add3A_2897 = arith.constant 19 : i32
        %add3A_2898 = arith.addi %mul3A_2674, %add3A_2897 : i32
        %get3A_2899 = arith.index_cast %add3A_2898 : i32 to index
        %get3A_2900 = arith.constant 0 : index
        %get3A_2901 = tpu.vector_load %arg11[%get3A_2899, %get3A_2900] {strides = array<i32>} : memref<1280x32xf32, #tpu.memory_space<vmem>>, vector<16xf32>,
        %mul3A_2902 = arith.mulf %mul3A_2890, %get3A_2901 : vector<16xf32>
        %add3A_2903 = arith.constant 19 : i32
        %add3A_2904 = arith.addi %mul3A_2674, %add3A_2903 : i32
        %get3A_2905 = arith.index_cast %add3A_2904 : i32 to index
        %get3A_2906 = arith.constant 16 : index
        %get3A_2907 = tpu.vector_load %arg11[%get3A_2905, %get3A_2906] {strides = array<i32>} : memref<1280x32xf32, #tpu.memory_space<vmem>>, vector<16xf32>,
        %mul3A_2908 = arith.mulf %mul3A_2896, %get3A_2907 : vector<16xf32>
        %mul3A_2909 = arith.mulf %mul3A_2902, %get3A_6 : vector<16xf32>
        %mul3A_2910 = arith.mulf %mul3A_2908, %get3A_8 : vector<16xf32>
        %add3A_2911 = arith.addf %mul3A_2909, %mul3A_2910 : vector<16xf32>
        %swap3A_2912 = arith.constant 119 : index
        %swap3A_2913 = tpu.vector_load %arg14[%swap3A_2912] {strides = array<i32>} : memref<272xf32, #tpu.memory_space<vmem>>, vector<16xf32>,
        tpu.vector_store %arg14[%swap3A_2912], %add3A_2911 {strides = array<i32>} : memref<272xf32, #tpu.memory_space<vmem>>, vector<16xf32>,
        %mul3A_2914 = arith.constant 16 : i32
        %mul3A_2915 = arith.muli %add3A_953, %mul3A_2914 : i32
        %add3A_2916 = arith.constant 8 : i32
        %add3A_2917 = arith.addi %mul3A_2915, %add3A_2916 : i32
        %mul3A_2918 = arith.constant 20 : i32
        %mul3A_2919 = arith.muli %add3A_2917, %mul3A_2918 : i32
        %get3A_2920 = arith.index_cast %mul3A_2919 : i32 to index
        %get3A_2921 = arith.constant 0 : index
        %get3A_2922 = tpu.vector_load %arg11[%get3A_2920, %get3A_2921] {strides = array<i32>} : memref<1280x32xf32, #tpu.memory_space<vmem>>, vector<16xf32>,
        %get3A_2923 = arith.index_cast %mul3A_2919 : i32 to index
        %get3A_2924 = arith.constant 16 : index
        %get3A_2925 = tpu.vector_load %arg11[%get3A_2923, %get3A_2924] {strides = array<i32>} : memref<1280x32xf32, #tpu.memory_space<vmem>>, vector<16xf32>,
        %add3A_2926 = arith.constant 1 : i32
        %add3A_2927 = arith.addi %mul3A_2919, %add3A_2926 : i32
        %get3A_2928 = arith.index_cast %add3A_2927 : i32 to index
        %get3A_2929 = arith.constant 0 : index
        %get3A_2930 = tpu.vector_load %arg11[%get3A_2928, %get3A_2929] {strides = array<i32>} : memref<1280x32xf32, #tpu.memory_space<vmem>>, vector<16xf32>,
        %mul3A_2931 = arith.mulf %get3A_2922, %get3A_2930 : vector<16xf32>
        %add3A_2932 = arith.constant 1 : i32
        %add3A_2933 = arith.addi %mul3A_2919, %add3A_2932 : i32
        %get3A_2934 = arith.index_cast %add3A_2933 : i32 to index
        %get3A_2935 = arith.constant 16 : index
        %get3A_2936 = tpu.vector_load %arg11[%get3A_2934, %get3A_2935] {strides = array<i32>} : memref<1280x32xf32, #tpu.memory_space<vmem>>, vector<16xf32>,
        %mul3A_2937 = arith.mulf %get3A_2925, %get3A_2936 : vector<16xf32>
        %add3A_2938 = arith.constant 2 : i32
        %add3A_2939 = arith.addi %mul3A_2919, %add3A_2938 : i32
        %get3A_2940 = arith.index_cast %add3A_2939 : i32 to index
        %get3A_2941 = arith.constant 0 : index
        %get3A_2942 = tpu.vector_load %arg11[%get3A_2940, %get3A_2941] {strides = array<i32>} : memref<1280x32xf32, #tpu.memory_space<vmem>>, vector<16xf32>,
        %mul3A_2943 = arith.mulf %mul3A_2931, %get3A_2942 : vector<16xf32>
        %add3A_2944 = arith.constant 2 : i32
        %add3A_2945 = arith.addi %mul3A_2919, %add3A_2944 : i32
        %get3A_2946 = arith.index_cast %add3A_2945 : i32 to index
        %get3A_2947 = arith.constant 16 : index
        %get3A_2948 = tpu.vector_load %arg11[%get3A_2946, %get3A_2947] {strides = array<i32>} : memref<1280x32xf32, #tpu.memory_space<vmem>>, vector<16xf32>,
        %mul3A_2949 = arith.mulf %mul3A_2937, %get3A_2948 : vector<16xf32>
        %add3A_2950 = arith.constant 3 : i32
        %add3A_2951 = arith.addi %mul3A_2919, %add3A_2950 : i32
        %get3A_2952 = arith.index_cast %add3A_2951 : i32 to index
        %get3A_2953 = arith.constant 0 : index
        %get3A_2954 = tpu.vector_load %arg11[%get3A_2952, %get3A_2953] {strides = array<i32>} : memref<1280x32xf32, #tpu.memory_space<vmem>>, vector<16xf32>,
        %mul3A_2955 = arith.mulf %mul3A_2943, %get3A_2954 : vector<16xf32>
        %add3A_2956 = arith.constant 3 : i32
        %add3A_2957 = arith.addi %mul3A_2919, %add3A_2956 : i32
        %get3A_2958 = arith.index_cast %add3A_2957 : i32 to index
        %get3A_2959 = arith.constant 16 : index
        %get3A_2960 = tpu.vector_load %arg11[%get3A_2958, %get3A_2959] {strides = array<i32>} : memref<1280x32xf32, #tpu.memory_space<vmem>>, vector<16xf32>,
        %mul3A_2961 = arith.mulf %mul3A_2949, %get3A_2960 : vector<16xf32>
        %add3A_2962 = arith.constant 4 : i32
        %add3A_2963 = arith.addi %mul3A_2919, %add3A_2962 : i32
        %get3A_2964 = arith.index_cast %add3A_2963 : i32 to index
        %get3A_2965 = arith.constant 0 : index
        %get3A_2966 = tpu.vector_load %arg11[%get3A_2964, %get3A_2965] {strides = array<i32>} : memref<1280x32xf32, #tpu.memory_space<vmem>>, vector<16xf32>,
        %mul3A_2967 = arith.mulf %mul3A_2955, %get3A_2966 : vector<16xf32>
        %add3A_2968 = arith.constant 4 : i32
        %add3A_2969 = arith.addi %mul3A_2919, %add3A_2968 : i32
        %get3A_2970 = arith.index_cast %add3A_2969 : i32 to index
        %get3A_2971 = arith.constant 16 : index
        %get3A_2972 = tpu.vector_load %arg11[%get3A_2970, %get3A_2971] {strides = array<i32>} : memref<1280x32xf32, #tpu.memory_space<vmem>>, vector<16xf32>,
        %mul3A_2973 = arith.mulf %mul3A_2961, %get3A_2972 : vector<16xf32>
        %add3A_2974 = arith.constant 5 : i32
        %add3A_2975 = arith.addi %mul3A_2919, %add3A_2974 : i32
        %get3A_2976 = arith.index_cast %add3A_2975 : i32 to index
        %get3A_2977 = arith.constant 0 : index
        %get3A_2978 = tpu.vector_load %arg11[%get3A_2976, %get3A_2977] {strides = array<i32>} : memref<1280x32xf32, #tpu.memory_space<vmem>>, vector<16xf32>,
        %mul3A_2979 = arith.mulf %mul3A_2967, %get3A_2978 : vector<16xf32>
        %add3A_2980 = arith.constant 5 : i32
        %add3A_2981 = arith.addi %mul3A_2919, %add3A_2980 : i32
        %get3A_2982 = arith.index_cast %add3A_2981 : i32 to index
        %get3A_2983 = arith.constant 16 : index
        %get3A_2984 = tpu.vector_load %arg11[%get3A_2982, %get3A_2983] {strides = array<i32>} : memref<1280x32xf32, #tpu.memory_space<vmem>>, vector<16xf32>,
        %mul3A_2985 = arith.mulf %mul3A_2973, %get3A_2984 : vector<16xf32>
        %add3A_2986 = arith.constant 6 : i32
        %add3A_2987 = arith.addi %mul3A_2919, %add3A_2986 : i32
        %get3A_2988 = arith.index_cast %add3A_2987 : i32 to index
        %get3A_2989 = arith.constant 0 : index
        %get3A_2990 = tpu.vector_load %arg11[%get3A_2988, %get3A_2989] {strides = array<i32>} : memref<1280x32xf32, #tpu.memory_space<vmem>>, vector<16xf32>,
        %mul3A_2991 = arith.mulf %mul3A_2979, %get3A_2990 : vector<16xf32>
        %add3A_2992 = arith.constant 6 : i32
        %add3A_2993 = arith.addi %mul3A_2919, %add3A_2992 : i32
        %get3A_2994 = arith.index_cast %add3A_2993 : i32 to index
        %get3A_2995 = arith.constant 16 : index
        %get3A_2996 = tpu.vector_load %arg11[%get3A_2994, %get3A_2995] {strides = array<i32>} : memref<1280x32xf32, #tpu.memory_space<vmem>>, vector<16xf32>,
        %mul3A_2997 = arith.mulf %mul3A_2985, %get3A_2996 : vector<16xf32>
        %add3A_2998 = arith.constant 7 : i32
        %add3A_2999 = arith.addi %mul3A_2919, %add3A_2998 : i32
        %get3A_3000 = arith.index_cast %add3A_2999 : i32 to index
        %get3A_3001 = arith.constant 0 : index
        %get3A_3002 = tpu.vector_load %arg11[%get3A_3000, %get3A_3001] {strides = array<i32>} : memref<1280x32xf32, #tpu.memory_space<vmem>>, vector<16xf32>,
        %mul3A_3003 = arith.mulf %mul3A_2991, %get3A_3002 : vector<16xf32>
        %add3A_3004 = arith.constant 7 : i32
        %add3A_3005 = arith.addi %mul3A_2919, %add3A_3004 : i32
        %get3A_3006 = arith.index_cast %add3A_3005 : i32 to index
        %get3A_3007 = arith.constant 16 : index
        %get3A_3008 = tpu.vector_load %arg11[%get3A_3006, %get3A_3007] {strides = array<i32>} : memref<1280x32xf32, #tpu.memory_space<vmem>>, vector<16xf32>,
        %mul3A_3009 = arith.mulf %mul3A_2997, %get3A_3008 : vector<16xf32>
        %add3A_3010 = arith.constant 8 : i32
        %add3A_3011 = arith.addi %mul3A_2919, %add3A_3010 : i32
        %get3A_3012 = arith.index_cast %add3A_3011 : i32 to index
        %get3A_3013 = arith.constant 0 : index
        %get3A_3014 = tpu.vector_load %arg11[%get3A_3012, %get3A_3013] {strides = array<i32>} : memref<1280x32xf32, #tpu.memory_space<vmem>>, vector<16xf32>,
        %mul3A_3015 = arith.mulf %mul3A_3003, %get3A_3014 : vector<16xf32>
        %add3A_3016 = arith.constant 8 : i32
        %add3A_3017 = arith.addi %mul3A_2919, %add3A_3016 : i32
        %get3A_3018 = arith.index_cast %add3A_3017 : i32 to index
        %get3A_3019 = arith.constant 16 : index
        %get3A_3020 = tpu.vector_load %arg11[%get3A_3018, %get3A_3019] {strides = array<i32>} : memref<1280x32xf32, #tpu.memory_space<vmem>>, vector<16xf32>,
        %mul3A_3021 = arith.mulf %mul3A_3009, %get3A_3020 : vector<16xf32>
        %add3A_3022 = arith.constant 9 : i32
        %add3A_3023 = arith.addi %mul3A_2919, %add3A_3022 : i32
        %get3A_3024 = arith.index_cast %add3A_3023 : i32 to index
        %get3A_3025 = arith.constant 0 : index
        %get3A_3026 = tpu.vector_load %arg11[%get3A_3024, %get3A_3025] {strides = array<i32>} : memref<1280x32xf32, #tpu.memory_space<vmem>>, vector<16xf32>,
        %mul3A_3027 = arith.mulf %mul3A_3015, %get3A_3026 : vector<16xf32>
        %add3A_3028 = arith.constant 9 : i32
        %add3A_3029 = arith.addi %mul3A_2919, %add3A_3028 : i32
        %get3A_3030 = arith.index_cast %add3A_3029 : i32 to index
        %get3A_3031 = arith.constant 16 : index
        %get3A_3032 = tpu.vector_load %arg11[%get3A_3030, %get3A_3031] {strides = array<i32>} : memref<1280x32xf32, #tpu.memory_space<vmem>>, vector<16xf32>,
        %mul3A_3033 = arith.mulf %mul3A_3021, %get3A_3032 : vector<16xf32>
        %add3A_3034 = arith.constant 10 : i32
        %add3A_3035 = arith.addi %mul3A_2919, %add3A_3034 : i32
        %get3A_3036 = arith.index_cast %add3A_3035 : i32 to index
        %get3A_3037 = arith.constant 0 : index
        %get3A_3038 = tpu.vector_load %arg11[%get3A_3036, %get3A_3037] {strides = array<i32>} : memref<1280x32xf32, #tpu.memory_space<vmem>>, vector<16xf32>,
        %mul3A_3039 = arith.mulf %mul3A_3027, %get3A_3038 : vector<16xf32>
        %add3A_3040 = arith.constant 10 : i32
        %add3A_3041 = arith.addi %mul3A_2919, %add3A_3040 : i32
        %get3A_3042 = arith.index_cast %add3A_3041 : i32 to index
        %get3A_3043 = arith.constant 16 : index
        %get3A_3044 = tpu.vector_load %arg11[%get3A_3042, %get3A_3043] {strides = array<i32>} : memref<1280x32xf32, #tpu.memory_space<vmem>>, vector<16xf32>,
        %mul3A_3045 = arith.mulf %mul3A_3033, %get3A_3044 : vector<16xf32>
        %add3A_3046 = arith.constant 11 : i32
        %add3A_3047 = arith.addi %mul3A_2919, %add3A_3046 : i32
        %get3A_3048 = arith.index_cast %add3A_3047 : i32 to index
        %get3A_3049 = arith.constant 0 : index
        %get3A_3050 = tpu.vector_load %arg11[%get3A_3048, %get3A_3049] {strides = array<i32>} : memref<1280x32xf32, #tpu.memory_space<vmem>>, vector<16xf32>,
        %mul3A_3051 = arith.mulf %mul3A_3039, %get3A_3050 : vector<16xf32>
        %add3A_3052 = arith.constant 11 : i32
        %add3A_3053 = arith.addi %mul3A_2919, %add3A_3052 : i32
        %get3A_3054 = arith.index_cast %add3A_3053 : i32 to index
        %get3A_3055 = arith.constant 16 : index
        %get3A_3056 = tpu.vector_load %arg11[%get3A_3054, %get3A_3055] {strides = array<i32>} : memref<1280x32xf32, #tpu.memory_space<vmem>>, vector<16xf32>,
        %mul3A_3057 = arith.mulf %mul3A_3045, %get3A_3056 : vector<16xf32>
        %add3A_3058 = arith.constant 12 : i32
        %add3A_3059 = arith.addi %mul3A_2919, %add3A_3058 : i32
        %get3A_3060 = arith.index_cast %add3A_3059 : i32 to index
        %get3A_3061 = arith.constant 0 : index
        %get3A_3062 = tpu.vector_load %arg11[%get3A_3060, %get3A_3061] {strides = array<i32>} : memref<1280x32xf32, #tpu.memory_space<vmem>>, vector<16xf32>,
        %mul3A_3063 = arith.mulf %mul3A_3051, %get3A_3062 : vector<16xf32>
        %add3A_3064 = arith.constant 12 : i32
        %add3A_3065 = arith.addi %mul3A_2919, %add3A_3064 : i32
        %get3A_3066 = arith.index_cast %add3A_3065 : i32 to index
        %get3A_3067 = arith.constant 16 : index
        %get3A_3068 = tpu.vector_load %arg11[%get3A_3066, %get3A_3067] {strides = array<i32>} : memref<1280x32xf32, #tpu.memory_space<vmem>>, vector<16xf32>,
        %mul3A_3069 = arith.mulf %mul3A_3057, %get3A_3068 : vector<16xf32>
        %add3A_3070 = arith.constant 13 : i32
        %add3A_3071 = arith.addi %mul3A_2919, %add3A_3070 : i32
        %get3A_3072 = arith.index_cast %add3A_3071 : i32 to index
        %get3A_3073 = arith.constant 0 : index
        %get3A_3074 = tpu.vector_load %arg11[%get3A_3072, %get3A_3073] {strides = array<i32>} : memref<1280x32xf32, #tpu.memory_space<vmem>>, vector<16xf32>,
        %mul3A_3075 = arith.mulf %mul3A_3063, %get3A_3074 : vector<16xf32>
        %add3A_3076 = arith.constant 13 : i32
        %add3A_3077 = arith.addi %mul3A_2919, %add3A_3076 : i32
        %get3A_3078 = arith.index_cast %add3A_3077 : i32 to index
        %get3A_3079 = arith.constant 16 : index
        %get3A_3080 = tpu.vector_load %arg11[%get3A_3078, %get3A_3079] {strides = array<i32>} : memref<1280x32xf32, #tpu.memory_space<vmem>>, vector<16xf32>,
        %mul3A_3081 = arith.mulf %mul3A_3069, %get3A_3080 : vector<16xf32>
        %add3A_3082 = arith.constant 14 : i32
        %add3A_3083 = arith.addi %mul3A_2919, %add3A_3082 : i32
        %get3A_3084 = arith.index_cast %add3A_3083 : i32 to index
        %get3A_3085 = arith.constant 0 : index
        %get3A_3086 = tpu.vector_load %arg11[%get3A_3084, %get3A_3085] {strides = array<i32>} : memref<1280x32xf32, #tpu.memory_space<vmem>>, vector<16xf32>,
        %mul3A_3087 = arith.mulf %mul3A_3075, %get3A_3086 : vector<16xf32>
        %add3A_3088 = arith.constant 14 : i32
        %add3A_3089 = arith.addi %mul3A_2919, %add3A_3088 : i32
        %get3A_3090 = arith.index_cast %add3A_3089 : i32 to index
        %get3A_3091 = arith.constant 16 : index
        %get3A_3092 = tpu.vector_load %arg11[%get3A_3090, %get3A_3091] {strides = array<i32>} : memref<1280x32xf32, #tpu.memory_space<vmem>>, vector<16xf32>,
        %mul3A_3093 = arith.mulf %mul3A_3081, %get3A_3092 : vector<16xf32>
        %add3A_3094 = arith.constant 15 : i32
        %add3A_3095 = arith.addi %mul3A_2919, %add3A_3094 : i32
        %get3A_3096 = arith.index_cast %add3A_3095 : i32 to index
        %get3A_3097 = arith.constant 0 : index
        %get3A_3098 = tpu.vector_load %arg11[%get3A_3096, %get3A_3097] {strides = array<i32>} : memref<1280x32xf32, #tpu.memory_space<vmem>>, vector<16xf32>,
        %mul3A_3099 = arith.mulf %mul3A_3087, %get3A_3098 : vector<16xf32>
        %add3A_3100 = arith.constant 15 : i32
        %add3A_3101 = arith.addi %mul3A_2919, %add3A_3100 : i32
        %get3A_3102 = arith.index_cast %add3A_3101 : i32 to index
        %get3A_3103 = arith.constant 16 : index
        %get3A_3104 = tpu.vector_load %arg11[%get3A_3102, %get3A_3103] {strides = array<i32>} : memref<1280x32xf32, #tpu.memory_space<vmem>>, vector<16xf32>,
        %mul3A_3105 = arith.mulf %mul3A_3093, %get3A_3104 : vector<16xf32>
        %add3A_3106 = arith.constant 16 : i32
        %add3A_3107 = arith.addi %mul3A_2919, %add3A_3106 : i32
        %get3A_3108 = arith.index_cast %add3A_3107 : i32 to index
        %get3A_3109 = arith.constant 0 : index
        %get3A_3110 = tpu.vector_load %arg11[%get3A_3108, %get3A_3109] {strides = array<i32>} : memref<1280x32xf32, #tpu.memory_space<vmem>>, vector<16xf32>,
        %mul3A_3111 = arith.mulf %mul3A_3099, %get3A_3110 : vector<16xf32>
        %add3A_3112 = arith.constant 16 : i32
        %add3A_3113 = arith.addi %mul3A_2919, %add3A_3112 : i32
        %get3A_3114 = arith.index_cast %add3A_3113 : i32 to index
        %get3A_3115 = arith.constant 16 : index
        %get3A_3116 = tpu.vector_load %arg11[%get3A_3114, %get3A_3115] {strides = array<i32>} : memref<1280x32xf32, #tpu.memory_space<vmem>>, vector<16xf32>,
        %mul3A_3117 = arith.mulf %mul3A_3105, %get3A_3116 : vector<16xf32>
        %add3A_3118 = arith.constant 17 : i32
        %add3A_3119 = arith.addi %mul3A_2919, %add3A_3118 : i32
        %get3A_3120 = arith.index_cast %add3A_3119 : i32 to index
        %get3A_3121 = arith.constant 0 : index
        %get3A_3122 = tpu.vector_load %arg11[%get3A_3120, %get3A_3121] {strides = array<i32>} : memref<1280x32xf32, #tpu.memory_space<vmem>>, vector<16xf32>,
        %mul3A_3123 = arith.mulf %mul3A_3111, %get3A_3122 : vector<16xf32>
        %add3A_3124 = arith.constant 17 : i32
        %add3A_3125 = arith.addi %mul3A_2919, %add3A_3124 : i32
        %get3A_3126 = arith.index_cast %add3A_3125 : i32 to index
        %get3A_3127 = arith.constant 16 : index
        %get3A_3128 = tpu.vector_load %arg11[%get3A_3126, %get3A_3127] {strides = array<i32>} : memref<1280x32xf32, #tpu.memory_space<vmem>>, vector<16xf32>,
        %mul3A_3129 = arith.mulf %mul3A_3117, %get3A_3128 : vector<16xf32>
        %add3A_3130 = arith.constant 18 : i32
        %add3A_3131 = arith.addi %mul3A_2919, %add3A_3130 : i32
        %get3A_3132 = arith.index_cast %add3A_3131 : i32 to index
        %get3A_3133 = arith.constant 0 : index
        %get3A_3134 = tpu.vector_load %arg11[%get3A_3132, %get3A_3133] {strides = array<i32>} : memref<1280x32xf32, #tpu.memory_space<vmem>>, vector<16xf32>,
        %mul3A_3135 = arith.mulf %mul3A_3123, %get3A_3134 : vector<16xf32>
        %add3A_3136 = arith.constant 18 : i32
        %add3A_3137 = arith.addi %mul3A_2919, %add3A_3136 : i32
        %get3A_3138 = arith.index_cast %add3A_3137 : i32 to index
        %get3A_3139 = arith.constant 16 : index
        %get3A_3140 = tpu.vector_load %arg11[%get3A_3138, %get3A_3139] {strides = array<i32>} : memref<1280x32xf32, #tpu.memory_space<vmem>>, vector<16xf32>,
        %mul3A_3141 = arith.mulf %mul3A_3129, %get3A_3140 : vector<16xf32>
        %add3A_3142 = arith.constant 19 : i32
        %add3A_3143 = arith.addi %mul3A_2919, %add3A_3142 : i32
        %get3A_3144 = arith.index_cast %add3A_3143 : i32 to index
        %get3A_3145 = arith.constant 0 : index
        %get3A_3146 = tpu.vector_load %arg11[%get3A_3144, %get3A_3145] {strides = array<i32>} : memref<1280x32xf32, #tpu.memory_space<vmem>>, vector<16xf32>,
        %mul3A_3147 = arith.mulf %mul3A_3135, %get3A_3146 : vector<16xf32>
        %add3A_3148 = arith.constant 19 : i32
        %add3A_3149 = arith.addi %mul3A_2919, %add3A_3148 : i32
        %get3A_3150 = arith.index_cast %add3A_3149 : i32 to index
        %get3A_3151 = arith.constant 16 : index
        %get3A_3152 = tpu.vector_load %arg11[%get3A_3150, %get3A_3151] {strides = array<i32>} : memref<1280x32xf32, #tpu.memory_space<vmem>>, vector<16xf32>,
        %mul3A_3153 = arith.mulf %mul3A_3141, %get3A_3152 : vector<16xf32>
        %mul3A_3154 = arith.mulf %mul3A_3147, %get3A_6 : vector<16xf32>
        %mul3A_3155 = arith.mulf %mul3A_3153, %get3A_8 : vector<16xf32>
        %add3A_3156 = arith.addf %mul3A_3154, %mul3A_3155 : vector<16xf32>
        %swap3A_3157 = arith.constant 136 : index
        %swap3A_3158 = tpu.vector_load %arg14[%swap3A_3157] {strides = array<i32>} : memref<272xf32, #tpu.memory_space<vmem>>, vector<16xf32>,
        tpu.vector_store %arg14[%swap3A_3157], %add3A_3156 {strides = array<i32>} : memref<272xf32, #tpu.memory_space<vmem>>, vector<16xf32>,
        %mul3A_3159 = arith.constant 16 : i32
        %mul3A_3160 = arith.muli %add3A_953, %mul3A_3159 : i32
        %add3A_3161 = arith.constant 9 : i32
        %add3A_3162 = arith.addi %mul3A_3160, %add3A_3161 : i32
        %mul3A_3163 = arith.constant 20 : i32
        %mul3A_3164 = arith.muli %add3A_3162, %mul3A_3163 : i32
        %get3A_3165 = arith.index_cast %mul3A_3164 : i32 to index
        %get3A_3166 = arith.constant 0 : index
        %get3A_3167 = tpu.vector_load %arg11[%get3A_3165, %get3A_3166] {strides = array<i32>} : memref<1280x32xf32, #tpu.memory_space<vmem>>, vector<16xf32>,
        %get3A_3168 = arith.index_cast %mul3A_3164 : i32 to index
        %get3A_3169 = arith.constant 16 : index
        %get3A_3170 = tpu.vector_load %arg11[%get3A_3168, %get3A_3169] {strides = array<i32>} : memref<1280x32xf32, #tpu.memory_space<vmem>>, vector<16xf32>,
        %add3A_3171 = arith.constant 1 : i32
        %add3A_3172 = arith.addi %mul3A_3164, %add3A_3171 : i32
        %get3A_3173 = arith.index_cast %add3A_3172 : i32 to index
        %get3A_3174 = arith.constant 0 : index
        %get3A_3175 = tpu.vector_load %arg11[%get3A_3173, %get3A_3174] {strides = array<i32>} : memref<1280x32xf32, #tpu.memory_space<vmem>>, vector<16xf32>,
        %mul3A_3176 = arith.mulf %get3A_3167, %get3A_3175 : vector<16xf32>
        %add3A_3177 = arith.constant 1 : i32
        %add3A_3178 = arith.addi %mul3A_3164, %add3A_3177 : i32
        %get3A_3179 = arith.index_cast %add3A_3178 : i32 to index
        %get3A_3180 = arith.constant 16 : index
        %get3A_3181 = tpu.vector_load %arg11[%get3A_3179, %get3A_3180] {strides = array<i32>} : memref<1280x32xf32, #tpu.memory_space<vmem>>, vector<16xf32>,
        %mul3A_3182 = arith.mulf %get3A_3170, %get3A_3181 : vector<16xf32>
        %add3A_3183 = arith.constant 2 : i32
        %add3A_3184 = arith.addi %mul3A_3164, %add3A_3183 : i32
        %get3A_3185 = arith.index_cast %add3A_3184 : i32 to index
        %get3A_3186 = arith.constant 0 : index
        %get3A_3187 = tpu.vector_load %arg11[%get3A_3185, %get3A_3186] {strides = array<i32>} : memref<1280x32xf32, #tpu.memory_space<vmem>>, vector<16xf32>,
        %mul3A_3188 = arith.mulf %mul3A_3176, %get3A_3187 : vector<16xf32>
        %add3A_3189 = arith.constant 2 : i32
        %add3A_3190 = arith.addi %mul3A_3164, %add3A_3189 : i32
        %get3A_3191 = arith.index_cast %add3A_3190 : i32 to index
        %get3A_3192 = arith.constant 16 : index
        %get3A_3193 = tpu.vector_load %arg11[%get3A_3191, %get3A_3192] {strides = array<i32>} : memref<1280x32xf32, #tpu.memory_space<vmem>>, vector<16xf32>,
        %mul3A_3194 = arith.mulf %mul3A_3182, %get3A_3193 : vector<16xf32>
        %add3A_3195 = arith.constant 3 : i32
        %add3A_3196 = arith.addi %mul3A_3164, %add3A_3195 : i32
        %get3A_3197 = arith.index_cast %add3A_3196 : i32 to index
        %get3A_3198 = arith.constant 0 : index
        %get3A_3199 = tpu.vector_load %arg11[%get3A_3197, %get3A_3198] {strides = array<i32>} : memref<1280x32xf32, #tpu.memory_space<vmem>>, vector<16xf32>,
        %mul3A_3200 = arith.mulf %mul3A_3188, %get3A_3199 : vector<16xf32>
        %add3A_3201 = arith.constant 3 : i32
        %add3A_3202 = arith.addi %mul3A_3164, %add3A_3201 : i32
        %get3A_3203 = arith.index_cast %add3A_3202 : i32 to index
        %get3A_3204 = arith.constant 16 : index
        %get3A_3205 = tpu.vector_load %arg11[%get3A_3203, %get3A_3204] {strides = array<i32>} : memref<1280x32xf32, #tpu.memory_space<vmem>>, vector<16xf32>,
        %mul3A_3206 = arith.mulf %mul3A_3194, %get3A_3205 : vector<16xf32>
        %add3A_3207 = arith.constant 4 : i32
        %add3A_3208 = arith.addi %mul3A_3164, %add3A_3207 : i32
        %get3A_3209 = arith.index_cast %add3A_3208 : i32 to index
        %get3A_3210 = arith.constant 0 : index
        %get3A_3211 = tpu.vector_load %arg11[%get3A_3209, %get3A_3210] {strides = array<i32>} : memref<1280x32xf32, #tpu.memory_space<vmem>>, vector<16xf32>,
        %mul3A_3212 = arith.mulf %mul3A_3200, %get3A_3211 : vector<16xf32>
        %add3A_3213 = arith.constant 4 : i32
        %add3A_3214 = arith.addi %mul3A_3164, %add3A_3213 : i32
        %get3A_3215 = arith.index_cast %add3A_3214 : i32 to index
        %get3A_3216 = arith.constant 16 : index
        %get3A_3217 = tpu.vector_load %arg11[%get3A_3215, %get3A_3216] {strides = array<i32>} : memref<1280x32xf32, #tpu.memory_space<vmem>>, vector<16xf32>,
        %mul3A_3218 = arith.mulf %mul3A_3206, %get3A_3217 : vector<16xf32>
        %add3A_3219 = arith.constant 5 : i32
        %add3A_3220 = arith.addi %mul3A_3164, %add3A_3219 : i32
        %get3A_3221 = arith.index_cast %add3A_3220 : i32 to index
        %get3A_3222 = arith.constant 0 : index
        %get3A_3223 = tpu.vector_load %arg11[%get3A_3221, %get3A_3222] {strides = array<i32>} : memref<1280x32xf32, #tpu.memory_space<vmem>>, vector<16xf32>,
        %mul3A_3224 = arith.mulf %mul3A_3212, %get3A_3223 : vector<16xf32>
        %add3A_3225 = arith.constant 5 : i32
        %add3A_3226 = arith.addi %mul3A_3164, %add3A_3225 : i32
        %get3A_3227 = arith.index_cast %add3A_3226 : i32 to index
        %get3A_3228 = arith.constant 16 : index
        %get3A_3229 = tpu.vector_load %arg11[%get3A_3227, %get3A_3228] {strides = array<i32>} : memref<1280x32xf32, #tpu.memory_space<vmem>>, vector<16xf32>,
        %mul3A_3230 = arith.mulf %mul3A_3218, %get3A_3229 : vector<16xf32>
        %add3A_3231 = arith.constant 6 : i32
        %add3A_3232 = arith.addi %mul3A_3164, %add3A_3231 : i32
        %get3A_3233 = arith.index_cast %add3A_3232 : i32 to index
        %get3A_3234 = arith.constant 0 : index
        %get3A_3235 = tpu.vector_load %arg11[%get3A_3233, %get3A_3234] {strides = array<i32>} : memref<1280x32xf32, #tpu.memory_space<vmem>>, vector<16xf32>,
        %mul3A_3236 = arith.mulf %mul3A_3224, %get3A_3235 : vector<16xf32>
        %add3A_3237 = arith.constant 6 : i32
        %add3A_3238 = arith.addi %mul3A_3164, %add3A_3237 : i32
        %get3A_3239 = arith.index_cast %add3A_3238 : i32 to index
        %get3A_3240 = arith.constant 16 : index
        %get3A_3241 = tpu.vector_load %arg11[%get3A_3239, %get3A_3240] {strides = array<i32>} : memref<1280x32xf32, #tpu.memory_space<vmem>>, vector<16xf32>,
        %mul3A_3242 = arith.mulf %mul3A_3230, %get3A_3241 : vector<16xf32>
        %add3A_3243 = arith.constant 7 : i32
        %add3A_3244 = arith.addi %mul3A_3164, %add3A_3243 : i32
        %get3A_3245 = arith.index_cast %add3A_3244 : i32 to index
        %get3A_3246 = arith.constant 0 : index
        %get3A_3247 = tpu.vector_load %arg11[%get3A_3245, %get3A_3246] {strides = array<i32>} : memref<1280x32xf32, #tpu.memory_space<vmem>>, vector<16xf32>,
        %mul3A_3248 = arith.mulf %mul3A_3236, %get3A_3247 : vector<16xf32>
        %add3A_3249 = arith.constant 7 : i32
        %add3A_3250 = arith.addi %mul3A_3164, %add3A_3249 : i32
        %get3A_3251 = arith.index_cast %add3A_3250 : i32 to index
        %get3A_3252 = arith.constant 16 : index
        %get3A_3253 = tpu.vector_load %arg11[%get3A_3251, %get3A_3252] {strides = array<i32>} : memref<1280x32xf32, #tpu.memory_space<vmem>>, vector<16xf32>,
        %mul3A_3254 = arith.mulf %mul3A_3242, %get3A_3253 : vector<16xf32>
        %add3A_3255 = arith.constant 8 : i32
        %add3A_3256 = arith.addi %mul3A_3164, %add3A_3255 : i32
        %get3A_3257 = arith.index_cast %add3A_3256 : i32 to index
        %get3A_3258 = arith.constant 0 : index
        %get3A_3259 = tpu.vector_load %arg11[%get3A_3257, %get3A_3258] {strides = array<i32>} : memref<1280x32xf32, #tpu.memory_space<vmem>>, vector<16xf32>,
        %mul3A_3260 = arith.mulf %mul3A_3248, %get3A_3259 : vector<16xf32>
        %add3A_3261 = arith.constant 8 : i32
        %add3A_3262 = arith.addi %mul3A_3164, %add3A_3261 : i32
        %get3A_3263 = arith.index_cast %add3A_3262 : i32 to index
        %get3A_3264 = arith.constant 16 : index
        %get3A_3265 = tpu.vector_load %arg11[%get3A_3263, %get3A_3264] {strides = array<i32>} : memref<1280x32xf32, #tpu.memory_space<vmem>>, vector<16xf32>,
        %mul3A_3266 = arith.mulf %mul3A_3254, %get3A_3265 : vector<16xf32>
        %add3A_3267 = arith.constant 9 : i32
        %add3A_3268 = arith.addi %mul3A_3164, %add3A_3267 : i32
        %get3A_3269 = arith.index_cast %add3A_3268 : i32 to index
        %get3A_3270 = arith.constant 0 : index
        %get3A_3271 = tpu.vector_load %arg11[%get3A_3269, %get3A_3270] {strides = array<i32>} : memref<1280x32xf32, #tpu.memory_space<vmem>>, vector<16xf32>,
        %mul3A_3272 = arith.mulf %mul3A_3260, %get3A_3271 : vector<16xf32>
        %add3A_3273 = arith.constant 9 : i32
        %add3A_3274 = arith.addi %mul3A_3164, %add3A_3273 : i32
        %get3A_3275 = arith.index_cast %add3A_3274 : i32 to index
        %get3A_3276 = arith.constant 16 : index
        %get3A_3277 = tpu.vector_load %arg11[%get3A_3275, %get3A_3276] {strides = array<i32>} : memref<1280x32xf32, #tpu.memory_space<vmem>>, vector<16xf32>,
        %mul3A_3278 = arith.mulf %mul3A_3266, %get3A_3277 : vector<16xf32>
        %add3A_3279 = arith.constant 10 : i32
        %add3A_3280 = arith.addi %mul3A_3164, %add3A_3279 : i32
        %get3A_3281 = arith.index_cast %add3A_3280 : i32 to index
        %get3A_3282 = arith.constant 0 : index
        %get3A_3283 = tpu.vector_load %arg11[%get3A_3281, %get3A_3282] {strides = array<i32>} : memref<1280x32xf32, #tpu.memory_space<vmem>>, vector<16xf32>,
        %mul3A_3284 = arith.mulf %mul3A_3272, %get3A_3283 : vector<16xf32>
        %add3A_3285 = arith.constant 10 : i32
        %add3A_3286 = arith.addi %mul3A_3164, %add3A_3285 : i32
        %get3A_3287 = arith.index_cast %add3A_3286 : i32 to index
        %get3A_3288 = arith.constant 16 : index
        %get3A_3289 = tpu.vector_load %arg11[%get3A_3287, %get3A_3288] {strides = array<i32>} : memref<1280x32xf32, #tpu.memory_space<vmem>>, vector<16xf32>,
        %mul3A_3290 = arith.mulf %mul3A_3278, %get3A_3289 : vector<16xf32>
        %add3A_3291 = arith.constant 11 : i32
        %add3A_3292 = arith.addi %mul3A_3164, %add3A_3291 : i32
        %get3A_3293 = arith.index_cast %add3A_3292 : i32 to index
        %get3A_3294 = arith.constant 0 : index
        %get3A_3295 = tpu.vector_load %arg11[%get3A_3293, %get3A_3294] {strides = array<i32>} : memref<1280x32xf32, #tpu.memory_space<vmem>>, vector<16xf32>,
        %mul3A_3296 = arith.mulf %mul3A_3284, %get3A_3295 : vector<16xf32>
        %add3A_3297 = arith.constant 11 : i32
        %add3A_3298 = arith.addi %mul3A_3164, %add3A_3297 : i32
        %get3A_3299 = arith.index_cast %add3A_3298 : i32 to index
        %get3A_3300 = arith.constant 16 : index
        %get3A_3301 = tpu.vector_load %arg11[%get3A_3299, %get3A_3300] {strides = array<i32>} : memref<1280x32xf32, #tpu.memory_space<vmem>>, vector<16xf32>,
        %mul3A_3302 = arith.mulf %mul3A_3290, %get3A_3301 : vector<16xf32>
        %add3A_3303 = arith.constant 12 : i32
        %add3A_3304 = arith.addi %mul3A_3164, %add3A_3303 : i32
        %get3A_3305 = arith.index_cast %add3A_3304 : i32 to index
        %get3A_3306 = arith.constant 0 : index
        %get3A_3307 = tpu.vector_load %arg11[%get3A_3305, %get3A_3306] {strides = array<i32>} : memref<1280x32xf32, #tpu.memory_space<vmem>>, vector<16xf32>,
        %mul3A_3308 = arith.mulf %mul3A_3296, %get3A_3307 : vector<16xf32>
        %add3A_3309 = arith.constant 12 : i32
        %add3A_3310 = arith.addi %mul3A_3164, %add3A_3309 : i32
        %get3A_3311 = arith.index_cast %add3A_3310 : i32 to index
        %get3A_3312 = arith.constant 16 : index
        %get3A_3313 = tpu.vector_load %arg11[%get3A_3311, %get3A_3312] {strides = array<i32>} : memref<1280x32xf32, #tpu.memory_space<vmem>>, vector<16xf32>,
        %mul3A_3314 = arith.mulf %mul3A_3302, %get3A_3313 : vector<16xf32>
        %add3A_3315 = arith.constant 13 : i32
        %add3A_3316 = arith.addi %mul3A_3164, %add3A_3315 : i32
        %get3A_3317 = arith.index_cast %add3A_3316 : i32 to index
        %get3A_3318 = arith.constant 0 : index
        %get3A_3319 = tpu.vector_load %arg11[%get3A_3317, %get3A_3318] {strides = array<i32>} : memref<1280x32xf32, #tpu.memory_space<vmem>>, vector<16xf32>,
        %mul3A_3320 = arith.mulf %mul3A_3308, %get3A_3319 : vector<16xf32>
        %add3A_3321 = arith.constant 13 : i32
        %add3A_3322 = arith.addi %mul3A_3164, %add3A_3321 : i32
        %get3A_3323 = arith.index_cast %add3A_3322 : i32 to index
        %get3A_3324 = arith.constant 16 : index
        %get3A_3325 = tpu.vector_load %arg11[%get3A_3323, %get3A_3324] {strides = array<i32>} : memref<1280x32xf32, #tpu.memory_space<vmem>>, vector<16xf32>,
        %mul3A_3326 = arith.mulf %mul3A_3314, %get3A_3325 : vector<16xf32>
        %add3A_3327 = arith.constant 14 : i32
        %add3A_3328 = arith.addi %mul3A_3164, %add3A_3327 : i32
        %get3A_3329 = arith.index_cast %add3A_3328 : i32 to index
        %get3A_3330 = arith.constant 0 : index
        %get3A_3331 = tpu.vector_load %arg11[%get3A_3329, %get3A_3330] {strides = array<i32>} : memref<1280x32xf32, #tpu.memory_space<vmem>>, vector<16xf32>,
        %mul3A_3332 = arith.mulf %mul3A_3320, %get3A_3331 : vector<16xf32>
        %add3A_3333 = arith.constant 14 : i32
        %add3A_3334 = arith.addi %mul3A_3164, %add3A_3333 : i32
        %get3A_3335 = arith.index_cast %add3A_3334 : i32 to index
        %get3A_3336 = arith.constant 16 : index
        %get3A_3337 = tpu.vector_load %arg11[%get3A_3335, %get3A_3336] {strides = array<i32>} : memref<1280x32xf32, #tpu.memory_space<vmem>>, vector<16xf32>,
        %mul3A_3338 = arith.mulf %mul3A_3326, %get3A_3337 : vector<16xf32>
        %add3A_3339 = arith.constant 15 : i32
        %add3A_3340 = arith.addi %mul3A_3164, %add3A_3339 : i32
        %get3A_3341 = arith.index_cast %add3A_3340 : i32 to index
        %get3A_3342 = arith.constant 0 : index
        %get3A_3343 = tpu.vector_load %arg11[%get3A_3341, %get3A_3342] {strides = array<i32>} : memref<1280x32xf32, #tpu.memory_space<vmem>>, vector<16xf32>,
        %mul3A_3344 = arith.mulf %mul3A_3332, %get3A_3343 : vector<16xf32>
        %add3A_3345 = arith.constant 15 : i32
        %add3A_3346 = arith.addi %mul3A_3164, %add3A_3345 : i32
        %get3A_3347 = arith.index_cast %add3A_3346 : i32 to index
        %get3A_3348 = arith.constant 16 : index
        %get3A_3349 = tpu.vector_load %arg11[%get3A_3347, %get3A_3348] {strides = array<i32>} : memref<1280x32xf32, #tpu.memory_space<vmem>>, vector<16xf32>,
        %mul3A_3350 = arith.mulf %mul3A_3338, %get3A_3349 : vector<16xf32>
        %add3A_3351 = arith.constant 16 : i32
        %add3A_3352 = arith.addi %mul3A_3164, %add3A_3351 : i32
        %get3A_3353 = arith.index_cast %add3A_3352 : i32 to index
        %get3A_3354 = arith.constant 0 : index
        %get3A_3355 = tpu.vector_load %arg11[%get3A_3353, %get3A_3354] {strides = array<i32>} : memref<1280x32xf32, #tpu.memory_space<vmem>>, vector<16xf32>,
        %mul3A_3356 = arith.mulf %mul3A_3344, %get3A_3355 : vector<16xf32>
        %add3A_3357 = arith.constant 16 : i32
        %add3A_3358 = arith.addi %mul3A_3164, %add3A_3357 : i32
        %get3A_3359 = arith.index_cast %add3A_3358 : i32 to index
        %get3A_3360 = arith.constant 16 : index
        %get3A_3361 = tpu.vector_load %arg11[%get3A_3359, %get3A_3360] {strides = array<i32>} : memref<1280x32xf32, #tpu.memory_space<vmem>>, vector<16xf32>,
        %mul3A_3362 = arith.mulf %mul3A_3350, %get3A_3361 : vector<16xf32>
        %add3A_3363 = arith.constant 17 : i32
        %add3A_3364 = arith.addi %mul3A_3164, %add3A_3363 : i32
        %get3A_3365 = arith.index_cast %add3A_3364 : i32 to index
        %get3A_3366 = arith.constant 0 : index
        %get3A_3367 = tpu.vector_load %arg11[%get3A_3365, %get3A_3366] {strides = array<i32>} : memref<1280x32xf32, #tpu.memory_space<vmem>>, vector<16xf32>,
        %mul3A_3368 = arith.mulf %mul3A_3356, %get3A_3367 : vector<16xf32>
        %add3A_3369 = arith.constant 17 : i32
        %add3A_3370 = arith.addi %mul3A_3164, %add3A_3369 : i32
        %get3A_3371 = arith.index_cast %add3A_3370 : i32 to index
        %get3A_3372 = arith.constant 16 : index
        %get3A_3373 = tpu.vector_load %arg11[%get3A_3371, %get3A_3372] {strides = array<i32>} : memref<1280x32xf32, #tpu.memory_space<vmem>>, vector<16xf32>,
        %mul3A_3374 = arith.mulf %mul3A_3362, %get3A_3373 : vector<16xf32>
        %add3A_3375 = arith.constant 18 : i32
        %add3A_3376 = arith.addi %mul3A_3164, %add3A_3375 : i32
        %get3A_3377 = arith.index_cast %add3A_3376 : i32 to index
        %get3A_3378 = arith.constant 0 : index
        %get3A_3379 = tpu.vector_load %arg11[%get3A_3377, %get3A_3378] {strides = array<i32>} : memref<1280x32xf32, #tpu.memory_space<vmem>>, vector<16xf32>,
        %mul3A_3380 = arith.mulf %mul3A_3368, %get3A_3379 : vector<16xf32>
        %add3A_3381 = arith.constant 18 : i32
        %add3A_3382 = arith.addi %mul3A_3164, %add3A_3381 : i32
        %get3A_3383 = arith.index_cast %add3A_3382 : i32 to index
        %get3A_3384 = arith.constant 16 : index
        %get3A_3385 = tpu.vector_load %arg11[%get3A_3383, %get3A_3384] {strides = array<i32>} : memref<1280x32xf32, #tpu.memory_space<vmem>>, vector<16xf32>,
        %mul3A_3386 = arith.mulf %mul3A_3374, %get3A_3385 : vector<16xf32>
        %add3A_3387 = arith.constant 19 : i32
        %add3A_3388 = arith.addi %mul3A_3164, %add3A_3387 : i32
        %get3A_3389 = arith.index_cast %add3A_3388 : i32 to index
        %get3A_3390 = arith.constant 0 : index
        %get3A_3391 = tpu.vector_load %arg11[%get3A_3389, %get3A_3390] {strides = array<i32>} : memref<1280x32xf32, #tpu.memory_space<vmem>>, vector<16xf32>,
        %mul3A_3392 = arith.mulf %mul3A_3380, %get3A_3391 : vector<16xf32>
        %add3A_3393 = arith.constant 19 : i32
        %add3A_3394 = arith.addi %mul3A_3164, %add3A_3393 : i32
        %get3A_3395 = arith.index_cast %add3A_3394 : i32 to index
        %get3A_3396 = arith.constant 16 : index
        %get3A_3397 = tpu.vector_load %arg11[%get3A_3395, %get3A_3396] {strides = array<i32>} : memref<1280x32xf32, #tpu.memory_space<vmem>>, vector<16xf32>,
        %mul3A_3398 = arith.mulf %mul3A_3386, %get3A_3397 : vector<16xf32>
        %mul3A_3399 = arith.mulf %mul3A_3392, %get3A_6 : vector<16xf32>
        %mul3A_3400 = arith.mulf %mul3A_3398, %get3A_8 : vector<16xf32>
        %add3A_3401 = arith.addf %mul3A_3399, %mul3A_3400 : vector<16xf32>
        %swap3A_3402 = arith.constant 153 : index
        %swap3A_3403 = tpu.vector_load %arg14[%swap3A_3402] {strides = array<i32>} : memref<272xf32, #tpu.memory_space<vmem>>, vector<16xf32>,
        tpu.vector_store %arg14[%swap3A_3402], %add3A_3401 {strides = array<i32>} : memref<272xf32, #tpu.memory_space<vmem>>, vector<16xf32>,
        %mul3A_3404 = arith.constant 16 : i32
        %mul3A_3405 = arith.muli %add3A_953, %mul3A_3404 : i32
        %add3A_3406 = arith.constant 10 : i32
        %add3A_3407 = arith.addi %mul3A_3405, %add3A_3406 : i32
        %mul3A_3408 = arith.constant 20 : i32
        %mul3A_3409 = arith.muli %add3A_3407, %mul3A_3408 : i32
        %get3A_3410 = arith.index_cast %mul3A_3409 : i32 to index
        %get3A_3411 = arith.constant 0 : index
        %get3A_3412 = tpu.vector_load %arg11[%get3A_3410, %get3A_3411] {strides = array<i32>} : memref<1280x32xf32, #tpu.memory_space<vmem>>, vector<16xf32>,
        %get3A_3413 = arith.index_cast %mul3A_3409 : i32 to index
        %get3A_3414 = arith.constant 16 : index
        %get3A_3415 = tpu.vector_load %arg11[%get3A_3413, %get3A_3414] {strides = array<i32>} : memref<1280x32xf32, #tpu.memory_space<vmem>>, vector<16xf32>,
        %add3A_3416 = arith.constant 1 : i32
        %add3A_3417 = arith.addi %mul3A_3409, %add3A_3416 : i32
        %get3A_3418 = arith.index_cast %add3A_3417 : i32 to index
        %get3A_3419 = arith.constant 0 : index
        %get3A_3420 = tpu.vector_load %arg11[%get3A_3418, %get3A_3419] {strides = array<i32>} : memref<1280x32xf32, #tpu.memory_space<vmem>>, vector<16xf32>,
        %mul3A_3421 = arith.mulf %get3A_3412, %get3A_3420 : vector<16xf32>
        %add3A_3422 = arith.constant 1 : i32
        %add3A_3423 = arith.addi %mul3A_3409, %add3A_3422 : i32
        %get3A_3424 = arith.index_cast %add3A_3423 : i32 to index
        %get3A_3425 = arith.constant 16 : index
        %get3A_3426 = tpu.vector_load %arg11[%get3A_3424, %get3A_3425] {strides = array<i32>} : memref<1280x32xf32, #tpu.memory_space<vmem>>, vector<16xf32>,
        %mul3A_3427 = arith.mulf %get3A_3415, %get3A_3426 : vector<16xf32>
        %add3A_3428 = arith.constant 2 : i32
        %add3A_3429 = arith.addi %mul3A_3409, %add3A_3428 : i32
        %get3A_3430 = arith.index_cast %add3A_3429 : i32 to index
        %get3A_3431 = arith.constant 0 : index
        %get3A_3432 = tpu.vector_load %arg11[%get3A_3430, %get3A_3431] {strides = array<i32>} : memref<1280x32xf32, #tpu.memory_space<vmem>>, vector<16xf32>,
        %mul3A_3433 = arith.mulf %mul3A_3421, %get3A_3432 : vector<16xf32>
        %add3A_3434 = arith.constant 2 : i32
        %add3A_3435 = arith.addi %mul3A_3409, %add3A_3434 : i32
        %get3A_3436 = arith.index_cast %add3A_3435 : i32 to index
        %get3A_3437 = arith.constant 16 : index
        %get3A_3438 = tpu.vector_load %arg11[%get3A_3436, %get3A_3437] {strides = array<i32>} : memref<1280x32xf32, #tpu.memory_space<vmem>>, vector<16xf32>,
        %mul3A_3439 = arith.mulf %mul3A_3427, %get3A_3438 : vector<16xf32>
        %add3A_3440 = arith.constant 3 : i32
        %add3A_3441 = arith.addi %mul3A_3409, %add3A_3440 : i32
        %get3A_3442 = arith.index_cast %add3A_3441 : i32 to index
        %get3A_3443 = arith.constant 0 : index
        %get3A_3444 = tpu.vector_load %arg11[%get3A_3442, %get3A_3443] {strides = array<i32>} : memref<1280x32xf32, #tpu.memory_space<vmem>>, vector<16xf32>,
        %mul3A_3445 = arith.mulf %mul3A_3433, %get3A_3444 : vector<16xf32>
        %add3A_3446 = arith.constant 3 : i32
        %add3A_3447 = arith.addi %mul3A_3409, %add3A_3446 : i32
        %get3A_3448 = arith.index_cast %add3A_3447 : i32 to index
        %get3A_3449 = arith.constant 16 : index
        %get3A_3450 = tpu.vector_load %arg11[%get3A_3448, %get3A_3449] {strides = array<i32>} : memref<1280x32xf32, #tpu.memory_space<vmem>>, vector<16xf32>,
        %mul3A_3451 = arith.mulf %mul3A_3439, %get3A_3450 : vector<16xf32>
        %add3A_3452 = arith.constant 4 : i32
        %add3A_3453 = arith.addi %mul3A_3409, %add3A_3452 : i32
        %get3A_3454 = arith.index_cast %add3A_3453 : i32 to index
        %get3A_3455 = arith.constant 0 : index
        %get3A_3456 = tpu.vector_load %arg11[%get3A_3454, %get3A_3455] {strides = array<i32>} : memref<1280x32xf32, #tpu.memory_space<vmem>>, vector<16xf32>,
        %mul3A_3457 = arith.mulf %mul3A_3445, %get3A_3456 : vector<16xf32>
        %add3A_3458 = arith.constant 4 : i32
        %add3A_3459 = arith.addi %mul3A_3409, %add3A_3458 : i32
        %get3A_3460 = arith.index_cast %add3A_3459 : i32 to index
        %get3A_3461 = arith.constant 16 : index
        %get3A_3462 = tpu.vector_load %arg11[%get3A_3460, %get3A_3461] {strides = array<i32>} : memref<1280x32xf32, #tpu.memory_space<vmem>>, vector<16xf32>,
        %mul3A_3463 = arith.mulf %mul3A_3451, %get3A_3462 : vector<16xf32>
        %add3A_3464 = arith.constant 5 : i32
        %add3A_3465 = arith.addi %mul3A_3409, %add3A_3464 : i32
        %get3A_3466 = arith.index_cast %add3A_3465 : i32 to index
        %get3A_3467 = arith.constant 0 : index
        %get3A_3468 = tpu.vector_load %arg11[%get3A_3466, %get3A_3467] {strides = array<i32>} : memref<1280x32xf32, #tpu.memory_space<vmem>>, vector<16xf32>,
        %mul3A_3469 = arith.mulf %mul3A_3457, %get3A_3468 : vector<16xf32>
        %add3A_3470 = arith.constant 5 : i32
        %add3A_3471 = arith.addi %mul3A_3409, %add3A_3470 : i32
        %get3A_3472 = arith.index_cast %add3A_3471 : i32 to index
        %get3A_3473 = arith.constant 16 : index
        %get3A_3474 = tpu.vector_load %arg11[%get3A_3472, %get3A_3473] {strides = array<i32>} : memref<1280x32xf32, #tpu.memory_space<vmem>>, vector<16xf32>,
        %mul3A_3475 = arith.mulf %mul3A_3463, %get3A_3474 : vector<16xf32>
        %add3A_3476 = arith.constant 6 : i32
        %add3A_3477 = arith.addi %mul3A_3409, %add3A_3476 : i32
        %get3A_3478 = arith.index_cast %add3A_3477 : i32 to index
        %get3A_3479 = arith.constant 0 : index
        %get3A_3480 = tpu.vector_load %arg11[%get3A_3478, %get3A_3479] {strides = array<i32>} : memref<1280x32xf32, #tpu.memory_space<vmem>>, vector<16xf32>,
        %mul3A_3481 = arith.mulf %mul3A_3469, %get3A_3480 : vector<16xf32>
        %add3A_3482 = arith.constant 6 : i32
        %add3A_3483 = arith.addi %mul3A_3409, %add3A_3482 : i32
        %get3A_3484 = arith.index_cast %add3A_3483 : i32 to index
        %get3A_3485 = arith.constant 16 : index
        %get3A_3486 = tpu.vector_load %arg11[%get3A_3484, %get3A_3485] {strides = array<i32>} : memref<1280x32xf32, #tpu.memory_space<vmem>>, vector<16xf32>,
        %mul3A_3487 = arith.mulf %mul3A_3475, %get3A_3486 : vector<16xf32>
        %add3A_3488 = arith.constant 7 : i32
        %add3A_3489 = arith.addi %mul3A_3409, %add3A_3488 : i32
        %get3A_3490 = arith.index_cast %add3A_3489 : i32 to index
        %get3A_3491 = arith.constant 0 : index
        %get3A_3492 = tpu.vector_load %arg11[%get3A_3490, %get3A_3491] {strides = array<i32>} : memref<1280x32xf32, #tpu.memory_space<vmem>>, vector<16xf32>,
        %mul3A_3493 = arith.mulf %mul3A_3481, %get3A_3492 : vector<16xf32>
        %add3A_3494 = arith.constant 7 : i32
        %add3A_3495 = arith.addi %mul3A_3409, %add3A_3494 : i32
        %get3A_3496 = arith.index_cast %add3A_3495 : i32 to index
        %get3A_3497 = arith.constant 16 : index
        %get3A_3498 = tpu.vector_load %arg11[%get3A_3496, %get3A_3497] {strides = array<i32>} : memref<1280x32xf32, #tpu.memory_space<vmem>>, vector<16xf32>,
        %mul3A_3499 = arith.mulf %mul3A_3487, %get3A_3498 : vector<16xf32>
        %add3A_3500 = arith.constant 8 : i32
        %add3A_3501 = arith.addi %mul3A_3409, %add3A_3500 : i32
        %get3A_3502 = arith.index_cast %add3A_3501 : i32 to index
        %get3A_3503 = arith.constant 0 : index
        %get3A_3504 = tpu.vector_load %arg11[%get3A_3502, %get3A_3503] {strides = array<i32>} : memref<1280x32xf32, #tpu.memory_space<vmem>>, vector<16xf32>,
        %mul3A_3505 = arith.mulf %mul3A_3493, %get3A_3504 : vector<16xf32>
        %add3A_3506 = arith.constant 8 : i32
        %add3A_3507 = arith.addi %mul3A_3409, %add3A_3506 : i32
        %get3A_3508 = arith.index_cast %add3A_3507 : i32 to index
        %get3A_3509 = arith.constant 16 : index
        %get3A_3510 = tpu.vector_load %arg11[%get3A_3508, %get3A_3509] {strides = array<i32>} : memref<1280x32xf32, #tpu.memory_space<vmem>>, vector<16xf32>,
        %mul3A_3511 = arith.mulf %mul3A_3499, %get3A_3510 : vector<16xf32>
        %add3A_3512 = arith.constant 9 : i32
        %add3A_3513 = arith.addi %mul3A_3409, %add3A_3512 : i32
        %get3A_3514 = arith.index_cast %add3A_3513 : i32 to index
        %get3A_3515 = arith.constant 0 : index
        %get3A_3516 = tpu.vector_load %arg11[%get3A_3514, %get3A_3515] {strides = array<i32>} : memref<1280x32xf32, #tpu.memory_space<vmem>>, vector<16xf32>,
        %mul3A_3517 = arith.mulf %mul3A_3505, %get3A_3516 : vector<16xf32>
        %add3A_3518 = arith.constant 9 : i32
        %add3A_3519 = arith.addi %mul3A_3409, %add3A_3518 : i32
        %get3A_3520 = arith.index_cast %add3A_3519 : i32 to index
        %get3A_3521 = arith.constant 16 : index
        %get3A_3522 = tpu.vector_load %arg11[%get3A_3520, %get3A_3521] {strides = array<i32>} : memref<1280x32xf32, #tpu.memory_space<vmem>>, vector<16xf32>,
        %mul3A_3523 = arith.mulf %mul3A_3511, %get3A_3522 : vector<16xf32>
        %add3A_3524 = arith.constant 10 : i32
        %add3A_3525 = arith.addi %mul3A_3409, %add3A_3524 : i32
        %get3A_3526 = arith.index_cast %add3A_3525 : i32 to index
        %get3A_3527 = arith.constant 0 : index
        %get3A_3528 = tpu.vector_load %arg11[%get3A_3526, %get3A_3527] {strides = array<i32>} : memref<1280x32xf32, #tpu.memory_space<vmem>>, vector<16xf32>,
        %mul3A_3529 = arith.mulf %mul3A_3517, %get3A_3528 : vector<16xf32>
        %add3A_3530 = arith.constant 10 : i32
        %add3A_3531 = arith.addi %mul3A_3409, %add3A_3530 : i32
        %get3A_3532 = arith.index_cast %add3A_3531 : i32 to index
        %get3A_3533 = arith.constant 16 : index
        %get3A_3534 = tpu.vector_load %arg11[%get3A_3532, %get3A_3533] {strides = array<i32>} : memref<1280x32xf32, #tpu.memory_space<vmem>>, vector<16xf32>,
        %mul3A_3535 = arith.mulf %mul3A_3523, %get3A_3534 : vector<16xf32>
        %add3A_3536 = arith.constant 11 : i32
        %add3A_3537 = arith.addi %mul3A_3409, %add3A_3536 : i32
        %get3A_3538 = arith.index_cast %add3A_3537 : i32 to index
        %get3A_3539 = arith.constant 0 : index
        %get3A_3540 = tpu.vector_load %arg11[%get3A_3538, %get3A_3539] {strides = array<i32>} : memref<1280x32xf32, #tpu.memory_space<vmem>>, vector<16xf32>,
        %mul3A_3541 = arith.mulf %mul3A_3529, %get3A_3540 : vector<16xf32>
        %add3A_3542 = arith.constant 11 : i32
        %add3A_3543 = arith.addi %mul3A_3409, %add3A_3542 : i32
        %get3A_3544 = arith.index_cast %add3A_3543 : i32 to index
        %get3A_3545 = arith.constant 16 : index
        %get3A_3546 = tpu.vector_load %arg11[%get3A_3544, %get3A_3545] {strides = array<i32>} : memref<1280x32xf32, #tpu.memory_space<vmem>>, vector<16xf32>,
        %mul3A_3547 = arith.mulf %mul3A_3535, %get3A_3546 : vector<16xf32>
        %add3A_3548 = arith.constant 12 : i32
        %add3A_3549 = arith.addi %mul3A_3409, %add3A_3548 : i32
        %get3A_3550 = arith.index_cast %add3A_3549 : i32 to index
        %get3A_3551 = arith.constant 0 : index
        %get3A_3552 = tpu.vector_load %arg11[%get3A_3550, %get3A_3551] {strides = array<i32>} : memref<1280x32xf32, #tpu.memory_space<vmem>>, vector<16xf32>,
        %mul3A_3553 = arith.mulf %mul3A_3541, %get3A_3552 : vector<16xf32>
        %add3A_3554 = arith.constant 12 : i32
        %add3A_3555 = arith.addi %mul3A_3409, %add3A_3554 : i32
        %get3A_3556 = arith.index_cast %add3A_3555 : i32 to index
        %get3A_3557 = arith.constant 16 : index
        %get3A_3558 = tpu.vector_load %arg11[%get3A_3556, %get3A_3557] {strides = array<i32>} : memref<1280x32xf32, #tpu.memory_space<vmem>>, vector<16xf32>,
        %mul3A_3559 = arith.mulf %mul3A_3547, %get3A_3558 : vector<16xf32>
        %add3A_3560 = arith.constant 13 : i32
        %add3A_3561 = arith.addi %mul3A_3409, %add3A_3560 : i32
        %get3A_3562 = arith.index_cast %add3A_3561 : i32 to index
        %get3A_3563 = arith.constant 0 : index
        %get3A_3564 = tpu.vector_load %arg11[%get3A_3562, %get3A_3563] {strides = array<i32>} : memref<1280x32xf32, #tpu.memory_space<vmem>>, vector<16xf32>,
        %mul3A_3565 = arith.mulf %mul3A_3553, %get3A_3564 : vector<16xf32>
        %add3A_3566 = arith.constant 13 : i32
        %add3A_3567 = arith.addi %mul3A_3409, %add3A_3566 : i32
        %get3A_3568 = arith.index_cast %add3A_3567 : i32 to index
        %get3A_3569 = arith.constant 16 : index
        %get3A_3570 = tpu.vector_load %arg11[%get3A_3568, %get3A_3569] {strides = array<i32>} : memref<1280x32xf32, #tpu.memory_space<vmem>>, vector<16xf32>,
        %mul3A_3571 = arith.mulf %mul3A_3559, %get3A_3570 : vector<16xf32>
        %add3A_3572 = arith.constant 14 : i32
        %add3A_3573 = arith.addi %mul3A_3409, %add3A_3572 : i32
        %get3A_3574 = arith.index_cast %add3A_3573 : i32 to index
        %get3A_3575 = arith.constant 0 : index
        %get3A_3576 = tpu.vector_load %arg11[%get3A_3574, %get3A_3575] {strides = array<i32>} : memref<1280x32xf32, #tpu.memory_space<vmem>>, vector<16xf32>,
        %mul3A_3577 = arith.mulf %mul3A_3565, %get3A_3576 : vector<16xf32>
        %add3A_3578 = arith.constant 14 : i32
        %add3A_3579 = arith.addi %mul3A_3409, %add3A_3578 : i32
        %get3A_3580 = arith.index_cast %add3A_3579 : i32 to index
        %get3A_3581 = arith.constant 16 : index
        %get3A_3582 = tpu.vector_load %arg11[%get3A_3580, %get3A_3581] {strides = array<i32>} : memref<1280x32xf32, #tpu.memory_space<vmem>>, vector<16xf32>,
        %mul3A_3583 = arith.mulf %mul3A_3571, %get3A_3582 : vector<16xf32>
        %add3A_3584 = arith.constant 15 : i32
        %add3A_3585 = arith.addi %mul3A_3409, %add3A_3584 : i32
        %get3A_3586 = arith.index_cast %add3A_3585 : i32 to index
        %get3A_3587 = arith.constant 0 : index
        %get3A_3588 = tpu.vector_load %arg11[%get3A_3586, %get3A_3587] {strides = array<i32>} : memref<1280x32xf32, #tpu.memory_space<vmem>>, vector<16xf32>,
        %mul3A_3589 = arith.mulf %mul3A_3577, %get3A_3588 : vector<16xf32>
        %add3A_3590 = arith.constant 15 : i32
        %add3A_3591 = arith.addi %mul3A_3409, %add3A_3590 : i32
        %get3A_3592 = arith.index_cast %add3A_3591 : i32 to index
        %get3A_3593 = arith.constant 16 : index
        %get3A_3594 = tpu.vector_load %arg11[%get3A_3592, %get3A_3593] {strides = array<i32>} : memref<1280x32xf32, #tpu.memory_space<vmem>>, vector<16xf32>,
        %mul3A_3595 = arith.mulf %mul3A_3583, %get3A_3594 : vector<16xf32>
        %add3A_3596 = arith.constant 16 : i32
        %add3A_3597 = arith.addi %mul3A_3409, %add3A_3596 : i32
        %get3A_3598 = arith.index_cast %add3A_3597 : i32 to index
        %get3A_3599 = arith.constant 0 : index
        %get3A_3600 = tpu.vector_load %arg11[%get3A_3598, %get3A_3599] {strides = array<i32>} : memref<1280x32xf32, #tpu.memory_space<vmem>>, vector<16xf32>,
        %mul3A_3601 = arith.mulf %mul3A_3589, %get3A_3600 : vector<16xf32>
        %add3A_3602 = arith.constant 16 : i32
        %add3A_3603 = arith.addi %mul3A_3409, %add3A_3602 : i32
        %get3A_3604 = arith.index_cast %add3A_3603 : i32 to index
        %get3A_3605 = arith.constant 16 : index
        %get3A_3606 = tpu.vector_load %arg11[%get3A_3604, %get3A_3605] {strides = array<i32>} : memref<1280x32xf32, #tpu.memory_space<vmem>>, vector<16xf32>,
        %mul3A_3607 = arith.mulf %mul3A_3595, %get3A_3606 : vector<16xf32>
        %add3A_3608 = arith.constant 17 : i32
        %add3A_3609 = arith.addi %mul3A_3409, %add3A_3608 : i32
        %get3A_3610 = arith.index_cast %add3A_3609 : i32 to index
        %get3A_3611 = arith.constant 0 : index
        %get3A_3612 = tpu.vector_load %arg11[%get3A_3610, %get3A_3611] {strides = array<i32>} : memref<1280x32xf32, #tpu.memory_space<vmem>>, vector<16xf32>,
        %mul3A_3613 = arith.mulf %mul3A_3601, %get3A_3612 : vector<16xf32>
        %add3A_3614 = arith.constant 17 : i32
        %add3A_3615 = arith.addi %mul3A_3409, %add3A_3614 : i32
        %get3A_3616 = arith.index_cast %add3A_3615 : i32 to index
        %get3A_3617 = arith.constant 16 : index
        %get3A_3618 = tpu.vector_load %arg11[%get3A_3616, %get3A_3617] {strides = array<i32>} : memref<1280x32xf32, #tpu.memory_space<vmem>>, vector<16xf32>,
        %mul3A_3619 = arith.mulf %mul3A_3607, %get3A_3618 : vector<16xf32>
        %add3A_3620 = arith.constant 18 : i32
        %add3A_3621 = arith.addi %mul3A_3409, %add3A_3620 : i32
        %get3A_3622 = arith.index_cast %add3A_3621 : i32 to index
        %get3A_3623 = arith.constant 0 : index
        %get3A_3624 = tpu.vector_load %arg11[%get3A_3622, %get3A_3623] {strides = array<i32>} : memref<1280x32xf32, #tpu.memory_space<vmem>>, vector<16xf32>,
        %mul3A_3625 = arith.mulf %mul3A_3613, %get3A_3624 : vector<16xf32>
        %add3A_3626 = arith.constant 18 : i32
        %add3A_3627 = arith.addi %mul3A_3409, %add3A_3626 : i32
        %get3A_3628 = arith.index_cast %add3A_3627 : i32 to index
        %get3A_3629 = arith.constant 16 : index
        %get3A_3630 = tpu.vector_load %arg11[%get3A_3628, %get3A_3629] {strides = array<i32>} : memref<1280x32xf32, #tpu.memory_space<vmem>>, vector<16xf32>,
        %mul3A_3631 = arith.mulf %mul3A_3619, %get3A_3630 : vector<16xf32>
        %add3A_3632 = arith.constant 19 : i32
        %add3A_3633 = arith.addi %mul3A_3409, %add3A_3632 : i32
        %get3A_3634 = arith.index_cast %add3A_3633 : i32 to index
        %get3A_3635 = arith.constant 0 : index
        %get3A_3636 = tpu.vector_load %arg11[%get3A_3634, %get3A_3635] {strides = array<i32>} : memref<1280x32xf32, #tpu.memory_space<vmem>>, vector<16xf32>,
        %mul3A_3637 = arith.mulf %mul3A_3625, %get3A_3636 : vector<16xf32>
        %add3A_3638 = arith.constant 19 : i32
        %add3A_3639 = arith.addi %mul3A_3409, %add3A_3638 : i32
        %get3A_3640 = arith.index_cast %add3A_3639 : i32 to index
        %get3A_3641 = arith.constant 16 : index
        %get3A_3642 = tpu.vector_load %arg11[%get3A_3640, %get3A_3641] {strides = array<i32>} : memref<1280x32xf32, #tpu.memory_space<vmem>>, vector<16xf32>,
        %mul3A_3643 = arith.mulf %mul3A_3631, %get3A_3642 : vector<16xf32>
        %mul3A_3644 = arith.mulf %mul3A_3637, %get3A_6 : vector<16xf32>
        %mul3A_3645 = arith.mulf %mul3A_3643, %get3A_8 : vector<16xf32>
        %add3A_3646 = arith.addf %mul3A_3644, %mul3A_3645 : vector<16xf32>
        %swap3A_3647 = arith.constant 170 : index
        %swap3A_3648 = tpu.vector_load %arg14[%swap3A_3647] {strides = array<i32>} : memref<272xf32, #tpu.memory_space<vmem>>, vector<16xf32>,
        tpu.vector_store %arg14[%swap3A_3647], %add3A_3646 {strides = array<i32>} : memref<272xf32, #tpu.memory_space<vmem>>, vector<16xf32>,
        %mul3A_3649 = arith.constant 16 : i32
        %mul3A_3650 = arith.muli %add3A_953, %mul3A_3649 : i32
        %add3A_3651 = arith.constant 11 : i32
        %add3A_3652 = arith.addi %mul3A_3650, %add3A_3651 : i32
        %mul3A_3653 = arith.constant 20 : i32
        %mul3A_3654 = arith.muli %add3A_3652, %mul3A_3653 : i32
        %get3A_3655 = arith.index_cast %mul3A_3654 : i32 to index
        %get3A_3656 = arith.constant 0 : index
        %get3A_3657 = tpu.vector_load %arg11[%get3A_3655, %get3A_3656] {strides = array<i32>} : memref<1280x32xf32, #tpu.memory_space<vmem>>, vector<16xf32>,
        %get3A_3658 = arith.index_cast %mul3A_3654 : i32 to index
        %get3A_3659 = arith.constant 16 : index
        %get3A_3660 = tpu.vector_load %arg11[%get3A_3658, %get3A_3659] {strides = array<i32>} : memref<1280x32xf32, #tpu.memory_space<vmem>>, vector<16xf32>,
        %add3A_3661 = arith.constant 1 : i32
        %add3A_3662 = arith.addi %mul3A_3654, %add3A_3661 : i32
        %get3A_3663 = arith.index_cast %add3A_3662 : i32 to index
        %get3A_3664 = arith.constant 0 : index
        %get3A_3665 = tpu.vector_load %arg11[%get3A_3663, %get3A_3664] {strides = array<i32>} : memref<1280x32xf32, #tpu.memory_space<vmem>>, vector<16xf32>,
        %mul3A_3666 = arith.mulf %get3A_3657, %get3A_3665 : vector<16xf32>
        %add3A_3667 = arith.constant 1 : i32
        %add3A_3668 = arith.addi %mul3A_3654, %add3A_3667 : i32
        %get3A_3669 = arith.index_cast %add3A_3668 : i32 to index
        %get3A_3670 = arith.constant 16 : index
        %get3A_3671 = tpu.vector_load %arg11[%get3A_3669, %get3A_3670] {strides = array<i32>} : memref<1280x32xf32, #tpu.memory_space<vmem>>, vector<16xf32>,
        %mul3A_3672 = arith.mulf %get3A_3660, %get3A_3671 : vector<16xf32>
        %add3A_3673 = arith.constant 2 : i32
        %add3A_3674 = arith.addi %mul3A_3654, %add3A_3673 : i32
        %get3A_3675 = arith.index_cast %add3A_3674 : i32 to index
        %get3A_3676 = arith.constant 0 : index
        %get3A_3677 = tpu.vector_load %arg11[%get3A_3675, %get3A_3676] {strides = array<i32>} : memref<1280x32xf32, #tpu.memory_space<vmem>>, vector<16xf32>,
        %mul3A_3678 = arith.mulf %mul3A_3666, %get3A_3677 : vector<16xf32>
        %add3A_3679 = arith.constant 2 : i32
        %add3A_3680 = arith.addi %mul3A_3654, %add3A_3679 : i32
        %get3A_3681 = arith.index_cast %add3A_3680 : i32 to index
        %get3A_3682 = arith.constant 16 : index
        %get3A_3683 = tpu.vector_load %arg11[%get3A_3681, %get3A_3682] {strides = array<i32>} : memref<1280x32xf32, #tpu.memory_space<vmem>>, vector<16xf32>,
        %mul3A_3684 = arith.mulf %mul3A_3672, %get3A_3683 : vector<16xf32>
        %add3A_3685 = arith.constant 3 : i32
        %add3A_3686 = arith.addi %mul3A_3654, %add3A_3685 : i32
        %get3A_3687 = arith.index_cast %add3A_3686 : i32 to index
        %get3A_3688 = arith.constant 0 : index
        %get3A_3689 = tpu.vector_load %arg11[%get3A_3687, %get3A_3688] {strides = array<i32>} : memref<1280x32xf32, #tpu.memory_space<vmem>>, vector<16xf32>,
        %mul3A_3690 = arith.mulf %mul3A_3678, %get3A_3689 : vector<16xf32>
        %add3A_3691 = arith.constant 3 : i32
        %add3A_3692 = arith.addi %mul3A_3654, %add3A_3691 : i32
        %get3A_3693 = arith.index_cast %add3A_3692 : i32 to index
        %get3A_3694 = arith.constant 16 : index
        %get3A_3695 = tpu.vector_load %arg11[%get3A_3693, %get3A_3694] {strides = array<i32>} : memref<1280x32xf32, #tpu.memory_space<vmem>>, vector<16xf32>,
        %mul3A_3696 = arith.mulf %mul3A_3684, %get3A_3695 : vector<16xf32>
        %add3A_3697 = arith.constant 4 : i32
        %add3A_3698 = arith.addi %mul3A_3654, %add3A_3697 : i32
        %get3A_3699 = arith.index_cast %add3A_3698 : i32 to index
        %get3A_3700 = arith.constant 0 : index
        %get3A_3701 = tpu.vector_load %arg11[%get3A_3699, %get3A_3700] {strides = array<i32>} : memref<1280x32xf32, #tpu.memory_space<vmem>>, vector<16xf32>,
        %mul3A_3702 = arith.mulf %mul3A_3690, %get3A_3701 : vector<16xf32>
        %add3A_3703 = arith.constant 4 : i32
        %add3A_3704 = arith.addi %mul3A_3654, %add3A_3703 : i32
        %get3A_3705 = arith.index_cast %add3A_3704 : i32 to index
        %get3A_3706 = arith.constant 16 : index
        %get3A_3707 = tpu.vector_load %arg11[%get3A_3705, %get3A_3706] {strides = array<i32>} : memref<1280x32xf32, #tpu.memory_space<vmem>>, vector<16xf32>,
        %mul3A_3708 = arith.mulf %mul3A_3696, %get3A_3707 : vector<16xf32>
        %add3A_3709 = arith.constant 5 : i32
        %add3A_3710 = arith.addi %mul3A_3654, %add3A_3709 : i32
        %get3A_3711 = arith.index_cast %add3A_3710 : i32 to index
        %get3A_3712 = arith.constant 0 : index
        %get3A_3713 = tpu.vector_load %arg11[%get3A_3711, %get3A_3712] {strides = array<i32>} : memref<1280x32xf32, #tpu.memory_space<vmem>>, vector<16xf32>,
        %mul3A_3714 = arith.mulf %mul3A_3702, %get3A_3713 : vector<16xf32>
        %add3A_3715 = arith.constant 5 : i32
        %add3A_3716 = arith.addi %mul3A_3654, %add3A_3715 : i32
        %get3A_3717 = arith.index_cast %add3A_3716 : i32 to index
        %get3A_3718 = arith.constant 16 : index
        %get3A_3719 = tpu.vector_load %arg11[%get3A_3717, %get3A_3718] {strides = array<i32>} : memref<1280x32xf32, #tpu.memory_space<vmem>>, vector<16xf32>,
        %mul3A_3720 = arith.mulf %mul3A_3708, %get3A_3719 : vector<16xf32>
        %add3A_3721 = arith.constant 6 : i32
        %add3A_3722 = arith.addi %mul3A_3654, %add3A_3721 : i32
        %get3A_3723 = arith.index_cast %add3A_3722 : i32 to index
        %get3A_3724 = arith.constant 0 : index
        %get3A_3725 = tpu.vector_load %arg11[%get3A_3723, %get3A_3724] {strides = array<i32>} : memref<1280x32xf32, #tpu.memory_space<vmem>>, vector<16xf32>,
        %mul3A_3726 = arith.mulf %mul3A_3714, %get3A_3725 : vector<16xf32>
        %add3A_3727 = arith.constant 6 : i32
        %add3A_3728 = arith.addi %mul3A_3654, %add3A_3727 : i32
        %get3A_3729 = arith.index_cast %add3A_3728 : i32 to index
        %get3A_3730 = arith.constant 16 : index
        %get3A_3731 = tpu.vector_load %arg11[%get3A_3729, %get3A_3730] {strides = array<i32>} : memref<1280x32xf32, #tpu.memory_space<vmem>>, vector<16xf32>,
        %mul3A_3732 = arith.mulf %mul3A_3720, %get3A_3731 : vector<16xf32>
        %add3A_3733 = arith.constant 7 : i32
        %add3A_3734 = arith.addi %mul3A_3654, %add3A_3733 : i32
        %get3A_3735 = arith.index_cast %add3A_3734 : i32 to index
        %get3A_3736 = arith.constant 0 : index
        %get3A_3737 = tpu.vector_load %arg11[%get3A_3735, %get3A_3736] {strides = array<i32>} : memref<1280x32xf32, #tpu.memory_space<vmem>>, vector<16xf32>,
        %mul3A_3738 = arith.mulf %mul3A_3726, %get3A_3737 : vector<16xf32>
        %add3A_3739 = arith.constant 7 : i32
        %add3A_3740 = arith.addi %mul3A_3654, %add3A_3739 : i32
        %get3A_3741 = arith.index_cast %add3A_3740 : i32 to index
        %get3A_3742 = arith.constant 16 : index
        %get3A_3743 = tpu.vector_load %arg11[%get3A_3741, %get3A_3742] {strides = array<i32>} : memref<1280x32xf32, #tpu.memory_space<vmem>>, vector<16xf32>,
        %mul3A_3744 = arith.mulf %mul3A_3732, %get3A_3743 : vector<16xf32>
        %add3A_3745 = arith.constant 8 : i32
        %add3A_3746 = arith.addi %mul3A_3654, %add3A_3745 : i32
        %get3A_3747 = arith.index_cast %add3A_3746 : i32 to index
        %get3A_3748 = arith.constant 0 : index
        %get3A_3749 = tpu.vector_load %arg11[%get3A_3747, %get3A_3748] {strides = array<i32>} : memref<1280x32xf32, #tpu.memory_space<vmem>>, vector<16xf32>,
        %mul3A_3750 = arith.mulf %mul3A_3738, %get3A_3749 : vector<16xf32>
        %add3A_3751 = arith.constant 8 : i32
        %add3A_3752 = arith.addi %mul3A_3654, %add3A_3751 : i32
        %get3A_3753 = arith.index_cast %add3A_3752 : i32 to index
        %get3A_3754 = arith.constant 16 : index
        %get3A_3755 = tpu.vector_load %arg11[%get3A_3753, %get3A_3754] {strides = array<i32>} : memref<1280x32xf32, #tpu.memory_space<vmem>>, vector<16xf32>,
        %mul3A_3756 = arith.mulf %mul3A_3744, %get3A_3755 : vector<16xf32>
        %add3A_3757 = arith.constant 9 : i32
        %add3A_3758 = arith.addi %mul3A_3654, %add3A_3757 : i32
        %get3A_3759 = arith.index_cast %add3A_3758 : i32 to index
        %get3A_3760 = arith.constant 0 : index
        %get3A_3761 = tpu.vector_load %arg11[%get3A_3759, %get3A_3760] {strides = array<i32>} : memref<1280x32xf32, #tpu.memory_space<vmem>>, vector<16xf32>,
        %mul3A_3762 = arith.mulf %mul3A_3750, %get3A_3761 : vector<16xf32>
        %add3A_3763 = arith.constant 9 : i32
        %add3A_3764 = arith.addi %mul3A_3654, %add3A_3763 : i32
        %get3A_3765 = arith.index_cast %add3A_3764 : i32 to index
        %get3A_3766 = arith.constant 16 : index
        %get3A_3767 = tpu.vector_load %arg11[%get3A_3765, %get3A_3766] {strides = array<i32>} : memref<1280x32xf32, #tpu.memory_space<vmem>>, vector<16xf32>,
        %mul3A_3768 = arith.mulf %mul3A_3756, %get3A_3767 : vector<16xf32>
        %add3A_3769 = arith.constant 10 : i32
        %add3A_3770 = arith.addi %mul3A_3654, %add3A_3769 : i32
        %get3A_3771 = arith.index_cast %add3A_3770 : i32 to index
        %get3A_3772 = arith.constant 0 : index
        %get3A_3773 = tpu.vector_load %arg11[%get3A_3771, %get3A_3772] {strides = array<i32>} : memref<1280x32xf32, #tpu.memory_space<vmem>>, vector<16xf32>,
        %mul3A_3774 = arith.mulf %mul3A_3762, %get3A_3773 : vector<16xf32>
        %add3A_3775 = arith.constant 10 : i32
        %add3A_3776 = arith.addi %mul3A_3654, %add3A_3775 : i32
        %get3A_3777 = arith.index_cast %add3A_3776 : i32 to index
        %get3A_3778 = arith.constant 16 : index
        %get3A_3779 = tpu.vector_load %arg11[%get3A_3777, %get3A_3778] {strides = array<i32>} : memref<1280x32xf32, #tpu.memory_space<vmem>>, vector<16xf32>,
        %mul3A_3780 = arith.mulf %mul3A_3768, %get3A_3779 : vector<16xf32>
        %add3A_3781 = arith.constant 11 : i32
        %add3A_3782 = arith.addi %mul3A_3654, %add3A_3781 : i32
        %get3A_3783 = arith.index_cast %add3A_3782 : i32 to index
        %get3A_3784 = arith.constant 0 : index
        %get3A_3785 = tpu.vector_load %arg11[%get3A_3783, %get3A_3784] {strides = array<i32>} : memref<1280x32xf32, #tpu.memory_space<vmem>>, vector<16xf32>,
        %mul3A_3786 = arith.mulf %mul3A_3774, %get3A_3785 : vector<16xf32>
        %add3A_3787 = arith.constant 11 : i32
        %add3A_3788 = arith.addi %mul3A_3654, %add3A_3787 : i32
        %get3A_3789 = arith.index_cast %add3A_3788 : i32 to index
        %get3A_3790 = arith.constant 16 : index
        %get3A_3791 = tpu.vector_load %arg11[%get3A_3789, %get3A_3790] {strides = array<i32>} : memref<1280x32xf32, #tpu.memory_space<vmem>>, vector<16xf32>,
        %mul3A_3792 = arith.mulf %mul3A_3780, %get3A_3791 : vector<16xf32>
        %add3A_3793 = arith.constant 12 : i32
        %add3A_3794 = arith.addi %mul3A_3654, %add3A_3793 : i32
        %get3A_3795 = arith.index_cast %add3A_3794 : i32 to index
        %get3A_3796 = arith.constant 0 : index
        %get3A_3797 = tpu.vector_load %arg11[%get3A_3795, %get3A_3796] {strides = array<i32>} : memref<1280x32xf32, #tpu.memory_space<vmem>>, vector<16xf32>,
        %mul3A_3798 = arith.mulf %mul3A_3786, %get3A_3797 : vector<16xf32>
        %add3A_3799 = arith.constant 12 : i32
        %add3A_3800 = arith.addi %mul3A_3654, %add3A_3799 : i32
        %get3A_3801 = arith.index_cast %add3A_3800 : i32 to index
        %get3A_3802 = arith.constant 16 : index
        %get3A_3803 = tpu.vector_load %arg11[%get3A_3801, %get3A_3802] {strides = array<i32>} : memref<1280x32xf32, #tpu.memory_space<vmem>>, vector<16xf32>,
        %mul3A_3804 = arith.mulf %mul3A_3792, %get3A_3803 : vector<16xf32>
        %add3A_3805 = arith.constant 13 : i32
        %add3A_3806 = arith.addi %mul3A_3654, %add3A_3805 : i32
        %get3A_3807 = arith.index_cast %add3A_3806 : i32 to index
        %get3A_3808 = arith.constant 0 : index
        %get3A_3809 = tpu.vector_load %arg11[%get3A_3807, %get3A_3808] {strides = array<i32>} : memref<1280x32xf32, #tpu.memory_space<vmem>>, vector<16xf32>,
        %mul3A_3810 = arith.mulf %mul3A_3798, %get3A_3809 : vector<16xf32>
        %add3A_3811 = arith.constant 13 : i32
        %add3A_3812 = arith.addi %mul3A_3654, %add3A_3811 : i32
        %get3A_3813 = arith.index_cast %add3A_3812 : i32 to index
        %get3A_3814 = arith.constant 16 : index
        %get3A_3815 = tpu.vector_load %arg11[%get3A_3813, %get3A_3814] {strides = array<i32>} : memref<1280x32xf32, #tpu.memory_space<vmem>>, vector<16xf32>,
        %mul3A_3816 = arith.mulf %mul3A_3804, %get3A_3815 : vector<16xf32>
        %add3A_3817 = arith.constant 14 : i32
        %add3A_3818 = arith.addi %mul3A_3654, %add3A_3817 : i32
        %get3A_3819 = arith.index_cast %add3A_3818 : i32 to index
        %get3A_3820 = arith.constant 0 : index
        %get3A_3821 = tpu.vector_load %arg11[%get3A_3819, %get3A_3820] {strides = array<i32>} : memref<1280x32xf32, #tpu.memory_space<vmem>>, vector<16xf32>,
        %mul3A_3822 = arith.mulf %mul3A_3810, %get3A_3821 : vector<16xf32>
        %add3A_3823 = arith.constant 14 : i32
        %add3A_3824 = arith.addi %mul3A_3654, %add3A_3823 : i32
        %get3A_3825 = arith.index_cast %add3A_3824 : i32 to index
        %get3A_3826 = arith.constant 16 : index
        %get3A_3827 = tpu.vector_load %arg11[%get3A_3825, %get3A_3826] {strides = array<i32>} : memref<1280x32xf32, #tpu.memory_space<vmem>>, vector<16xf32>,
        %mul3A_3828 = arith.mulf %mul3A_3816, %get3A_3827 : vector<16xf32>
        %add3A_3829 = arith.constant 15 : i32
        %add3A_3830 = arith.addi %mul3A_3654, %add3A_3829 : i32
        %get3A_3831 = arith.index_cast %add3A_3830 : i32 to index
        %get3A_3832 = arith.constant 0 : index
        %get3A_3833 = tpu.vector_load %arg11[%get3A_3831, %get3A_3832] {strides = array<i32>} : memref<1280x32xf32, #tpu.memory_space<vmem>>, vector<16xf32>,
        %mul3A_3834 = arith.mulf %mul3A_3822, %get3A_3833 : vector<16xf32>
        %add3A_3835 = arith.constant 15 : i32
        %add3A_3836 = arith.addi %mul3A_3654, %add3A_3835 : i32
        %get3A_3837 = arith.index_cast %add3A_3836 : i32 to index
        %get3A_3838 = arith.constant 16 : index
        %get3A_3839 = tpu.vector_load %arg11[%get3A_3837, %get3A_3838] {strides = array<i32>} : memref<1280x32xf32, #tpu.memory_space<vmem>>, vector<16xf32>,
        %mul3A_3840 = arith.mulf %mul3A_3828, %get3A_3839 : vector<16xf32>
        %add3A_3841 = arith.constant 16 : i32
        %add3A_3842 = arith.addi %mul3A_3654, %add3A_3841 : i32
        %get3A_3843 = arith.index_cast %add3A_3842 : i32 to index
        %get3A_3844 = arith.constant 0 : index
        %get3A_3845 = tpu.vector_load %arg11[%get3A_3843, %get3A_3844] {strides = array<i32>} : memref<1280x32xf32, #tpu.memory_space<vmem>>, vector<16xf32>,
        %mul3A_3846 = arith.mulf %mul3A_3834, %get3A_3845 : vector<16xf32>
        %add3A_3847 = arith.constant 16 : i32
        %add3A_3848 = arith.addi %mul3A_3654, %add3A_3847 : i32
        %get3A_3849 = arith.index_cast %add3A_3848 : i32 to index
        %get3A_3850 = arith.constant 16 : index
        %get3A_3851 = tpu.vector_load %arg11[%get3A_3849, %get3A_3850] {strides = array<i32>} : memref<1280x32xf32, #tpu.memory_space<vmem>>, vector<16xf32>,
        %mul3A_3852 = arith.mulf %mul3A_3840, %get3A_3851 : vector<16xf32>
        %add3A_3853 = arith.constant 17 : i32
        %add3A_3854 = arith.addi %mul3A_3654, %add3A_3853 : i32
        %get3A_3855 = arith.index_cast %add3A_3854 : i32 to index
        %get3A_3856 = arith.constant 0 : index
        %get3A_3857 = tpu.vector_load %arg11[%get3A_3855, %get3A_3856] {strides = array<i32>} : memref<1280x32xf32, #tpu.memory_space<vmem>>, vector<16xf32>,
        %mul3A_3858 = arith.mulf %mul3A_3846, %get3A_3857 : vector<16xf32>
        %add3A_3859 = arith.constant 17 : i32
        %add3A_3860 = arith.addi %mul3A_3654, %add3A_3859 : i32
        %get3A_3861 = arith.index_cast %add3A_3860 : i32 to index
        %get3A_3862 = arith.constant 16 : index
        %get3A_3863 = tpu.vector_load %arg11[%get3A_3861, %get3A_3862] {strides = array<i32>} : memref<1280x32xf32, #tpu.memory_space<vmem>>, vector<16xf32>,
        %mul3A_3864 = arith.mulf %mul3A_3852, %get3A_3863 : vector<16xf32>
        %add3A_3865 = arith.constant 18 : i32
        %add3A_3866 = arith.addi %mul3A_3654, %add3A_3865 : i32
        %get3A_3867 = arith.index_cast %add3A_3866 : i32 to index
        %get3A_3868 = arith.constant 0 : index
        %get3A_3869 = tpu.vector_load %arg11[%get3A_3867, %get3A_3868] {strides = array<i32>} : memref<1280x32xf32, #tpu.memory_space<vmem>>, vector<16xf32>,
        %mul3A_3870 = arith.mulf %mul3A_3858, %get3A_3869 : vector<16xf32>
        %add3A_3871 = arith.constant 18 : i32
        %add3A_3872 = arith.addi %mul3A_3654, %add3A_3871 : i32
        %get3A_3873 = arith.index_cast %add3A_3872 : i32 to index
        %get3A_3874 = arith.constant 16 : index
        %get3A_3875 = tpu.vector_load %arg11[%get3A_3873, %get3A_3874] {strides = array<i32>} : memref<1280x32xf32, #tpu.memory_space<vmem>>, vector<16xf32>,
        %mul3A_3876 = arith.mulf %mul3A_3864, %get3A_3875 : vector<16xf32>
        %add3A_3877 = arith.constant 19 : i32
        %add3A_3878 = arith.addi %mul3A_3654, %add3A_3877 : i32
        %get3A_3879 = arith.index_cast %add3A_3878 : i32 to index
        %get3A_3880 = arith.constant 0 : index
        %get3A_3881 = tpu.vector_load %arg11[%get3A_3879, %get3A_3880] {strides = array<i32>} : memref<1280x32xf32, #tpu.memory_space<vmem>>, vector<16xf32>,
        %mul3A_3882 = arith.mulf %mul3A_3870, %get3A_3881 : vector<16xf32>
        %add3A_3883 = arith.constant 19 : i32
        %add3A_3884 = arith.addi %mul3A_3654, %add3A_3883 : i32
        %get3A_3885 = arith.index_cast %add3A_3884 : i32 to index
        %get3A_3886 = arith.constant 16 : index
        %get3A_3887 = tpu.vector_load %arg11[%get3A_3885, %get3A_3886] {strides = array<i32>} : memref<1280x32xf32, #tpu.memory_space<vmem>>, vector<16xf32>,
        %mul3A_3888 = arith.mulf %mul3A_3876, %get3A_3887 : vector<16xf32>
        %mul3A_3889 = arith.mulf %mul3A_3882, %get3A_6 : vector<16xf32>
        %mul3A_3890 = arith.mulf %mul3A_3888, %get3A_8 : vector<16xf32>
        %add3A_3891 = arith.addf %mul3A_3889, %mul3A_3890 : vector<16xf32>
        %swap3A_3892 = arith.constant 187 : index
        %swap3A_3893 = tpu.vector_load %arg14[%swap3A_3892] {strides = array<i32>} : memref<272xf32, #tpu.memory_space<vmem>>, vector<16xf32>,
        tpu.vector_store %arg14[%swap3A_3892], %add3A_3891 {strides = array<i32>} : memref<272xf32, #tpu.memory_space<vmem>>, vector<16xf32>,
        %mul3A_3894 = arith.constant 16 : i32
        %mul3A_3895 = arith.muli %add3A_953, %mul3A_3894 : i32
        %add3A_3896 = arith.constant 12 : i32
        %add3A_3897 = arith.addi %mul3A_3895, %add3A_3896 : i32
        %mul3A_3898 = arith.constant 20 : i32
        %mul3A_3899 = arith.muli %add3A_3897, %mul3A_3898 : i32
        %get3A_3900 = arith.index_cast %mul3A_3899 : i32 to index
        %get3A_3901 = arith.constant 0 : index
        %get3A_3902 = tpu.vector_load %arg11[%get3A_3900, %get3A_3901] {strides = array<i32>} : memref<1280x32xf32, #tpu.memory_space<vmem>>, vector<16xf32>,
        %get3A_3903 = arith.index_cast %mul3A_3899 : i32 to index
        %get3A_3904 = arith.constant 16 : index
        %get3A_3905 = tpu.vector_load %arg11[%get3A_3903, %get3A_3904] {strides = array<i32>} : memref<1280x32xf32, #tpu.memory_space<vmem>>, vector<16xf32>,
        %add3A_3906 = arith.constant 1 : i32
        %add3A_3907 = arith.addi %mul3A_3899, %add3A_3906 : i32
        %get3A_3908 = arith.index_cast %add3A_3907 : i32 to index
        %get3A_3909 = arith.constant 0 : index
        %get3A_3910 = tpu.vector_load %arg11[%get3A_3908, %get3A_3909] {strides = array<i32>} : memref<1280x32xf32, #tpu.memory_space<vmem>>, vector<16xf32>,
        %mul3A_3911 = arith.mulf %get3A_3902, %get3A_3910 : vector<16xf32>
        %add3A_3912 = arith.constant 1 : i32
        %add3A_3913 = arith.addi %mul3A_3899, %add3A_3912 : i32
        %get3A_3914 = arith.index_cast %add3A_3913 : i32 to index
        %get3A_3915 = arith.constant 16 : index
        %get3A_3916 = tpu.vector_load %arg11[%get3A_3914, %get3A_3915] {strides = array<i32>} : memref<1280x32xf32, #tpu.memory_space<vmem>>, vector<16xf32>,
        %mul3A_3917 = arith.mulf %get3A_3905, %get3A_3916 : vector<16xf32>
        %add3A_3918 = arith.constant 2 : i32
        %add3A_3919 = arith.addi %mul3A_3899, %add3A_3918 : i32
        %get3A_3920 = arith.index_cast %add3A_3919 : i32 to index
        %get3A_3921 = arith.constant 0 : index
        %get3A_3922 = tpu.vector_load %arg11[%get3A_3920, %get3A_3921] {strides = array<i32>} : memref<1280x32xf32, #tpu.memory_space<vmem>>, vector<16xf32>,
        %mul3A_3923 = arith.mulf %mul3A_3911, %get3A_3922 : vector<16xf32>
        %add3A_3924 = arith.constant 2 : i32
        %add3A_3925 = arith.addi %mul3A_3899, %add3A_3924 : i32
        %get3A_3926 = arith.index_cast %add3A_3925 : i32 to index
        %get3A_3927 = arith.constant 16 : index
        %get3A_3928 = tpu.vector_load %arg11[%get3A_3926, %get3A_3927] {strides = array<i32>} : memref<1280x32xf32, #tpu.memory_space<vmem>>, vector<16xf32>,
        %mul3A_3929 = arith.mulf %mul3A_3917, %get3A_3928 : vector<16xf32>
        %add3A_3930 = arith.constant 3 : i32
        %add3A_3931 = arith.addi %mul3A_3899, %add3A_3930 : i32
        %get3A_3932 = arith.index_cast %add3A_3931 : i32 to index
        %get3A_3933 = arith.constant 0 : index
        %get3A_3934 = tpu.vector_load %arg11[%get3A_3932, %get3A_3933] {strides = array<i32>} : memref<1280x32xf32, #tpu.memory_space<vmem>>, vector<16xf32>,
        %mul3A_3935 = arith.mulf %mul3A_3923, %get3A_3934 : vector<16xf32>
        %add3A_3936 = arith.constant 3 : i32
        %add3A_3937 = arith.addi %mul3A_3899, %add3A_3936 : i32
        %get3A_3938 = arith.index_cast %add3A_3937 : i32 to index
        %get3A_3939 = arith.constant 16 : index
        %get3A_3940 = tpu.vector_load %arg11[%get3A_3938, %get3A_3939] {strides = array<i32>} : memref<1280x32xf32, #tpu.memory_space<vmem>>, vector<16xf32>,
        %mul3A_3941 = arith.mulf %mul3A_3929, %get3A_3940 : vector<16xf32>
        %add3A_3942 = arith.constant 4 : i32
        %add3A_3943 = arith.addi %mul3A_3899, %add3A_3942 : i32
        %get3A_3944 = arith.index_cast %add3A_3943 : i32 to index
        %get3A_3945 = arith.constant 0 : index
        %get3A_3946 = tpu.vector_load %arg11[%get3A_3944, %get3A_3945] {strides = array<i32>} : memref<1280x32xf32, #tpu.memory_space<vmem>>, vector<16xf32>,
        %mul3A_3947 = arith.mulf %mul3A_3935, %get3A_3946 : vector<16xf32>
        %add3A_3948 = arith.constant 4 : i32
        %add3A_3949 = arith.addi %mul3A_3899, %add3A_3948 : i32
        %get3A_3950 = arith.index_cast %add3A_3949 : i32 to index
        %get3A_3951 = arith.constant 16 : index
        %get3A_3952 = tpu.vector_load %arg11[%get3A_3950, %get3A_3951] {strides = array<i32>} : memref<1280x32xf32, #tpu.memory_space<vmem>>, vector<16xf32>,
        %mul3A_3953 = arith.mulf %mul3A_3941, %get3A_3952 : vector<16xf32>
        %add3A_3954 = arith.constant 5 : i32
        %add3A_3955 = arith.addi %mul3A_3899, %add3A_3954 : i32
        %get3A_3956 = arith.index_cast %add3A_3955 : i32 to index
        %get3A_3957 = arith.constant 0 : index
        %get3A_3958 = tpu.vector_load %arg11[%get3A_3956, %get3A_3957] {strides = array<i32>} : memref<1280x32xf32, #tpu.memory_space<vmem>>, vector<16xf32>,
        %mul3A_3959 = arith.mulf %mul3A_3947, %get3A_3958 : vector<16xf32>
        %add3A_3960 = arith.constant 5 : i32
        %add3A_3961 = arith.addi %mul3A_3899, %add3A_3960 : i32
        %get3A_3962 = arith.index_cast %add3A_3961 : i32 to index
        %get3A_3963 = arith.constant 16 : index
        %get3A_3964 = tpu.vector_load %arg11[%get3A_3962, %get3A_3963] {strides = array<i32>} : memref<1280x32xf32, #tpu.memory_space<vmem>>, vector<16xf32>,
        %mul3A_3965 = arith.mulf %mul3A_3953, %get3A_3964 : vector<16xf32>
        %add3A_3966 = arith.constant 6 : i32
        %add3A_3967 = arith.addi %mul3A_3899, %add3A_3966 : i32
        %get3A_3968 = arith.index_cast %add3A_3967 : i32 to index
        %get3A_3969 = arith.constant 0 : index
        %get3A_3970 = tpu.vector_load %arg11[%get3A_3968, %get3A_3969] {strides = array<i32>} : memref<1280x32xf32, #tpu.memory_space<vmem>>, vector<16xf32>,
        %mul3A_3971 = arith.mulf %mul3A_3959, %get3A_3970 : vector<16xf32>
        %add3A_3972 = arith.constant 6 : i32
        %add3A_3973 = arith.addi %mul3A_3899, %add3A_3972 : i32
        %get3A_3974 = arith.index_cast %add3A_3973 : i32 to index
        %get3A_3975 = arith.constant 16 : index
        %get3A_3976 = tpu.vector_load %arg11[%get3A_3974, %get3A_3975] {strides = array<i32>} : memref<1280x32xf32, #tpu.memory_space<vmem>>, vector<16xf32>,
        %mul3A_3977 = arith.mulf %mul3A_3965, %get3A_3976 : vector<16xf32>
        %add3A_3978 = arith.constant 7 : i32
        %add3A_3979 = arith.addi %mul3A_3899, %add3A_3978 : i32
        %get3A_3980 = arith.index_cast %add3A_3979 : i32 to index
        %get3A_3981 = arith.constant 0 : index
        %get3A_3982 = tpu.vector_load %arg11[%get3A_3980, %get3A_3981] {strides = array<i32>} : memref<1280x32xf32, #tpu.memory_space<vmem>>, vector<16xf32>,
        %mul3A_3983 = arith.mulf %mul3A_3971, %get3A_3982 : vector<16xf32>
        %add3A_3984 = arith.constant 7 : i32
        %add3A_3985 = arith.addi %mul3A_3899, %add3A_3984 : i32
        %get3A_3986 = arith.index_cast %add3A_3985 : i32 to index
        %get3A_3987 = arith.constant 16 : index
        %get3A_3988 = tpu.vector_load %arg11[%get3A_3986, %get3A_3987] {strides = array<i32>} : memref<1280x32xf32, #tpu.memory_space<vmem>>, vector<16xf32>,
        %mul3A_3989 = arith.mulf %mul3A_3977, %get3A_3988 : vector<16xf32>
        %add3A_3990 = arith.constant 8 : i32
        %add3A_3991 = arith.addi %mul3A_3899, %add3A_3990 : i32
        %get3A_3992 = arith.index_cast %add3A_3991 : i32 to index
        %get3A_3993 = arith.constant 0 : index
        %get3A_3994 = tpu.vector_load %arg11[%get3A_3992, %get3A_3993] {strides = array<i32>} : memref<1280x32xf32, #tpu.memory_space<vmem>>, vector<16xf32>,
        %mul3A_3995 = arith.mulf %mul3A_3983, %get3A_3994 : vector<16xf32>
        %add3A_3996 = arith.constant 8 : i32
        %add3A_3997 = arith.addi %mul3A_3899, %add3A_3996 : i32
        %get3A_3998 = arith.index_cast %add3A_3997 : i32 to index
        %get3A_3999 = arith.constant 16 : index
        %get3A_4000 = tpu.vector_load %arg11[%get3A_3998, %get3A_3999] {strides = array<i32>} : memref<1280x32xf32, #tpu.memory_space<vmem>>, vector<16xf32>,
        %mul3A_4001 = arith.mulf %mul3A_3989, %get3A_4000 : vector<16xf32>
        %add3A_4002 = arith.constant 9 : i32
        %add3A_4003 = arith.addi %mul3A_3899, %add3A_4002 : i32
        %get3A_4004 = arith.index_cast %add3A_4003 : i32 to index
        %get3A_4005 = arith.constant 0 : index
        %get3A_4006 = tpu.vector_load %arg11[%get3A_4004, %get3A_4005] {strides = array<i32>} : memref<1280x32xf32, #tpu.memory_space<vmem>>, vector<16xf32>,
        %mul3A_4007 = arith.mulf %mul3A_3995, %get3A_4006 : vector<16xf32>
        %add3A_4008 = arith.constant 9 : i32
        %add3A_4009 = arith.addi %mul3A_3899, %add3A_4008 : i32
        %get3A_4010 = arith.index_cast %add3A_4009 : i32 to index
        %get3A_4011 = arith.constant 16 : index
        %get3A_4012 = tpu.vector_load %arg11[%get3A_4010, %get3A_4011] {strides = array<i32>} : memref<1280x32xf32, #tpu.memory_space<vmem>>, vector<16xf32>,
        %mul3A_4013 = arith.mulf %mul3A_4001, %get3A_4012 : vector<16xf32>
        %add3A_4014 = arith.constant 10 : i32
        %add3A_4015 = arith.addi %mul3A_3899, %add3A_4014 : i32
        %get3A_4016 = arith.index_cast %add3A_4015 : i32 to index
        %get3A_4017 = arith.constant 0 : index
        %get3A_4018 = tpu.vector_load %arg11[%get3A_4016, %get3A_4017] {strides = array<i32>} : memref<1280x32xf32, #tpu.memory_space<vmem>>, vector<16xf32>,
        %mul3A_4019 = arith.mulf %mul3A_4007, %get3A_4018 : vector<16xf32>
        %add3A_4020 = arith.constant 10 : i32
        %add3A_4021 = arith.addi %mul3A_3899, %add3A_4020 : i32
        %get3A_4022 = arith.index_cast %add3A_4021 : i32 to index
        %get3A_4023 = arith.constant 16 : index
        %get3A_4024 = tpu.vector_load %arg11[%get3A_4022, %get3A_4023] {strides = array<i32>} : memref<1280x32xf32, #tpu.memory_space<vmem>>, vector<16xf32>,
        %mul3A_4025 = arith.mulf %mul3A_4013, %get3A_4024 : vector<16xf32>
        %add3A_4026 = arith.constant 11 : i32
        %add3A_4027 = arith.addi %mul3A_3899, %add3A_4026 : i32
        %get3A_4028 = arith.index_cast %add3A_4027 : i32 to index
        %get3A_4029 = arith.constant 0 : index
        %get3A_4030 = tpu.vector_load %arg11[%get3A_4028, %get3A_4029] {strides = array<i32>} : memref<1280x32xf32, #tpu.memory_space<vmem>>, vector<16xf32>,
        %mul3A_4031 = arith.mulf %mul3A_4019, %get3A_4030 : vector<16xf32>
        %add3A_4032 = arith.constant 11 : i32
        %add3A_4033 = arith.addi %mul3A_3899, %add3A_4032 : i32
        %get3A_4034 = arith.index_cast %add3A_4033 : i32 to index
        %get3A_4035 = arith.constant 16 : index
        %get3A_4036 = tpu.vector_load %arg11[%get3A_4034, %get3A_4035] {strides = array<i32>} : memref<1280x32xf32, #tpu.memory_space<vmem>>, vector<16xf32>,
        %mul3A_4037 = arith.mulf %mul3A_4025, %get3A_4036 : vector<16xf32>
        %add3A_4038 = arith.constant 12 : i32
        %add3A_4039 = arith.addi %mul3A_3899, %add3A_4038 : i32
        %get3A_4040 = arith.index_cast %add3A_4039 : i32 to index
        %get3A_4041 = arith.constant 0 : index
        %get3A_4042 = tpu.vector_load %arg11[%get3A_4040, %get3A_4041] {strides = array<i32>} : memref<1280x32xf32, #tpu.memory_space<vmem>>, vector<16xf32>,
        %mul3A_4043 = arith.mulf %mul3A_4031, %get3A_4042 : vector<16xf32>
        %add3A_4044 = arith.constant 12 : i32
        %add3A_4045 = arith.addi %mul3A_3899, %add3A_4044 : i32
        %get3A_4046 = arith.index_cast %add3A_4045 : i32 to index
        %get3A_4047 = arith.constant 16 : index
        %get3A_4048 = tpu.vector_load %arg11[%get3A_4046, %get3A_4047] {strides = array<i32>} : memref<1280x32xf32, #tpu.memory_space<vmem>>, vector<16xf32>,
        %mul3A_4049 = arith.mulf %mul3A_4037, %get3A_4048 : vector<16xf32>
        %add3A_4050 = arith.constant 13 : i32
        %add3A_4051 = arith.addi %mul3A_3899, %add3A_4050 : i32
        %get3A_4052 = arith.index_cast %add3A_4051 : i32 to index
        %get3A_4053 = arith.constant 0 : index
        %get3A_4054 = tpu.vector_load %arg11[%get3A_4052, %get3A_4053] {strides = array<i32>} : memref<1280x32xf32, #tpu.memory_space<vmem>>, vector<16xf32>,
        %mul3A_4055 = arith.mulf %mul3A_4043, %get3A_4054 : vector<16xf32>
        %add3A_4056 = arith.constant 13 : i32
        %add3A_4057 = arith.addi %mul3A_3899, %add3A_4056 : i32
        %get3A_4058 = arith.index_cast %add3A_4057 : i32 to index
        %get3A_4059 = arith.constant 16 : index
        %get3A_4060 = tpu.vector_load %arg11[%get3A_4058, %get3A_4059] {strides = array<i32>} : memref<1280x32xf32, #tpu.memory_space<vmem>>, vector<16xf32>,
        %mul3A_4061 = arith.mulf %mul3A_4049, %get3A_4060 : vector<16xf32>
        %add3A_4062 = arith.constant 14 : i32
        %add3A_4063 = arith.addi %mul3A_3899, %add3A_4062 : i32
        %get3A_4064 = arith.index_cast %add3A_4063 : i32 to index
        %get3A_4065 = arith.constant 0 : index
        %get3A_4066 = tpu.vector_load %arg11[%get3A_4064, %get3A_4065] {strides = array<i32>} : memref<1280x32xf32, #tpu.memory_space<vmem>>, vector<16xf32>,
        %mul3A_4067 = arith.mulf %mul3A_4055, %get3A_4066 : vector<16xf32>
        %add3A_4068 = arith.constant 14 : i32
        %add3A_4069 = arith.addi %mul3A_3899, %add3A_4068 : i32
        %get3A_4070 = arith.index_cast %add3A_4069 : i32 to index
        %get3A_4071 = arith.constant 16 : index
        %get3A_4072 = tpu.vector_load %arg11[%get3A_4070, %get3A_4071] {strides = array<i32>} : memref<1280x32xf32, #tpu.memory_space<vmem>>, vector<16xf32>,
        %mul3A_4073 = arith.mulf %mul3A_4061, %get3A_4072 : vector<16xf32>
        %add3A_4074 = arith.constant 15 : i32
        %add3A_4075 = arith.addi %mul3A_3899, %add3A_4074 : i32
        %get3A_4076 = arith.index_cast %add3A_4075 : i32 to index
        %get3A_4077 = arith.constant 0 : index
        %get3A_4078 = tpu.vector_load %arg11[%get3A_4076, %get3A_4077] {strides = array<i32>} : memref<1280x32xf32, #tpu.memory_space<vmem>>, vector<16xf32>,
        %mul3A_4079 = arith.mulf %mul3A_4067, %get3A_4078 : vector<16xf32>
        %add3A_4080 = arith.constant 15 : i32
        %add3A_4081 = arith.addi %mul3A_3899, %add3A_4080 : i32
        %get3A_4082 = arith.index_cast %add3A_4081 : i32 to index
        %get3A_4083 = arith.constant 16 : index
        %get3A_4084 = tpu.vector_load %arg11[%get3A_4082, %get3A_4083] {strides = array<i32>} : memref<1280x32xf32, #tpu.memory_space<vmem>>, vector<16xf32>,
        %mul3A_4085 = arith.mulf %mul3A_4073, %get3A_4084 : vector<16xf32>
        %add3A_4086 = arith.constant 16 : i32
        %add3A_4087 = arith.addi %mul3A_3899, %add3A_4086 : i32
        %get3A_4088 = arith.index_cast %add3A_4087 : i32 to index
        %get3A_4089 = arith.constant 0 : index
        %get3A_4090 = tpu.vector_load %arg11[%get3A_4088, %get3A_4089] {strides = array<i32>} : memref<1280x32xf32, #tpu.memory_space<vmem>>, vector<16xf32>,
        %mul3A_4091 = arith.mulf %mul3A_4079, %get3A_4090 : vector<16xf32>
        %add3A_4092 = arith.constant 16 : i32
        %add3A_4093 = arith.addi %mul3A_3899, %add3A_4092 : i32
        %get3A_4094 = arith.index_cast %add3A_4093 : i32 to index
        %get3A_4095 = arith.constant 16 : index
        %get3A_4096 = tpu.vector_load %arg11[%get3A_4094, %get3A_4095] {strides = array<i32>} : memref<1280x32xf32, #tpu.memory_space<vmem>>, vector<16xf32>,
        %mul3A_4097 = arith.mulf %mul3A_4085, %get3A_4096 : vector<16xf32>
        %add3A_4098 = arith.constant 17 : i32
        %add3A_4099 = arith.addi %mul3A_3899, %add3A_4098 : i32
        %get3A_4100 = arith.index_cast %add3A_4099 : i32 to index
        %get3A_4101 = arith.constant 0 : index
        %get3A_4102 = tpu.vector_load %arg11[%get3A_4100, %get3A_4101] {strides = array<i32>} : memref<1280x32xf32, #tpu.memory_space<vmem>>, vector<16xf32>,
        %mul3A_4103 = arith.mulf %mul3A_4091, %get3A_4102 : vector<16xf32>
        %add3A_4104 = arith.constant 17 : i32
        %add3A_4105 = arith.addi %mul3A_3899, %add3A_4104 : i32
        %get3A_4106 = arith.index_cast %add3A_4105 : i32 to index
        %get3A_4107 = arith.constant 16 : index
        %get3A_4108 = tpu.vector_load %arg11[%get3A_4106, %get3A_4107] {strides = array<i32>} : memref<1280x32xf32, #tpu.memory_space<vmem>>, vector<16xf32>,
        %mul3A_4109 = arith.mulf %mul3A_4097, %get3A_4108 : vector<16xf32>
        %add3A_4110 = arith.constant 18 : i32
        %add3A_4111 = arith.addi %mul3A_3899, %add3A_4110 : i32
        %get3A_4112 = arith.index_cast %add3A_4111 : i32 to index
        %get3A_4113 = arith.constant 0 : index
        %get3A_4114 = tpu.vector_load %arg11[%get3A_4112, %get3A_4113] {strides = array<i32>} : memref<1280x32xf32, #tpu.memory_space<vmem>>, vector<16xf32>,
        %mul3A_4115 = arith.mulf %mul3A_4103, %get3A_4114 : vector<16xf32>
        %add3A_4116 = arith.constant 18 : i32
        %add3A_4117 = arith.addi %mul3A_3899, %add3A_4116 : i32
        %get3A_4118 = arith.index_cast %add3A_4117 : i32 to index
        %get3A_4119 = arith.constant 16 : index
        %get3A_4120 = tpu.vector_load %arg11[%get3A_4118, %get3A_4119] {strides = array<i32>} : memref<1280x32xf32, #tpu.memory_space<vmem>>, vector<16xf32>,
        %mul3A_4121 = arith.mulf %mul3A_4109, %get3A_4120 : vector<16xf32>
        %add3A_4122 = arith.constant 19 : i32
        %add3A_4123 = arith.addi %mul3A_3899, %add3A_4122 : i32
        %get3A_4124 = arith.index_cast %add3A_4123 : i32 to index
        %get3A_4125 = arith.constant 0 : index
        %get3A_4126 = tpu.vector_load %arg11[%get3A_4124, %get3A_4125] {strides = array<i32>} : memref<1280x32xf32, #tpu.memory_space<vmem>>, vector<16xf32>,
        %mul3A_4127 = arith.mulf %mul3A_4115, %get3A_4126 : vector<16xf32>
        %add3A_4128 = arith.constant 19 : i32
        %add3A_4129 = arith.addi %mul3A_3899, %add3A_4128 : i32
        %get3A_4130 = arith.index_cast %add3A_4129 : i32 to index
        %get3A_4131 = arith.constant 16 : index
        %get3A_4132 = tpu.vector_load %arg11[%get3A_4130, %get3A_4131] {strides = array<i32>} : memref<1280x32xf32, #tpu.memory_space<vmem>>, vector<16xf32>,
        %mul3A_4133 = arith.mulf %mul3A_4121, %get3A_4132 : vector<16xf32>
        %mul3A_4134 = arith.mulf %mul3A_4127, %get3A_6 : vector<16xf32>
        %mul3A_4135 = arith.mulf %mul3A_4133, %get3A_8 : vector<16xf32>
        %add3A_4136 = arith.addf %mul3A_4134, %mul3A_4135 : vector<16xf32>
        %swap3A_4137 = arith.constant 204 : index
        %swap3A_4138 = tpu.vector_load %arg14[%swap3A_4137] {strides = array<i32>} : memref<272xf32, #tpu.memory_space<vmem>>, vector<16xf32>,
        tpu.vector_store %arg14[%swap3A_4137], %add3A_4136 {strides = array<i32>} : memref<272xf32, #tpu.memory_space<vmem>>, vector<16xf32>,
        %mul3A_4139 = arith.constant 16 : i32
        %mul3A_4140 = arith.muli %add3A_953, %mul3A_4139 : i32
        %add3A_4141 = arith.constant 13 : i32
        %add3A_4142 = arith.addi %mul3A_4140, %add3A_4141 : i32
        %mul3A_4143 = arith.constant 20 : i32
        %mul3A_4144 = arith.muli %add3A_4142, %mul3A_4143 : i32
        %get3A_4145 = arith.index_cast %mul3A_4144 : i32 to index
        %get3A_4146 = arith.constant 0 : index
        %get3A_4147 = tpu.vector_load %arg11[%get3A_4145, %get3A_4146] {strides = array<i32>} : memref<1280x32xf32, #tpu.memory_space<vmem>>, vector<16xf32>,
        %get3A_4148 = arith.index_cast %mul3A_4144 : i32 to index
        %get3A_4149 = arith.constant 16 : index
        %get3A_4150 = tpu.vector_load %arg11[%get3A_4148, %get3A_4149] {strides = array<i32>} : memref<1280x32xf32, #tpu.memory_space<vmem>>, vector<16xf32>,
        %add3A_4151 = arith.constant 1 : i32
        %add3A_4152 = arith.addi %mul3A_4144, %add3A_4151 : i32
        %get3A_4153 = arith.index_cast %add3A_4152 : i32 to index
        %get3A_4154 = arith.constant 0 : index
        %get3A_4155 = tpu.vector_load %arg11[%get3A_4153, %get3A_4154] {strides = array<i32>} : memref<1280x32xf32, #tpu.memory_space<vmem>>, vector<16xf32>,
        %mul3A_4156 = arith.mulf %get3A_4147, %get3A_4155 : vector<16xf32>
        %add3A_4157 = arith.constant 1 : i32
        %add3A_4158 = arith.addi %mul3A_4144, %add3A_4157 : i32
        %get3A_4159 = arith.index_cast %add3A_4158 : i32 to index
        %get3A_4160 = arith.constant 16 : index
        %get3A_4161 = tpu.vector_load %arg11[%get3A_4159, %get3A_4160] {strides = array<i32>} : memref<1280x32xf32, #tpu.memory_space<vmem>>, vector<16xf32>,
        %mul3A_4162 = arith.mulf %get3A_4150, %get3A_4161 : vector<16xf32>
        %add3A_4163 = arith.constant 2 : i32
        %add3A_4164 = arith.addi %mul3A_4144, %add3A_4163 : i32
        %get3A_4165 = arith.index_cast %add3A_4164 : i32 to index
        %get3A_4166 = arith.constant 0 : index
        %get3A_4167 = tpu.vector_load %arg11[%get3A_4165, %get3A_4166] {strides = array<i32>} : memref<1280x32xf32, #tpu.memory_space<vmem>>, vector<16xf32>,
        %mul3A_4168 = arith.mulf %mul3A_4156, %get3A_4167 : vector<16xf32>
        %add3A_4169 = arith.constant 2 : i32
        %add3A_4170 = arith.addi %mul3A_4144, %add3A_4169 : i32
        %get3A_4171 = arith.index_cast %add3A_4170 : i32 to index
        %get3A_4172 = arith.constant 16 : index
        %get3A_4173 = tpu.vector_load %arg11[%get3A_4171, %get3A_4172] {strides = array<i32>} : memref<1280x32xf32, #tpu.memory_space<vmem>>, vector<16xf32>,
        %mul3A_4174 = arith.mulf %mul3A_4162, %get3A_4173 : vector<16xf32>
        %add3A_4175 = arith.constant 3 : i32
        %add3A_4176 = arith.addi %mul3A_4144, %add3A_4175 : i32
        %get3A_4177 = arith.index_cast %add3A_4176 : i32 to index
        %get3A_4178 = arith.constant 0 : index
        %get3A_4179 = tpu.vector_load %arg11[%get3A_4177, %get3A_4178] {strides = array<i32>} : memref<1280x32xf32, #tpu.memory_space<vmem>>, vector<16xf32>,
        %mul3A_4180 = arith.mulf %mul3A_4168, %get3A_4179 : vector<16xf32>
        %add3A_4181 = arith.constant 3 : i32
        %add3A_4182 = arith.addi %mul3A_4144, %add3A_4181 : i32
        %get3A_4183 = arith.index_cast %add3A_4182 : i32 to index
        %get3A_4184 = arith.constant 16 : index
        %get3A_4185 = tpu.vector_load %arg11[%get3A_4183, %get3A_4184] {strides = array<i32>} : memref<1280x32xf32, #tpu.memory_space<vmem>>, vector<16xf32>,
        %mul3A_4186 = arith.mulf %mul3A_4174, %get3A_4185 : vector<16xf32>
        %add3A_4187 = arith.constant 4 : i32
        %add3A_4188 = arith.addi %mul3A_4144, %add3A_4187 : i32
        %get3A_4189 = arith.index_cast %add3A_4188 : i32 to index
        %get3A_4190 = arith.constant 0 : index
        %get3A_4191 = tpu.vector_load %arg11[%get3A_4189, %get3A_4190] {strides = array<i32>} : memref<1280x32xf32, #tpu.memory_space<vmem>>, vector<16xf32>,
        %mul3A_4192 = arith.mulf %mul3A_4180, %get3A_4191 : vector<16xf32>
        %add3A_4193 = arith.constant 4 : i32
        %add3A_4194 = arith.addi %mul3A_4144, %add3A_4193 : i32
        %get3A_4195 = arith.index_cast %add3A_4194 : i32 to index
        %get3A_4196 = arith.constant 16 : index
        %get3A_4197 = tpu.vector_load %arg11[%get3A_4195, %get3A_4196] {strides = array<i32>} : memref<1280x32xf32, #tpu.memory_space<vmem>>, vector<16xf32>,
        %mul3A_4198 = arith.mulf %mul3A_4186, %get3A_4197 : vector<16xf32>
        %add3A_4199 = arith.constant 5 : i32
        %add3A_4200 = arith.addi %mul3A_4144, %add3A_4199 : i32
        %get3A_4201 = arith.index_cast %add3A_4200 : i32 to index
        %get3A_4202 = arith.constant 0 : index
        %get3A_4203 = tpu.vector_load %arg11[%get3A_4201, %get3A_4202] {strides = array<i32>} : memref<1280x32xf32, #tpu.memory_space<vmem>>, vector<16xf32>,
        %mul3A_4204 = arith.mulf %mul3A_4192, %get3A_4203 : vector<16xf32>
        %add3A_4205 = arith.constant 5 : i32
        %add3A_4206 = arith.addi %mul3A_4144, %add3A_4205 : i32
        %get3A_4207 = arith.index_cast %add3A_4206 : i32 to index
        %get3A_4208 = arith.constant 16 : index
        %get3A_4209 = tpu.vector_load %arg11[%get3A_4207, %get3A_4208] {strides = array<i32>} : memref<1280x32xf32, #tpu.memory_space<vmem>>, vector<16xf32>,
        %mul3A_4210 = arith.mulf %mul3A_4198, %get3A_4209 : vector<16xf32>
        %add3A_4211 = arith.constant 6 : i32
        %add3A_4212 = arith.addi %mul3A_4144, %add3A_4211 : i32
        %get3A_4213 = arith.index_cast %add3A_4212 : i32 to index
        %get3A_4214 = arith.constant 0 : index
        %get3A_4215 = tpu.vector_load %arg11[%get3A_4213, %get3A_4214] {strides = array<i32>} : memref<1280x32xf32, #tpu.memory_space<vmem>>, vector<16xf32>,
        %mul3A_4216 = arith.mulf %mul3A_4204, %get3A_4215 : vector<16xf32>
        %add3A_4217 = arith.constant 6 : i32
        %add3A_4218 = arith.addi %mul3A_4144, %add3A_4217 : i32
        %get3A_4219 = arith.index_cast %add3A_4218 : i32 to index
        %get3A_4220 = arith.constant 16 : index
        %get3A_4221 = tpu.vector_load %arg11[%get3A_4219, %get3A_4220] {strides = array<i32>} : memref<1280x32xf32, #tpu.memory_space<vmem>>, vector<16xf32>,
        %mul3A_4222 = arith.mulf %mul3A_4210, %get3A_4221 : vector<16xf32>
        %add3A_4223 = arith.constant 7 : i32
        %add3A_4224 = arith.addi %mul3A_4144, %add3A_4223 : i32
        %get3A_4225 = arith.index_cast %add3A_4224 : i32 to index
        %get3A_4226 = arith.constant 0 : index
        %get3A_4227 = tpu.vector_load %arg11[%get3A_4225, %get3A_4226] {strides = array<i32>} : memref<1280x32xf32, #tpu.memory_space<vmem>>, vector<16xf32>,
        %mul3A_4228 = arith.mulf %mul3A_4216, %get3A_4227 : vector<16xf32>
        %add3A_4229 = arith.constant 7 : i32
        %add3A_4230 = arith.addi %mul3A_4144, %add3A_4229 : i32
        %get3A_4231 = arith.index_cast %add3A_4230 : i32 to index
        %get3A_4232 = arith.constant 16 : index
        %get3A_4233 = tpu.vector_load %arg11[%get3A_4231, %get3A_4232] {strides = array<i32>} : memref<1280x32xf32, #tpu.memory_space<vmem>>, vector<16xf32>,
        %mul3A_4234 = arith.mulf %mul3A_4222, %get3A_4233 : vector<16xf32>
        %add3A_4235 = arith.constant 8 : i32
        %add3A_4236 = arith.addi %mul3A_4144, %add3A_4235 : i32
        %get3A_4237 = arith.index_cast %add3A_4236 : i32 to index
        %get3A_4238 = arith.constant 0 : index
        %get3A_4239 = tpu.vector_load %arg11[%get3A_4237, %get3A_4238] {strides = array<i32>} : memref<1280x32xf32, #tpu.memory_space<vmem>>, vector<16xf32>,
        %mul3A_4240 = arith.mulf %mul3A_4228, %get3A_4239 : vector<16xf32>
        %add3A_4241 = arith.constant 8 : i32
        %add3A_4242 = arith.addi %mul3A_4144, %add3A_4241 : i32
        %get3A_4243 = arith.index_cast %add3A_4242 : i32 to index
        %get3A_4244 = arith.constant 16 : index
        %get3A_4245 = tpu.vector_load %arg11[%get3A_4243, %get3A_4244] {strides = array<i32>} : memref<1280x32xf32, #tpu.memory_space<vmem>>, vector<16xf32>,
        %mul3A_4246 = arith.mulf %mul3A_4234, %get3A_4245 : vector<16xf32>
        %add3A_4247 = arith.constant 9 : i32
        %add3A_4248 = arith.addi %mul3A_4144, %add3A_4247 : i32
        %get3A_4249 = arith.index_cast %add3A_4248 : i32 to index
        %get3A_4250 = arith.constant 0 : index
        %get3A_4251 = tpu.vector_load %arg11[%get3A_4249, %get3A_4250] {strides = array<i32>} : memref<1280x32xf32, #tpu.memory_space<vmem>>, vector<16xf32>,
        %mul3A_4252 = arith.mulf %mul3A_4240, %get3A_4251 : vector<16xf32>
        %add3A_4253 = arith.constant 9 : i32
        %add3A_4254 = arith.addi %mul3A_4144, %add3A_4253 : i32
        %get3A_4255 = arith.index_cast %add3A_4254 : i32 to index
        %get3A_4256 = arith.constant 16 : index
        %get3A_4257 = tpu.vector_load %arg11[%get3A_4255, %get3A_4256] {strides = array<i32>} : memref<1280x32xf32, #tpu.memory_space<vmem>>, vector<16xf32>,
        %mul3A_4258 = arith.mulf %mul3A_4246, %get3A_4257 : vector<16xf32>
        %add3A_4259 = arith.constant 10 : i32
        %add3A_4260 = arith.addi %mul3A_4144, %add3A_4259 : i32
        %get3A_4261 = arith.index_cast %add3A_4260 : i32 to index
        %get3A_4262 = arith.constant 0 : index
        %get3A_4263 = tpu.vector_load %arg11[%get3A_4261, %get3A_4262] {strides = array<i32>} : memref<1280x32xf32, #tpu.memory_space<vmem>>, vector<16xf32>,
        %mul3A_4264 = arith.mulf %mul3A_4252, %get3A_4263 : vector<16xf32>
        %add3A_4265 = arith.constant 10 : i32
        %add3A_4266 = arith.addi %mul3A_4144, %add3A_4265 : i32
        %get3A_4267 = arith.index_cast %add3A_4266 : i32 to index
        %get3A_4268 = arith.constant 16 : index
        %get3A_4269 = tpu.vector_load %arg11[%get3A_4267, %get3A_4268] {strides = array<i32>} : memref<1280x32xf32, #tpu.memory_space<vmem>>, vector<16xf32>,
        %mul3A_4270 = arith.mulf %mul3A_4258, %get3A_4269 : vector<16xf32>
        %add3A_4271 = arith.constant 11 : i32
        %add3A_4272 = arith.addi %mul3A_4144, %add3A_4271 : i32
        %get3A_4273 = arith.index_cast %add3A_4272 : i32 to index
        %get3A_4274 = arith.constant 0 : index
        %get3A_4275 = tpu.vector_load %arg11[%get3A_4273, %get3A_4274] {strides = array<i32>} : memref<1280x32xf32, #tpu.memory_space<vmem>>, vector<16xf32>,
        %mul3A_4276 = arith.mulf %mul3A_4264, %get3A_4275 : vector<16xf32>
        %add3A_4277 = arith.constant 11 : i32
        %add3A_4278 = arith.addi %mul3A_4144, %add3A_4277 : i32
        %get3A_4279 = arith.index_cast %add3A_4278 : i32 to index
        %get3A_4280 = arith.constant 16 : index
        %get3A_4281 = tpu.vector_load %arg11[%get3A_4279, %get3A_4280] {strides = array<i32>} : memref<1280x32xf32, #tpu.memory_space<vmem>>, vector<16xf32>,
        %mul3A_4282 = arith.mulf %mul3A_4270, %get3A_4281 : vector<16xf32>
        %add3A_4283 = arith.constant 12 : i32
        %add3A_4284 = arith.addi %mul3A_4144, %add3A_4283 : i32
        %get3A_4285 = arith.index_cast %add3A_4284 : i32 to index
        %get3A_4286 = arith.constant 0 : index
        %get3A_4287 = tpu.vector_load %arg11[%get3A_4285, %get3A_4286] {strides = array<i32>} : memref<1280x32xf32, #tpu.memory_space<vmem>>, vector<16xf32>,
        %mul3A_4288 = arith.mulf %mul3A_4276, %get3A_4287 : vector<16xf32>
        %add3A_4289 = arith.constant 12 : i32
        %add3A_4290 = arith.addi %mul3A_4144, %add3A_4289 : i32
        %get3A_4291 = arith.index_cast %add3A_4290 : i32 to index
        %get3A_4292 = arith.constant 16 : index
        %get3A_4293 = tpu.vector_load %arg11[%get3A_4291, %get3A_4292] {strides = array<i32>} : memref<1280x32xf32, #tpu.memory_space<vmem>>, vector<16xf32>,
        %mul3A_4294 = arith.mulf %mul3A_4282, %get3A_4293 : vector<16xf32>
        %add3A_4295 = arith.constant 13 : i32
        %add3A_4296 = arith.addi %mul3A_4144, %add3A_4295 : i32
        %get3A_4297 = arith.index_cast %add3A_4296 : i32 to index
        %get3A_4298 = arith.constant 0 : index
        %get3A_4299 = tpu.vector_load %arg11[%get3A_4297, %get3A_4298] {strides = array<i32>} : memref<1280x32xf32, #tpu.memory_space<vmem>>, vector<16xf32>,
        %mul3A_4300 = arith.mulf %mul3A_4288, %get3A_4299 : vector<16xf32>
        %add3A_4301 = arith.constant 13 : i32
        %add3A_4302 = arith.addi %mul3A_4144, %add3A_4301 : i32
        %get3A_4303 = arith.index_cast %add3A_4302 : i32 to index
        %get3A_4304 = arith.constant 16 : index
        %get3A_4305 = tpu.vector_load %arg11[%get3A_4303, %get3A_4304] {strides = array<i32>} : memref<1280x32xf32, #tpu.memory_space<vmem>>, vector<16xf32>,
        %mul3A_4306 = arith.mulf %mul3A_4294, %get3A_4305 : vector<16xf32>
        %add3A_4307 = arith.constant 14 : i32
        %add3A_4308 = arith.addi %mul3A_4144, %add3A_4307 : i32
        %get3A_4309 = arith.index_cast %add3A_4308 : i32 to index
        %get3A_4310 = arith.constant 0 : index
        %get3A_4311 = tpu.vector_load %arg11[%get3A_4309, %get3A_4310] {strides = array<i32>} : memref<1280x32xf32, #tpu.memory_space<vmem>>, vector<16xf32>,
        %mul3A_4312 = arith.mulf %mul3A_4300, %get3A_4311 : vector<16xf32>
        %add3A_4313 = arith.constant 14 : i32
        %add3A_4314 = arith.addi %mul3A_4144, %add3A_4313 : i32
        %get3A_4315 = arith.index_cast %add3A_4314 : i32 to index
        %get3A_4316 = arith.constant 16 : index
        %get3A_4317 = tpu.vector_load %arg11[%get3A_4315, %get3A_4316] {strides = array<i32>} : memref<1280x32xf32, #tpu.memory_space<vmem>>, vector<16xf32>,
        %mul3A_4318 = arith.mulf %mul3A_4306, %get3A_4317 : vector<16xf32>
        %add3A_4319 = arith.constant 15 : i32
        %add3A_4320 = arith.addi %mul3A_4144, %add3A_4319 : i32
        %get3A_4321 = arith.index_cast %add3A_4320 : i32 to index
        %get3A_4322 = arith.constant 0 : index
        %get3A_4323 = tpu.vector_load %arg11[%get3A_4321, %get3A_4322] {strides = array<i32>} : memref<1280x32xf32, #tpu.memory_space<vmem>>, vector<16xf32>,
        %mul3A_4324 = arith.mulf %mul3A_4312, %get3A_4323 : vector<16xf32>
        %add3A_4325 = arith.constant 15 : i32
        %add3A_4326 = arith.addi %mul3A_4144, %add3A_4325 : i32
        %get3A_4327 = arith.index_cast %add3A_4326 : i32 to index
        %get3A_4328 = arith.constant 16 : index
        %get3A_4329 = tpu.vector_load %arg11[%get3A_4327, %get3A_4328] {strides = array<i32>} : memref<1280x32xf32, #tpu.memory_space<vmem>>, vector<16xf32>,
        %mul3A_4330 = arith.mulf %mul3A_4318, %get3A_4329 : vector<16xf32>
        %add3A_4331 = arith.constant 16 : i32
        %add3A_4332 = arith.addi %mul3A_4144, %add3A_4331 : i32
        %get3A_4333 = arith.index_cast %add3A_4332 : i32 to index
        %get3A_4334 = arith.constant 0 : index
        %get3A_4335 = tpu.vector_load %arg11[%get3A_4333, %get3A_4334] {strides = array<i32>} : memref<1280x32xf32, #tpu.memory_space<vmem>>, vector<16xf32>,
        %mul3A_4336 = arith.mulf %mul3A_4324, %get3A_4335 : vector<16xf32>
        %add3A_4337 = arith.constant 16 : i32
        %add3A_4338 = arith.addi %mul3A_4144, %add3A_4337 : i32
        %get3A_4339 = arith.index_cast %add3A_4338 : i32 to index
        %get3A_4340 = arith.constant 16 : index
        %get3A_4341 = tpu.vector_load %arg11[%get3A_4339, %get3A_4340] {strides = array<i32>} : memref<1280x32xf32, #tpu.memory_space<vmem>>, vector<16xf32>,
        %mul3A_4342 = arith.mulf %mul3A_4330, %get3A_4341 : vector<16xf32>
        %add3A_4343 = arith.constant 17 : i32
        %add3A_4344 = arith.addi %mul3A_4144, %add3A_4343 : i32
        %get3A_4345 = arith.index_cast %add3A_4344 : i32 to index
        %get3A_4346 = arith.constant 0 : index
        %get3A_4347 = tpu.vector_load %arg11[%get3A_4345, %get3A_4346] {strides = array<i32>} : memref<1280x32xf32, #tpu.memory_space<vmem>>, vector<16xf32>,
        %mul3A_4348 = arith.mulf %mul3A_4336, %get3A_4347 : vector<16xf32>
        %add3A_4349 = arith.constant 17 : i32
        %add3A_4350 = arith.addi %mul3A_4144, %add3A_4349 : i32
        %get3A_4351 = arith.index_cast %add3A_4350 : i32 to index
        %get3A_4352 = arith.constant 16 : index
        %get3A_4353 = tpu.vector_load %arg11[%get3A_4351, %get3A_4352] {strides = array<i32>} : memref<1280x32xf32, #tpu.memory_space<vmem>>, vector<16xf32>,
        %mul3A_4354 = arith.mulf %mul3A_4342, %get3A_4353 : vector<16xf32>
        %add3A_4355 = arith.constant 18 : i32
        %add3A_4356 = arith.addi %mul3A_4144, %add3A_4355 : i32
        %get3A_4357 = arith.index_cast %add3A_4356 : i32 to index
        %get3A_4358 = arith.constant 0 : index
        %get3A_4359 = tpu.vector_load %arg11[%get3A_4357, %get3A_4358] {strides = array<i32>} : memref<1280x32xf32, #tpu.memory_space<vmem>>, vector<16xf32>,
        %mul3A_4360 = arith.mulf %mul3A_4348, %get3A_4359 : vector<16xf32>
        %add3A_4361 = arith.constant 18 : i32
        %add3A_4362 = arith.addi %mul3A_4144, %add3A_4361 : i32
        %get3A_4363 = arith.index_cast %add3A_4362 : i32 to index
        %get3A_4364 = arith.constant 16 : index
        %get3A_4365 = tpu.vector_load %arg11[%get3A_4363, %get3A_4364] {strides = array<i32>} : memref<1280x32xf32, #tpu.memory_space<vmem>>, vector<16xf32>,
        %mul3A_4366 = arith.mulf %mul3A_4354, %get3A_4365 : vector<16xf32>
        %add3A_4367 = arith.constant 19 : i32
        %add3A_4368 = arith.addi %mul3A_4144, %add3A_4367 : i32
        %get3A_4369 = arith.index_cast %add3A_4368 : i32 to index
        %get3A_4370 = arith.constant 0 : index
        %get3A_4371 = tpu.vector_load %arg11[%get3A_4369, %get3A_4370] {strides = array<i32>} : memref<1280x32xf32, #tpu.memory_space<vmem>>, vector<16xf32>,
        %mul3A_4372 = arith.mulf %mul3A_4360, %get3A_4371 : vector<16xf32>
        %add3A_4373 = arith.constant 19 : i32
        %add3A_4374 = arith.addi %mul3A_4144, %add3A_4373 : i32
        %get3A_4375 = arith.index_cast %add3A_4374 : i32 to index
        %get3A_4376 = arith.constant 16 : index
        %get3A_4377 = tpu.vector_load %arg11[%get3A_4375, %get3A_4376] {strides = array<i32>} : memref<1280x32xf32, #tpu.memory_space<vmem>>, vector<16xf32>,
        %mul3A_4378 = arith.mulf %mul3A_4366, %get3A_4377 : vector<16xf32>
        %mul3A_4379 = arith.mulf %mul3A_4372, %get3A_6 : vector<16xf32>
        %mul3A_4380 = arith.mulf %mul3A_4378, %get3A_8 : vector<16xf32>
        %add3A_4381 = arith.addf %mul3A_4379, %mul3A_4380 : vector<16xf32>
        %swap3A_4382 = arith.constant 221 : index
        %swap3A_4383 = tpu.vector_load %arg14[%swap3A_4382] {strides = array<i32>} : memref<272xf32, #tpu.memory_space<vmem>>, vector<16xf32>,
        tpu.vector_store %arg14[%swap3A_4382], %add3A_4381 {strides = array<i32>} : memref<272xf32, #tpu.memory_space<vmem>>, vector<16xf32>,
        %mul3A_4384 = arith.constant 16 : i32
        %mul3A_4385 = arith.muli %add3A_953, %mul3A_4384 : i32
        %add3A_4386 = arith.constant 14 : i32
        %add3A_4387 = arith.addi %mul3A_4385, %add3A_4386 : i32
        %mul3A_4388 = arith.constant 20 : i32
        %mul3A_4389 = arith.muli %add3A_4387, %mul3A_4388 : i32
        %get3A_4390 = arith.index_cast %mul3A_4389 : i32 to index
        %get3A_4391 = arith.constant 0 : index
        %get3A_4392 = tpu.vector_load %arg11[%get3A_4390, %get3A_4391] {strides = array<i32>} : memref<1280x32xf32, #tpu.memory_space<vmem>>, vector<16xf32>,
        %get3A_4393 = arith.index_cast %mul3A_4389 : i32 to index
        %get3A_4394 = arith.constant 16 : index
        %get3A_4395 = tpu.vector_load %arg11[%get3A_4393, %get3A_4394] {strides = array<i32>} : memref<1280x32xf32, #tpu.memory_space<vmem>>, vector<16xf32>,
        %add3A_4396 = arith.constant 1 : i32
        %add3A_4397 = arith.addi %mul3A_4389, %add3A_4396 : i32
        %get3A_4398 = arith.index_cast %add3A_4397 : i32 to index
        %get3A_4399 = arith.constant 0 : index
        %get3A_4400 = tpu.vector_load %arg11[%get3A_4398, %get3A_4399] {strides = array<i32>} : memref<1280x32xf32, #tpu.memory_space<vmem>>, vector<16xf32>,
        %mul3A_4401 = arith.mulf %get3A_4392, %get3A_4400 : vector<16xf32>
        %add3A_4402 = arith.constant 1 : i32
        %add3A_4403 = arith.addi %mul3A_4389, %add3A_4402 : i32
        %get3A_4404 = arith.index_cast %add3A_4403 : i32 to index
        %get3A_4405 = arith.constant 16 : index
        %get3A_4406 = tpu.vector_load %arg11[%get3A_4404, %get3A_4405] {strides = array<i32>} : memref<1280x32xf32, #tpu.memory_space<vmem>>, vector<16xf32>,
        %mul3A_4407 = arith.mulf %get3A_4395, %get3A_4406 : vector<16xf32>
        %add3A_4408 = arith.constant 2 : i32
        %add3A_4409 = arith.addi %mul3A_4389, %add3A_4408 : i32
        %get3A_4410 = arith.index_cast %add3A_4409 : i32 to index
        %get3A_4411 = arith.constant 0 : index
        %get3A_4412 = tpu.vector_load %arg11[%get3A_4410, %get3A_4411] {strides = array<i32>} : memref<1280x32xf32, #tpu.memory_space<vmem>>, vector<16xf32>,
        %mul3A_4413 = arith.mulf %mul3A_4401, %get3A_4412 : vector<16xf32>
        %add3A_4414 = arith.constant 2 : i32
        %add3A_4415 = arith.addi %mul3A_4389, %add3A_4414 : i32
        %get3A_4416 = arith.index_cast %add3A_4415 : i32 to index
        %get3A_4417 = arith.constant 16 : index
        %get3A_4418 = tpu.vector_load %arg11[%get3A_4416, %get3A_4417] {strides = array<i32>} : memref<1280x32xf32, #tpu.memory_space<vmem>>, vector<16xf32>,
        %mul3A_4419 = arith.mulf %mul3A_4407, %get3A_4418 : vector<16xf32>
        %add3A_4420 = arith.constant 3 : i32
        %add3A_4421 = arith.addi %mul3A_4389, %add3A_4420 : i32
        %get3A_4422 = arith.index_cast %add3A_4421 : i32 to index
        %get3A_4423 = arith.constant 0 : index
        %get3A_4424 = tpu.vector_load %arg11[%get3A_4422, %get3A_4423] {strides = array<i32>} : memref<1280x32xf32, #tpu.memory_space<vmem>>, vector<16xf32>,
        %mul3A_4425 = arith.mulf %mul3A_4413, %get3A_4424 : vector<16xf32>
        %add3A_4426 = arith.constant 3 : i32
        %add3A_4427 = arith.addi %mul3A_4389, %add3A_4426 : i32
        %get3A_4428 = arith.index_cast %add3A_4427 : i32 to index
        %get3A_4429 = arith.constant 16 : index
        %get3A_4430 = tpu.vector_load %arg11[%get3A_4428, %get3A_4429] {strides = array<i32>} : memref<1280x32xf32, #tpu.memory_space<vmem>>, vector<16xf32>,
        %mul3A_4431 = arith.mulf %mul3A_4419, %get3A_4430 : vector<16xf32>
        %add3A_4432 = arith.constant 4 : i32
        %add3A_4433 = arith.addi %mul3A_4389, %add3A_4432 : i32
        %get3A_4434 = arith.index_cast %add3A_4433 : i32 to index
        %get3A_4435 = arith.constant 0 : index
        %get3A_4436 = tpu.vector_load %arg11[%get3A_4434, %get3A_4435] {strides = array<i32>} : memref<1280x32xf32, #tpu.memory_space<vmem>>, vector<16xf32>,
        %mul3A_4437 = arith.mulf %mul3A_4425, %get3A_4436 : vector<16xf32>
        %add3A_4438 = arith.constant 4 : i32
        %add3A_4439 = arith.addi %mul3A_4389, %add3A_4438 : i32
        %get3A_4440 = arith.index_cast %add3A_4439 : i32 to index
        %get3A_4441 = arith.constant 16 : index
        %get3A_4442 = tpu.vector_load %arg11[%get3A_4440, %get3A_4441] {strides = array<i32>} : memref<1280x32xf32, #tpu.memory_space<vmem>>, vector<16xf32>,
        %mul3A_4443 = arith.mulf %mul3A_4431, %get3A_4442 : vector<16xf32>
        %add3A_4444 = arith.constant 5 : i32
        %add3A_4445 = arith.addi %mul3A_4389, %add3A_4444 : i32
        %get3A_4446 = arith.index_cast %add3A_4445 : i32 to index
        %get3A_4447 = arith.constant 0 : index
        %get3A_4448 = tpu.vector_load %arg11[%get3A_4446, %get3A_4447] {strides = array<i32>} : memref<1280x32xf32, #tpu.memory_space<vmem>>, vector<16xf32>,
        %mul3A_4449 = arith.mulf %mul3A_4437, %get3A_4448 : vector<16xf32>
        %add3A_4450 = arith.constant 5 : i32
        %add3A_4451 = arith.addi %mul3A_4389, %add3A_4450 : i32
        %get3A_4452 = arith.index_cast %add3A_4451 : i32 to index
        %get3A_4453 = arith.constant 16 : index
        %get3A_4454 = tpu.vector_load %arg11[%get3A_4452, %get3A_4453] {strides = array<i32>} : memref<1280x32xf32, #tpu.memory_space<vmem>>, vector<16xf32>,
        %mul3A_4455 = arith.mulf %mul3A_4443, %get3A_4454 : vector<16xf32>
        %add3A_4456 = arith.constant 6 : i32
        %add3A_4457 = arith.addi %mul3A_4389, %add3A_4456 : i32
        %get3A_4458 = arith.index_cast %add3A_4457 : i32 to index
        %get3A_4459 = arith.constant 0 : index
        %get3A_4460 = tpu.vector_load %arg11[%get3A_4458, %get3A_4459] {strides = array<i32>} : memref<1280x32xf32, #tpu.memory_space<vmem>>, vector<16xf32>,
        %mul3A_4461 = arith.mulf %mul3A_4449, %get3A_4460 : vector<16xf32>
        %add3A_4462 = arith.constant 6 : i32
        %add3A_4463 = arith.addi %mul3A_4389, %add3A_4462 : i32
        %get3A_4464 = arith.index_cast %add3A_4463 : i32 to index
        %get3A_4465 = arith.constant 16 : index
        %get3A_4466 = tpu.vector_load %arg11[%get3A_4464, %get3A_4465] {strides = array<i32>} : memref<1280x32xf32, #tpu.memory_space<vmem>>, vector<16xf32>,
        %mul3A_4467 = arith.mulf %mul3A_4455, %get3A_4466 : vector<16xf32>
        %add3A_4468 = arith.constant 7 : i32
        %add3A_4469 = arith.addi %mul3A_4389, %add3A_4468 : i32
        %get3A_4470 = arith.index_cast %add3A_4469 : i32 to index
        %get3A_4471 = arith.constant 0 : index
        %get3A_4472 = tpu.vector_load %arg11[%get3A_4470, %get3A_4471] {strides = array<i32>} : memref<1280x32xf32, #tpu.memory_space<vmem>>, vector<16xf32>,
        %mul3A_4473 = arith.mulf %mul3A_4461, %get3A_4472 : vector<16xf32>
        %add3A_4474 = arith.constant 7 : i32
        %add3A_4475 = arith.addi %mul3A_4389, %add3A_4474 : i32
        %get3A_4476 = arith.index_cast %add3A_4475 : i32 to index
        %get3A_4477 = arith.constant 16 : index
        %get3A_4478 = tpu.vector_load %arg11[%get3A_4476, %get3A_4477] {strides = array<i32>} : memref<1280x32xf32, #tpu.memory_space<vmem>>, vector<16xf32>,
        %mul3A_4479 = arith.mulf %mul3A_4467, %get3A_4478 : vector<16xf32>
        %add3A_4480 = arith.constant 8 : i32
        %add3A_4481 = arith.addi %mul3A_4389, %add3A_4480 : i32
        %get3A_4482 = arith.index_cast %add3A_4481 : i32 to index
        %get3A_4483 = arith.constant 0 : index
        %get3A_4484 = tpu.vector_load %arg11[%get3A_4482, %get3A_4483] {strides = array<i32>} : memref<1280x32xf32, #tpu.memory_space<vmem>>, vector<16xf32>,
        %mul3A_4485 = arith.mulf %mul3A_4473, %get3A_4484 : vector<16xf32>
        %add3A_4486 = arith.constant 8 : i32
        %add3A_4487 = arith.addi %mul3A_4389, %add3A_4486 : i32
        %get3A_4488 = arith.index_cast %add3A_4487 : i32 to index
        %get3A_4489 = arith.constant 16 : index
        %get3A_4490 = tpu.vector_load %arg11[%get3A_4488, %get3A_4489] {strides = array<i32>} : memref<1280x32xf32, #tpu.memory_space<vmem>>, vector<16xf32>,
        %mul3A_4491 = arith.mulf %mul3A_4479, %get3A_4490 : vector<16xf32>
        %add3A_4492 = arith.constant 9 : i32
        %add3A_4493 = arith.addi %mul3A_4389, %add3A_4492 : i32
        %get3A_4494 = arith.index_cast %add3A_4493 : i32 to index
        %get3A_4495 = arith.constant 0 : index
        %get3A_4496 = tpu.vector_load %arg11[%get3A_4494, %get3A_4495] {strides = array<i32>} : memref<1280x32xf32, #tpu.memory_space<vmem>>, vector<16xf32>,
        %mul3A_4497 = arith.mulf %mul3A_4485, %get3A_4496 : vector<16xf32>
        %add3A_4498 = arith.constant 9 : i32
        %add3A_4499 = arith.addi %mul3A_4389, %add3A_4498 : i32
        %get3A_4500 = arith.index_cast %add3A_4499 : i32 to index
        %get3A_4501 = arith.constant 16 : index
        %get3A_4502 = tpu.vector_load %arg11[%get3A_4500, %get3A_4501] {strides = array<i32>} : memref<1280x32xf32, #tpu.memory_space<vmem>>, vector<16xf32>,
        %mul3A_4503 = arith.mulf %mul3A_4491, %get3A_4502 : vector<16xf32>
        %add3A_4504 = arith.constant 10 : i32
        %add3A_4505 = arith.addi %mul3A_4389, %add3A_4504 : i32
        %get3A_4506 = arith.index_cast %add3A_4505 : i32 to index
        %get3A_4507 = arith.constant 0 : index
        %get3A_4508 = tpu.vector_load %arg11[%get3A_4506, %get3A_4507] {strides = array<i32>} : memref<1280x32xf32, #tpu.memory_space<vmem>>, vector<16xf32>,
        %mul3A_4509 = arith.mulf %mul3A_4497, %get3A_4508 : vector<16xf32>
        %add3A_4510 = arith.constant 10 : i32
        %add3A_4511 = arith.addi %mul3A_4389, %add3A_4510 : i32
        %get3A_4512 = arith.index_cast %add3A_4511 : i32 to index
        %get3A_4513 = arith.constant 16 : index
        %get3A_4514 = tpu.vector_load %arg11[%get3A_4512, %get3A_4513] {strides = array<i32>} : memref<1280x32xf32, #tpu.memory_space<vmem>>, vector<16xf32>,
        %mul3A_4515 = arith.mulf %mul3A_4503, %get3A_4514 : vector<16xf32>
        %add3A_4516 = arith.constant 11 : i32
        %add3A_4517 = arith.addi %mul3A_4389, %add3A_4516 : i32
        %get3A_4518 = arith.index_cast %add3A_4517 : i32 to index
        %get3A_4519 = arith.constant 0 : index
        %get3A_4520 = tpu.vector_load %arg11[%get3A_4518, %get3A_4519] {strides = array<i32>} : memref<1280x32xf32, #tpu.memory_space<vmem>>, vector<16xf32>,
        %mul3A_4521 = arith.mulf %mul3A_4509, %get3A_4520 : vector<16xf32>
        %add3A_4522 = arith.constant 11 : i32
        %add3A_4523 = arith.addi %mul3A_4389, %add3A_4522 : i32
        %get3A_4524 = arith.index_cast %add3A_4523 : i32 to index
        %get3A_4525 = arith.constant 16 : index
        %get3A_4526 = tpu.vector_load %arg11[%get3A_4524, %get3A_4525] {strides = array<i32>} : memref<1280x32xf32, #tpu.memory_space<vmem>>, vector<16xf32>,
        %mul3A_4527 = arith.mulf %mul3A_4515, %get3A_4526 : vector<16xf32>
        %add3A_4528 = arith.constant 12 : i32
        %add3A_4529 = arith.addi %mul3A_4389, %add3A_4528 : i32
        %get3A_4530 = arith.index_cast %add3A_4529 : i32 to index
        %get3A_4531 = arith.constant 0 : index
        %get3A_4532 = tpu.vector_load %arg11[%get3A_4530, %get3A_4531] {strides = array<i32>} : memref<1280x32xf32, #tpu.memory_space<vmem>>, vector<16xf32>,
        %mul3A_4533 = arith.mulf %mul3A_4521, %get3A_4532 : vector<16xf32>
        %add3A_4534 = arith.constant 12 : i32
        %add3A_4535 = arith.addi %mul3A_4389, %add3A_4534 : i32
        %get3A_4536 = arith.index_cast %add3A_4535 : i32 to index
        %get3A_4537 = arith.constant 16 : index
        %get3A_4538 = tpu.vector_load %arg11[%get3A_4536, %get3A_4537] {strides = array<i32>} : memref<1280x32xf32, #tpu.memory_space<vmem>>, vector<16xf32>,
        %mul3A_4539 = arith.mulf %mul3A_4527, %get3A_4538 : vector<16xf32>
        %add3A_4540 = arith.constant 13 : i32
        %add3A_4541 = arith.addi %mul3A_4389, %add3A_4540 : i32
        %get3A_4542 = arith.index_cast %add3A_4541 : i32 to index
        %get3A_4543 = arith.constant 0 : index
        %get3A_4544 = tpu.vector_load %arg11[%get3A_4542, %get3A_4543] {strides = array<i32>} : memref<1280x32xf32, #tpu.memory_space<vmem>>, vector<16xf32>,
        %mul3A_4545 = arith.mulf %mul3A_4533, %get3A_4544 : vector<16xf32>
        %add3A_4546 = arith.constant 13 : i32
        %add3A_4547 = arith.addi %mul3A_4389, %add3A_4546 : i32
        %get3A_4548 = arith.index_cast %add3A_4547 : i32 to index
        %get3A_4549 = arith.constant 16 : index
        %get3A_4550 = tpu.vector_load %arg11[%get3A_4548, %get3A_4549] {strides = array<i32>} : memref<1280x32xf32, #tpu.memory_space<vmem>>, vector<16xf32>,
        %mul3A_4551 = arith.mulf %mul3A_4539, %get3A_4550 : vector<16xf32>
        %add3A_4552 = arith.constant 14 : i32
        %add3A_4553 = arith.addi %mul3A_4389, %add3A_4552 : i32
        %get3A_4554 = arith.index_cast %add3A_4553 : i32 to index
        %get3A_4555 = arith.constant 0 : index
        %get3A_4556 = tpu.vector_load %arg11[%get3A_4554, %get3A_4555] {strides = array<i32>} : memref<1280x32xf32, #tpu.memory_space<vmem>>, vector<16xf32>,
        %mul3A_4557 = arith.mulf %mul3A_4545, %get3A_4556 : vector<16xf32>
        %add3A_4558 = arith.constant 14 : i32
        %add3A_4559 = arith.addi %mul3A_4389, %add3A_4558 : i32
        %get3A_4560 = arith.index_cast %add3A_4559 : i32 to index
        %get3A_4561 = arith.constant 16 : index
        %get3A_4562 = tpu.vector_load %arg11[%get3A_4560, %get3A_4561] {strides = array<i32>} : memref<1280x32xf32, #tpu.memory_space<vmem>>, vector<16xf32>,
        %mul3A_4563 = arith.mulf %mul3A_4551, %get3A_4562 : vector<16xf32>
        %add3A_4564 = arith.constant 15 : i32
        %add3A_4565 = arith.addi %mul3A_4389, %add3A_4564 : i32
        %get3A_4566 = arith.index_cast %add3A_4565 : i32 to index
        %get3A_4567 = arith.constant 0 : index
        %get3A_4568 = tpu.vector_load %arg11[%get3A_4566, %get3A_4567] {strides = array<i32>} : memref<1280x32xf32, #tpu.memory_space<vmem>>, vector<16xf32>,
        %mul3A_4569 = arith.mulf %mul3A_4557, %get3A_4568 : vector<16xf32>
        %add3A_4570 = arith.constant 15 : i32
        %add3A_4571 = arith.addi %mul3A_4389, %add3A_4570 : i32
        %get3A_4572 = arith.index_cast %add3A_4571 : i32 to index
        %get3A_4573 = arith.constant 16 : index
        %get3A_4574 = tpu.vector_load %arg11[%get3A_4572, %get3A_4573] {strides = array<i32>} : memref<1280x32xf32, #tpu.memory_space<vmem>>, vector<16xf32>,
        %mul3A_4575 = arith.mulf %mul3A_4563, %get3A_4574 : vector<16xf32>
        %add3A_4576 = arith.constant 16 : i32
        %add3A_4577 = arith.addi %mul3A_4389, %add3A_4576 : i32
        %get3A_4578 = arith.index_cast %add3A_4577 : i32 to index
        %get3A_4579 = arith.constant 0 : index
        %get3A_4580 = tpu.vector_load %arg11[%get3A_4578, %get3A_4579] {strides = array<i32>} : memref<1280x32xf32, #tpu.memory_space<vmem>>, vector<16xf32>,
        %mul3A_4581 = arith.mulf %mul3A_4569, %get3A_4580 : vector<16xf32>
        %add3A_4582 = arith.constant 16 : i32
        %add3A_4583 = arith.addi %mul3A_4389, %add3A_4582 : i32
        %get3A_4584 = arith.index_cast %add3A_4583 : i32 to index
        %get3A_4585 = arith.constant 16 : index
        %get3A_4586 = tpu.vector_load %arg11[%get3A_4584, %get3A_4585] {strides = array<i32>} : memref<1280x32xf32, #tpu.memory_space<vmem>>, vector<16xf32>,
        %mul3A_4587 = arith.mulf %mul3A_4575, %get3A_4586 : vector<16xf32>
        %add3A_4588 = arith.constant 17 : i32
        %add3A_4589 = arith.addi %mul3A_4389, %add3A_4588 : i32
        %get3A_4590 = arith.index_cast %add3A_4589 : i32 to index
        %get3A_4591 = arith.constant 0 : index
        %get3A_4592 = tpu.vector_load %arg11[%get3A_4590, %get3A_4591] {strides = array<i32>} : memref<1280x32xf32, #tpu.memory_space<vmem>>, vector<16xf32>,
        %mul3A_4593 = arith.mulf %mul3A_4581, %get3A_4592 : vector<16xf32>
        %add3A_4594 = arith.constant 17 : i32
        %add3A_4595 = arith.addi %mul3A_4389, %add3A_4594 : i32
        %get3A_4596 = arith.index_cast %add3A_4595 : i32 to index
        %get3A_4597 = arith.constant 16 : index
        %get3A_4598 = tpu.vector_load %arg11[%get3A_4596, %get3A_4597] {strides = array<i32>} : memref<1280x32xf32, #tpu.memory_space<vmem>>, vector<16xf32>,
        %mul3A_4599 = arith.mulf %mul3A_4587, %get3A_4598 : vector<16xf32>
        %add3A_4600 = arith.constant 18 : i32
        %add3A_4601 = arith.addi %mul3A_4389, %add3A_4600 : i32
        %get3A_4602 = arith.index_cast %add3A_4601 : i32 to index
        %get3A_4603 = arith.constant 0 : index
        %get3A_4604 = tpu.vector_load %arg11[%get3A_4602, %get3A_4603] {strides = array<i32>} : memref<1280x32xf32, #tpu.memory_space<vmem>>, vector<16xf32>,
        %mul3A_4605 = arith.mulf %mul3A_4593, %get3A_4604 : vector<16xf32>
        %add3A_4606 = arith.constant 18 : i32
        %add3A_4607 = arith.addi %mul3A_4389, %add3A_4606 : i32
        %get3A_4608 = arith.index_cast %add3A_4607 : i32 to index
        %get3A_4609 = arith.constant 16 : index
        %get3A_4610 = tpu.vector_load %arg11[%get3A_4608, %get3A_4609] {strides = array<i32>} : memref<1280x32xf32, #tpu.memory_space<vmem>>, vector<16xf32>,
        %mul3A_4611 = arith.mulf %mul3A_4599, %get3A_4610 : vector<16xf32>
        %add3A_4612 = arith.constant 19 : i32
        %add3A_4613 = arith.addi %mul3A_4389, %add3A_4612 : i32
        %get3A_4614 = arith.index_cast %add3A_4613 : i32 to index
        %get3A_4615 = arith.constant 0 : index
        %get3A_4616 = tpu.vector_load %arg11[%get3A_4614, %get3A_4615] {strides = array<i32>} : memref<1280x32xf32, #tpu.memory_space<vmem>>, vector<16xf32>,
        %mul3A_4617 = arith.mulf %mul3A_4605, %get3A_4616 : vector<16xf32>
        %add3A_4618 = arith.constant 19 : i32
        %add3A_4619 = arith.addi %mul3A_4389, %add3A_4618 : i32
        %get3A_4620 = arith.index_cast %add3A_4619 : i32 to index
        %get3A_4621 = arith.constant 16 : index
        %get3A_4622 = tpu.vector_load %arg11[%get3A_4620, %get3A_4621] {strides = array<i32>} : memref<1280x32xf32, #tpu.memory_space<vmem>>, vector<16xf32>,
        %mul3A_4623 = arith.mulf %mul3A_4611, %get3A_4622 : vector<16xf32>
        %mul3A_4624 = arith.mulf %mul3A_4617, %get3A_6 : vector<16xf32>
        %mul3A_4625 = arith.mulf %mul3A_4623, %get3A_8 : vector<16xf32>
        %add3A_4626 = arith.addf %mul3A_4624, %mul3A_4625 : vector<16xf32>
        %swap3A_4627 = arith.constant 238 : index
        %swap3A_4628 = tpu.vector_load %arg14[%swap3A_4627] {strides = array<i32>} : memref<272xf32, #tpu.memory_space<vmem>>, vector<16xf32>,
        tpu.vector_store %arg14[%swap3A_4627], %add3A_4626 {strides = array<i32>} : memref<272xf32, #tpu.memory_space<vmem>>, vector<16xf32>,
        %mul3A_4629 = arith.constant 16 : i32
        %mul3A_4630 = arith.muli %add3A_953, %mul3A_4629 : i32
        %add3A_4631 = arith.constant 15 : i32
        %add3A_4632 = arith.addi %mul3A_4630, %add3A_4631 : i32
        %mul3A_4633 = arith.constant 20 : i32
        %mul3A_4634 = arith.muli %add3A_4632, %mul3A_4633 : i32
        %get3A_4635 = arith.index_cast %mul3A_4634 : i32 to index
        %get3A_4636 = arith.constant 0 : index
        %get3A_4637 = tpu.vector_load %arg11[%get3A_4635, %get3A_4636] {strides = array<i32>} : memref<1280x32xf32, #tpu.memory_space<vmem>>, vector<16xf32>,
        %get3A_4638 = arith.index_cast %mul3A_4634 : i32 to index
        %get3A_4639 = arith.constant 16 : index
        %get3A_4640 = tpu.vector_load %arg11[%get3A_4638, %get3A_4639] {strides = array<i32>} : memref<1280x32xf32, #tpu.memory_space<vmem>>, vector<16xf32>,
        %add3A_4641 = arith.constant 1 : i32
        %add3A_4642 = arith.addi %mul3A_4634, %add3A_4641 : i32
        %get3A_4643 = arith.index_cast %add3A_4642 : i32 to index
        %get3A_4644 = arith.constant 0 : index
        %get3A_4645 = tpu.vector_load %arg11[%get3A_4643, %get3A_4644] {strides = array<i32>} : memref<1280x32xf32, #tpu.memory_space<vmem>>, vector<16xf32>,
        %mul3A_4646 = arith.mulf %get3A_4637, %get3A_4645 : vector<16xf32>
        %add3A_4647 = arith.constant 1 : i32
        %add3A_4648 = arith.addi %mul3A_4634, %add3A_4647 : i32
        %get3A_4649 = arith.index_cast %add3A_4648 : i32 to index
        %get3A_4650 = arith.constant 16 : index
        %get3A_4651 = tpu.vector_load %arg11[%get3A_4649, %get3A_4650] {strides = array<i32>} : memref<1280x32xf32, #tpu.memory_space<vmem>>, vector<16xf32>,
        %mul3A_4652 = arith.mulf %get3A_4640, %get3A_4651 : vector<16xf32>
        %add3A_4653 = arith.constant 2 : i32
        %add3A_4654 = arith.addi %mul3A_4634, %add3A_4653 : i32
        %get3A_4655 = arith.index_cast %add3A_4654 : i32 to index
        %get3A_4656 = arith.constant 0 : index
        %get3A_4657 = tpu.vector_load %arg11[%get3A_4655, %get3A_4656] {strides = array<i32>} : memref<1280x32xf32, #tpu.memory_space<vmem>>, vector<16xf32>,
        %mul3A_4658 = arith.mulf %mul3A_4646, %get3A_4657 : vector<16xf32>
        %add3A_4659 = arith.constant 2 : i32
        %add3A_4660 = arith.addi %mul3A_4634, %add3A_4659 : i32
        %get3A_4661 = arith.index_cast %add3A_4660 : i32 to index
        %get3A_4662 = arith.constant 16 : index
        %get3A_4663 = tpu.vector_load %arg11[%get3A_4661, %get3A_4662] {strides = array<i32>} : memref<1280x32xf32, #tpu.memory_space<vmem>>, vector<16xf32>,
        %mul3A_4664 = arith.mulf %mul3A_4652, %get3A_4663 : vector<16xf32>
        %add3A_4665 = arith.constant 3 : i32
        %add3A_4666 = arith.addi %mul3A_4634, %add3A_4665 : i32
        %get3A_4667 = arith.index_cast %add3A_4666 : i32 to index
        %get3A_4668 = arith.constant 0 : index
        %get3A_4669 = tpu.vector_load %arg11[%get3A_4667, %get3A_4668] {strides = array<i32>} : memref<1280x32xf32, #tpu.memory_space<vmem>>, vector<16xf32>,
        %mul3A_4670 = arith.mulf %mul3A_4658, %get3A_4669 : vector<16xf32>
        %add3A_4671 = arith.constant 3 : i32
        %add3A_4672 = arith.addi %mul3A_4634, %add3A_4671 : i32
        %get3A_4673 = arith.index_cast %add3A_4672 : i32 to index
        %get3A_4674 = arith.constant 16 : index
        %get3A_4675 = tpu.vector_load %arg11[%get3A_4673, %get3A_4674] {strides = array<i32>} : memref<1280x32xf32, #tpu.memory_space<vmem>>, vector<16xf32>,
        %mul3A_4676 = arith.mulf %mul3A_4664, %get3A_4675 : vector<16xf32>
        %add3A_4677 = arith.constant 4 : i32
        %add3A_4678 = arith.addi %mul3A_4634, %add3A_4677 : i32
        %get3A_4679 = arith.index_cast %add3A_4678 : i32 to index
        %get3A_4680 = arith.constant 0 : index
        %get3A_4681 = tpu.vector_load %arg11[%get3A_4679, %get3A_4680] {strides = array<i32>} : memref<1280x32xf32, #tpu.memory_space<vmem>>, vector<16xf32>,
        %mul3A_4682 = arith.mulf %mul3A_4670, %get3A_4681 : vector<16xf32>
        %add3A_4683 = arith.constant 4 : i32
        %add3A_4684 = arith.addi %mul3A_4634, %add3A_4683 : i32
        %get3A_4685 = arith.index_cast %add3A_4684 : i32 to index
        %get3A_4686 = arith.constant 16 : index
        %get3A_4687 = tpu.vector_load %arg11[%get3A_4685, %get3A_4686] {strides = array<i32>} : memref<1280x32xf32, #tpu.memory_space<vmem>>, vector<16xf32>,
        %mul3A_4688 = arith.mulf %mul3A_4676, %get3A_4687 : vector<16xf32>
        %add3A_4689 = arith.constant 5 : i32
        %add3A_4690 = arith.addi %mul3A_4634, %add3A_4689 : i32
        %get3A_4691 = arith.index_cast %add3A_4690 : i32 to index
        %get3A_4692 = arith.constant 0 : index
        %get3A_4693 = tpu.vector_load %arg11[%get3A_4691, %get3A_4692] {strides = array<i32>} : memref<1280x32xf32, #tpu.memory_space<vmem>>, vector<16xf32>,
        %mul3A_4694 = arith.mulf %mul3A_4682, %get3A_4693 : vector<16xf32>
        %add3A_4695 = arith.constant 5 : i32
        %add3A_4696 = arith.addi %mul3A_4634, %add3A_4695 : i32
        %get3A_4697 = arith.index_cast %add3A_4696 : i32 to index
        %get3A_4698 = arith.constant 16 : index
        %get3A_4699 = tpu.vector_load %arg11[%get3A_4697, %get3A_4698] {strides = array<i32>} : memref<1280x32xf32, #tpu.memory_space<vmem>>, vector<16xf32>,
        %mul3A_4700 = arith.mulf %mul3A_4688, %get3A_4699 : vector<16xf32>
        %add3A_4701 = arith.constant 6 : i32
        %add3A_4702 = arith.addi %mul3A_4634, %add3A_4701 : i32
        %get3A_4703 = arith.index_cast %add3A_4702 : i32 to index
        %get3A_4704 = arith.constant 0 : index
        %get3A_4705 = tpu.vector_load %arg11[%get3A_4703, %get3A_4704] {strides = array<i32>} : memref<1280x32xf32, #tpu.memory_space<vmem>>, vector<16xf32>,
        %mul3A_4706 = arith.mulf %mul3A_4694, %get3A_4705 : vector<16xf32>
        %add3A_4707 = arith.constant 6 : i32
        %add3A_4708 = arith.addi %mul3A_4634, %add3A_4707 : i32
        %get3A_4709 = arith.index_cast %add3A_4708 : i32 to index
        %get3A_4710 = arith.constant 16 : index
        %get3A_4711 = tpu.vector_load %arg11[%get3A_4709, %get3A_4710] {strides = array<i32>} : memref<1280x32xf32, #tpu.memory_space<vmem>>, vector<16xf32>,
        %mul3A_4712 = arith.mulf %mul3A_4700, %get3A_4711 : vector<16xf32>
        %add3A_4713 = arith.constant 7 : i32
        %add3A_4714 = arith.addi %mul3A_4634, %add3A_4713 : i32
        %get3A_4715 = arith.index_cast %add3A_4714 : i32 to index
        %get3A_4716 = arith.constant 0 : index
        %get3A_4717 = tpu.vector_load %arg11[%get3A_4715, %get3A_4716] {strides = array<i32>} : memref<1280x32xf32, #tpu.memory_space<vmem>>, vector<16xf32>,
        %mul3A_4718 = arith.mulf %mul3A_4706, %get3A_4717 : vector<16xf32>
        %add3A_4719 = arith.constant 7 : i32
        %add3A_4720 = arith.addi %mul3A_4634, %add3A_4719 : i32
        %get3A_4721 = arith.index_cast %add3A_4720 : i32 to index
        %get3A_4722 = arith.constant 16 : index
        %get3A_4723 = tpu.vector_load %arg11[%get3A_4721, %get3A_4722] {strides = array<i32>} : memref<1280x32xf32, #tpu.memory_space<vmem>>, vector<16xf32>,
        %mul3A_4724 = arith.mulf %mul3A_4712, %get3A_4723 : vector<16xf32>
        %add3A_4725 = arith.constant 8 : i32
        %add3A_4726 = arith.addi %mul3A_4634, %add3A_4725 : i32
        %get3A_4727 = arith.index_cast %add3A_4726 : i32 to index
        %get3A_4728 = arith.constant 0 : index
        %get3A_4729 = tpu.vector_load %arg11[%get3A_4727, %get3A_4728] {strides = array<i32>} : memref<1280x32xf32, #tpu.memory_space<vmem>>, vector<16xf32>,
        %mul3A_4730 = arith.mulf %mul3A_4718, %get3A_4729 : vector<16xf32>
        %add3A_4731 = arith.constant 8 : i32
        %add3A_4732 = arith.addi %mul3A_4634, %add3A_4731 : i32
        %get3A_4733 = arith.index_cast %add3A_4732 : i32 to index
        %get3A_4734 = arith.constant 16 : index
        %get3A_4735 = tpu.vector_load %arg11[%get3A_4733, %get3A_4734] {strides = array<i32>} : memref<1280x32xf32, #tpu.memory_space<vmem>>, vector<16xf32>,
        %mul3A_4736 = arith.mulf %mul3A_4724, %get3A_4735 : vector<16xf32>
        %add3A_4737 = arith.constant 9 : i32
        %add3A_4738 = arith.addi %mul3A_4634, %add3A_4737 : i32
        %get3A_4739 = arith.index_cast %add3A_4738 : i32 to index
        %get3A_4740 = arith.constant 0 : index
        %get3A_4741 = tpu.vector_load %arg11[%get3A_4739, %get3A_4740] {strides = array<i32>} : memref<1280x32xf32, #tpu.memory_space<vmem>>, vector<16xf32>,
        %mul3A_4742 = arith.mulf %mul3A_4730, %get3A_4741 : vector<16xf32>
        %add3A_4743 = arith.constant 9 : i32
        %add3A_4744 = arith.addi %mul3A_4634, %add3A_4743 : i32
        %get3A_4745 = arith.index_cast %add3A_4744 : i32 to index
        %get3A_4746 = arith.constant 16 : index
        %get3A_4747 = tpu.vector_load %arg11[%get3A_4745, %get3A_4746] {strides = array<i32>} : memref<1280x32xf32, #tpu.memory_space<vmem>>, vector<16xf32>,
        %mul3A_4748 = arith.mulf %mul3A_4736, %get3A_4747 : vector<16xf32>
        %add3A_4749 = arith.constant 10 : i32
        %add3A_4750 = arith.addi %mul3A_4634, %add3A_4749 : i32
        %get3A_4751 = arith.index_cast %add3A_4750 : i32 to index
        %get3A_4752 = arith.constant 0 : index
        %get3A_4753 = tpu.vector_load %arg11[%get3A_4751, %get3A_4752] {strides = array<i32>} : memref<1280x32xf32, #tpu.memory_space<vmem>>, vector<16xf32>,
        %mul3A_4754 = arith.mulf %mul3A_4742, %get3A_4753 : vector<16xf32>
        %add3A_4755 = arith.constant 10 : i32
        %add3A_4756 = arith.addi %mul3A_4634, %add3A_4755 : i32
        %get3A_4757 = arith.index_cast %add3A_4756 : i32 to index
        %get3A_4758 = arith.constant 16 : index
        %get3A_4759 = tpu.vector_load %arg11[%get3A_4757, %get3A_4758] {strides = array<i32>} : memref<1280x32xf32, #tpu.memory_space<vmem>>, vector<16xf32>,
        %mul3A_4760 = arith.mulf %mul3A_4748, %get3A_4759 : vector<16xf32>
        %add3A_4761 = arith.constant 11 : i32
        %add3A_4762 = arith.addi %mul3A_4634, %add3A_4761 : i32
        %get3A_4763 = arith.index_cast %add3A_4762 : i32 to index
        %get3A_4764 = arith.constant 0 : index
        %get3A_4765 = tpu.vector_load %arg11[%get3A_4763, %get3A_4764] {strides = array<i32>} : memref<1280x32xf32, #tpu.memory_space<vmem>>, vector<16xf32>,
        %mul3A_4766 = arith.mulf %mul3A_4754, %get3A_4765 : vector<16xf32>
        %add3A_4767 = arith.constant 11 : i32
        %add3A_4768 = arith.addi %mul3A_4634, %add3A_4767 : i32
        %get3A_4769 = arith.index_cast %add3A_4768 : i32 to index
        %get3A_4770 = arith.constant 16 : index
        %get3A_4771 = tpu.vector_load %arg11[%get3A_4769, %get3A_4770] {strides = array<i32>} : memref<1280x32xf32, #tpu.memory_space<vmem>>, vector<16xf32>,
        %mul3A_4772 = arith.mulf %mul3A_4760, %get3A_4771 : vector<16xf32>
        %add3A_4773 = arith.constant 12 : i32
        %add3A_4774 = arith.addi %mul3A_4634, %add3A_4773 : i32
        %get3A_4775 = arith.index_cast %add3A_4774 : i32 to index
        %get3A_4776 = arith.constant 0 : index
        %get3A_4777 = tpu.vector_load %arg11[%get3A_4775, %get3A_4776] {strides = array<i32>} : memref<1280x32xf32, #tpu.memory_space<vmem>>, vector<16xf32>,
        %mul3A_4778 = arith.mulf %mul3A_4766, %get3A_4777 : vector<16xf32>
        %add3A_4779 = arith.constant 12 : i32
        %add3A_4780 = arith.addi %mul3A_4634, %add3A_4779 : i32
        %get3A_4781 = arith.index_cast %add3A_4780 : i32 to index
        %get3A_4782 = arith.constant 16 : index
        %get3A_4783 = tpu.vector_load %arg11[%get3A_4781, %get3A_4782] {strides = array<i32>} : memref<1280x32xf32, #tpu.memory_space<vmem>>, vector<16xf32>,
        %mul3A_4784 = arith.mulf %mul3A_4772, %get3A_4783 : vector<16xf32>
        %add3A_4785 = arith.constant 13 : i32
        %add3A_4786 = arith.addi %mul3A_4634, %add3A_4785 : i32
        %get3A_4787 = arith.index_cast %add3A_4786 : i32 to index
        %get3A_4788 = arith.constant 0 : index
        %get3A_4789 = tpu.vector_load %arg11[%get3A_4787, %get3A_4788] {strides = array<i32>} : memref<1280x32xf32, #tpu.memory_space<vmem>>, vector<16xf32>,
        %mul3A_4790 = arith.mulf %mul3A_4778, %get3A_4789 : vector<16xf32>
        %add3A_4791 = arith.constant 13 : i32
        %add3A_4792 = arith.addi %mul3A_4634, %add3A_4791 : i32
        %get3A_4793 = arith.index_cast %add3A_4792 : i32 to index
        %get3A_4794 = arith.constant 16 : index
        %get3A_4795 = tpu.vector_load %arg11[%get3A_4793, %get3A_4794] {strides = array<i32>} : memref<1280x32xf32, #tpu.memory_space<vmem>>, vector<16xf32>,
        %mul3A_4796 = arith.mulf %mul3A_4784, %get3A_4795 : vector<16xf32>
        %add3A_4797 = arith.constant 14 : i32
        %add3A_4798 = arith.addi %mul3A_4634, %add3A_4797 : i32
        %get3A_4799 = arith.index_cast %add3A_4798 : i32 to index
        %get3A_4800 = arith.constant 0 : index
        %get3A_4801 = tpu.vector_load %arg11[%get3A_4799, %get3A_4800] {strides = array<i32>} : memref<1280x32xf32, #tpu.memory_space<vmem>>, vector<16xf32>,
        %mul3A_4802 = arith.mulf %mul3A_4790, %get3A_4801 : vector<16xf32>
        %add3A_4803 = arith.constant 14 : i32
        %add3A_4804 = arith.addi %mul3A_4634, %add3A_4803 : i32
        %get3A_4805 = arith.index_cast %add3A_4804 : i32 to index
        %get3A_4806 = arith.constant 16 : index
        %get3A_4807 = tpu.vector_load %arg11[%get3A_4805, %get3A_4806] {strides = array<i32>} : memref<1280x32xf32, #tpu.memory_space<vmem>>, vector<16xf32>,
        %mul3A_4808 = arith.mulf %mul3A_4796, %get3A_4807 : vector<16xf32>
        %add3A_4809 = arith.constant 15 : i32
        %add3A_4810 = arith.addi %mul3A_4634, %add3A_4809 : i32
        %get3A_4811 = arith.index_cast %add3A_4810 : i32 to index
        %get3A_4812 = arith.constant 0 : index
        %get3A_4813 = tpu.vector_load %arg11[%get3A_4811, %get3A_4812] {strides = array<i32>} : memref<1280x32xf32, #tpu.memory_space<vmem>>, vector<16xf32>,
        %mul3A_4814 = arith.mulf %mul3A_4802, %get3A_4813 : vector<16xf32>
        %add3A_4815 = arith.constant 15 : i32
        %add3A_4816 = arith.addi %mul3A_4634, %add3A_4815 : i32
        %get3A_4817 = arith.index_cast %add3A_4816 : i32 to index
        %get3A_4818 = arith.constant 16 : index
        %get3A_4819 = tpu.vector_load %arg11[%get3A_4817, %get3A_4818] {strides = array<i32>} : memref<1280x32xf32, #tpu.memory_space<vmem>>, vector<16xf32>,
        %mul3A_4820 = arith.mulf %mul3A_4808, %get3A_4819 : vector<16xf32>
        %add3A_4821 = arith.constant 16 : i32
        %add3A_4822 = arith.addi %mul3A_4634, %add3A_4821 : i32
        %get3A_4823 = arith.index_cast %add3A_4822 : i32 to index
        %get3A_4824 = arith.constant 0 : index
        %get3A_4825 = tpu.vector_load %arg11[%get3A_4823, %get3A_4824] {strides = array<i32>} : memref<1280x32xf32, #tpu.memory_space<vmem>>, vector<16xf32>,
        %mul3A_4826 = arith.mulf %mul3A_4814, %get3A_4825 : vector<16xf32>
        %add3A_4827 = arith.constant 16 : i32
        %add3A_4828 = arith.addi %mul3A_4634, %add3A_4827 : i32
        %get3A_4829 = arith.index_cast %add3A_4828 : i32 to index
        %get3A_4830 = arith.constant 16 : index
        %get3A_4831 = tpu.vector_load %arg11[%get3A_4829, %get3A_4830] {strides = array<i32>} : memref<1280x32xf32, #tpu.memory_space<vmem>>, vector<16xf32>,
        %mul3A_4832 = arith.mulf %mul3A_4820, %get3A_4831 : vector<16xf32>
        %add3A_4833 = arith.constant 17 : i32
        %add3A_4834 = arith.addi %mul3A_4634, %add3A_4833 : i32
        %get3A_4835 = arith.index_cast %add3A_4834 : i32 to index
        %get3A_4836 = arith.constant 0 : index
        %get3A_4837 = tpu.vector_load %arg11[%get3A_4835, %get3A_4836] {strides = array<i32>} : memref<1280x32xf32, #tpu.memory_space<vmem>>, vector<16xf32>,
        %mul3A_4838 = arith.mulf %mul3A_4826, %get3A_4837 : vector<16xf32>
        %add3A_4839 = arith.constant 17 : i32
        %add3A_4840 = arith.addi %mul3A_4634, %add3A_4839 : i32
        %get3A_4841 = arith.index_cast %add3A_4840 : i32 to index
        %get3A_4842 = arith.constant 16 : index
        %get3A_4843 = tpu.vector_load %arg11[%get3A_4841, %get3A_4842] {strides = array<i32>} : memref<1280x32xf32, #tpu.memory_space<vmem>>, vector<16xf32>,
        %mul3A_4844 = arith.mulf %mul3A_4832, %get3A_4843 : vector<16xf32>
        %add3A_4845 = arith.constant 18 : i32
        %add3A_4846 = arith.addi %mul3A_4634, %add3A_4845 : i32
        %get3A_4847 = arith.index_cast %add3A_4846 : i32 to index
        %get3A_4848 = arith.constant 0 : index
        %get3A_4849 = tpu.vector_load %arg11[%get3A_4847, %get3A_4848] {strides = array<i32>} : memref<1280x32xf32, #tpu.memory_space<vmem>>, vector<16xf32>,
        %mul3A_4850 = arith.mulf %mul3A_4838, %get3A_4849 : vector<16xf32>
        %add3A_4851 = arith.constant 18 : i32
        %add3A_4852 = arith.addi %mul3A_4634, %add3A_4851 : i32
        %get3A_4853 = arith.index_cast %add3A_4852 : i32 to index
        %get3A_4854 = arith.constant 16 : index
        %get3A_4855 = tpu.vector_load %arg11[%get3A_4853, %get3A_4854] {strides = array<i32>} : memref<1280x32xf32, #tpu.memory_space<vmem>>, vector<16xf32>,
        %mul3A_4856 = arith.mulf %mul3A_4844, %get3A_4855 : vector<16xf32>
        %add3A_4857 = arith.constant 19 : i32
        %add3A_4858 = arith.addi %mul3A_4634, %add3A_4857 : i32
        %get3A_4859 = arith.index_cast %add3A_4858 : i32 to index
        %get3A_4860 = arith.constant 0 : index
        %get3A_4861 = tpu.vector_load %arg11[%get3A_4859, %get3A_4860] {strides = array<i32>} : memref<1280x32xf32, #tpu.memory_space<vmem>>, vector<16xf32>,
        %mul3A_4862 = arith.mulf %mul3A_4850, %get3A_4861 : vector<16xf32>
        %add3A_4863 = arith.constant 19 : i32
        %add3A_4864 = arith.addi %mul3A_4634, %add3A_4863 : i32
        %get3A_4865 = arith.index_cast %add3A_4864 : i32 to index
        %get3A_4866 = arith.constant 16 : index
        %get3A_4867 = tpu.vector_load %arg11[%get3A_4865, %get3A_4866] {strides = array<i32>} : memref<1280x32xf32, #tpu.memory_space<vmem>>, vector<16xf32>,
        %mul3A_4868 = arith.mulf %mul3A_4856, %get3A_4867 : vector<16xf32>
        %mul3A_4869 = arith.mulf %mul3A_4862, %get3A_6 : vector<16xf32>
        %mul3A_4870 = arith.mulf %mul3A_4868, %get3A_8 : vector<16xf32>
        %add3A_4871 = arith.addf %mul3A_4869, %mul3A_4870 : vector<16xf32>
        %swap3A_4872 = arith.constant 255 : index
        %swap3A_4873 = tpu.vector_load %arg14[%swap3A_4872] {strides = array<i32>} : memref<272xf32, #tpu.memory_space<vmem>>, vector<16xf32>,
        tpu.vector_store %arg14[%swap3A_4872], %add3A_4871 {strides = array<i32>} : memref<272xf32, #tpu.memory_space<vmem>>, vector<16xf32>,
        %add3A_4874 = arith.constant 0 : i32
        %add3A_4875 = vector.broadcast %add3A_4874 : i32 to vector<16xi32>
        %add3A_4876 = arith.addi %mul3A_3, %add3A_4875 : vector<16xi32>
        %gather3A = tpu.vector_load_idx %arg14[%add3A_4876] : memref<272xf32, #tpu.memory_space<vmem>>[vector<16xi32>], vector<16xf32>,
        %add3A_4877 = arith.addf %get3A_4, %gather3A : vector<16xf32>
        %add3A_4878 = arith.constant 1 : i32
        %add3A_4879 = vector.broadcast %add3A_4878 : i32 to vector<16xi32>
        %add3A_4880 = arith.addi %mul3A_3, %add3A_4879 : vector<16xi32>
        %gather3A_4881 = tpu.vector_load_idx %arg14[%add3A_4880] : memref<272xf32, #tpu.memory_space<vmem>>[vector<16xi32>], vector<16xf32>,
        %add3A_4882 = arith.addf %add3A_4877, %gather3A_4881 : vector<16xf32>
        %add3A_4883 = arith.constant 2 : i32
        %add3A_4884 = vector.broadcast %add3A_4883 : i32 to vector<16xi32>
        %add3A_4885 = arith.addi %mul3A_3, %add3A_4884 : vector<16xi32>
        %gather3A_4886 = tpu.vector_load_idx %arg14[%add3A_4885] : memref<272xf32, #tpu.memory_space<vmem>>[vector<16xi32>], vector<16xf32>,
        %add3A_4887 = arith.addf %add3A_4882, %gather3A_4886 : vector<16xf32>
        %add3A_4888 = arith.constant 3 : i32
        %add3A_4889 = vector.broadcast %add3A_4888 : i32 to vector<16xi32>
        %add3A_4890 = arith.addi %mul3A_3, %add3A_4889 : vector<16xi32>
        %gather3A_4891 = tpu.vector_load_idx %arg14[%add3A_4890] : memref<272xf32, #tpu.memory_space<vmem>>[vector<16xi32>], vector<16xf32>,
        %add3A_4892 = arith.addf %add3A_4887, %gather3A_4891 : vector<16xf32>
        %add3A_4893 = arith.constant 4 : i32
        %add3A_4894 = vector.broadcast %add3A_4893 : i32 to vector<16xi32>
        %add3A_4895 = arith.addi %mul3A_3, %add3A_4894 : vector<16xi32>
        %gather3A_4896 = tpu.vector_load_idx %arg14[%add3A_4895] : memref<272xf32, #tpu.memory_space<vmem>>[vector<16xi32>], vector<16xf32>,
        %add3A_4897 = arith.addf %add3A_4892, %gather3A_4896 : vector<16xf32>
        %add3A_4898 = arith.constant 5 : i32
        %add3A_4899 = vector.broadcast %add3A_4898 : i32 to vector<16xi32>
        %add3A_4900 = arith.addi %mul3A_3, %add3A_4899 : vector<16xi32>
        %gather3A_4901 = tpu.vector_load_idx %arg14[%add3A_4900] : memref<272xf32, #tpu.memory_space<vmem>>[vector<16xi32>], vector<16xf32>,
        %add3A_4902 = arith.addf %add3A_4897, %gather3A_4901 : vector<16xf32>
        %add3A_4903 = arith.constant 6 : i32
        %add3A_4904 = vector.broadcast %add3A_4903 : i32 to vector<16xi32>
        %add3A_4905 = arith.addi %mul3A_3, %add3A_4904 : vector<16xi32>
        %gather3A_4906 = tpu.vector_load_idx %arg14[%add3A_4905] : memref<272xf32, #tpu.memory_space<vmem>>[vector<16xi32>], vector<16xf32>,
        %add3A_4907 = arith.addf %add3A_4902, %gather3A_4906 : vector<16xf32>
        %add3A_4908 = arith.constant 7 : i32
        %add3A_4909 = vector.broadcast %add3A_4908 : i32 to vector<16xi32>
        %add3A_4910 = arith.addi %mul3A_3, %add3A_4909 : vector<16xi32>
        %gather3A_4911 = tpu.vector_load_idx %arg14[%add3A_4910] : memref<272xf32, #tpu.memory_space<vmem>>[vector<16xi32>], vector<16xf32>,
        %add3A_4912 = arith.addf %add3A_4907, %gather3A_4911 : vector<16xf32>
        %add3A_4913 = arith.constant 8 : i32
        %add3A_4914 = vector.broadcast %add3A_4913 : i32 to vector<16xi32>
        %add3A_4915 = arith.addi %mul3A_3, %add3A_4914 : vector<16xi32>
        %gather3A_4916 = tpu.vector_load_idx %arg14[%add3A_4915] : memref<272xf32, #tpu.memory_space<vmem>>[vector<16xi32>], vector<16xf32>,
        %add3A_4917 = arith.addf %add3A_4912, %gather3A_4916 : vector<16xf32>
        %add3A_4918 = arith.constant 9 : i32
        %add3A_4919 = vector.broadcast %add3A_4918 : i32 to vector<16xi32>
        %add3A_4920 = arith.addi %mul3A_3, %add3A_4919 : vector<16xi32>
        %gather3A_4921 = tpu.vector_load_idx %arg14[%add3A_4920] : memref<272xf32, #tpu.memory_space<vmem>>[vector<16xi32>], vector<16xf32>,
        %add3A_4922 = arith.addf %add3A_4917, %gather3A_4921 : vector<16xf32>
        %add3A_4923 = arith.constant 10 : i32
        %add3A_4924 = vector.broadcast %add3A_4923 : i32 to vector<16xi32>
        %add3A_4925 = arith.addi %mul3A_3, %add3A_4924 : vector<16xi32>
        %gather3A_4926 = tpu.vector_load_idx %arg14[%add3A_4925] : memref<272xf32, #tpu.memory_space<vmem>>[vector<16xi32>], vector<16xf32>,
        %add3A_4927 = arith.addf %add3A_4922, %gather3A_4926 : vector<16xf32>
        %add3A_4928 = arith.constant 11 : i32
        %add3A_4929 = vector.broadcast %add3A_4928 : i32 to vector<16xi32>
        %add3A_4930 = arith.addi %mul3A_3, %add3A_4929 : vector<16xi32>
        %gather3A_4931 = tpu.vector_load_idx %arg14[%add3A_4930] : memref<272xf32, #tpu.memory_space<vmem>>[vector<16xi32>], vector<16xf32>,
        %add3A_4932 = arith.addf %add3A_4927, %gather3A_4931 : vector<16xf32>
        %add3A_4933 = arith.constant 12 : i32
        %add3A_4934 = vector.broadcast %add3A_4933 : i32 to vector<16xi32>
        %add3A_4935 = arith.addi %mul3A_3, %add3A_4934 : vector<16xi32>
        %gather3A_4936 = tpu.vector_load_idx %arg14[%add3A_4935] : memref<272xf32, #tpu.memory_space<vmem>>[vector<16xi32>], vector<16xf32>,
        %add3A_4937 = arith.addf %add3A_4932, %gather3A_4936 : vector<16xf32>
        %add3A_4938 = arith.constant 13 : i32
        %add3A_4939 = vector.broadcast %add3A_4938 : i32 to vector<16xi32>
        %add3A_4940 = arith.addi %mul3A_3, %add3A_4939 : vector<16xi32>
        %gather3A_4941 = tpu.vector_load_idx %arg14[%add3A_4940] : memref<272xf32, #tpu.memory_space<vmem>>[vector<16xi32>], vector<16xf32>,
        %add3A_4942 = arith.addf %add3A_4937, %gather3A_4941 : vector<16xf32>
        %add3A_4943 = arith.constant 14 : i32
        %add3A_4944 = vector.broadcast %add3A_4943 : i32 to vector<16xi32>
        %add3A_4945 = arith.addi %mul3A_3, %add3A_4944 : vector<16xi32>
        %gather3A_4946 = tpu.vector_load_idx %arg14[%add3A_4945] : memref<272xf32, #tpu.memory_space<vmem>>[vector<16xi32>], vector<16xf32>,
        %add3A_4947 = arith.addf %add3A_4942, %gather3A_4946 : vector<16xf32>
        %add3A_4948 = arith.constant 15 : i32
        %add3A_4949 = vector.broadcast %add3A_4948 : i32 to vector<16xi32>
        %add3A_4950 = arith.addi %mul3A_3, %add3A_4949 : vector<16xi32>
        %gather3A_4951 = tpu.vector_load_idx %arg14[%add3A_4950] : memref<272xf32, #tpu.memory_space<vmem>>[vector<16xi32>], vector<16xf32>,
        %add3A_4952 = arith.addf %add3A_4947, %gather3A_4951 : vector<16xf32>
        %mul3A_4953 = arith.constant 64 : i32
        %mul3A_4954 = arith.muli %add3A_19, %mul3A_4953 : i32
        %mul3A_4955 = arith.constant 16 : i32
        %mul3A_4956 = arith.muli %add3A_953, %mul3A_4955 : i32
        %add3A_4957 = arith.addi %mul3A_4954, %mul3A_4956 : i32
        %swap3A_4958 = arith.index_cast %add3A_4957 : i32 to index
        %swap3A_4959 = tpu.vector_load %arg15[%swap3A_4958] {strides = array<i32>} : memref<512xf32, #tpu.memory_space<vmem>>, vector<16xf32>,
        tpu.vector_store %arg15[%swap3A_4958], %add3A_4952 {strides = array<i32>} : memref<512xf32, #tpu.memory_space<vmem>>, vector<16xf32>,
      }
      %scan3A_948 = arith.constant 4 : i32
    }
    %scan3A_12 = arith.constant 8 : i32
    %mul3A_13 = arith.constant 512 : i32
    %mul3A_14 = arith.muli %add3A, %mul3A_13 : i32
    "tpu.region"() ({
      %run_scoped3A = tpu.sem_alloc : memref<!tpu.dma_semaphore, #tpu.memory_space<semaphore_mem>>
      %dma_start3A = tpu.memref_slice %arg7[%mul3A_14] : memref<16384xf32, #tpu.memory_space<hbm>> -> memref<512xf32, #tpu.memory_space<hbm>>
      %dma_start3A_15 = tpu.memref_slice %arg7[%mul3A_14] : memref<16384xf32, #tpu.memory_space<hbm>> -> memref<512xf32, #tpu.memory_space<hbm>>
      tpu.enqueue_dma source(%arg15 : memref<512xf32, #tpu.memory_space<vmem>>) target(%dma_start3A_15 : memref<512xf32, #tpu.memory_space<hbm>>) target_semaphore(%run_scoped3A : memref<!tpu.dma_semaphore, #tpu.memory_space<semaphore_mem>>)
      %dma_wait3A = tpu.memref_slice %arg7[%mul3A_14] : memref<16384xf32, #tpu.memory_space<hbm>> -> memref<512xf32, #tpu.memory_space<hbm>>
      %dma_wait3A_16 = tpu.memref_slice %arg7[%mul3A_14] : memref<16384xf32, #tpu.memory_space<hbm>> -> memref<512xf32, #tpu.memory_space<hbm>>
      tpu.wait_dma2 semaphore(%run_scoped3A : memref<!tpu.dma_semaphore, #tpu.memory_space<semaphore_mem>>) src(%arg15 : memref<512xf32, #tpu.memory_space<vmem>>) dst(%dma_wait3A_16 : memref<512xf32, #tpu.memory_space<hbm>>)
      tpu.yield
    }) : () -> ()
    return
  }
}

</mosaic_0001>

<sc_bundles>
// kernel: kernel.3.cloned.1.call-start
scs
__scs_entry_jumppad:
0x0: {  	(pc) =	sbr.rel $0x88, $3  }
0x1: {  	(tag) =	ssettag $0x0;
	lr =	simm.s32 $0x1  }
0x2: {  	[smem:$0x3F9D] =	sst lr;
	_ =	strace $0xD0000000  }
0x3: {  	_ = 	snop  }
0x4: {  	_ = 	snop  }
0x5: {  	_ = 	snop  }
0x6: {  	_ = 	snop  }
0x7: {  	_ = 	snop  }
__scs_overlays_trampoline_lowered:
0x8: {  	[smem:$0x3FAC] =	sst s0  }
0x9: {  	[smem:$0x3FAD] =	sst s1  }
0xa: {  	[smem:$0x3FAE] =	sst s2  }
0xb: {  	[smem:$0x3FAF] =	sst s3  }
0xc: {  	[smem:$0x3FB0] =	sst s4  }
0xd: {  	[smem:$0x3FB1] =	sst s5  }
0xe: {  	[smem:$0x3FB2] =	sst s6  }
0xf: {  	[smem:$0x3FB3] =	sst s7  }
0x10: {  	[smem:$0x3FB4] =	sst s8  }
0x11: {  	[smem:$0x3FB5] =	sst s9;
	s0 =	simm.s32 @!p0 $0x0  }
0x12: {  	s1 =	sld [smem:$0x3F9B];
	s0 =	simm.s32 @p0 $0x1  }
0x13: {  	[smem:$0x3FB6] =	sst s0;
	s0 =	simm.s32 @!p1 $0x0  }
0x14: {  	s2 =	sld [smem:$0x3F9A];
	s0 =	simm.s32 @p1 $0x1  }
0x15: {  	[smem:$0x3FB7] =	sst s0;
	s0 =	simm.s32 @!p2 $0x0  }
0x16: {  	s3 =	sld [smem:$0x3FDB];
	s0 =	simm.s32 @p2 $0x1  }
0x17: {  	s4 =	simm.s32 $0x1BF5;
	[smem:$0x3FB9] =	sst s0  }
0x18: {  	s0 =	sld [smem:$0x3F9C];
	_ =	swait.ge [sflag:s4], $0x0  }
0x19: {  	s7 =	sld [smem:$0x3F9D]  }
0x1a: {  	s8 =	sadd.s32 $0xFFFFE003, lr  }
0x1b: {  	s9 =	sadd.s32 $0xFFFFFEF7, lr;
	s5 =	simm.s32 $0xFFFFFFFF;
	p2 =	slt.u32 s8, $0xFFFFF086  }
0x1c: {  	p1 =	slt.u32 s9, $0xF7A;
	s5 =	simm.s32 @!p2 $0x0  }
0x1d: {  	s5 =	simm.s32 @p1 $0x1;
	p0 =	seq.s32 s7, s2  }
0x1e: {  	s7 =	smul.u32 @!p0 $0xF7A, s2;
	p2 =	seq.s32 @!p0 s5, $0x0  }
0x1f: {  	s9 =	smul.u32 $0xF7A, s1;
	s8 =	simm.s32 @!p0 $0x1BF5;
	p2 =	por !p2, p0  }
0x20: {  	[sflag:s8] =	ssyncset.s32 @!p0 $0xFFFFF086;
	s6 =	sadd.s32 @!p0 s3, s7;
	s7 =	simm.s32 @!p0 $0x108  }
0x21: {  	s3 =	sadd.s32 s3, s9;
	s6 =	sadd.s32 @!p0 $0x88, s6;
	s7 =	simm.s32 @p2 $0x1082  }
0x22: {  	[simem:s7], [sflag:s8] =	dma.local @!p0 [hbm:s6], $0xF7A  }
0x23: {  	s9 =	sor.u32 $0xD0000000, s2;
	s6 =	simm.s32 $0x108;
	_ =	swait.ge @!p0 [sflag:s8], $0x0  }
0x24: {  	s3 =	sadd.s32 $0x88, s3;
	s6 =	simm.s32 @!p1 $0x1082;
	[sflag:s4] =	ssyncset.s32 $0xFFFFF086  }
0x25: {  	[simem:s6], [sflag:s4] =	dma.local [hbm:s3], $0xF7A  }
0x26: {  	[smem:$0x3F9D] =	sst s1;
	(tag) =	ssettag s2;
	_ =	strace s9  }
0x27: {  	s1 =	sld [smem:$0x3FAD]  }
0x28: {  	s2 =	sld [smem:$0x3FAE]  }
0x29: {  	s4 =	sld [smem:$0x3FB0]  }
0x2a: {  	p0 =	seq.s32 s5, $0x0;
	s5 =	sld [smem:$0x3FB1]  }
0x2b: {  	s6 =	sld [smem:$0x3FB2]  }
0x2c: {  	s7 =	sld [smem:$0x3FB3]  }
0x2d: {  	s3 =	simm.s32 $0x108;
	s8 =	sld [smem:$0x3FB4]  }
0x2e: {  	s3 =	simm.s32 @!p0 $0x1082;
	s9 =	sld [smem:$0x3FB5]  }
0x2f: {  	lr =	sadd.s32 s0, s3;
	s0 =	sld [smem:$0x3FAC]  }
0x30: {  	s3 =	sld [smem:$0x3FAF]  }
0x31: {  	[smem:$0x3FB8] =	sst s10  }
0x32: {  	s10 =	sld [smem:$0x3FB6];
	_ =	sdelay $0x3  }
0x33: {  	p0 =	seq.s32 s10, $0x1;
	s10 =	sld [smem:$0x3FB8];
	_ =	sdelay $0x3  }
0x34: {  	[smem:$0x3FB8] =	sst s10  }
0x35: {  	s10 =	sld [smem:$0x3FB7];
	_ =	sdelay $0x3  }
0x36: {  	p1 =	seq.s32 s10, $0x1;
	s10 =	sld [smem:$0x3FB8];
	_ =	sdelay $0x3  }
0x37: {  	[smem:$0x3FB8] =	sst s10  }
0x38: {  	s10 =	sld [smem:$0x3FB9]  }
0x39: {  	_ = 	snop;
	(pc) =	sbr.ind lr, $3  }
0x3a: {  	_ = 	snop  }
0x3b: {  	_ = 	snop  }
0x3c: {  	p2 =	seq.s32 s10, $0x1;
	s10 =	sld [smem:$0x3FB8]  }
0x3d: {  	_ =	shalt  }
0x3e: {  	_ =	shalt  }
0x3f: {  	_ =	shalt  }
0x40: {  	_ =	shalt  }
0x41: {  	_ =	shalt  }
0x42: {  	_ =	shalt  }
0x43: {  	_ =	shalt  }
0x44: {  	_ =	shalt  }
0x45: {  	_ =	shalt  }
0x46: {  	_ =	shalt  }
0x47: {  	_ =	shalt  }
0x48: {  	_ =	shalt  }
0x49: {  	_ =	shalt  }
0x4a: {  	_ =	shalt  }
0x4b: {  	_ =	shalt  }
0x4c: {  	_ =	shalt  }
0x4d: {  	_ =	shalt  }
0x4e: {  	_ =	shalt  }
0x4f: {  	_ =	shalt  }
0x50: {  	_ =	shalt  }
0x51: {  	_ =	shalt  }
0x52: {  	_ =	shalt  }
0x53: {  	_ =	shalt  }
0x54: {  	_ =	shalt  }
0x55: {  	_ =	shalt  }
0x56: {  	_ =	shalt  }
0x57: {  	_ =	shalt  }
0x58: {  	_ =	shalt  }
0x59: {  	_ =	shalt  }
0x5a: {  	_ =	shalt  }
0x5b: {  	_ =	shalt  }
0x5c: {  	_ =	shalt  }
0x5d: {  	_ =	shalt  }
0x5e: {  	_ =	shalt  }
0x5f: {  	_ =	shalt  }
0x60: {  	_ =	shalt  }
0x61: {  	_ =	shalt  }
0x62: {  	_ =	shalt  }
0x63: {  	_ =	shalt  }
0x64: {  	_ =	shalt  }
0x65: {  	_ =	shalt  }
0x66: {  	_ =	shalt  }
0x67: {  	_ =	shalt  }
0x68: {  	_ =	shalt  }
0x69: {  	_ =	shalt  }
0x6a: {  	_ =	shalt  }
0x6b: {  	_ =	shalt  }
0x6c: {  	_ =	shalt  }
0x6d: {  	_ =	shalt  }
0x6e: {  	_ =	shalt  }
0x6f: {  	_ =	shalt  }
0x70: {  	_ =	shalt  }
0x71: {  	_ =	shalt  }
0x72: {  	_ =	shalt  }
0x73: {  	_ =	shalt  }
0x74: {  	_ =	shalt  }
0x75: {  	_ =	shalt  }
0x76: {  	_ =	shalt  }
0x77: {  	_ =	shalt  }
0x78: {  	_ =	shalt  }
0x79: {  	_ =	shalt  }
0x7a: {  	_ =	shalt  }
0x7b: {  	_ =	shalt  }
0x7c: {  	_ =	shalt  }
0x7d: {  	_ =	shalt  }
0x7e: {  	_ =	shalt  }
0x7f: {  	_ =	shalt  }
0x80: {  	_ =	shalt  }
0x81: {  	_ =	shalt  }
0x82: {  	_ =	shalt  }
0x83: {  	_ =	shalt  }
0x84: {  	_ =	shalt  }
0x85: {  	_ =	shalt  }
0x86: {  	_ =	shalt  }
0x87: {  	_ =	shalt  }
.Lfunc_end0:
.L_simem_size_0:
called_computation_lowered:
.L_overlay_start_0:
0x88: {  	s2 =	sld [smem:$0x3FD9]  }
0x89: {  	s3 =	sld [smem:$0x3FFE];
	_ =	sdelay $0x1  }
0x8a: {  	s1 =	srdreg.scid  }
0x8b: {  	s0 =	sand.u32 $0x1, s1  }
0x8c: {  	s17 =	sshll.u32 s0, $0xA;
	s2 =	sadd.s32 s3, s2  }
0x8d: {  	s2 =	sadd.s32 s2, s17  }
0x8e: {  	[smem:$0x3FC4] =	sst s2  }
0x8f: {  	_ = 	snop  }
0x90: {  	s2 =	sld [smem:$0x3FC7]  }
0x91: {  	s18 =	sld [smem:$0x3FD0];
	(tm) =	ssettm $0x1  }
0x92: {  	s4 =	sld [smem:$0x3FFB];
	_ =	sdelay $0x3  }
0x93: {  	_ =	strace s4  }
0x94: {  	s4 =	sld [smem:$0x3FFC];
	_ =	sdelay $0x3  }
0x95: {  	_ =	strace s4  }
0x96: {  	s4 =	sld [smem:$0x3FFD];
	_ =	sdelay $0x3  }
0x97: {  	_ =	strace s4  }
0x98: {  	_ =	strace $0x8FFFFFFF  }
0x99: {  	s19 =	sld [smem:$0x3FDB];
	_ =	sdelay $0x1  }
0x9a: {  	s5 =	simm.s32 $_scs_section_size  }
0x9b: {  	s6 =	simm.s32 $_size__tile_overlayer_lowered;
	s7 =	simm.s32 $_tile_overlayer_lowered  }
0x9c: {  	s22 =	simm.s32 $0x1BFF;
	s21 =	sshll.u32 s7, $0x1;
	s4 =	sadd.s32 s5, s19  }
0x9d: {  	s8 =	simm.s32 $0x0;
	s20 =	sshll.u32 s6, $0x1;
	s6 =	sadd.s32 s21, s4  }
0x9e: {  	[timem:s8], [sflag:s22] =	dma.local [hbm:s6], s20  }
0x9f: {  	_ =	swait.ge [sflag:s22], s20  }
0xa0: {  	s5 =	ssub.s32 $0x0, s20;
	[sflag:s22] =	ssyncset.done $0x0  }
0xa1: {  	[sflag:s22] =	ssyncadd.s32 s5;
	_ =	sdelay $0x1  }
0xa2: {  	s23 =	simm.s32 $0x1B8B  }
0xa3: {  	_ =	swait.ge [sflag:s23], $0x1  }
0xa4: {  	[sflag:s23] =	ssyncset.done $0x0  }
0xa5: {  	s25 =	simm.s32 $0x1B8E;
	s24 =	sld [smem:$0x3FFE];
	[sflag:s23] =	ssyncadd.s32 $0xFFFFFFFF  }
0xa6: {  	s26 =	simm.s32 $execute0_lowered;
	[smem:$0x3FD2] =	sst s25  }
0xa7: {  	s6 =	sshll.u32 s26, $0x1;
	_ =	strace $0x80000046;
	[dreg:$0x1] =	wrdreg $0xFFFFFFFF  }
0xa8: {  	s28 =	simm.s32 $_size_execute0_lowered;
	s4 =	sadd.s32 s4, s6;
	[dreg:$0x0] =	wrdreg $0x0  }
0xa9: {  	s6 =	sshll.u32 s28, $0x1;
	[dreg:$0x2] =	wrdreg s4  }
0xaa: {  	[dreg:$0x3] =	wrdreg s6  }
0xab: {  	[dreg:$0x4] =	wrdreg $0xC0  }
0xac: {  	_ =	task [dreg:s8], $0x5FFFF  }
0xad: {  	[dreg:$0x1] =	wrdreg $0xFFFFFFFF  }
0xae: {  	[dreg:$0x0] =	wrdreg $0x60  }
0xaf: {  	[dreg:$0x2] =	wrdreg s24  }
0xb0: {  	[dreg:$0x3] =	wrdreg s2  }
0xb1: {  	[dreg:$0x4] =	wrdreg s18  }
0xb2: {  	[dreg:$0x5] =	wrdreg $0x9  }
0xb3: {  	_ =	task.clear_ibuf [dreg:s8], $0x6FFFF;
	_ =	strace $0x90000046  }
0xb4: {  	s29 =	simm.s32 $0x9;
	_ =	strace $0x80000048  }
0xb5: {  	_ =	swait.ge [sflag:s29], $0x1  }
0xb6: {  	[sflag:s29] =	ssyncadd.s32 $0xFFFFFFFF  }
0xb7: {  	_ =	strace $0x90000048  }
0xb8: {  	_ =	sfence  }
0xb9: {  	s30 =	sld [smem:$0x0];
	_ =	sdelay $0x2  }
0xba: {  	s31 =	sshll.u32 s1, $0xD;
	s1 =	sshrl.u32 s1, $0x2  }
0xbb: {  	s3 =	sand.u32 $0x4000, s31;
	s1 =	sadd.s32 s1, s30  }
0xbc: {  	s0 =	sor.u32 s3, s0;
	s1 =	sshll.u32 s1, $0x11  }
0xbd: {  	s0 =	sor.u32 s1, s0  }
0xbe: {  	s0 =	sadd.s32 $0x8F2B, s0  }
0xbf: {  	[sflag:s0] =	ssyncadd.remote.s32 $0x1  }
0xc0: {  	_ =	sfence.sel $0xFFFF  }
0xc1: {  	[dreg:$0x0] =	wrdreg $0xFFFFFFFF;
	(pc) =	sbr.abs _section_cstart, $3  }
0xc2: {  	[dreg:$0x1] =	wrdreg $0xFFFFFFFF  }
0xc3: {  	_ =	task.clear_ibuf [dreg:s8], $0x2FFFF;
	_ =	strace $0x9FFFFFFF  }
0xc4: {  	(tm) =	ssettm $0x7FFFFFFF  }
0xc5: {  	_ =	shalt  }
tec
execute0_lowered:
.L_overlay_start_1:
0x0: {  	(tag) =	ssettag $0x1  }
0x1: {  	s0 =	rddreg [dreg:$0x0]  }
0x2: {  	s1 =	rddreg [dreg:$0x2]  }
0x3: {  	s7 =	simm.s32 $0x0;
	s2 =	srdreg.scid;
	s3 =	stileid.u32  }
0x4: {  	s12 =	simm.s32 $0x2;
	s15 =	simm.s32 $0x80;
	s16 =	simm.s32 $0xA00  }
0x5: {  	s17 =	simm.s32 $0xF00;
	s18 =	simm.s32 $0xA80;
	s19 =	simm.s32 $0x1F00  }
0x6: {  	s20 =	simm.s32 $0xB00;
	s21 =	simm.s32 $0x2F00;
	s22 =	simm.s32 $0xB80  }
0x7: {  	s23 =	simm.s32 $0x3F00;
	s24 =	simm.s32 $0xC00;
	s28 =	simm.s32 $0x5F00  }
0x8: {  	s29 =	simm.s32 $0xD00;
	s30 =	simm.s32 $0x6F00;
	s31 =	simm.s32 $0xD80  }
0x9: {  	s11 =	simm.s32 $0xE80;
	s13 =	simm.s32 $0x9F00;
	s14 =	simm.s32 $0x1  }
0xa: {  	s9 =	simm.s32 $0x0;
	[smem:$0x7FF] =	sst s7;
	s4 =	sadd.s32 $0x800, s0  }
0xb: {  	v0 =	vlaneseq.u32;
	s5 =	sadd.s32 $0xA800, s0;
	s2 =	sand.u32 $0x1, s2;
	s3 =	sshll.u32 s3, $0x1  }
0xc: {  	s6 =	sadd.s32 $0x1E85000, s0;
	s0 =	sadd.s32 $0xAA00, s0;
	v0 =	vmul.u32 $0x11, v0;
	_ =	strace $0x80000047  }
0xd: {  	[dreg:$0x4] =	wrdreg s5;
	s25 =	ssub.s32 $0x2, s2;
	s2 =	sor.u32 s2, s3  }
0xe: {  	[dreg:$0x5] =	wrdreg s0;
	s5 =	simm.s32 $0xAF30;
	s26 =	sshrl.u32 s25, $0x1;
	v1 =	vadd.s32 $0x1, v0;
	v2 =	vadd.s32 $0x2, v0;
	v3 =	vadd.s32 $0x3, v0  }
0xf: {  	s3 =	sshll.u32 s2, $0x6;
	s8 =	sshll.u32 s2, $0x9;
	v4 =	vadd.s32 $0x4, v0;
	v5 =	vadd.s32 $0x5, v0;
	v6 =	vadd.s32 $0x6, v0;
	s0 =	ssub.s32 s25, s26  }
0x10: {  	v7 =	vadd.s32 $0x7, v0;
	v8 =	vadd.s32 $0x8, v0;
	v9 =	vadd.s32 $0x9, v0;
	s1 =	sadd.s32 s1, s3;
	s25 =	simm.s32 $0x4F00;
	s26 =	simm.s32 $0xC80  }
0x11: {  	v10 =	vadd.s32 $0xA, v0;
	v11 =	vadd.s32 $0xB, v0;
	v12 =	vadd.s32 $0xC, v0;
	s3 =	simm.s32 $0xE00;
	[dreg:$0x6] =	wrdreg s1;
	s0 =	smax.u32 s0, $0x1  }
0x12: {  	v13 =	vadd.s32 $0xD, v0;
	v14 =	vadd.s32 $0xE, v0;
	v15 =	vadd.s32 $0xF, v0;
	s1 =	simm.s32 $0x8F00;
	[dreg:$0x7] =	wrdreg s0;
	s0 =	simm.s32 $0x7F00  }
.LBB2_1:
0x13: {  	[dreg:$0x8] =	wrdreg s9  }
0x14: {  	s2 =	rddreg [dreg:$0x4];
	s10 =	simm.s32 $0x500  }
0x15: {  	[tilespmem:s10], [sflag:$0x2] =	stream.linear.gather [hbm4b:s2+s7], $0x500, $0x38;
	[tilespmem:$0xB240] =	vst v63  }
0x16: {  	_ =	swait.ge [sflag:s12], $0x500  }
0x17: {  	[sflag:s12] =	ssyncset.done $0x0  }
0x18: {  	[sflag:s12] =	ssyncadd.s32 $0xFFFFFB00  }
0x19: {  	s10 =	simm.s32 $0xAF00;
	s9 =	rddreg [dreg:$0x1]  }
0x1a: {  	[tilespmem:s10], [sflag:$0x2] =	stream.linear.gather [hbm4b:s9+s7], $0x20, $0x38;
	[tilespmem:$0xB240] =	vst v63  }
0x1b: {  	_ =	swait.ge [sflag:s12], $0x20  }
0x1c: {  	[sflag:s12] =	ssyncset.done $0x0  }
0x1d: {  	s10 =	simm.s32 $0xAF20;
	s9 =	rddreg [dreg:$0x5];
	[sflag:s12] =	ssyncadd.s32 $0xFFFFFFE0  }
0x1e: {  	[tilespmem:s10], [sflag:$0x2] =	stream.linear.gather [hbm4b:s9+s7], $0x10, $0x38;
	[tilespmem:$0xB240] =	vst v63  }
0x1f: {  	_ =	swait.ge [sflag:s12], $0x10  }
0x20: {  	[sflag:s12] =	ssyncset.done $0x0  }
0x21: {  	[sflag:s12] =	ssyncadd.s32 $0xFFFFFFF0  }
0x22: {  	v16 =	vld [tilespmem:$0xAF20]  }
0x23: {  	v17 =	vld [tilespmem:$0xAF00]  }
0x24: {  	s9 =	simm.s32 $0x0;
	v18 =	vld [tilespmem:$0xAF10]  }
.LBB2_2:
0x25: {  	s2 =	sshll.u32 s9, $0x6  }
0x26: {  	s10 =	sadd.s32 s8, s2  }
0x27: {  	s10 =	smul.u32 $0x14, s10;
	_ =	sdelay $0x1  }
0x28: {  	s10 =	sshrl.u32 s10, $0x3  }
0x29: {  	s7 =	sadd.s32 s4, s10;
	s10 =	simm.s32 $0x0  }
0x2a: {  	[tilespmem:s10], [sflag:$0x2] =	stream.linear.gather [hbm4b:s7+s10], $0x500, $0x38;
	[tilespmem:$0xB240] =	vst v63  }
0x2b: {  	_ =	swait.ge [sflag:s12], $0x500  }
0x2c: {  	[sflag:s12] =	ssyncset.done $0x0  }
0x2d: {  	[sflag:s12] =	ssyncadd.s32 $0xFFFFFB00  }
0x2e: {  	v61 =	vld [tilespmem:$0x150];
	_ =	sdelay $0x4  }
0x2f: {  	[tilespmem:$0x1FD70] =	vst v61;
	v61 =	vld [tilespmem:$0x160];
	_ =	sdelay $0x4  }
0x30: {  	[tilespmem:$0x1FD80] =	vst v61;
	v61 =	vld [tilespmem:$0x170];
	_ =	sdelay $0x4  }
0x31: {  	[tilespmem:$0x1FD90] =	vst v61;
	v61 =	vld [tilespmem:$0x670];
	_ =	sdelay $0x4  }
0x32: {  	[tilespmem:$0x1FDA0] =	vst v61;
	v61 =	vld [tilespmem:$0x180];
	_ =	sdelay $0x4  }
0x33: {  	[tilespmem:$0x1FDB0] =	vst v61;
	v61 =	vld [tilespmem:$0x680];
	_ =	sdelay $0x4  }
0x34: {  	[tilespmem:$0x1FDC0] =	vst v61;
	v61 =	vld [tilespmem:$0x190];
	_ =	sdelay $0x4  }
0x35: {  	[tilespmem:$0x1FDD0] =	vst v61;
	v61 =	vld [tilespmem:$0x690];
	_ =	sdelay $0x4  }
0x36: {  	[tilespmem:$0x1FDE0] =	vst v61;
	v61 =	vld [tilespmem:$0x1A0];
	_ =	sdelay $0x4  }
0x37: {  	[tilespmem:$0x1FDF0] =	vst v61;
	v61 =	vld [tilespmem:$0x6A0];
	_ =	sdelay $0x4  }
0x38: {  	[tilespmem:$0x1FE00] =	vst v61;
	v61 =	vld [tilespmem:$0x1B0]  }
0x39: {  	v19 =	vld [tilespmem:$0x0]  }
0x3a: {  	v20 =	vld [tilespmem:$0x500]  }
0x3b: {  	v21 =	vld [tilespmem:$0x10]  }
0x3c: {  	v22 =	vld [tilespmem:$0x510]  }
0x3d: {  	[tilespmem:$0x1FE10] =	vst v61;
	v61 =	vld [tilespmem:$0x6B0]  }
0x3e: {  	v23 =	vld [tilespmem:$0x20]  }
0x3f: {  	v24 =	vld [tilespmem:$0x520]  }
0x40: {  	v25 =	vld [tilespmem:$0x30]  }
0x41: {  	v26 =	vld [tilespmem:$0x530]  }
0x42: {  	[tilespmem:$0x1FE20] =	vst v61;
	v61 =	vld [tilespmem:$0x1C0]  }
0x43: {  	v27 =	vld [tilespmem:$0x40]  }
0x44: {  	v28 =	vld [tilespmem:$0x540]  }
0x45: {  	v29 =	vld [tilespmem:$0x50]  }
0x46: {  	v30 =	vld [tilespmem:$0x550]  }
0x47: {  	[tilespmem:$0x1FE30] =	vst v61;
	v61 =	vld [tilespmem:$0x6C0]  }
0x48: {  	v31 =	vld [tilespmem:$0x60]  }
0x49: {  	v32 =	vld [tilespmem:$0x560]  }
0x4a: {  	v33 =	vld [tilespmem:$0x70]  }
0x4b: {  	v34 =	vld [tilespmem:$0x570]  }
0x4c: {  	[tilespmem:$0x1FE40] =	vst v61;
	v61 =	vld [tilespmem:$0x1D0]  }
0x4d: {  	v35 =	vld [tilespmem:$0x80]  }
0x4e: {  	v36 =	vld [tilespmem:$0x580]  }
0x4f: {  	v37 =	vld [tilespmem:$0x90]  }
0x50: {  	v38 =	vld [tilespmem:$0x590]  }
0x51: {  	[tilespmem:$0x1FE50] =	vst v61;
	v61 =	vld [tilespmem:$0x6D0]  }
0x52: {  	v39 =	vld [tilespmem:$0xA0]  }
0x53: {  	v40 =	vld [tilespmem:$0x5A0]  }
0x54: {  	v41 =	vld [tilespmem:$0xB0]  }
0x55: {  	v42 =	vld [tilespmem:$0x5B0]  }
0x56: {  	[tilespmem:$0x1FE60] =	vst v61;
	v61 =	vld [tilespmem:$0x1E0]  }
0x57: {  	v43 =	vld [tilespmem:$0xC0]  }
0x58: {  	v44 =	vld [tilespmem:$0x5C0];
	v19 =	vadd.s32 v19, v20  }
0x59: {  	v45 =	vld [tilespmem:$0xD0];
	[tilespmem:$0xA00] =	vst v19;
	v19 =	vadd.s32 v21, v22  }
0x5a: {  	v46 =	vld [tilespmem:$0x5D0];
	[tilespmem:$0xA10] =	vst v19  }
0x5b: {  	v19 =	vadd.s32 v23, v24;
	[tilespmem:$0x1FE70] =	vst v61;
	v61 =	vld [tilespmem:$0x6E0]  }
0x5c: {  	v47 =	vld [tilespmem:$0xE0];
	[tilespmem:$0xA20] =	vst v19;
	v19 =	vadd.s32 v25, v26  }
0x5d: {  	v48 =	vld [tilespmem:$0x5E0];
	[tilespmem:$0xA30] =	vst v19;
	v19 =	vadd.s32 v27, v28  }
0x5e: {  	v49 =	vld [tilespmem:$0xF0];
	[tilespmem:$0xA40] =	vst v19;
	v19 =	vadd.s32 v29, v30  }
0x5f: {  	v50 =	vld [tilespmem:$0x5F0];
	[tilespmem:$0xA50] =	vst v19  }
0x60: {  	v19 =	vadd.s32 v31, v32;
	[tilespmem:$0x1FE80] =	vst v61;
	v61 =	vld [tilespmem:$0x1F0]  }
0x61: {  	v51 =	vld [tilespmem:$0x100];
	[tilespmem:$0xA60] =	vst v19;
	v19 =	vadd.s32 v33, v34  }
0x62: {  	v52 =	vld [tilespmem:$0x600];
	[tilespmem:$0xA70] =	vst v19;
	v19 =	vadd.s32 v35, v36  }
0x63: {  	v53 =	vld [tilespmem:$0x110];
	[tilespmem:$0xA80] =	vst v19;
	v19 =	vadd.s32 v37, v38  }
0x64: {  	v54 =	vld [tilespmem:$0x610];
	[tilespmem:$0xA90] =	vst v19  }
0x65: {  	v19 =	vadd.s32 v39, v40;
	[tilespmem:$0x1FE90] =	vst v61;
	v61 =	vld [tilespmem:$0x6F0]  }
0x66: {  	v55 =	vld [tilespmem:$0x120];
	[tilespmem:$0xAA0] =	vst v19;
	v19 =	vadd.s32 v41, v42  }
0x67: {  	v56 =	vld [tilespmem:$0x620];
	[tilespmem:$0xAB0] =	vst v19;
	v19 =	vadd.s32 v43, v44  }
0x68: {  	v57 =	vld [tilespmem:$0x130];
	[tilespmem:$0xAC0] =	vst v19;
	v19 =	vadd.s32 v45, v46  }
0x69: {  	v58 =	vld [tilespmem:$0x630];
	[tilespmem:$0xAD0] =	vst v19  }
0x6a: {  	v19 =	vadd.s32 v47, v48;
	[tilespmem:$0x1FEA0] =	vst v61;
	v61 =	vld [tilespmem:$0x200]  }
0x6b: {  	v59 =	vld [tilespmem:$0x140];
	[tilespmem:$0xAE0] =	vst v19;
	v19 =	vadd.s32 v49, v50  }
0x6c: {  	v60 =	vld [tilespmem:$0x640];
	[tilespmem:$0xAF0] =	vst v19;
	v19 =	vadd.s32 v51, v52  }
0x6d: {  	[tilespmem:$0xB00] =	vst v19;
	v19 =	vadd.s32 v53, v54  }
0x6e: {  	[tilespmem:$0xB10] =	vst v19  }
0x6f: {  	v19 =	vadd.s32 v55, v56;
	[tilespmem:$0x1FEB0] =	vst v61;
	v61 =	vld [tilespmem:$0x700]  }
0x70: {  	[tilespmem:$0xB20] =	vst v19;
	v19 =	vadd.s32 v57, v58  }
0x71: {  	v62 =	vld [tilespmem:$0x650];
	[tilespmem:$0xB30] =	vst v19;
	v19 =	vadd.s32 v59, v60  }
0x72: {  	[tilespmem:$0xB40] =	vst v19;
	v19 =	vld [tilespmem:$0x1FD70];
	_ =	sdelay $0x1  }
0x73: {  	[tilespmem:$0x1FEC0] =	vst v61;
	v61 =	vld [tilespmem:$0x210];
	_ =	sdelay $0x2  }
0x74: {  	v63 =	vld [tilespmem:$0x660];
	v19 =	vadd.s32 v19, v62  }
0x75: {  	[tilespmem:$0xB50] =	vst v19;
	v19 =	vld [tilespmem:$0x1FD80]  }
0x76: {  	[tilespmem:$0x1FED0] =	vst v61;
	v61 =	vld [tilespmem:$0x710];
	_ =	sdelay $0x3  }
0x77: {  	v49 =	vld [tilespmem:$0x1FDA0]  }
0x78: {  	v19 =	vadd.s32 v19, v63;
	[tilespmem:$0x1FEE0] =	vst v61;
	v61 =	vld [tilespmem:$0x220]  }
0x79: {  	[tilespmem:$0xB60] =	vst v19;
	v19 =	vld [tilespmem:$0x1FD90];
	_ =	sdelay $0x3  }
0x7a: {  	[tilespmem:$0x1FEF0] =	vst v61;
	v61 =	vld [tilespmem:$0x720]  }
0x7b: {  	v50 =	vld [tilespmem:$0x1FDC0];
	v19 =	vadd.s32 v19, v49  }
0x7c: {  	[tilespmem:$0xB70] =	vst v19;
	v19 =	vld [tilespmem:$0x1FDB0];
	_ =	sdelay $0x2  }
0x7d: {  	[tilespmem:$0x1FF00] =	vst v61;
	v61 =	vld [tilespmem:$0x230];
	_ =	sdelay $0x1  }
0x7e: {  	v51 =	vld [tilespmem:$0x1FDE0];
	v19 =	vadd.s32 v19, v50  }
0x7f: {  	[tilespmem:$0xB80] =	vst v19;
	v19 =	vld [tilespmem:$0x1FDD0];
	_ =	sdelay $0x1  }
0x80: {  	[tilespmem:$0x1FF10] =	vst v61;
	v61 =	vld [tilespmem:$0x730];
	_ =	sdelay $0x2  }
0x81: {  	v52 =	vld [tilespmem:$0x1FE00];
	v19 =	vadd.s32 v19, v51  }
0x82: {  	[tilespmem:$0xB90] =	vst v19;
	v19 =	vld [tilespmem:$0x1FDF0]  }
0x83: {  	[tilespmem:$0x1FF20] =	vst v61;
	v61 =	vld [tilespmem:$0x240];
	_ =	sdelay $0x3  }
0x84: {  	v53 =	vld [tilespmem:$0x1FE20]  }
0x85: {  	v19 =	vadd.s32 v19, v52;
	[tilespmem:$0x1FF30] =	vst v61;
	v61 =	vld [tilespmem:$0x740]  }
0x86: {  	[tilespmem:$0xBA0] =	vst v19;
	v19 =	vld [tilespmem:$0x1FE10];
	_ =	sdelay $0x3  }
0x87: {  	[tilespmem:$0x1FF40] =	vst v61;
	v61 =	vld [tilespmem:$0x250]  }
0x88: {  	v19 =	vadd.s32 v19, v53  }
0x89: {  	[tilespmem:$0xBB0] =	vst v19;
	v19 =	vld [tilespmem:$0x1FE30]  }
0x8a: {  	v54 =	vld [tilespmem:$0x1FE40];
	_ =	sdelay $0x1  }
0x8b: {  	[tilespmem:$0x1FF50] =	vst v61;
	v61 =	vld [tilespmem:$0x750];
	_ =	sdelay $0x2  }
0x8c: {  	v19 =	vadd.s32 v19, v54  }
0x8d: {  	[tilespmem:$0xBC0] =	vst v19;
	v19 =	vld [tilespmem:$0x1FE50]  }
0x8e: {  	[tilespmem:$0x1FF60] =	vst v61;
	v61 =	vld [tilespmem:$0x260]  }
0x8f: {  	v55 =	vld [tilespmem:$0x1FE60];
	_ =	sdelay $0x3  }
0x90: {  	[tilespmem:$0x1FF70] =	vst v61;
	v61 =	vld [tilespmem:$0x760]  }
0x91: {  	v19 =	vadd.s32 v19, v55  }
0x92: {  	[tilespmem:$0xBD0] =	vst v19;
	v19 =	vld [tilespmem:$0x1FE70]  }
0x93: {  	v56 =	vld [tilespmem:$0x1FE80];
	_ =	sdelay $0x1  }
0x94: {  	[tilespmem:$0x1FF80] =	vst v61;
	v61 =	vld [tilespmem:$0x270];
	_ =	sdelay $0x2  }
0x95: {  	v19 =	vadd.s32 v19, v56  }
0x96: {  	[tilespmem:$0xBE0] =	vst v19;
	v19 =	vld [tilespmem:$0x1FE90]  }
0x97: {  	[tilespmem:$0x1FF90] =	vst v61;
	v61 =	vld [tilespmem:$0x770]  }
0x98: {  	v57 =	vld [tilespmem:$0x1FEA0];
	_ =	sdelay $0x3  }
0x99: {  	[tilespmem:$0x1FFA0] =	vst v61;
	v61 =	vld [tilespmem:$0x280]  }
0x9a: {  	v19 =	vadd.s32 v19, v57  }
0x9b: {  	[tilespmem:$0xBF0] =	vst v19;
	v19 =	vld [tilespmem:$0x1FEB0]  }
0x9c: {  	v58 =	vld [tilespmem:$0x1FEC0];
	_ =	sdelay $0x1  }
0x9d: {  	[tilespmem:$0x1FFB0] =	vst v61;
	v61 =	vld [tilespmem:$0x780];
	_ =	sdelay $0x2  }
0x9e: {  	v20 =	vld [tilespmem:$0x7A0];
	v19 =	vadd.s32 v19, v58  }
0x9f: {  	[tilespmem:$0xC00] =	vst v19;
	v19 =	vld [tilespmem:$0x1FED0]  }
0xa0: {  	[tilespmem:$0x1FFC0] =	vst v61;
	v61 =	vld [tilespmem:$0x290]  }
0xa1: {  	v59 =	vld [tilespmem:$0x1FEE0]  }
0xa2: {  	v21 =	vld [tilespmem:$0x2B0]  }
0xa3: {  	v22 =	vld [tilespmem:$0x7B0]  }
0xa4: {  	v23 =	vld [tilespmem:$0x2C0]  }
0xa5: {  	[tilespmem:$0x1FFD0] =	vst v61;
	v61 =	vld [tilespmem:$0x790]  }
0xa6: {  	v24 =	vld [tilespmem:$0x7C0];
	v19 =	vadd.s32 v19, v59  }
0xa7: {  	[tilespmem:$0xC10] =	vst v19;
	v19 =	vld [tilespmem:$0x1FEF0]  }
0xa8: {  	v60 =	vld [tilespmem:$0x1FF00]  }
0xa9: {  	v25 =	vld [tilespmem:$0x2D0]  }
0xaa: {  	[tilespmem:$0x1FFE0] =	vst v61;
	v61 =	vld [tilespmem:$0x2A0]  }
0xab: {  	v26 =	vld [tilespmem:$0x7D0]  }
0xac: {  	v27 =	vld [tilespmem:$0x2E0]  }
0xad: {  	v28 =	vld [tilespmem:$0x7E0];
	v19 =	vadd.s32 v19, v60  }
0xae: {  	[tilespmem:$0xC20] =	vst v19;
	v19 =	vld [tilespmem:$0x1FF10]  }
0xaf: {  	[tilespmem:$0x1FFF0] =	vst v61;
	v61 =	vld [tilespmem:$0x1FF20]  }
0xb0: {  	v29 =	vld [tilespmem:$0x2F0]  }
0xb1: {  	v30 =	vld [tilespmem:$0x7F0]  }
0xb2: {  	v31 =	vld [tilespmem:$0x300]  }
0xb3: {  	v32 =	vld [tilespmem:$0x800]  }
0xb4: {  	v62 =	vld [tilespmem:$0x1FF40];
	v19 =	vadd.s32 v19, v61  }
0xb5: {  	[tilespmem:$0xC30] =	vst v19;
	v19 =	vld [tilespmem:$0x1FF30]  }
0xb6: {  	v33 =	vld [tilespmem:$0x310]  }
0xb7: {  	v34 =	vld [tilespmem:$0x810]  }
0xb8: {  	v35 =	vld [tilespmem:$0x320]  }
0xb9: {  	v36 =	vld [tilespmem:$0x820]  }
0xba: {  	v63 =	vld [tilespmem:$0x1FF60];
	v19 =	vadd.s32 v19, v62  }
0xbb: {  	[tilespmem:$0xC40] =	vst v19;
	v19 =	vld [tilespmem:$0x1FF50]  }
0xbc: {  	v37 =	vld [tilespmem:$0x330]  }
0xbd: {  	v38 =	vld [tilespmem:$0x830]  }
0xbe: {  	v39 =	vld [tilespmem:$0x340]  }
0xbf: {  	v40 =	vld [tilespmem:$0x840]  }
0xc0: {  	v60 =	vld [tilespmem:$0x1FF80];
	v19 =	vadd.s32 v19, v63  }
0xc1: {  	[tilespmem:$0xC50] =	vst v19;
	v19 =	vld [tilespmem:$0x1FF70]  }
0xc2: {  	v41 =	vld [tilespmem:$0x350]  }
0xc3: {  	v42 =	vld [tilespmem:$0x850]  }
0xc4: {  	v43 =	vld [tilespmem:$0x360]  }
0xc5: {  	v44 =	vld [tilespmem:$0x860]  }
0xc6: {  	v61 =	vld [tilespmem:$0x1FFA0];
	v19 =	vadd.s32 v19, v60  }
0xc7: {  	[tilespmem:$0xC60] =	vst v19;
	v19 =	vld [tilespmem:$0x1FF90]  }
0xc8: {  	v45 =	vld [tilespmem:$0x370]  }
0xc9: {  	v46 =	vld [tilespmem:$0x870]  }
0xca: {  	v47 =	vld [tilespmem:$0x380]  }
0xcb: {  	v48 =	vld [tilespmem:$0x880]  }
0xcc: {  	v60 =	vld [tilespmem:$0x1FFC0];
	v19 =	vadd.s32 v19, v61  }
0xcd: {  	[tilespmem:$0xC70] =	vst v19;
	v19 =	vld [tilespmem:$0x1FFB0]  }
0xce: {  	v49 =	vld [tilespmem:$0x390]  }
0xcf: {  	v50 =	vld [tilespmem:$0x890]  }
0xd0: {  	v51 =	vld [tilespmem:$0x3A0]  }
0xd1: {  	v52 =	vld [tilespmem:$0x8A0]  }
0xd2: {  	v61 =	vld [tilespmem:$0x1FFE0];
	v19 =	vadd.s32 v19, v60  }
0xd3: {  	[tilespmem:$0xC80] =	vst v19;
	v19 =	vld [tilespmem:$0x1FFD0]  }
0xd4: {  	v53 =	vld [tilespmem:$0x3B0]  }
0xd5: {  	v54 =	vld [tilespmem:$0x8B0]  }
0xd6: {  	v55 =	vld [tilespmem:$0x3C0]  }
0xd7: {  	v56 =	vld [tilespmem:$0x8C0]  }
0xd8: {  	v57 =	vld [tilespmem:$0x3D0];
	v19 =	vadd.s32 v19, v61  }
0xd9: {  	[tilespmem:$0xC90] =	vst v19;
	v19 =	vld [tilespmem:$0x1FFF0]  }
0xda: {  	v58 =	vld [tilespmem:$0x8D0]  }
0xdb: {  	v59 =	vld [tilespmem:$0x3E0]  }
0xdc: {  	v62 =	vld [tilespmem:$0x940]  }
0xdd: {  	v63 =	vld [tilespmem:$0x450]  }
0xde: {  	v60 =	vld [tilespmem:$0x8E0];
	v19 =	vadd.s32 v19, v20  }
0xdf: {  	v61 =	vld [tilespmem:$0x3F0];
	[tilespmem:$0xCA0] =	vst v19;
	v19 =	vadd.s32 v21, v22  }
0xe0: {  	v20 =	vld [tilespmem:$0x8F0];
	[tilespmem:$0xCB0] =	vst v19;
	v19 =	vadd.s32 v23, v24  }
0xe1: {  	v21 =	vld [tilespmem:$0x400];
	[tilespmem:$0xCC0] =	vst v19;
	v19 =	vadd.s32 v25, v26  }
0xe2: {  	v22 =	vld [tilespmem:$0x900];
	[tilespmem:$0xCD0] =	vst v19;
	v19 =	vadd.s32 v27, v28  }
0xe3: {  	v23 =	vld [tilespmem:$0x410];
	[tilespmem:$0xCE0] =	vst v19;
	v19 =	vadd.s32 v29, v30  }
0xe4: {  	v24 =	vld [tilespmem:$0x910];
	[tilespmem:$0xCF0] =	vst v19;
	v19 =	vadd.s32 v31, v32  }
0xe5: {  	v25 =	vld [tilespmem:$0x420];
	[tilespmem:$0xD00] =	vst v19;
	v19 =	vadd.s32 v33, v34  }
0xe6: {  	v26 =	vld [tilespmem:$0x920];
	[tilespmem:$0xD10] =	vst v19;
	v19 =	vadd.s32 v35, v36  }
0xe7: {  	v27 =	vld [tilespmem:$0x430];
	[tilespmem:$0xD20] =	vst v19;
	v19 =	vadd.s32 v37, v38  }
0xe8: {  	v28 =	vld [tilespmem:$0x930];
	[tilespmem:$0xD30] =	vst v19;
	v19 =	vadd.s32 v39, v40  }
0xe9: {  	v29 =	vld [tilespmem:$0x440];
	[tilespmem:$0xD40] =	vst v19;
	v19 =	vadd.s32 v41, v42  }
0xea: {  	[tilespmem:$0xD50] =	vst v19;
	v19 =	vadd.s32 v43, v44;
	v44 =	vld [tilespmem:$0x950]  }
0xeb: {  	[tilespmem:$0xD60] =	vst v19;
	v19 =	vadd.s32 v45, v46;
	v46 =	vld [tilespmem:$0x460]  }
0xec: {  	[tilespmem:$0xD70] =	vst v19;
	v19 =	vadd.s32 v47, v48;
	v47 =	vld [tilespmem:$0x960]  }
0xed: {  	v48 =	vld [tilespmem:$0x470];
	[tilespmem:$0xD80] =	vst v19;
	v19 =	vadd.s32 v49, v50  }
0xee: {  	v49 =	vld [tilespmem:$0x970];
	[tilespmem:$0xD90] =	vst v19;
	v19 =	vadd.s32 v51, v52  }
0xef: {  	v50 =	vld [tilespmem:$0x480];
	[tilespmem:$0xDA0] =	vst v19;
	v19 =	vadd.s32 v53, v54  }
0xf0: {  	v51 =	vld [tilespmem:$0x980];
	[tilespmem:$0xDB0] =	vst v19;
	v19 =	vadd.s32 v55, v56  }
0xf1: {  	v52 =	vld [tilespmem:$0x490];
	[tilespmem:$0xDC0] =	vst v19;
	v19 =	vadd.s32 v57, v58  }
0xf2: {  	v53 =	vld [tilespmem:$0x990];
	[tilespmem:$0xDD0] =	vst v19;
	v19 =	vadd.s32 v59, v60  }
0xf3: {  	v54 =	vld [tilespmem:$0x9A0];
	[tilespmem:$0xDE0] =	vst v19;
	v19 =	vadd.s32 v61, v20  }
0xf4: {  	v55 =	vld [tilespmem:$0x4B0];
	[tilespmem:$0xDF0] =	vst v19;
	v19 =	vadd.s32 v21, v22  }
0xf5: {  	v56 =	vld [tilespmem:$0x9B0];
	[tilespmem:$0xE00] =	vst v19;
	v19 =	vadd.s32 v23, v24  }
0xf6: {  	v57 =	vld [tilespmem:$0x4C0];
	[tilespmem:$0xE10] =	vst v19;
	v19 =	vadd.s32 v25, v26  }
0xf7: {  	v58 =	vld [tilespmem:$0x9C0];
	[tilespmem:$0xE20] =	vst v19;
	v19 =	vadd.s32 v27, v28  }
0xf8: {  	v59 =	vld [tilespmem:$0x4D0];
	[tilespmem:$0xE30] =	vst v19;
	v19 =	vadd.s32 v29, v62  }
0xf9: {  	v20 =	vld [tilespmem:$0x4A0];
	[tilespmem:$0xE40] =	vst v19;
	v19 =	vadd.s32 v63, v44  }
0xfa: {  	v60 =	vld [tilespmem:$0x9D0];
	[tilespmem:$0xE50] =	vst v19;
	v19 =	vadd.s32 v46, v47  }
0xfb: {  	v61 =	vld [tilespmem:$0x4E0];
	[tilespmem:$0xE60] =	vst v19;
	v19 =	vadd.s32 v48, v49  }
0xfc: {  	v62 =	vld [tilespmem:$0x9E0];
	[tilespmem:$0xE70] =	vst v19;
	v19 =	vadd.s32 v50, v51  }
0xfd: {  	v63 =	vld [tilespmem:$0x4F0];
	[tilespmem:$0xE80] =	vst v19;
	v19 =	vadd.s32 v52, v53  }
0xfe: {  	[tilespmem:$0xE90] =	vst v19;
	v19 =	vadd.s32 v20, v54;
	v20 =	vld [tilespmem:$0x9F0]  }
0xff: {  	[tilespmem:$0xEA0] =	vst v19;
	v19 =	vadd.s32 v55, v56  }
0x100: {  	[tilespmem:$0xEB0] =	vst v19;
	v19 =	vadd.s32 v57, v58  }
0x101: {  	[tilespmem:$0xEC0] =	vst v19;
	v19 =	vadd.s32 v59, v60  }
0x102: {  	[tilespmem:$0xED0] =	vst v19;
	v19 =	vadd.s32 v61, v62  }
0x103: {  	[tilespmem:$0xEE0] =	vst v19;
	v19 =	vadd.s32 v63, v20  }
0x104: {  	[tilespmem:$0xEF0] =	vst v19  }
0x105: {  	[tilespmem:s17], [sflag:$0x1] =	stream.indirect.gather [hbm4b:s6+s15], $0x20, s16, s15, $0xb8;
	[tilespmem:$0xB240] =	vst v63  }
0x106: {  	_ = 	snop  }
0x107: {  	[tilespmem:s19], [sflag:$0x1] =	stream.indirect.gather [hbm4b:s6+s15], $0x20, s18, s15, $0xb8;
	[tilespmem:$0xB240] =	vst v63  }
0x108: {  	_ = 	snop  }
0x109: {  	[tilespmem:s21], [sflag:$0x1] =	stream.indirect.gather [hbm4b:s6+s15], $0x20, s20, s15, $0xb8;
	[tilespmem:$0xB240] =	vst v63  }
0x10a: {  	_ = 	snop  }
0x10b: {  	[tilespmem:s23], [sflag:$0x1] =	stream.indirect.gather [hbm4b:s6+s15], $0x20, s22, s15, $0xb8;
	[tilespmem:$0xB240] =	vst v63  }
0x10c: {  	_ = 	snop  }
0x10d: {  	[tilespmem:s25], [sflag:$0x1] =	stream.indirect.gather [hbm4b:s6+s15], $0x20, s24, s15, $0xb8;
	[tilespmem:$0xB240] =	vst v63  }
0x10e: {  	_ = 	snop  }
0x10f: {  	[tilespmem:s28], [sflag:$0x1] =	stream.indirect.gather [hbm4b:s6+s15], $0x20, s26, s15, $0xb8;
	[tilespmem:$0xB240] =	vst v63  }
0x110: {  	_ = 	snop  }
0x111: {  	[tilespmem:s30], [sflag:$0x1] =	stream.indirect.gather [hbm4b:s6+s15], $0x20, s29, s15, $0xb8;
	[tilespmem:$0xB240] =	vst v63  }
0x112: {  	_ = 	snop  }
0x113: {  	[tilespmem:s0], [sflag:$0x1] =	stream.indirect.gather [hbm4b:s6+s15], $0x20, s31, s15, $0xb8;
	[tilespmem:$0xB240] =	vst v63  }
0x114: {  	_ = 	snop  }
0x115: {  	[tilespmem:s1], [sflag:$0x1] =	stream.indirect.gather [hbm4b:s6+s15], $0x20, s3, s15, $0xb8;
	[tilespmem:$0xB240] =	vst v63  }
0x116: {  	_ = 	snop  }
0x117: {  	[tilespmem:s13], [sflag:$0x1] =	stream.indirect.gather [hbm4b:s6+s15], $0x20, s11, s15, $0xb8;
	[tilespmem:$0xB240] =	vst v63  }
0x118: {  	_ =	swait.ge [sflag:s14], $0x1000  }
0x119: {  	[sflag:s14] =	ssyncset.done $0x0  }
0x11a: {  	[sflag:s14] =	ssyncadd.s32 $0xFFFFF000  }
0x11b: {  	_ =	swait.ge [sflag:s14], $0x1000  }
0x11c: {  	[sflag:s14] =	ssyncset.done $0x0  }
0x11d: {  	[sflag:s14] =	ssyncadd.s32 $0xFFFFF000  }
0x11e: {  	_ =	swait.ge [sflag:s14], $0x1000  }
0x11f: {  	[sflag:s14] =	ssyncset.done $0x0  }
0x120: {  	[sflag:s14] =	ssyncadd.s32 $0xFFFFF000  }
0x121: {  	_ =	swait.ge [sflag:s14], $0x1000  }
0x122: {  	[sflag:s14] =	ssyncset.done $0x0  }
0x123: {  	[sflag:s14] =	ssyncadd.s32 $0xFFFFF000  }
0x124: {  	_ =	swait.ge [sflag:s14], $0x1000  }
0x125: {  	[sflag:s14] =	ssyncset.done $0x0  }
0x126: {  	[sflag:s14] =	ssyncadd.s32 $0xFFFFF000  }
0x127: {  	_ =	swait.ge [sflag:s14], $0x1000  }
0x128: {  	[sflag:s14] =	ssyncset.done $0x0  }
0x129: {  	[sflag:s14] =	ssyncadd.s32 $0xFFFFF000  }
0x12a: {  	_ =	swait.ge [sflag:s14], $0x1000  }
0x12b: {  	[sflag:s14] =	ssyncset.done $0x0  }
0x12c: {  	[sflag:s14] =	ssyncadd.s32 $0xFFFFF000  }
0x12d: {  	_ =	swait.ge [sflag:s14], $0x1000  }
0x12e: {  	[sflag:s14] =	ssyncset.done $0x0  }
0x12f: {  	[sflag:s14] =	ssyncadd.s32 $0xFFFFF000  }
0x130: {  	_ =	swait.ge [sflag:s14], $0x1000  }
0x131: {  	[sflag:s14] =	ssyncset.done $0x0  }
0x132: {  	[sflag:s14] =	ssyncadd.s32 $0xFFFFF000  }
0x133: {  	_ =	swait.ge [sflag:s14], $0x1000  }
0x134: {  	s2 =	sadd.s32 $0xB040, s2;
	[sflag:s14] =	ssyncset.done $0x0  }
0x135: {  	v19 =	vmov s2;
	[sflag:s14] =	ssyncadd.s32 $0xFFFFF000  }
.LBB2_3:
0x136: {  	s2 =	smul.u32 $0xA000, s10;
	_ =	sdelay $0x1  }
0x137: {  	s2 =	sshra.s32 s2, $0x2  }
0x138: {  	v20 =	vld [tilespmem:s2+$0xF00]  }
0x139: {  	v21 =	vld [tilespmem:s2+$0xF10]  }
0x13a: {  	v22 =	vld [tilespmem:s2+$0xF20]  }
0x13b: {  	v23 =	vld [tilespmem:s2+$0xF30]  }
0x13c: {  	v24 =	vld [tilespmem:s2+$0xF40]  }
0x13d: {  	v25 =	vld [tilespmem:s2+$0xF50]  }
0x13e: {  	v26 =	vld [tilespmem:s2+$0xF60]  }
0x13f: {  	v27 =	vld [tilespmem:s2+$0xF70]  }
0x140: {  	v44 =	vld [tilespmem:s2+$0xF80];
	v20 =	vmul.f32 v22, v20;
	v21 =	vmul.f32 v23, v21  }
0x141: {  	v45 =	vld [tilespmem:s2+$0xF90]  }
0x142: {  	v46 =	vld [tilespmem:s2+$0xFA0];
	v20 =	vmul.f32 v24, v20;
	v21 =	vmul.f32 v25, v21  }
0x143: {  	v47 =	vld [tilespmem:s2+$0xFB0]  }
0x144: {  	v48 =	vld [tilespmem:s2+$0xFC0];
	v20 =	vmul.f32 v26, v20;
	v21 =	vmul.f32 v27, v21  }
0x145: {  	v49 =	vld [tilespmem:s2+$0xFD0]  }
0x146: {  	v50 =	vld [tilespmem:s2+$0xFE0];
	v20 =	vmul.f32 v44, v20;
	v21 =	vmul.f32 v45, v21  }
0x147: {  	v51 =	vld [tilespmem:s2+$0xFF0]  }
0x148: {  	v52 =	vld [tilespmem:s2+$0x1000];
	v20 =	vmul.f32 v46, v20;
	v21 =	vmul.f32 v47, v21  }
0x149: {  	v53 =	vld [tilespmem:s2+$0x1010]  }
0x14a: {  	v54 =	vld [tilespmem:s2+$0x1020];
	v20 =	vmul.f32 v48, v20;
	v21 =	vmul.f32 v49, v21  }
0x14b: {  	v55 =	vld [tilespmem:s2+$0x1030]  }
0x14c: {  	v56 =	vld [tilespmem:s2+$0x1040];
	v20 =	vmul.f32 v50, v20;
	v21 =	vmul.f32 v51, v21  }
0x14d: {  	v57 =	vld [tilespmem:s2+$0x1050]  }
0x14e: {  	v58 =	vld [tilespmem:s2+$0x1060];
	v20 =	vmul.f32 v52, v20;
	v21 =	vmul.f32 v53, v21  }
0x14f: {  	v59 =	vld [tilespmem:s2+$0x1070]  }
0x150: {  	v60 =	vld [tilespmem:s2+$0x1080];
	v20 =	vmul.f32 v54, v20;
	v21 =	vmul.f32 v55, v21  }
0x151: {  	v61 =	vld [tilespmem:s2+$0x1090]  }
0x152: {  	v62 =	vld [tilespmem:s2+$0x10A0];
	v20 =	vmul.f32 v56, v20;
	v21 =	vmul.f32 v57, v21  }
0x153: {  	v63 =	vld [tilespmem:s2+$0x10B0]  }
0x154: {  	v30 =	vld [tilespmem:s2+$0x10C0];
	v20 =	vmul.f32 v58, v20;
	v21 =	vmul.f32 v59, v21  }
0x155: {  	v31 =	vld [tilespmem:s2+$0x10D0]  }
0x156: {  	v32 =	vld [tilespmem:s2+$0x10E0];
	v20 =	vmul.f32 v60, v20;
	v21 =	vmul.f32 v61, v21  }
0x157: {  	v33 =	vld [tilespmem:s2+$0x10F0]  }
0x158: {  	v34 =	vld [tilespmem:s2+$0x1100];
	v20 =	vmul.f32 v62, v20;
	v21 =	vmul.f32 v63, v21  }
0x159: {  	v35 =	vld [tilespmem:s2+$0x1110]  }
0x15a: {  	v36 =	vld [tilespmem:s2+$0x1120];
	v20 =	vmul.f32 v30, v20;
	v21 =	vmul.f32 v31, v21  }
0x15b: {  	v37 =	vld [tilespmem:s2+$0x1130]  }
0x15c: {  	v38 =	vld [tilespmem:s2+$0x1140];
	v20 =	vmul.f32 v32, v20;
	v21 =	vmul.f32 v33, v21  }
0x15d: {  	v39 =	vld [tilespmem:s2+$0x1150]  }
0x15e: {  	v40 =	vld [tilespmem:s2+$0x1160];
	v20 =	vmul.f32 v34, v20;
	v21 =	vmul.f32 v35, v21  }
0x15f: {  	v41 =	vld [tilespmem:s2+$0x1170]  }
0x160: {  	v20 =	vmul.f32 v36, v20;
	v21 =	vmul.f32 v37, v21;
	_ =	sdelay $0x1  }
0x161: {  	v20 =	vmul.f32 v38, v20;
	v21 =	vmul.f32 v39, v21;
	_ =	sdelay $0x1  }
0x162: {  	v20 =	vmul.f32 v40, v20;
	v21 =	vmul.f32 v41, v21;
	_ =	sdelay $0x1  }
0x163: {  	v20 =	vmul.f32 v20, v17;
	v21 =	vmul.f32 v21, v18;
	_ =	sdelay $0x1  }
0x164: {  	v20 =	vadd.f32 v21, v20;
	_ =	sdelay $0x1  }
0x165: {  	[tilespmem:$0xAF30] =	vst v20  }
0x166: {  	v20 =	vld [tilespmem:s2+$0x1180]  }
0x167: {  	v42 =	vld [tilespmem:s2+$0x1190]  }
0x168: {  	v43 =	vld [tilespmem:s2+$0x11A0]  }
0x169: {  	v44 =	vld [tilespmem:s2+$0x11B0]  }
0x16a: {  	v45 =	vld [tilespmem:s2+$0x11C0]  }
0x16b: {  	v46 =	vld [tilespmem:s2+$0x11D0]  }
0x16c: {  	v47 =	vld [tilespmem:s2+$0x11E0]  }
0x16d: {  	v48 =	vld [tilespmem:s2+$0x11F0]  }
0x16e: {  	v49 =	vld [tilespmem:s2+$0x1200];
	v20 =	vmul.f32 v43, v20;
	v21 =	vmul.f32 v44, v42  }
0x16f: {  	v50 =	vld [tilespmem:s2+$0x1210]  }
0x170: {  	v51 =	vld [tilespmem:s2+$0x1220];
	v20 =	vmul.f32 v45, v20;
	v21 =	vmul.f32 v46, v21  }
0x171: {  	v52 =	vld [tilespmem:s2+$0x1230]  }
0x172: {  	v53 =	vld [tilespmem:s2+$0x1240];
	v20 =	vmul.f32 v47, v20;
	v21 =	vmul.f32 v48, v21  }
0x173: {  	v54 =	vld [tilespmem:s2+$0x1250]  }
0x174: {  	v55 =	vld [tilespmem:s2+$0x1260];
	v20 =	vmul.f32 v49, v20;
	v21 =	vmul.f32 v50, v21  }
0x175: {  	v56 =	vld [tilespmem:s2+$0x1270]  }
0x176: {  	v57 =	vld [tilespmem:s2+$0x1280];
	v20 =	vmul.f32 v51, v20;
	v21 =	vmul.f32 v52, v21  }
0x177: {  	v58 =	vld [tilespmem:s2+$0x1290]  }
0x178: {  	v59 =	vld [tilespmem:s2+$0x12A0];
	v20 =	vmul.f32 v53, v20;
	v21 =	vmul.f32 v54, v21  }
0x179: {  	v60 =	vld [tilespmem:s2+$0x12B0]  }
0x17a: {  	v61 =	vld [tilespmem:s2+$0x12C0];
	v20 =	vmul.f32 v55, v20;
	v21 =	vmul.f32 v56, v21  }
0x17b: {  	v62 =	vld [tilespmem:s2+$0x12D0]  }
0x17c: {  	v63 =	vld [tilespmem:s2+$0x12E0];
	v20 =	vmul.f32 v57, v20;
	v21 =	vmul.f32 v58, v21  }
0x17d: {  	v30 =	vld [tilespmem:s2+$0x12F0]  }
0x17e: {  	v31 =	vld [tilespmem:s2+$0x1300];
	v20 =	vmul.f32 v59, v20;
	v21 =	vmul.f32 v60, v21  }
0x17f: {  	v32 =	vld [tilespmem:s2+$0x1310]  }
0x180: {  	v33 =	vld [tilespmem:s2+$0x1320];
	v20 =	vmul.f32 v61, v20;
	v21 =	vmul.f32 v62, v21  }
0x181: {  	v34 =	vld [tilespmem:s2+$0x1330]  }
0x182: {  	v35 =	vld [tilespmem:s2+$0x1340];
	v20 =	vmul.f32 v63, v20;
	v21 =	vmul.f32 v30, v21  }
0x183: {  	v36 =	vld [tilespmem:s2+$0x1350]  }
0x184: {  	v37 =	vld [tilespmem:s2+$0x1360];
	v20 =	vmul.f32 v31, v20;
	v21 =	vmul.f32 v32, v21  }
0x185: {  	v38 =	vld [tilespmem:s2+$0x1370]  }
0x186: {  	v39 =	vld [tilespmem:s2+$0x1380];
	v20 =	vmul.f32 v33, v20;
	v21 =	vmul.f32 v34, v21  }
0x187: {  	v40 =	vld [tilespmem:s2+$0x1390]  }
0x188: {  	v41 =	vld [tilespmem:s2+$0x13A0];
	v20 =	vmul.f32 v35, v20;
	v21 =	vmul.f32 v36, v21  }
0x189: {  	v42 =	vld [tilespmem:s2+$0x13B0]  }
0x18a: {  	v43 =	vld [tilespmem:s2+$0x13C0];
	v20 =	vmul.f32 v37, v20;
	v21 =	vmul.f32 v38, v21  }
0x18b: {  	v44 =	vld [tilespmem:s2+$0x13D0]  }
0x18c: {  	v45 =	vld [tilespmem:s2+$0x13E0];
	v20 =	vmul.f32 v39, v20;
	v21 =	vmul.f32 v40, v21  }
0x18d: {  	v46 =	vld [tilespmem:s2+$0x13F0]  }
0x18e: {  	v20 =	vmul.f32 v41, v20;
	v21 =	vmul.f32 v42, v21;
	_ =	sdelay $0x1  }
0x18f: {  	v20 =	vmul.f32 v43, v20;
	v21 =	vmul.f32 v44, v21;
	_ =	sdelay $0x1  }
0x190: {  	v20 =	vmul.f32 v45, v20;
	v21 =	vmul.f32 v46, v21;
	_ =	sdelay $0x1  }
0x191: {  	v20 =	vmul.f32 v20, v17;
	v21 =	vmul.f32 v21, v18;
	_ =	sdelay $0x1  }
0x192: {  	v20 =	vadd.f32 v21, v20;
	_ =	sdelay $0x1  }
0x193: {  	[tilespmem:$0xAF41] =	vst v20  }
0x194: {  	v20 =	vld [tilespmem:s2+$0x1400]  }
0x195: {  	v47 =	vld [tilespmem:s2+$0x1410]  }
0x196: {  	v48 =	vld [tilespmem:s2+$0x1420]  }
0x197: {  	v49 =	vld [tilespmem:s2+$0x1430]  }
0x198: {  	v50 =	vld [tilespmem:s2+$0x1440]  }
0x199: {  	v51 =	vld [tilespmem:s2+$0x1450]  }
0x19a: {  	v52 =	vld [tilespmem:s2+$0x1460]  }
0x19b: {  	v53 =	vld [tilespmem:s2+$0x1470]  }
0x19c: {  	v54 =	vld [tilespmem:s2+$0x1480];
	v20 =	vmul.f32 v48, v20;
	v21 =	vmul.f32 v49, v47  }
0x19d: {  	v55 =	vld [tilespmem:s2+$0x1490]  }
0x19e: {  	v56 =	vld [tilespmem:s2+$0x14A0];
	v20 =	vmul.f32 v50, v20;
	v21 =	vmul.f32 v51, v21  }
0x19f: {  	v57 =	vld [tilespmem:s2+$0x14B0]  }
0x1a0: {  	v58 =	vld [tilespmem:s2+$0x14C0];
	v20 =	vmul.f32 v52, v20;
	v21 =	vmul.f32 v53, v21  }
0x1a1: {  	v59 =	vld [tilespmem:s2+$0x14D0]  }
0x1a2: {  	v60 =	vld [tilespmem:s2+$0x14E0];
	v20 =	vmul.f32 v54, v20;
	v21 =	vmul.f32 v55, v21  }
0x1a3: {  	v61 =	vld [tilespmem:s2+$0x14F0]  }
0x1a4: {  	v62 =	vld [tilespmem:s2+$0x1500];
	v20 =	vmul.f32 v56, v20;
	v21 =	vmul.f32 v57, v21  }
0x1a5: {  	v63 =	vld [tilespmem:s2+$0x1510]  }
0x1a6: {  	v30 =	vld [tilespmem:s2+$0x1520];
	v20 =	vmul.f32 v58, v20;
	v21 =	vmul.f32 v59, v21  }
0x1a7: {  	v31 =	vld [tilespmem:s2+$0x1530]  }
0x1a8: {  	v32 =	vld [tilespmem:s2+$0x1540];
	v20 =	vmul.f32 v60, v20;
	v21 =	vmul.f32 v61, v21  }
0x1a9: {  	v33 =	vld [tilespmem:s2+$0x1550]  }
0x1aa: {  	v34 =	vld [tilespmem:s2+$0x1560];
	v20 =	vmul.f32 v62, v20;
	v21 =	vmul.f32 v63, v21  }
0x1ab: {  	v35 =	vld [tilespmem:s2+$0x1570]  }
0x1ac: {  	v36 =	vld [tilespmem:s2+$0x1580];
	v20 =	vmul.f32 v30, v20;
	v21 =	vmul.f32 v31, v21  }
0x1ad: {  	v37 =	vld [tilespmem:s2+$0x1590]  }
0x1ae: {  	v38 =	vld [tilespmem:s2+$0x15A0];
	v20 =	vmul.f32 v32, v20;
	v21 =	vmul.f32 v33, v21  }
0x1af: {  	v39 =	vld [tilespmem:s2+$0x15B0]  }
0x1b0: {  	v40 =	vld [tilespmem:s2+$0x15C0];
	v20 =	vmul.f32 v34, v20;
	v21 =	vmul.f32 v35, v21  }
0x1b1: {  	v41 =	vld [tilespmem:s2+$0x15D0]  }
0x1b2: {  	v42 =	vld [tilespmem:s2+$0x15E0];
	v20 =	vmul.f32 v36, v20;
	v21 =	vmul.f32 v37, v21  }
0x1b3: {  	v43 =	vld [tilespmem:s2+$0x15F0]  }
0x1b4: {  	v44 =	vld [tilespmem:s2+$0x1600];
	v20 =	vmul.f32 v38, v20;
	v21 =	vmul.f32 v39, v21  }
0x1b5: {  	v45 =	vld [tilespmem:s2+$0x1610]  }
0x1b6: {  	v46 =	vld [tilespmem:s2+$0x1620];
	v20 =	vmul.f32 v40, v20;
	v21 =	vmul.f32 v41, v21  }
0x1b7: {  	v47 =	vld [tilespmem:s2+$0x1630]  }
0x1b8: {  	v48 =	vld [tilespmem:s2+$0x1640];
	v20 =	vmul.f32 v42, v20;
	v21 =	vmul.f32 v43, v21  }
0x1b9: {  	v49 =	vld [tilespmem:s2+$0x1650]  }
0x1ba: {  	v50 =	vld [tilespmem:s2+$0x1660];
	v20 =	vmul.f32 v44, v20;
	v21 =	vmul.f32 v45, v21  }
0x1bb: {  	v51 =	vld [tilespmem:s2+$0x1670]  }
0x1bc: {  	v20 =	vmul.f32 v46, v20;
	v21 =	vmul.f32 v47, v21;
	_ =	sdelay $0x1  }
0x1bd: {  	v20 =	vmul.f32 v48, v20;
	v21 =	vmul.f32 v49, v21;
	_ =	sdelay $0x1  }
0x1be: {  	v20 =	vmul.f32 v50, v20;
	v21 =	vmul.f32 v51, v21;
	_ =	sdelay $0x1  }
0x1bf: {  	v20 =	vmul.f32 v20, v17;
	v21 =	vmul.f32 v21, v18;
	_ =	sdelay $0x1  }
0x1c0: {  	v20 =	vadd.f32 v21, v20;
	_ =	sdelay $0x1  }
0x1c1: {  	[tilespmem:$0xAF52] =	vst v20  }
0x1c2: {  	v20 =	vld [tilespmem:s2+$0x1680]  }
0x1c3: {  	v52 =	vld [tilespmem:s2+$0x1690]  }
0x1c4: {  	v53 =	vld [tilespmem:s2+$0x16A0]  }
0x1c5: {  	v54 =	vld [tilespmem:s2+$0x16B0]  }
0x1c6: {  	v55 =	vld [tilespmem:s2+$0x16C0]  }
0x1c7: {  	v56 =	vld [tilespmem:s2+$0x16D0]  }
0x1c8: {  	v57 =	vld [tilespmem:s2+$0x16E0]  }
0x1c9: {  	v58 =	vld [tilespmem:s2+$0x16F0]  }
0x1ca: {  	v59 =	vld [tilespmem:s2+$0x1700];
	v20 =	vmul.f32 v53, v20;
	v21 =	vmul.f32 v54, v52  }
0x1cb: {  	v60 =	vld [tilespmem:s2+$0x1710]  }
0x1cc: {  	v61 =	vld [tilespmem:s2+$0x1720];
	v20 =	vmul.f32 v55, v20;
	v21 =	vmul.f32 v56, v21  }
0x1cd: {  	v62 =	vld [tilespmem:s2+$0x1730]  }
0x1ce: {  	v63 =	vld [tilespmem:s2+$0x1740];
	v20 =	vmul.f32 v57, v20;
	v21 =	vmul.f32 v58, v21  }
0x1cf: {  	v30 =	vld [tilespmem:s2+$0x1750]  }
0x1d0: {  	v31 =	vld [tilespmem:s2+$0x1760];
	v20 =	vmul.f32 v59, v20;
	v21 =	vmul.f32 v60, v21  }
0x1d1: {  	v32 =	vld [tilespmem:s2+$0x1770]  }
0x1d2: {  	v33 =	vld [tilespmem:s2+$0x1780];
	v20 =	vmul.f32 v61, v20;
	v21 =	vmul.f32 v62, v21  }
0x1d3: {  	v34 =	vld [tilespmem:s2+$0x1790]  }
0x1d4: {  	v35 =	vld [tilespmem:s2+$0x17A0];
	v20 =	vmul.f32 v63, v20;
	v21 =	vmul.f32 v30, v21  }
0x1d5: {  	v36 =	vld [tilespmem:s2+$0x17B0]  }
0x1d6: {  	v37 =	vld [tilespmem:s2+$0x17C0];
	v20 =	vmul.f32 v31, v20;
	v21 =	vmul.f32 v32, v21  }
0x1d7: {  	v38 =	vld [tilespmem:s2+$0x17D0]  }
0x1d8: {  	v39 =	vld [tilespmem:s2+$0x17E0];
	v20 =	vmul.f32 v33, v20;
	v21 =	vmul.f32 v34, v21  }
0x1d9: {  	v40 =	vld [tilespmem:s2+$0x17F0]  }
0x1da: {  	v41 =	vld [tilespmem:s2+$0x1800];
	v20 =	vmul.f32 v35, v20;
	v21 =	vmul.f32 v36, v21  }
0x1db: {  	v42 =	vld [tilespmem:s2+$0x1810]  }
0x1dc: {  	v43 =	vld [tilespmem:s2+$0x1820];
	v20 =	vmul.f32 v37, v20;
	v21 =	vmul.f32 v38, v21  }
0x1dd: {  	v44 =	vld [tilespmem:s2+$0x1830]  }
0x1de: {  	v45 =	vld [tilespmem:s2+$0x1840];
	v20 =	vmul.f32 v39, v20;
	v21 =	vmul.f32 v40, v21  }
0x1df: {  	v46 =	vld [tilespmem:s2+$0x1850]  }
0x1e0: {  	v47 =	vld [tilespmem:s2+$0x1860];
	v20 =	vmul.f32 v41, v20;
	v21 =	vmul.f32 v42, v21  }
0x1e1: {  	v48 =	vld [tilespmem:s2+$0x1870]  }
0x1e2: {  	v49 =	vld [tilespmem:s2+$0x1880];
	v20 =	vmul.f32 v43, v20;
	v21 =	vmul.f32 v44, v21  }
0x1e3: {  	v50 =	vld [tilespmem:s2+$0x1890]  }
0x1e4: {  	v51 =	vld [tilespmem:s2+$0x18A0];
	v20 =	vmul.f32 v45, v20;
	v21 =	vmul.f32 v46, v21  }
0x1e5: {  	v52 =	vld [tilespmem:s2+$0x18B0]  }
0x1e6: {  	v53 =	vld [tilespmem:s2+$0x18C0];
	v20 =	vmul.f32 v47, v20;
	v21 =	vmul.f32 v48, v21  }
0x1e7: {  	v54 =	vld [tilespmem:s2+$0x18D0]  }
0x1e8: {  	v55 =	vld [tilespmem:s2+$0x18E0];
	v20 =	vmul.f32 v49, v20;
	v21 =	vmul.f32 v50, v21  }
0x1e9: {  	v56 =	vld [tilespmem:s2+$0x18F0]  }
0x1ea: {  	v20 =	vmul.f32 v51, v20;
	v21 =	vmul.f32 v52, v21;
	_ =	sdelay $0x1  }
0x1eb: {  	v20 =	vmul.f32 v53, v20;
	v21 =	vmul.f32 v54, v21;
	_ =	sdelay $0x1  }
0x1ec: {  	v20 =	vmul.f32 v55, v20;
	v21 =	vmul.f32 v56, v21;
	_ =	sdelay $0x1  }
0x1ed: {  	v20 =	vmul.f32 v20, v17;
	v21 =	vmul.f32 v21, v18;
	_ =	sdelay $0x1  }
0x1ee: {  	v20 =	vadd.f32 v21, v20;
	_ =	sdelay $0x1  }
0x1ef: {  	[tilespmem:$0xAF63] =	vst v20  }
0x1f0: {  	v20 =	vld [tilespmem:s2+$0x1900]  }
0x1f1: {  	v57 =	vld [tilespmem:s2+$0x1910]  }
0x1f2: {  	v58 =	vld [tilespmem:s2+$0x1920]  }
0x1f3: {  	v59 =	vld [tilespmem:s2+$0x1930]  }
0x1f4: {  	v60 =	vld [tilespmem:s2+$0x1940]  }
0x1f5: {  	v61 =	vld [tilespmem:s2+$0x1950]  }
0x1f6: {  	v62 =	vld [tilespmem:s2+$0x1960]  }
0x1f7: {  	v63 =	vld [tilespmem:s2+$0x1970]  }
0x1f8: {  	v30 =	vld [tilespmem:s2+$0x1980];
	v20 =	vmul.f32 v58, v20;
	v21 =	vmul.f32 v59, v57  }
0x1f9: {  	v31 =	vld [tilespmem:s2+$0x1990]  }
0x1fa: {  	v32 =	vld [tilespmem:s2+$0x19A0];
	v20 =	vmul.f32 v60, v20;
	v21 =	vmul.f32 v61, v21  }
0x1fb: {  	v33 =	vld [tilespmem:s2+$0x19B0]  }
0x1fc: {  	v34 =	vld [tilespmem:s2+$0x19C0];
	v20 =	vmul.f32 v62, v20;
	v21 =	vmul.f32 v63, v21  }
0x1fd: {  	v35 =	vld [tilespmem:s2+$0x19D0]  }
0x1fe: {  	v36 =	vld [tilespmem:s2+$0x19E0];
	v20 =	vmul.f32 v30, v20;
	v21 =	vmul.f32 v31, v21  }
0x1ff: {  	v37 =	vld [tilespmem:s2+$0x19F0]  }
0x200: {  	v38 =	vld [tilespmem:s2+$0x1A00];
	v20 =	vmul.f32 v32, v20;
	v21 =	vmul.f32 v33, v21  }
0x201: {  	v39 =	vld [tilespmem:s2+$0x1A10]  }
0x202: {  	v40 =	vld [tilespmem:s2+$0x1A20];
	v20 =	vmul.f32 v34, v20;
	v21 =	vmul.f32 v35, v21  }
0x203: {  	v41 =	vld [tilespmem:s2+$0x1A30]  }
0x204: {  	v42 =	vld [tilespmem:s2+$0x1A40];
	v20 =	vmul.f32 v36, v20;
	v21 =	vmul.f32 v37, v21  }
0x205: {  	v43 =	vld [tilespmem:s2+$0x1A50]  }
0x206: {  	v44 =	vld [tilespmem:s2+$0x1A60];
	v20 =	vmul.f32 v38, v20;
	v21 =	vmul.f32 v39, v21  }
0x207: {  	v45 =	vld [tilespmem:s2+$0x1A70]  }
0x208: {  	v46 =	vld [tilespmem:s2+$0x1A80];
	v20 =	vmul.f32 v40, v20;
	v21 =	vmul.f32 v41, v21  }
0x209: {  	v47 =	vld [tilespmem:s2+$0x1A90]  }
0x20a: {  	v48 =	vld [tilespmem:s2+$0x1AA0];
	v20 =	vmul.f32 v42, v20;
	v21 =	vmul.f32 v43, v21  }
0x20b: {  	v49 =	vld [tilespmem:s2+$0x1AB0]  }
0x20c: {  	v50 =	vld [tilespmem:s2+$0x1AC0];
	v20 =	vmul.f32 v44, v20;
	v21 =	vmul.f32 v45, v21  }
0x20d: {  	v51 =	vld [tilespmem:s2+$0x1AD0]  }
0x20e: {  	v52 =	vld [tilespmem:s2+$0x1AE0];
	v20 =	vmul.f32 v46, v20;
	v21 =	vmul.f32 v47, v21  }
0x20f: {  	v53 =	vld [tilespmem:s2+$0x1AF0]  }
0x210: {  	v54 =	vld [tilespmem:s2+$0x1B00];
	v20 =	vmul.f32 v48, v20;
	v21 =	vmul.f32 v49, v21  }
0x211: {  	v55 =	vld [tilespmem:s2+$0x1B10]  }
0x212: {  	v56 =	vld [tilespmem:s2+$0x1B20];
	v20 =	vmul.f32 v50, v20;
	v21 =	vmul.f32 v51, v21  }
0x213: {  	v57 =	vld [tilespmem:s2+$0x1B30]  }
0x214: {  	v58 =	vld [tilespmem:s2+$0x1B40];
	v20 =	vmul.f32 v52, v20;
	v21 =	vmul.f32 v53, v21  }
0x215: {  	v59 =	vld [tilespmem:s2+$0x1B50]  }
0x216: {  	v60 =	vld [tilespmem:s2+$0x1B60];
	v20 =	vmul.f32 v54, v20;
	v21 =	vmul.f32 v55, v21  }
0x217: {  	v61 =	vld [tilespmem:s2+$0x1B70]  }
0x218: {  	v20 =	vmul.f32 v56, v20;
	v21 =	vmul.f32 v57, v21;
	_ =	sdelay $0x1  }
0x219: {  	v20 =	vmul.f32 v58, v20;
	v21 =	vmul.f32 v59, v21;
	_ =	sdelay $0x1  }
0x21a: {  	v20 =	vmul.f32 v60, v20;
	v21 =	vmul.f32 v61, v21;
	_ =	sdelay $0x1  }
0x21b: {  	v20 =	vmul.f32 v20, v17;
	v21 =	vmul.f32 v21, v18;
	_ =	sdelay $0x1  }
0x21c: {  	v20 =	vadd.f32 v21, v20;
	_ =	sdelay $0x1  }
0x21d: {  	[tilespmem:$0xAF74] =	vst v20  }
0x21e: {  	v20 =	vld [tilespmem:s2+$0x1B80]  }
0x21f: {  	v62 =	vld [tilespmem:s2+$0x1B90]  }
0x220: {  	v63 =	vld [tilespmem:s2+$0x1BA0]  }
0x221: {  	v30 =	vld [tilespmem:s2+$0x1BB0]  }
0x222: {  	v31 =	vld [tilespmem:s2+$0x1BC0]  }
0x223: {  	v32 =	vld [tilespmem:s2+$0x1BD0]  }
0x224: {  	v33 =	vld [tilespmem:s2+$0x1BE0]  }
0x225: {  	v34 =	vld [tilespmem:s2+$0x1BF0]  }
0x226: {  	v35 =	vld [tilespmem:s2+$0x1C00];
	v20 =	vmul.f32 v63, v20;
	v21 =	vmul.f32 v30, v62  }
0x227: {  	v36 =	vld [tilespmem:s2+$0x1C10]  }
0x228: {  	v37 =	vld [tilespmem:s2+$0x1C20];
	v20 =	vmul.f32 v31, v20;
	v21 =	vmul.f32 v32, v21  }
0x229: {  	v38 =	vld [tilespmem:s2+$0x1C30]  }
0x22a: {  	v39 =	vld [tilespmem:s2+$0x1C40];
	v20 =	vmul.f32 v33, v20;
	v21 =	vmul.f32 v34, v21  }
0x22b: {  	v40 =	vld [tilespmem:s2+$0x1C50]  }
0x22c: {  	v41 =	vld [tilespmem:s2+$0x1C60];
	v20 =	vmul.f32 v35, v20;
	v21 =	vmul.f32 v36, v21  }
0x22d: {  	v42 =	vld [tilespmem:s2+$0x1C70]  }
0x22e: {  	v43 =	vld [tilespmem:s2+$0x1C80];
	v20 =	vmul.f32 v37, v20;
	v21 =	vmul.f32 v38, v21  }
0x22f: {  	v44 =	vld [tilespmem:s2+$0x1C90]  }
0x230: {  	v45 =	vld [tilespmem:s2+$0x1CA0];
	v20 =	vmul.f32 v39, v20;
	v21 =	vmul.f32 v40, v21  }
0x231: {  	v46 =	vld [tilespmem:s2+$0x1CB0]  }
0x232: {  	v47 =	vld [tilespmem:s2+$0x1CC0];
	v20 =	vmul.f32 v41, v20;
	v21 =	vmul.f32 v42, v21  }
0x233: {  	v48 =	vld [tilespmem:s2+$0x1CD0]  }
0x234: {  	v49 =	vld [tilespmem:s2+$0x1CE0];
	v20 =	vmul.f32 v43, v20;
	v21 =	vmul.f32 v44, v21  }
0x235: {  	v50 =	vld [tilespmem:s2+$0x1CF0]  }
0x236: {  	v51 =	vld [tilespmem:s2+$0x1D00];
	v20 =	vmul.f32 v45, v20;
	v21 =	vmul.f32 v46, v21  }
0x237: {  	v52 =	vld [tilespmem:s2+$0x1D10]  }
0x238: {  	v53 =	vld [tilespmem:s2+$0x1D20];
	v20 =	vmul.f32 v47, v20;
	v21 =	vmul.f32 v48, v21  }
0x239: {  	v54 =	vld [tilespmem:s2+$0x1D30]  }
0x23a: {  	v55 =	vld [tilespmem:s2+$0x1D40];
	v20 =	vmul.f32 v49, v20;
	v21 =	vmul.f32 v50, v21  }
0x23b: {  	v56 =	vld [tilespmem:s2+$0x1D50]  }
0x23c: {  	v57 =	vld [tilespmem:s2+$0x1D60];
	v20 =	vmul.f32 v51, v20;
	v21 =	vmul.f32 v52, v21  }
0x23d: {  	v58 =	vld [tilespmem:s2+$0x1D70]  }
0x23e: {  	v59 =	vld [tilespmem:s2+$0x1D80];
	v20 =	vmul.f32 v53, v20;
	v21 =	vmul.f32 v54, v21  }
0x23f: {  	v60 =	vld [tilespmem:s2+$0x1D90]  }
0x240: {  	v61 =	vld [tilespmem:s2+$0x1DA0];
	v20 =	vmul.f32 v55, v20;
	v21 =	vmul.f32 v56, v21  }
0x241: {  	v62 =	vld [tilespmem:s2+$0x1DB0]  }
0x242: {  	v63 =	vld [tilespmem:s2+$0x1DC0];
	v20 =	vmul.f32 v57, v20;
	v21 =	vmul.f32 v58, v21  }
0x243: {  	v30 =	vld [tilespmem:s2+$0x1DD0]  }
0x244: {  	v31 =	vld [tilespmem:s2+$0x1DE0];
	v20 =	vmul.f32 v59, v20;
	v21 =	vmul.f32 v60, v21  }
0x245: {  	v32 =	vld [tilespmem:s2+$0x1DF0]  }
0x246: {  	v20 =	vmul.f32 v61, v20;
	v21 =	vmul.f32 v62, v21;
	_ =	sdelay $0x1  }
0x247: {  	v20 =	vmul.f32 v63, v20;
	v21 =	vmul.f32 v30, v21;
	_ =	sdelay $0x1  }
0x248: {  	v20 =	vmul.f32 v31, v20;
	v21 =	vmul.f32 v32, v21;
	_ =	sdelay $0x1  }
0x249: {  	v20 =	vmul.f32 v20, v17;
	v21 =	vmul.f32 v21, v18;
	_ =	sdelay $0x1  }
0x24a: {  	v20 =	vadd.f32 v21, v20;
	_ =	sdelay $0x1  }
0x24b: {  	[tilespmem:$0xAF85] =	vst v20  }
0x24c: {  	v20 =	vld [tilespmem:s2+$0x1E00]  }
0x24d: {  	v33 =	vld [tilespmem:s2+$0x1E10]  }
0x24e: {  	v34 =	vld [tilespmem:s2+$0x1E20]  }
0x24f: {  	v35 =	vld [tilespmem:s2+$0x1E30]  }
0x250: {  	v36 =	vld [tilespmem:s2+$0x1E40]  }
0x251: {  	v37 =	vld [tilespmem:s2+$0x1E50]  }
0x252: {  	v38 =	vld [tilespmem:s2+$0x1E60]  }
0x253: {  	v39 =	vld [tilespmem:s2+$0x1E70]  }
0x254: {  	v40 =	vld [tilespmem:s2+$0x1E80];
	v20 =	vmul.f32 v34, v20;
	v21 =	vmul.f32 v35, v33  }
0x255: {  	v41 =	vld [tilespmem:s2+$0x1E90]  }
0x256: {  	v42 =	vld [tilespmem:s2+$0x1EA0];
	v20 =	vmul.f32 v36, v20;
	v21 =	vmul.f32 v37, v21  }
0x257: {  	v43 =	vld [tilespmem:s2+$0x1EB0]  }
0x258: {  	v44 =	vld [tilespmem:s2+$0x1EC0];
	v20 =	vmul.f32 v38, v20;
	v21 =	vmul.f32 v39, v21  }
0x259: {  	v45 =	vld [tilespmem:s2+$0x1ED0]  }
0x25a: {  	v46 =	vld [tilespmem:s2+$0x1EE0];
	v20 =	vmul.f32 v40, v20;
	v21 =	vmul.f32 v41, v21  }
0x25b: {  	v47 =	vld [tilespmem:s2+$0x1EF0]  }
0x25c: {  	v48 =	vld [tilespmem:s2+$0x1F00];
	v20 =	vmul.f32 v42, v20;
	v21 =	vmul.f32 v43, v21  }
0x25d: {  	v49 =	vld [tilespmem:s2+$0x1F10]  }
0x25e: {  	v50 =	vld [tilespmem:s2+$0x1F20];
	v20 =	vmul.f32 v44, v20;
	v21 =	vmul.f32 v45, v21  }
0x25f: {  	v51 =	vld [tilespmem:s2+$0x1F30]  }
0x260: {  	v52 =	vld [tilespmem:s2+$0x1F40];
	v20 =	vmul.f32 v46, v20;
	v21 =	vmul.f32 v47, v21  }
0x261: {  	v53 =	vld [tilespmem:s2+$0x1F50]  }
0x262: {  	v54 =	vld [tilespmem:s2+$0x1F60];
	v20 =	vmul.f32 v48, v20;
	v21 =	vmul.f32 v49, v21  }
0x263: {  	v55 =	vld [tilespmem:s2+$0x1F70]  }
0x264: {  	v56 =	vld [tilespmem:s2+$0x1F80];
	v20 =	vmul.f32 v50, v20;
	v21 =	vmul.f32 v51, v21  }
0x265: {  	v57 =	vld [tilespmem:s2+$0x1F90]  }
0x266: {  	v58 =	vld [tilespmem:s2+$0x1FA0];
	v20 =	vmul.f32 v52, v20;
	v21 =	vmul.f32 v53, v21  }
0x267: {  	v59 =	vld [tilespmem:s2+$0x1FB0]  }
0x268: {  	v60 =	vld [tilespmem:s2+$0x1FC0];
	v20 =	vmul.f32 v54, v20;
	v21 =	vmul.f32 v55, v21  }
0x269: {  	v61 =	vld [tilespmem:s2+$0x1FD0]  }
0x26a: {  	v62 =	vld [tilespmem:s2+$0x1FE0];
	v20 =	vmul.f32 v56, v20;
	v21 =	vmul.f32 v57, v21  }
0x26b: {  	v63 =	vld [tilespmem:s2+$0x1FF0]  }
0x26c: {  	v30 =	vld [tilespmem:s2+$0x2000];
	v20 =	vmul.f32 v58, v20;
	v21 =	vmul.f32 v59, v21  }
0x26d: {  	v31 =	vld [tilespmem:s2+$0x2010]  }
0x26e: {  	v32 =	vld [tilespmem:s2+$0x2020];
	v20 =	vmul.f32 v60, v20;
	v21 =	vmul.f32 v61, v21  }
0x26f: {  	v33 =	vld [tilespmem:s2+$0x2030]  }
0x270: {  	v34 =	vld [tilespmem:s2+$0x2040];
	v20 =	vmul.f32 v62, v20;
	v21 =	vmul.f32 v63, v21  }
0x271: {  	v35 =	vld [tilespmem:s2+$0x2050]  }
0x272: {  	v36 =	vld [tilespmem:s2+$0x2060];
	v20 =	vmul.f32 v30, v20;
	v21 =	vmul.f32 v31, v21  }
0x273: {  	v37 =	vld [tilespmem:s2+$0x2070]  }
0x274: {  	v20 =	vmul.f32 v32, v20;
	v21 =	vmul.f32 v33, v21;
	_ =	sdelay $0x1  }
0x275: {  	v20 =	vmul.f32 v34, v20;
	v21 =	vmul.f32 v35, v21;
	_ =	sdelay $0x1  }
0x276: {  	v20 =	vmul.f32 v36, v20;
	v21 =	vmul.f32 v37, v21;
	_ =	sdelay $0x1  }
0x277: {  	v20 =	vmul.f32 v20, v17;
	v21 =	vmul.f32 v21, v18;
	_ =	sdelay $0x1  }
0x278: {  	v20 =	vadd.f32 v21, v20;
	_ =	sdelay $0x1  }
0x279: {  	[tilespmem:$0xAF96] =	vst v20  }
0x27a: {  	v20 =	vld [tilespmem:s2+$0x2080]  }
0x27b: {  	v38 =	vld [tilespmem:s2+$0x2090]  }
0x27c: {  	v39 =	vld [tilespmem:s2+$0x20A0]  }
0x27d: {  	v40 =	vld [tilespmem:s2+$0x20B0]  }
0x27e: {  	v41 =	vld [tilespmem:s2+$0x20C0]  }
0x27f: {  	v42 =	vld [tilespmem:s2+$0x20D0]  }
0x280: {  	v43 =	vld [tilespmem:s2+$0x20E0]  }
0x281: {  	v44 =	vld [tilespmem:s2+$0x20F0]  }
0x282: {  	v45 =	vld [tilespmem:s2+$0x2100];
	v20 =	vmul.f32 v39, v20;
	v21 =	vmul.f32 v40, v38  }
0x283: {  	v46 =	vld [tilespmem:s2+$0x2110]  }
0x284: {  	v47 =	vld [tilespmem:s2+$0x2120];
	v20 =	vmul.f32 v41, v20;
	v21 =	vmul.f32 v42, v21  }
0x285: {  	v48 =	vld [tilespmem:s2+$0x2130]  }
0x286: {  	v49 =	vld [tilespmem:s2+$0x2140];
	v20 =	vmul.f32 v43, v20;
	v21 =	vmul.f32 v44, v21  }
0x287: {  	v50 =	vld [tilespmem:s2+$0x2150]  }
0x288: {  	v51 =	vld [tilespmem:s2+$0x2160];
	v20 =	vmul.f32 v45, v20;
	v21 =	vmul.f32 v46, v21  }
0x289: {  	v52 =	vld [tilespmem:s2+$0x2170]  }
0x28a: {  	v53 =	vld [tilespmem:s2+$0x2180];
	v20 =	vmul.f32 v47, v20;
	v21 =	vmul.f32 v48, v21  }
0x28b: {  	v54 =	vld [tilespmem:s2+$0x2190]  }
0x28c: {  	v55 =	vld [tilespmem:s2+$0x21A0];
	v20 =	vmul.f32 v49, v20;
	v21 =	vmul.f32 v50, v21  }
0x28d: {  	v56 =	vld [tilespmem:s2+$0x21B0]  }
0x28e: {  	v57 =	vld [tilespmem:s2+$0x21C0];
	v20 =	vmul.f32 v51, v20;
	v21 =	vmul.f32 v52, v21  }
0x28f: {  	v58 =	vld [tilespmem:s2+$0x21D0]  }
0x290: {  	v59 =	vld [tilespmem:s2+$0x21E0];
	v20 =	vmul.f32 v53, v20;
	v21 =	vmul.f32 v54, v21  }
0x291: {  	v60 =	vld [tilespmem:s2+$0x21F0]  }
0x292: {  	v61 =	vld [tilespmem:s2+$0x2200];
	v20 =	vmul.f32 v55, v20;
	v21 =	vmul.f32 v56, v21  }
0x293: {  	v62 =	vld [tilespmem:s2+$0x2210]  }
0x294: {  	v63 =	vld [tilespmem:s2+$0x2220];
	v20 =	vmul.f32 v57, v20;
	v21 =	vmul.f32 v58, v21  }
0x295: {  	v30 =	vld [tilespmem:s2+$0x2230]  }
0x296: {  	v31 =	vld [tilespmem:s2+$0x2240];
	v20 =	vmul.f32 v59, v20;
	v21 =	vmul.f32 v60, v21  }
0x297: {  	v32 =	vld [tilespmem:s2+$0x2250]  }
0x298: {  	v33 =	vld [tilespmem:s2+$0x2260];
	v20 =	vmul.f32 v61, v20;
	v21 =	vmul.f32 v62, v21  }
0x299: {  	v34 =	vld [tilespmem:s2+$0x2270]  }
0x29a: {  	v35 =	vld [tilespmem:s2+$0x2280];
	v20 =	vmul.f32 v63, v20;
	v21 =	vmul.f32 v30, v21  }
0x29b: {  	v36 =	vld [tilespmem:s2+$0x2290]  }
0x29c: {  	v37 =	vld [tilespmem:s2+$0x22A0];
	v20 =	vmul.f32 v31, v20;
	v21 =	vmul.f32 v32, v21  }
0x29d: {  	v38 =	vld [tilespmem:s2+$0x22B0]  }
0x29e: {  	v39 =	vld [tilespmem:s2+$0x22C0];
	v20 =	vmul.f32 v33, v20;
	v21 =	vmul.f32 v34, v21  }
0x29f: {  	v40 =	vld [tilespmem:s2+$0x22D0]  }
0x2a0: {  	v41 =	vld [tilespmem:s2+$0x22E0];
	v20 =	vmul.f32 v35, v20;
	v21 =	vmul.f32 v36, v21  }
0x2a1: {  	v42 =	vld [tilespmem:s2+$0x22F0]  }
0x2a2: {  	v20 =	vmul.f32 v37, v20;
	v21 =	vmul.f32 v38, v21;
	_ =	sdelay $0x1  }
0x2a3: {  	v20 =	vmul.f32 v39, v20;
	v21 =	vmul.f32 v40, v21;
	_ =	sdelay $0x1  }
0x2a4: {  	v20 =	vmul.f32 v41, v20;
	v21 =	vmul.f32 v42, v21;
	_ =	sdelay $0x1  }
0x2a5: {  	v20 =	vmul.f32 v20, v17;
	v21 =	vmul.f32 v21, v18;
	_ =	sdelay $0x1  }
0x2a6: {  	v20 =	vadd.f32 v21, v20;
	_ =	sdelay $0x1  }
0x2a7: {  	[tilespmem:$0xAFA7] =	vst v20  }
0x2a8: {  	v20 =	vld [tilespmem:s2+$0x2300]  }
0x2a9: {  	v43 =	vld [tilespmem:s2+$0x2310]  }
0x2aa: {  	v44 =	vld [tilespmem:s2+$0x2320]  }
0x2ab: {  	v45 =	vld [tilespmem:s2+$0x2330]  }
0x2ac: {  	v46 =	vld [tilespmem:s2+$0x2340]  }
0x2ad: {  	v47 =	vld [tilespmem:s2+$0x2350]  }
0x2ae: {  	v48 =	vld [tilespmem:s2+$0x2360]  }
0x2af: {  	v49 =	vld [tilespmem:s2+$0x2370]  }
0x2b0: {  	v50 =	vld [tilespmem:s2+$0x2380];
	v20 =	vmul.f32 v44, v20;
	v21 =	vmul.f32 v45, v43  }
0x2b1: {  	v51 =	vld [tilespmem:s2+$0x2390]  }
0x2b2: {  	v52 =	vld [tilespmem:s2+$0x23A0];
	v20 =	vmul.f32 v46, v20;
	v21 =	vmul.f32 v47, v21  }
0x2b3: {  	v53 =	vld [tilespmem:s2+$0x23B0]  }
0x2b4: {  	v54 =	vld [tilespmem:s2+$0x23C0];
	v20 =	vmul.f32 v48, v20;
	v21 =	vmul.f32 v49, v21  }
0x2b5: {  	v55 =	vld [tilespmem:s2+$0x23D0]  }
0x2b6: {  	v56 =	vld [tilespmem:s2+$0x23E0];
	v20 =	vmul.f32 v50, v20;
	v21 =	vmul.f32 v51, v21  }
0x2b7: {  	v57 =	vld [tilespmem:s2+$0x23F0]  }
0x2b8: {  	v58 =	vld [tilespmem:s2+$0x2400];
	v20 =	vmul.f32 v52, v20;
	v21 =	vmul.f32 v53, v21  }
0x2b9: {  	v59 =	vld [tilespmem:s2+$0x2410]  }
0x2ba: {  	v60 =	vld [tilespmem:s2+$0x2420];
	v20 =	vmul.f32 v54, v20;
	v21 =	vmul.f32 v55, v21  }
0x2bb: {  	v61 =	vld [tilespmem:s2+$0x2430]  }
0x2bc: {  	v62 =	vld [tilespmem:s2+$0x2440];
	v20 =	vmul.f32 v56, v20;
	v21 =	vmul.f32 v57, v21  }
0x2bd: {  	v63 =	vld [tilespmem:s2+$0x2450]  }
0x2be: {  	v30 =	vld [tilespmem:s2+$0x2460];
	v20 =	vmul.f32 v58, v20;
	v21 =	vmul.f32 v59, v21  }
0x2bf: {  	v31 =	vld [tilespmem:s2+$0x2470]  }
0x2c0: {  	v32 =	vld [tilespmem:s2+$0x2480];
	v20 =	vmul.f32 v60, v20;
	v21 =	vmul.f32 v61, v21  }
0x2c1: {  	v33 =	vld [tilespmem:s2+$0x2490]  }
0x2c2: {  	v34 =	vld [tilespmem:s2+$0x24A0];
	v20 =	vmul.f32 v62, v20;
	v21 =	vmul.f32 v63, v21  }
0x2c3: {  	v35 =	vld [tilespmem:s2+$0x24B0]  }
0x2c4: {  	v36 =	vld [tilespmem:s2+$0x24C0];
	v20 =	vmul.f32 v30, v20;
	v21 =	vmul.f32 v31, v21  }
0x2c5: {  	v37 =	vld [tilespmem:s2+$0x24D0]  }
0x2c6: {  	v38 =	vld [tilespmem:s2+$0x24E0];
	v20 =	vmul.f32 v32, v20;
	v21 =	vmul.f32 v33, v21  }
0x2c7: {  	v39 =	vld [tilespmem:s2+$0x24F0]  }
0x2c8: {  	v40 =	vld [tilespmem:s2+$0x2500];
	v20 =	vmul.f32 v34, v20;
	v21 =	vmul.f32 v35, v21  }
0x2c9: {  	v41 =	vld [tilespmem:s2+$0x2510]  }
0x2ca: {  	v42 =	vld [tilespmem:s2+$0x2520];
	v20 =	vmul.f32 v36, v20;
	v21 =	vmul.f32 v37, v21  }
0x2cb: {  	v43 =	vld [tilespmem:s2+$0x2530]  }
0x2cc: {  	v44 =	vld [tilespmem:s2+$0x2540];
	v20 =	vmul.f32 v38, v20;
	v21 =	vmul.f32 v39, v21  }
0x2cd: {  	v45 =	vld [tilespmem:s2+$0x2550]  }
0x2ce: {  	v46 =	vld [tilespmem:s2+$0x2560];
	v20 =	vmul.f32 v40, v20;
	v21 =	vmul.f32 v41, v21  }
0x2cf: {  	v47 =	vld [tilespmem:s2+$0x2570]  }
0x2d0: {  	v20 =	vmul.f32 v42, v20;
	v21 =	vmul.f32 v43, v21;
	_ =	sdelay $0x1  }
0x2d1: {  	v20 =	vmul.f32 v44, v20;
	v21 =	vmul.f32 v45, v21;
	_ =	sdelay $0x1  }
0x2d2: {  	v20 =	vmul.f32 v46, v20;
	v21 =	vmul.f32 v47, v21;
	_ =	sdelay $0x1  }
0x2d3: {  	v20 =	vmul.f32 v20, v17;
	v21 =	vmul.f32 v21, v18;
	_ =	sdelay $0x1  }
0x2d4: {  	v20 =	vadd.f32 v21, v20;
	_ =	sdelay $0x1  }
0x2d5: {  	[tilespmem:$0xAFB8] =	vst v20  }
0x2d6: {  	v20 =	vld [tilespmem:s2+$0x2580]  }
0x2d7: {  	v48 =	vld [tilespmem:s2+$0x2590]  }
0x2d8: {  	v49 =	vld [tilespmem:s2+$0x25A0]  }
0x2d9: {  	v50 =	vld [tilespmem:s2+$0x25B0]  }
0x2da: {  	v51 =	vld [tilespmem:s2+$0x25C0]  }
0x2db: {  	v52 =	vld [tilespmem:s2+$0x25D0]  }
0x2dc: {  	v53 =	vld [tilespmem:s2+$0x25E0]  }
0x2dd: {  	v54 =	vld [tilespmem:s2+$0x25F0]  }
0x2de: {  	v55 =	vld [tilespmem:s2+$0x2600];
	v20 =	vmul.f32 v49, v20;
	v21 =	vmul.f32 v50, v48  }
0x2df: {  	v56 =	vld [tilespmem:s2+$0x2610]  }
0x2e0: {  	v57 =	vld [tilespmem:s2+$0x2620];
	v20 =	vmul.f32 v51, v20;
	v21 =	vmul.f32 v52, v21  }
0x2e1: {  	v58 =	vld [tilespmem:s2+$0x2630]  }
0x2e2: {  	v59 =	vld [tilespmem:s2+$0x2640];
	v20 =	vmul.f32 v53, v20;
	v21 =	vmul.f32 v54, v21  }
0x2e3: {  	v60 =	vld [tilespmem:s2+$0x2650]  }
0x2e4: {  	v61 =	vld [tilespmem:s2+$0x2660];
	v20 =	vmul.f32 v55, v20;
	v21 =	vmul.f32 v56, v21  }
0x2e5: {  	v62 =	vld [tilespmem:s2+$0x2670]  }
0x2e6: {  	v63 =	vld [tilespmem:s2+$0x2680];
	v20 =	vmul.f32 v57, v20;
	v21 =	vmul.f32 v58, v21  }
0x2e7: {  	v30 =	vld [tilespmem:s2+$0x2690]  }
0x2e8: {  	v31 =	vld [tilespmem:s2+$0x26A0];
	v20 =	vmul.f32 v59, v20;
	v21 =	vmul.f32 v60, v21  }
0x2e9: {  	v32 =	vld [tilespmem:s2+$0x26B0]  }
0x2ea: {  	v33 =	vld [tilespmem:s2+$0x26C0];
	v20 =	vmul.f32 v61, v20;
	v21 =	vmul.f32 v62, v21  }
0x2eb: {  	v34 =	vld [tilespmem:s2+$0x26D0]  }
0x2ec: {  	v35 =	vld [tilespmem:s2+$0x26E0];
	v20 =	vmul.f32 v63, v20;
	v21 =	vmul.f32 v30, v21  }
0x2ed: {  	v36 =	vld [tilespmem:s2+$0x26F0]  }
0x2ee: {  	v37 =	vld [tilespmem:s2+$0x2700];
	v20 =	vmul.f32 v31, v20;
	v21 =	vmul.f32 v32, v21  }
0x2ef: {  	v38 =	vld [tilespmem:s2+$0x2710]  }
0x2f0: {  	v39 =	vld [tilespmem:s2+$0x2720];
	v20 =	vmul.f32 v33, v20;
	v21 =	vmul.f32 v34, v21  }
0x2f1: {  	v40 =	vld [tilespmem:s2+$0x2730]  }
0x2f2: {  	v41 =	vld [tilespmem:s2+$0x2740];
	v20 =	vmul.f32 v35, v20;
	v21 =	vmul.f32 v36, v21  }
0x2f3: {  	v42 =	vld [tilespmem:s2+$0x2750]  }
0x2f4: {  	v43 =	vld [tilespmem:s2+$0x2760];
	v20 =	vmul.f32 v37, v20;
	v21 =	vmul.f32 v38, v21  }
0x2f5: {  	v44 =	vld [tilespmem:s2+$0x2770]  }
0x2f6: {  	v45 =	vld [tilespmem:s2+$0x2780];
	v20 =	vmul.f32 v39, v20;
	v21 =	vmul.f32 v40, v21  }
0x2f7: {  	v46 =	vld [tilespmem:s2+$0x2790]  }
0x2f8: {  	v47 =	vld [tilespmem:s2+$0x27A0];
	v20 =	vmul.f32 v41, v20;
	v21 =	vmul.f32 v42, v21  }
0x2f9: {  	v48 =	vld [tilespmem:s2+$0x27B0]  }
0x2fa: {  	v49 =	vld [tilespmem:s2+$0x27C0];
	v20 =	vmul.f32 v43, v20;
	v21 =	vmul.f32 v44, v21  }
0x2fb: {  	v50 =	vld [tilespmem:s2+$0x27D0]  }
0x2fc: {  	v51 =	vld [tilespmem:s2+$0x27E0];
	v20 =	vmul.f32 v45, v20;
	v21 =	vmul.f32 v46, v21  }
0x2fd: {  	v52 =	vld [tilespmem:s2+$0x27F0]  }
0x2fe: {  	v20 =	vmul.f32 v47, v20;
	v21 =	vmul.f32 v48, v21;
	_ =	sdelay $0x1  }
0x2ff: {  	v20 =	vmul.f32 v49, v20;
	v21 =	vmul.f32 v50, v21;
	_ =	sdelay $0x1  }
0x300: {  	v20 =	vmul.f32 v51, v20;
	v21 =	vmul.f32 v52, v21;
	_ =	sdelay $0x1  }
0x301: {  	v20 =	vmul.f32 v20, v17;
	v21 =	vmul.f32 v21, v18;
	_ =	sdelay $0x1  }
0x302: {  	v20 =	vadd.f32 v21, v20;
	_ =	sdelay $0x1  }
0x303: {  	[tilespmem:$0xAFC9] =	vst v20  }
0x304: {  	v20 =	vld [tilespmem:s2+$0x2800]  }
0x305: {  	v53 =	vld [tilespmem:s2+$0x2810]  }
0x306: {  	v54 =	vld [tilespmem:s2+$0x2820]  }
0x307: {  	v55 =	vld [tilespmem:s2+$0x2830]  }
0x308: {  	v56 =	vld [tilespmem:s2+$0x2840]  }
0x309: {  	v57 =	vld [tilespmem:s2+$0x2850]  }
0x30a: {  	v58 =	vld [tilespmem:s2+$0x2860]  }
0x30b: {  	v59 =	vld [tilespmem:s2+$0x2870]  }
0x30c: {  	v60 =	vld [tilespmem:s2+$0x2880];
	v20 =	vmul.f32 v54, v20;
	v21 =	vmul.f32 v55, v53  }
0x30d: {  	v61 =	vld [tilespmem:s2+$0x2890]  }
0x30e: {  	v62 =	vld [tilespmem:s2+$0x28A0];
	v20 =	vmul.f32 v56, v20;
	v21 =	vmul.f32 v57, v21  }
0x30f: {  	v63 =	vld [tilespmem:s2+$0x28B0]  }
0x310: {  	v30 =	vld [tilespmem:s2+$0x28C0];
	v20 =	vmul.f32 v58, v20;
	v21 =	vmul.f32 v59, v21  }
0x311: {  	v31 =	vld [tilespmem:s2+$0x28D0]  }
0x312: {  	v32 =	vld [tilespmem:s2+$0x28E0];
	v20 =	vmul.f32 v60, v20;
	v21 =	vmul.f32 v61, v21  }
0x313: {  	v33 =	vld [tilespmem:s2+$0x28F0]  }
0x314: {  	v34 =	vld [tilespmem:s2+$0x2900];
	v20 =	vmul.f32 v62, v20;
	v21 =	vmul.f32 v63, v21  }
0x315: {  	v35 =	vld [tilespmem:s2+$0x2910]  }
0x316: {  	v36 =	vld [tilespmem:s2+$0x2920];
	v20 =	vmul.f32 v30, v20;
	v21 =	vmul.f32 v31, v21  }
0x317: {  	v37 =	vld [tilespmem:s2+$0x2930]  }
0x318: {  	v38 =	vld [tilespmem:s2+$0x2940];
	v20 =	vmul.f32 v32, v20;
	v21 =	vmul.f32 v33, v21  }
0x319: {  	v39 =	vld [tilespmem:s2+$0x2950]  }
0x31a: {  	v40 =	vld [tilespmem:s2+$0x2960];
	v20 =	vmul.f32 v34, v20;
	v21 =	vmul.f32 v35, v21  }
0x31b: {  	v41 =	vld [tilespmem:s2+$0x2970]  }
0x31c: {  	v42 =	vld [tilespmem:s2+$0x2980];
	v20 =	vmul.f32 v36, v20;
	v21 =	vmul.f32 v37, v21  }
0x31d: {  	v43 =	vld [tilespmem:s2+$0x2990]  }
0x31e: {  	v44 =	vld [tilespmem:s2+$0x29A0];
	v20 =	vmul.f32 v38, v20;
	v21 =	vmul.f32 v39, v21  }
0x31f: {  	v45 =	vld [tilespmem:s2+$0x29B0]  }
0x320: {  	v46 =	vld [tilespmem:s2+$0x29C0];
	v20 =	vmul.f32 v40, v20;
	v21 =	vmul.f32 v41, v21  }
0x321: {  	v47 =	vld [tilespmem:s2+$0x29D0]  }
0x322: {  	v48 =	vld [tilespmem:s2+$0x29E0];
	v20 =	vmul.f32 v42, v20;
	v21 =	vmul.f32 v43, v21  }
0x323: {  	v49 =	vld [tilespmem:s2+$0x29F0]  }
0x324: {  	v50 =	vld [tilespmem:s2+$0x2A00];
	v20 =	vmul.f32 v44, v20;
	v21 =	vmul.f32 v45, v21  }
0x325: {  	v51 =	vld [tilespmem:s2+$0x2A10]  }
0x326: {  	v52 =	vld [tilespmem:s2+$0x2A20];
	v20 =	vmul.f32 v46, v20;
	v21 =	vmul.f32 v47, v21  }
0x327: {  	v53 =	vld [tilespmem:s2+$0x2A30]  }
0x328: {  	v54 =	vld [tilespmem:s2+$0x2A40];
	v20 =	vmul.f32 v48, v20;
	v21 =	vmul.f32 v49, v21  }
0x329: {  	v55 =	vld [tilespmem:s2+$0x2A50]  }
0x32a: {  	v56 =	vld [tilespmem:s2+$0x2A60];
	v20 =	vmul.f32 v50, v20;
	v21 =	vmul.f32 v51, v21  }
0x32b: {  	v57 =	vld [tilespmem:s2+$0x2A70]  }
0x32c: {  	v20 =	vmul.f32 v52, v20;
	v21 =	vmul.f32 v53, v21;
	_ =	sdelay $0x1  }
0x32d: {  	v20 =	vmul.f32 v54, v20;
	v21 =	vmul.f32 v55, v21;
	_ =	sdelay $0x1  }
0x32e: {  	v20 =	vmul.f32 v56, v20;
	v21 =	vmul.f32 v57, v21;
	_ =	sdelay $0x1  }
0x32f: {  	v20 =	vmul.f32 v20, v17;
	v21 =	vmul.f32 v21, v18;
	_ =	sdelay $0x1  }
0x330: {  	v20 =	vadd.f32 v21, v20;
	_ =	sdelay $0x1  }
0x331: {  	[tilespmem:$0xAFDA] =	vst v20  }
0x332: {  	v20 =	vld [tilespmem:s2+$0x2A80]  }
0x333: {  	v58 =	vld [tilespmem:s2+$0x2A90]  }
0x334: {  	v59 =	vld [tilespmem:s2+$0x2AA0]  }
0x335: {  	v60 =	vld [tilespmem:s2+$0x2AB0]  }
0x336: {  	v61 =	vld [tilespmem:s2+$0x2AC0]  }
0x337: {  	v62 =	vld [tilespmem:s2+$0x2AD0]  }
0x338: {  	v63 =	vld [tilespmem:s2+$0x2AE0]  }
0x339: {  	v30 =	vld [tilespmem:s2+$0x2AF0]  }
0x33a: {  	v31 =	vld [tilespmem:s2+$0x2B00];
	v20 =	vmul.f32 v59, v20;
	v21 =	vmul.f32 v60, v58  }
0x33b: {  	v32 =	vld [tilespmem:s2+$0x2B10]  }
0x33c: {  	v33 =	vld [tilespmem:s2+$0x2B20];
	v20 =	vmul.f32 v61, v20;
	v21 =	vmul.f32 v62, v21  }
0x33d: {  	v34 =	vld [tilespmem:s2+$0x2B30]  }
0x33e: {  	v35 =	vld [tilespmem:s2+$0x2B40];
	v20 =	vmul.f32 v63, v20;
	v21 =	vmul.f32 v30, v21  }
0x33f: {  	v36 =	vld [tilespmem:s2+$0x2B50]  }
0x340: {  	v37 =	vld [tilespmem:s2+$0x2B60];
	v20 =	vmul.f32 v31, v20;
	v21 =	vmul.f32 v32, v21  }
0x341: {  	v38 =	vld [tilespmem:s2+$0x2B70]  }
0x342: {  	v39 =	vld [tilespmem:s2+$0x2B80];
	v20 =	vmul.f32 v33, v20;
	v21 =	vmul.f32 v34, v21  }
0x343: {  	v40 =	vld [tilespmem:s2+$0x2B90]  }
0x344: {  	v41 =	vld [tilespmem:s2+$0x2BA0];
	v20 =	vmul.f32 v35, v20;
	v21 =	vmul.f32 v36, v21  }
0x345: {  	v42 =	vld [tilespmem:s2+$0x2BB0]  }
0x346: {  	v43 =	vld [tilespmem:s2+$0x2BC0];
	v20 =	vmul.f32 v37, v20;
	v21 =	vmul.f32 v38, v21  }
0x347: {  	v44 =	vld [tilespmem:s2+$0x2BD0]  }
0x348: {  	v45 =	vld [tilespmem:s2+$0x2BE0];
	v20 =	vmul.f32 v39, v20;
	v21 =	vmul.f32 v40, v21  }
0x349: {  	v46 =	vld [tilespmem:s2+$0x2BF0]  }
0x34a: {  	v47 =	vld [tilespmem:s2+$0x2C00];
	v20 =	vmul.f32 v41, v20;
	v21 =	vmul.f32 v42, v21  }
0x34b: {  	v48 =	vld [tilespmem:s2+$0x2C10]  }
0x34c: {  	v49 =	vld [tilespmem:s2+$0x2C20];
	v20 =	vmul.f32 v43, v20;
	v21 =	vmul.f32 v44, v21  }
0x34d: {  	v50 =	vld [tilespmem:s2+$0x2C30]  }
0x34e: {  	v51 =	vld [tilespmem:s2+$0x2C40];
	v20 =	vmul.f32 v45, v20;
	v21 =	vmul.f32 v46, v21  }
0x34f: {  	v52 =	vld [tilespmem:s2+$0x2C50]  }
0x350: {  	v53 =	vld [tilespmem:s2+$0x2C60];
	v20 =	vmul.f32 v47, v20;
	v21 =	vmul.f32 v48, v21  }
0x351: {  	v54 =	vld [tilespmem:s2+$0x2C70]  }
0x352: {  	v55 =	vld [tilespmem:s2+$0x2C80];
	v20 =	vmul.f32 v49, v20;
	v21 =	vmul.f32 v50, v21  }
0x353: {  	v56 =	vld [tilespmem:s2+$0x2C90]  }
0x354: {  	v57 =	vld [tilespmem:s2+$0x2CA0];
	v20 =	vmul.f32 v51, v20;
	v21 =	vmul.f32 v52, v21  }
0x355: {  	v58 =	vld [tilespmem:s2+$0x2CB0]  }
0x356: {  	v59 =	vld [tilespmem:s2+$0x2CC0];
	v20 =	vmul.f32 v53, v20;
	v21 =	vmul.f32 v54, v21  }
0x357: {  	v60 =	vld [tilespmem:s2+$0x2CD0]  }
0x358: {  	v61 =	vld [tilespmem:s2+$0x2CE0];
	v20 =	vmul.f32 v55, v20;
	v21 =	vmul.f32 v56, v21  }
0x359: {  	v62 =	vld [tilespmem:s2+$0x2CF0]  }
0x35a: {  	v20 =	vmul.f32 v57, v20;
	v21 =	vmul.f32 v58, v21;
	_ =	sdelay $0x1  }
0x35b: {  	v20 =	vmul.f32 v59, v20;
	v21 =	vmul.f32 v60, v21;
	_ =	sdelay $0x1  }
0x35c: {  	v20 =	vmul.f32 v61, v20;
	v21 =	vmul.f32 v62, v21;
	_ =	sdelay $0x1  }
0x35d: {  	v20 =	vmul.f32 v20, v17;
	v21 =	vmul.f32 v21, v18;
	_ =	sdelay $0x1  }
0x35e: {  	v20 =	vadd.f32 v21, v20;
	_ =	sdelay $0x1  }
0x35f: {  	[tilespmem:$0xAFEB] =	vst v20  }
0x360: {  	v20 =	vld [tilespmem:s2+$0x2D00]  }
0x361: {  	v63 =	vld [tilespmem:s2+$0x2D10]  }
0x362: {  	v30 =	vld [tilespmem:s2+$0x2D20]  }
0x363: {  	v31 =	vld [tilespmem:s2+$0x2D30]  }
0x364: {  	v32 =	vld [tilespmem:s2+$0x2D40]  }
0x365: {  	v33 =	vld [tilespmem:s2+$0x2D50]  }
0x366: {  	v34 =	vld [tilespmem:s2+$0x2D60]  }
0x367: {  	v35 =	vld [tilespmem:s2+$0x2D70]  }
0x368: {  	v36 =	vld [tilespmem:s2+$0x2D80];
	v20 =	vmul.f32 v30, v20;
	v21 =	vmul.f32 v31, v63  }
0x369: {  	v37 =	vld [tilespmem:s2+$0x2D90]  }
0x36a: {  	v38 =	vld [tilespmem:s2+$0x2DA0];
	v20 =	vmul.f32 v32, v20;
	v21 =	vmul.f32 v33, v21  }
0x36b: {  	v39 =	vld [tilespmem:s2+$0x2DB0]  }
0x36c: {  	v40 =	vld [tilespmem:s2+$0x2DC0];
	v20 =	vmul.f32 v34, v20;
	v21 =	vmul.f32 v35, v21  }
0x36d: {  	v41 =	vld [tilespmem:s2+$0x2DD0]  }
0x36e: {  	v42 =	vld [tilespmem:s2+$0x2DE0];
	v20 =	vmul.f32 v36, v20;
	v21 =	vmul.f32 v37, v21  }
0x36f: {  	v43 =	vld [tilespmem:s2+$0x2DF0]  }
0x370: {  	v44 =	vld [tilespmem:s2+$0x2E00];
	v20 =	vmul.f32 v38, v20;
	v21 =	vmul.f32 v39, v21  }
0x371: {  	v45 =	vld [tilespmem:s2+$0x2E10]  }
0x372: {  	v46 =	vld [tilespmem:s2+$0x2E20];
	v20 =	vmul.f32 v40, v20;
	v21 =	vmul.f32 v41, v21  }
0x373: {  	v47 =	vld [tilespmem:s2+$0x2E30]  }
0x374: {  	v48 =	vld [tilespmem:s2+$0x2E40];
	v20 =	vmul.f32 v42, v20;
	v21 =	vmul.f32 v43, v21  }
0x375: {  	v49 =	vld [tilespmem:s2+$0x2E50]  }
0x376: {  	v50 =	vld [tilespmem:s2+$0x2E60];
	v20 =	vmul.f32 v44, v20;
	v21 =	vmul.f32 v45, v21  }
0x377: {  	v51 =	vld [tilespmem:s2+$0x2E70]  }
0x378: {  	v52 =	vld [tilespmem:s2+$0x2E80];
	v20 =	vmul.f32 v46, v20;
	v21 =	vmul.f32 v47, v21  }
0x379: {  	v53 =	vld [tilespmem:s2+$0x2E90]  }
0x37a: {  	v54 =	vld [tilespmem:s2+$0x2EA0];
	v20 =	vmul.f32 v48, v20;
	v21 =	vmul.f32 v49, v21  }
0x37b: {  	v55 =	vld [tilespmem:s2+$0x2EB0]  }
0x37c: {  	v56 =	vld [tilespmem:s2+$0x2EC0];
	v20 =	vmul.f32 v50, v20;
	v21 =	vmul.f32 v51, v21  }
0x37d: {  	v57 =	vld [tilespmem:s2+$0x2ED0]  }
0x37e: {  	v58 =	vld [tilespmem:s2+$0x2EE0];
	v20 =	vmul.f32 v52, v20;
	v21 =	vmul.f32 v53, v21  }
0x37f: {  	v59 =	vld [tilespmem:s2+$0x2EF0]  }
0x380: {  	v60 =	vld [tilespmem:s2+$0x2F00];
	v20 =	vmul.f32 v54, v20;
	v21 =	vmul.f32 v55, v21  }
0x381: {  	v61 =	vld [tilespmem:s2+$0x2F10]  }
0x382: {  	v62 =	vld [tilespmem:s2+$0x2F20];
	v20 =	vmul.f32 v56, v20;
	v21 =	vmul.f32 v57, v21  }
0x383: {  	v63 =	vld [tilespmem:s2+$0x2F30]  }
0x384: {  	v30 =	vld [tilespmem:s2+$0x2F40];
	v20 =	vmul.f32 v58, v20;
	v21 =	vmul.f32 v59, v21  }
0x385: {  	v31 =	vld [tilespmem:s2+$0x2F50]  }
0x386: {  	v32 =	vld [tilespmem:s2+$0x2F60];
	v20 =	vmul.f32 v60, v20;
	v21 =	vmul.f32 v61, v21  }
0x387: {  	v33 =	vld [tilespmem:s2+$0x2F70]  }
0x388: {  	v20 =	vmul.f32 v62, v20;
	v21 =	vmul.f32 v63, v21;
	_ =	sdelay $0x1  }
0x389: {  	v20 =	vmul.f32 v30, v20;
	v21 =	vmul.f32 v31, v21;
	_ =	sdelay $0x1  }
0x38a: {  	v20 =	vmul.f32 v32, v20;
	v21 =	vmul.f32 v33, v21;
	_ =	sdelay $0x1  }
0x38b: {  	v20 =	vmul.f32 v20, v17;
	v21 =	vmul.f32 v21, v18;
	_ =	sdelay $0x1  }
0x38c: {  	v20 =	vadd.f32 v21, v20;
	_ =	sdelay $0x1  }
0x38d: {  	[tilespmem:$0xAFFC] =	vst v20  }
0x38e: {  	v20 =	vld [tilespmem:s2+$0x2F80]  }
0x38f: {  	v34 =	vld [tilespmem:s2+$0x2F90]  }
0x390: {  	v35 =	vld [tilespmem:s2+$0x2FA0]  }
0x391: {  	v36 =	vld [tilespmem:s2+$0x2FB0]  }
0x392: {  	v37 =	vld [tilespmem:s2+$0x2FC0]  }
0x393: {  	v38 =	vld [tilespmem:s2+$0x2FD0]  }
0x394: {  	v39 =	vld [tilespmem:s2+$0x2FE0]  }
0x395: {  	v40 =	vld [tilespmem:s2+$0x2FF0]  }
0x396: {  	v41 =	vld [tilespmem:s2+$0x3000];
	v20 =	vmul.f32 v35, v20;
	v21 =	vmul.f32 v36, v34  }
0x397: {  	v42 =	vld [tilespmem:s2+$0x3010]  }
0x398: {  	v43 =	vld [tilespmem:s2+$0x3020];
	v20 =	vmul.f32 v37, v20;
	v21 =	vmul.f32 v38, v21  }
0x399: {  	v44 =	vld [tilespmem:s2+$0x3030]  }
0x39a: {  	v45 =	vld [tilespmem:s2+$0x3040];
	v20 =	vmul.f32 v39, v20;
	v21 =	vmul.f32 v40, v21  }
0x39b: {  	v46 =	vld [tilespmem:s2+$0x3050]  }
0x39c: {  	v47 =	vld [tilespmem:s2+$0x3060];
	v20 =	vmul.f32 v41, v20;
	v21 =	vmul.f32 v42, v21  }
0x39d: {  	v48 =	vld [tilespmem:s2+$0x3070]  }
0x39e: {  	v49 =	vld [tilespmem:s2+$0x3080];
	v20 =	vmul.f32 v43, v20;
	v21 =	vmul.f32 v44, v21  }
0x39f: {  	v50 =	vld [tilespmem:s2+$0x3090]  }
0x3a0: {  	v51 =	vld [tilespmem:s2+$0x30A0];
	v20 =	vmul.f32 v45, v20;
	v21 =	vmul.f32 v46, v21  }
0x3a1: {  	v52 =	vld [tilespmem:s2+$0x30B0]  }
0x3a2: {  	v53 =	vld [tilespmem:s2+$0x30C0];
	v20 =	vmul.f32 v47, v20;
	v21 =	vmul.f32 v48, v21  }
0x3a3: {  	v54 =	vld [tilespmem:s2+$0x30D0]  }
0x3a4: {  	v55 =	vld [tilespmem:s2+$0x30E0];
	v20 =	vmul.f32 v49, v20;
	v21 =	vmul.f32 v50, v21  }
0x3a5: {  	v56 =	vld [tilespmem:s2+$0x30F0]  }
0x3a6: {  	v57 =	vld [tilespmem:s2+$0x3100];
	v20 =	vmul.f32 v51, v20;
	v21 =	vmul.f32 v52, v21  }
0x3a7: {  	v58 =	vld [tilespmem:s2+$0x3110]  }
0x3a8: {  	v59 =	vld [tilespmem:s2+$0x3120];
	v20 =	vmul.f32 v53, v20;
	v21 =	vmul.f32 v54, v21  }
0x3a9: {  	v60 =	vld [tilespmem:s2+$0x3130]  }
0x3aa: {  	v61 =	vld [tilespmem:s2+$0x3140];
	v20 =	vmul.f32 v55, v20;
	v21 =	vmul.f32 v56, v21  }
0x3ab: {  	v62 =	vld [tilespmem:s2+$0x3150]  }
0x3ac: {  	v63 =	vld [tilespmem:s2+$0x3160];
	v20 =	vmul.f32 v57, v20;
	v21 =	vmul.f32 v58, v21  }
0x3ad: {  	v30 =	vld [tilespmem:s2+$0x3170]  }
0x3ae: {  	v31 =	vld [tilespmem:s2+$0x3180];
	v20 =	vmul.f32 v59, v20;
	v21 =	vmul.f32 v60, v21  }
0x3af: {  	v32 =	vld [tilespmem:s2+$0x3190]  }
0x3b0: {  	v33 =	vld [tilespmem:s2+$0x31A0];
	v20 =	vmul.f32 v61, v20;
	v21 =	vmul.f32 v62, v21  }
0x3b1: {  	v34 =	vld [tilespmem:s2+$0x31B0]  }
0x3b2: {  	v35 =	vld [tilespmem:s2+$0x31C0];
	v20 =	vmul.f32 v63, v20;
	v21 =	vmul.f32 v30, v21  }
0x3b3: {  	v36 =	vld [tilespmem:s2+$0x31D0]  }
0x3b4: {  	v37 =	vld [tilespmem:s2+$0x31E0];
	v20 =	vmul.f32 v31, v20;
	v21 =	vmul.f32 v32, v21  }
0x3b5: {  	v38 =	vld [tilespmem:s2+$0x31F0]  }
0x3b6: {  	v20 =	vmul.f32 v33, v20;
	v21 =	vmul.f32 v34, v21;
	_ =	sdelay $0x1  }
0x3b7: {  	v20 =	vmul.f32 v35, v20;
	v21 =	vmul.f32 v36, v21;
	_ =	sdelay $0x1  }
0x3b8: {  	v20 =	vmul.f32 v37, v20;
	v21 =	vmul.f32 v38, v21;
	_ =	sdelay $0x1  }
0x3b9: {  	v20 =	vmul.f32 v20, v17;
	v21 =	vmul.f32 v21, v18;
	_ =	sdelay $0x1  }
0x3ba: {  	v20 =	vadd.f32 v21, v20;
	_ =	sdelay $0x1  }
0x3bb: {  	[tilespmem:$0xB00D] =	vst v20  }
0x3bc: {  	v20 =	vld [tilespmem:s2+$0x3200]  }
0x3bd: {  	v39 =	vld [tilespmem:s2+$0x3210]  }
0x3be: {  	v40 =	vld [tilespmem:s2+$0x3220]  }
0x3bf: {  	v41 =	vld [tilespmem:s2+$0x3230]  }
0x3c0: {  	v42 =	vld [tilespmem:s2+$0x3240]  }
0x3c1: {  	v43 =	vld [tilespmem:s2+$0x3250]  }
0x3c2: {  	v44 =	vld [tilespmem:s2+$0x3260]  }
0x3c3: {  	v45 =	vld [tilespmem:s2+$0x3270]  }
0x3c4: {  	v46 =	vld [tilespmem:s2+$0x3280];
	v20 =	vmul.f32 v40, v20;
	v21 =	vmul.f32 v41, v39  }
0x3c5: {  	v47 =	vld [tilespmem:s2+$0x3290]  }
0x3c6: {  	v48 =	vld [tilespmem:s2+$0x32A0];
	v20 =	vmul.f32 v42, v20;
	v21 =	vmul.f32 v43, v21  }
0x3c7: {  	v49 =	vld [tilespmem:s2+$0x32B0]  }
0x3c8: {  	v50 =	vld [tilespmem:s2+$0x32C0];
	v20 =	vmul.f32 v44, v20;
	v21 =	vmul.f32 v45, v21  }
0x3c9: {  	v51 =	vld [tilespmem:s2+$0x32D0]  }
0x3ca: {  	v52 =	vld [tilespmem:s2+$0x32E0];
	v20 =	vmul.f32 v46, v20;
	v21 =	vmul.f32 v47, v21  }
0x3cb: {  	v53 =	vld [tilespmem:s2+$0x32F0]  }
0x3cc: {  	v54 =	vld [tilespmem:s2+$0x3300];
	v20 =	vmul.f32 v48, v20;
	v21 =	vmul.f32 v49, v21  }
0x3cd: {  	v55 =	vld [tilespmem:s2+$0x3310]  }
0x3ce: {  	v56 =	vld [tilespmem:s2+$0x3320];
	v20 =	vmul.f32 v50, v20;
	v21 =	vmul.f32 v51, v21  }
0x3cf: {  	v57 =	vld [tilespmem:s2+$0x3330]  }
0x3d0: {  	v58 =	vld [tilespmem:s2+$0x3340];
	v20 =	vmul.f32 v52, v20;
	v21 =	vmul.f32 v53, v21  }
0x3d1: {  	v59 =	vld [tilespmem:s2+$0x3350]  }
0x3d2: {  	v60 =	vld [tilespmem:s2+$0x3360];
	v20 =	vmul.f32 v54, v20;
	v21 =	vmul.f32 v55, v21  }
0x3d3: {  	v61 =	vld [tilespmem:s2+$0x3370]  }
0x3d4: {  	v62 =	vld [tilespmem:s2+$0x3380];
	v20 =	vmul.f32 v56, v20;
	v21 =	vmul.f32 v57, v21  }
0x3d5: {  	v63 =	vld [tilespmem:s2+$0x3390]  }
0x3d6: {  	v30 =	vld [tilespmem:s2+$0x33A0];
	v20 =	vmul.f32 v58, v20;
	v21 =	vmul.f32 v59, v21  }
0x3d7: {  	v31 =	vld [tilespmem:s2+$0x33B0]  }
0x3d8: {  	v32 =	vld [tilespmem:s2+$0x33C0];
	v20 =	vmul.f32 v60, v20;
	v21 =	vmul.f32 v61, v21  }
0x3d9: {  	v33 =	vld [tilespmem:s2+$0x33D0]  }
0x3da: {  	v34 =	vld [tilespmem:s2+$0x33E0];
	v20 =	vmul.f32 v62, v20;
	v21 =	vmul.f32 v63, v21  }
0x3db: {  	v35 =	vld [tilespmem:s2+$0x33F0]  }
0x3dc: {  	v36 =	vld [tilespmem:s2+$0x3400];
	v20 =	vmul.f32 v30, v20;
	v21 =	vmul.f32 v31, v21  }
0x3dd: {  	v37 =	vld [tilespmem:s2+$0x3410]  }
0x3de: {  	v38 =	vld [tilespmem:s2+$0x3420];
	v20 =	vmul.f32 v32, v20;
	v21 =	vmul.f32 v33, v21  }
0x3df: {  	v39 =	vld [tilespmem:s2+$0x3430]  }
0x3e0: {  	v40 =	vld [tilespmem:s2+$0x3440];
	v20 =	vmul.f32 v34, v20;
	v21 =	vmul.f32 v35, v21  }
0x3e1: {  	v41 =	vld [tilespmem:s2+$0x3450]  }
0x3e2: {  	v42 =	vld [tilespmem:s2+$0x3460];
	v20 =	vmul.f32 v36, v20;
	v21 =	vmul.f32 v37, v21  }
0x3e3: {  	v43 =	vld [tilespmem:s2+$0x3470]  }
0x3e4: {  	v20 =	vmul.f32 v38, v20;
	v21 =	vmul.f32 v39, v21;
	_ =	sdelay $0x1  }
0x3e5: {  	v20 =	vmul.f32 v40, v20;
	v21 =	vmul.f32 v41, v21;
	_ =	sdelay $0x1  }
0x3e6: {  	v20 =	vmul.f32 v42, v20;
	v21 =	vmul.f32 v43, v21;
	_ =	sdelay $0x1  }
0x3e7: {  	v20 =	vmul.f32 v20, v17;
	v21 =	vmul.f32 v21, v18;
	_ =	sdelay $0x1  }
0x3e8: {  	v20 =	vadd.f32 v21, v20;
	_ =	sdelay $0x1  }
0x3e9: {  	[tilespmem:$0xB01E] =	vst v20  }
0x3ea: {  	v20 =	vld [tilespmem:s2+$0x3480]  }
0x3eb: {  	v44 =	vld [tilespmem:s2+$0x3490]  }
0x3ec: {  	v45 =	vld [tilespmem:s2+$0x34A0]  }
0x3ed: {  	v46 =	vld [tilespmem:s2+$0x34B0]  }
0x3ee: {  	v47 =	vld [tilespmem:s2+$0x34C0]  }
0x3ef: {  	v48 =	vld [tilespmem:s2+$0x34D0]  }
0x3f0: {  	v49 =	vld [tilespmem:s2+$0x34E0]  }
0x3f1: {  	v50 =	vld [tilespmem:s2+$0x34F0]  }
0x3f2: {  	v51 =	vld [tilespmem:s2+$0x3500];
	v20 =	vmul.f32 v45, v20;
	v21 =	vmul.f32 v46, v44  }
0x3f3: {  	v52 =	vld [tilespmem:s2+$0x3510]  }
0x3f4: {  	v53 =	vld [tilespmem:s2+$0x3520];
	v20 =	vmul.f32 v47, v20;
	v21 =	vmul.f32 v48, v21  }
0x3f5: {  	v54 =	vld [tilespmem:s2+$0x3530]  }
0x3f6: {  	v55 =	vld [tilespmem:s2+$0x3540];
	v20 =	vmul.f32 v49, v20;
	v21 =	vmul.f32 v50, v21  }
0x3f7: {  	v56 =	vld [tilespmem:s2+$0x3550]  }
0x3f8: {  	v57 =	vld [tilespmem:s2+$0x3560];
	v20 =	vmul.f32 v51, v20;
	v21 =	vmul.f32 v52, v21  }
0x3f9: {  	v58 =	vld [tilespmem:s2+$0x3570]  }
0x3fa: {  	v59 =	vld [tilespmem:s2+$0x3580];
	v20 =	vmul.f32 v53, v20;
	v21 =	vmul.f32 v54, v21  }
0x3fb: {  	v60 =	vld [tilespmem:s2+$0x3590]  }
0x3fc: {  	v61 =	vld [tilespmem:s2+$0x35A0];
	v20 =	vmul.f32 v55, v20;
	v21 =	vmul.f32 v56, v21  }
0x3fd: {  	v62 =	vld [tilespmem:s2+$0x35B0]  }
0x3fe: {  	v63 =	vld [tilespmem:s2+$0x35C0];
	v20 =	vmul.f32 v57, v20;
	v21 =	vmul.f32 v58, v21  }
0x3ff: {  	v30 =	vld [tilespmem:s2+$0x35D0]  }
0x400: {  	v31 =	vld [tilespmem:s2+$0x35E0];
	v20 =	vmul.f32 v59, v20;
	v21 =	vmul.f32 v60, v21  }
0x401: {  	v32 =	vld [tilespmem:s2+$0x35F0]  }
0x402: {  	v33 =	vld [tilespmem:s2+$0x3600];
	v20 =	vmul.f32 v61, v20;
	v21 =	vmul.f32 v62, v21  }
0x403: {  	v34 =	vld [tilespmem:s2+$0x3610]  }
0x404: {  	v35 =	vld [tilespmem:s2+$0x3620];
	v20 =	vmul.f32 v63, v20;
	v21 =	vmul.f32 v30, v21  }
0x405: {  	v36 =	vld [tilespmem:s2+$0x3630]  }
0x406: {  	v37 =	vld [tilespmem:s2+$0x3640];
	v20 =	vmul.f32 v31, v20;
	v21 =	vmul.f32 v32, v21  }
0x407: {  	v38 =	vld [tilespmem:s2+$0x3650]  }
0x408: {  	v39 =	vld [tilespmem:s2+$0x3660];
	v20 =	vmul.f32 v33, v20;
	v21 =	vmul.f32 v34, v21  }
0x409: {  	v40 =	vld [tilespmem:s2+$0x3670]  }
0x40a: {  	v41 =	vld [tilespmem:s2+$0x3680];
	v20 =	vmul.f32 v35, v20;
	v21 =	vmul.f32 v36, v21  }
0x40b: {  	v42 =	vld [tilespmem:s2+$0x3690]  }
0x40c: {  	v43 =	vld [tilespmem:s2+$0x36A0];
	v20 =	vmul.f32 v37, v20;
	v21 =	vmul.f32 v38, v21  }
0x40d: {  	v44 =	vld [tilespmem:s2+$0x36B0]  }
0x40e: {  	v45 =	vld [tilespmem:s2+$0x36C0];
	v20 =	vmul.f32 v39, v20;
	v21 =	vmul.f32 v40, v21  }
0x40f: {  	v46 =	vld [tilespmem:s2+$0x36D0]  }
0x410: {  	v47 =	vld [tilespmem:s2+$0x36E0];
	v20 =	vmul.f32 v41, v20;
	v21 =	vmul.f32 v42, v21  }
0x411: {  	v48 =	vld [tilespmem:s2+$0x36F0]  }
0x412: {  	v20 =	vmul.f32 v43, v20;
	v21 =	vmul.f32 v44, v21;
	_ =	sdelay $0x1  }
0x413: {  	v20 =	vmul.f32 v45, v20;
	v21 =	vmul.f32 v46, v21;
	_ =	sdelay $0x1  }
0x414: {  	v20 =	vmul.f32 v47, v20;
	v21 =	vmul.f32 v48, v21;
	_ =	sdelay $0x1  }
0x415: {  	v20 =	vmul.f32 v20, v17;
	v21 =	vmul.f32 v21, v18;
	_ =	sdelay $0x1  }
0x416: {  	v20 =	vadd.f32 v21, v20;
	_ =	sdelay $0x1  }
0x417: {  	[tilespmem:$0xB02F] =	vst v20  }
0x418: {  	v20 =	vld.idx.msk [tilespmem:v0+s5+$0x0], $0xffff;
	_ =	sdelay $0x1  }
0x419: {  	v49 =	vld.idx.msk [tilespmem:v1+s5+$0x0], $0xffff;
	_ =	sdelay $0x1  }
0x41a: {  	v50 =	vld.idx.msk [tilespmem:v2+s5+$0x0], $0xffff  }
0x41b: {  	v20 =	vadd.f32 v20, v16  }
0x41c: {  	v51 =	vld.idx.msk [tilespmem:v3+s5+$0x0], $0xffff  }
0x41d: {  	v20 =	vadd.f32 v49, v20  }
0x41e: {  	v52 =	vld.idx.msk [tilespmem:v4+s5+$0x0], $0xffff  }
0x41f: {  	v20 =	vadd.f32 v50, v20  }
0x420: {  	v53 =	vld.idx.msk [tilespmem:v5+s5+$0x0], $0xffff  }
0x421: {  	v20 =	vadd.f32 v51, v20  }
0x422: {  	v54 =	vld.idx.msk [tilespmem:v6+s5+$0x0], $0xffff  }
0x423: {  	v20 =	vadd.f32 v52, v20  }
0x424: {  	v55 =	vld.idx.msk [tilespmem:v7+s5+$0x0], $0xffff  }
0x425: {  	v20 =	vadd.f32 v53, v20  }
0x426: {  	v56 =	vld.idx.msk [tilespmem:v8+s5+$0x0], $0xffff  }
0x427: {  	v20 =	vadd.f32 v54, v20  }
0x428: {  	v57 =	vld.idx.msk [tilespmem:v9+s5+$0x0], $0xffff  }
0x429: {  	v20 =	vadd.f32 v55, v20  }
0x42a: {  	v58 =	vld.idx.msk [tilespmem:v10+s5+$0x0], $0xffff  }
0x42b: {  	v20 =	vadd.f32 v56, v20  }
0x42c: {  	v59 =	vld.idx.msk [tilespmem:v11+s5+$0x0], $0xffff  }
0x42d: {  	v20 =	vadd.f32 v57, v20  }
0x42e: {  	v60 =	vld.idx.msk [tilespmem:v12+s5+$0x0], $0xffff  }
0x42f: {  	v20 =	vadd.f32 v58, v20  }
0x430: {  	v61 =	vld.idx.msk [tilespmem:v13+s5+$0x0], $0xffff  }
0x431: {  	v20 =	vadd.f32 v59, v20  }
0x432: {  	v62 =	vld.idx.msk [tilespmem:v14+s5+$0x0], $0xffff  }
0x433: {  	v20 =	vadd.f32 v60, v20  }
0x434: {  	v63 =	vld.idx.msk [tilespmem:v15+s5+$0x0], $0xffff  }
0x435: {  	v20 =	vadd.f32 v61, v20  }
0x436: {  	p0 =	sne.s32 s10, $0x3  }
.Ltmp0:
0x437: {  	v20 =	vadd.f32 v62, v20;
	(pc) =	sbr.rel @p0 .LBB2_3-.Ltmp0, $4  }
0x438: {  	_ = 	snop  }
0x439: {  	s7 =	sshll.u32 s10, $0x4;
	v20 =	vadd.f32 v63, v20  }
0x43a: {  	s2 =	sand.u32 $0x3FFFFFF0, s7  }
0x43b: {  	s10 =	sadd.s32 $0x1, s10;
	[tilespmem:v19+s2+$0x0 ss:$0x1] =	vst.idx.msk $0xffff, v20  }
0x43c: {  	s9 =	sadd.s32 $0x1, s9  }
0x43d: {  	p0 =	sne.s32 s9, $0x8  }
.Ltmp1:
0x43e: {  	_ = 	snop;
	(pc) =	sbr.rel @p0 .LBB2_2-.Ltmp1, $1  }
0x43f: {  	_ =	sdelay $0x3  }
0x440: {  	s7 =	simm.s32 $0x0;
	s2 =	rddreg [dreg:$0x6];
	s9 =	simm.s32 $0xB040  }
0x441: {  	[hbm4b:s2+s7] =	stream.linear.scatter [tilespmem:s9], [sflag:$0x2], $0x200, $0x38;
	[tilespmem:$0xB240] =	vst v63  }
0x442: {  	_ =	swait.ge [sflag:s12], $0x200  }
0x443: {  	s2 =	rddreg [dreg:$0x8]  }
0x444: {  	s10 =	rddreg [dreg:$0x7];
	s9 =	sadd.s32 $0x1, s2  }
0x445: {  	p0 =	sne.s32 s9, s10  }
.Ltmp2:
0x446: {  	_ = 	snop;
	(pc) =	sbr.rel @p0 .LBB2_1-.Ltmp2, $3  }
0x447: {  	_ =	sdelay $0x1  }
0x448: {  	[sflag:s12] =	ssyncset.done $0x0  }
0x449: {  	[sflag:s12] =	ssyncadd.s32 $0xFFFFFE00  }
0x44a: {  	_ =	sfence.sel $0x180000  }
0x44b: {  	[bflag:$0x0] =	sbarrier.arrive $0xFFFF  }
0x44c: {  	_ =	strace $0x90000047  }
0x44d: {  	s0 =	stileid.u32;
	[bflag:$0x2] =	sbarrier.arrive $0xFFFF  }
0x44e: {  	p0 =	sne.s32 s0, $0x0;
	s0 =	rddreg [dreg:$0x3]  }
0x44f: {  	s0 =	sadd.s32 @!p0 $0x100000, s0  }
0x450: {  	[sflag:s0] =	ssyncadd.tile.s32 @!p0 $0x1;
	_ =	shalt  }
.Lfunc_end2:
_tile_overlayer_lowered:
.L_overlay_start_2:
0x451: {  	(tag) =	ssettag $0x2  }
0x452: {  	s0 =	rddreg [dreg:$0x0];
	s2 =	stileid.u32  }
0x453: {  	s1 =	rddreg [dreg:$0x1];
	p0 =	sne.s32 s2, $0x0  }
0x454: {  	s3 =	rddreg [dreg:$0x2];
	[bflag:$0x3] =	sbarrier.arrive $0xFFFF;
	s2 =	simm.s32 @!p0 $0x1C02  }
0x455: {  	[timem:s3], [sflag:s2] =	dma.local @!p0 [hbm:s0], s1  }
0x456: {  	s0 =	simm.s32 @!p0 $0x2  }
0x457: {  	_ =	swait.ge @!p0 [sflag:s0], s1  }
0x458: {  	s1 =	ssub.s32 @!p0 $0x0, s1;
	[sflag:s0] =	ssyncset.done @!p0 $0x0  }
0x459: {  	[sflag:s0] =	ssyncadd.s32 @!p0 s1  }
0x45a: {  	[bflag:$0x3] =	sbarrier.arrive $0xFFFF  }
0x45b: {  	_ =	shalt  }

</sc_bundles>
